<compile_context>
chip_gen: v7x
topology: tpu7x:2x2x1
jax: 0.10.2.dev20260603
libtpu: 0.0.44.dev20260713+nightly
codegen_flags: <defaults>
</compile_context>

<pallas_src>
import functools

import jax
import jax.numpy as jnp
from jax import lax
from jax.experimental import pallas as pl
from jax.experimental.pallas import tpu as pltpu
from jax.experimental.pallas import tpu_sc as plsc

NC, NS, L = 2, 16, 16
NW = NC * NS
ROW1 = 144
ROW2 = 48
CH = 80


def _iota16():
    return lax.iota(jnp.int32, 16)


def _lane_gather(v, idx):
    return lax.gather(
        v, idx[:, None],
        dimension_numbers=lax.GatherDimensionNumbers(
            offset_dims=(), collapsed_slice_dims=(0,), start_index_map=(0,)),
        slice_sizes=(1,), mode=lax.GatherScatterMode.PROMISE_IN_BOUNDS)


def _splat(v, j):
    return _lane_gather(v, jnp.full((16,), j, dtype=jnp.int32))


ACC1 = 144
ACC2 = 48


def _make_edge_pass(SRCW, DW, ACCW, CH, compute_chunk, async_scatter=True):

    def run(srctab, dsttab, srcidx3, dstidx3, zeros):
        N = srctab.shape[0]
        steps = srcidx3.shape[1]
        rps = N // NS
        mesh = plsc.VectorSubcoreMesh(core_axis_name="c", subcore_axis_name="s",
                                      num_cores=NC, num_subcores=NS)

        @functools.partial(
            pl.kernel,
            out_type=jax.ShapeDtypeStruct((NC * N, ACCW), jnp.float32),
            mesh=mesh,
            scratch_types=[
                pltpu.VMEM((4, CH), jnp.int32),
                pltpu.VMEM((4, CH), jnp.int32),
                pltpu.VMEM((2, CH, SRCW), jnp.float32),
                pltpu.VMEM((2, CH, DW), jnp.float32),
                pltpu.VMEM((2 if async_scatter else 1, CH, ACCW), jnp.float32),
                pltpu.VMEM_SHARED((N, ACCW), jnp.float32),
                pltpu.SemaphoreType.DMA((4,)),
                pltpu.SemaphoreType.DMA((2,)),
                pltpu.SemaphoreType.DMA((2,)),
                pltpu.SemaphoreType.DMA((2,)),
            ],
            compiler_params=pltpu.CompilerParams(
                use_tc_tiling_on_sc=False, needs_layout_passes=False),
        )
        def k(srctab_hbm, dsttab_hbm, sidx_hbm, didx_hbm, zeros_hbm, out_hbm,
              sidx, didx, srows, drows, contrib, accum, isem, gs, gd, ssem):
            c = lax.axis_index("c")
            s = lax.axis_index("s")
            wid = s * NC + c
            r0 = s * rps

            pltpu.sync_copy(zeros_hbm, accum.at[pl.ds(r0, rps)])

            def issue_idx(t):
                slot = jnp.bitwise_and(t, 3)
                pltpu.async_copy(sidx_hbm.at[wid, t], sidx.at[slot],
                                 isem.at[slot])
                pltpu.async_copy(didx_hbm.at[wid, t], didx.at[slot],
                                 isem.at[slot])

            def wait_idx(t):
                slot = jnp.bitwise_and(t, 3)
                pltpu.make_async_copy(sidx_hbm.at[wid, t], sidx.at[slot],
                                      isem.at[slot]).wait()
                pltpu.make_async_copy(didx_hbm.at[wid, t], didx.at[slot],
                                      isem.at[slot]).wait()

            def issue_g(t, p):
                slot = jnp.bitwise_and(t, 3)
                pltpu.async_copy(srctab_hbm.at[sidx.at[slot]], srows.at[p],
                                 gs.at[p])
                pltpu.async_copy(dsttab_hbm.at[didx.at[slot]], drows.at[p],
                                 gd.at[p])

            def wait_g(t, p):
                slot = jnp.bitwise_and(t, 3)
                pltpu.make_async_copy(srctab_hbm.at[sidx.at[slot]],
                                      srows.at[p], gs.at[p]).wait()
                pltpu.make_async_copy(dsttab_hbm.at[didx.at[slot]],
                                      drows.at[p], gd.at[p]).wait()

            plsc.subcore_barrier()
            issue_idx(0)
            issue_idx(1)
            wait_idx(0)
            issue_g(0, 0)

            def drain_scatter(t):
                slot = jnp.bitwise_and(t, 3)
                p = jnp.bitwise_and(t, 1)
                pltpu.make_async_copy(contrib.at[p],
                                      accum.at[didx.at[slot]],
                                      ssem.at[p]).wait()

            def step(t, _):
                p = jnp.bitwise_and(t, 1)

                @pl.when(t + 2 < steps)
                def _():
                    issue_idx(t + 2)

                @pl.when(t + 1 < steps)
                def _():
                    wait_idx(t + 1)
                    issue_g(t + 1, 1 - p)
                wait_g(t, p)
                slot = jnp.bitwise_and(t, 3)
                if async_scatter:
                    @pl.when(t >= 2)
                    def _():
                        drain_scatter(t - 2)
                    compute_chunk(srows, drows, contrib, p, p)
                    pltpu.async_copy(contrib.at[p], accum.at[didx.at[slot]],
                                     ssem.at[p], add=True)
                else:
                    compute_chunk(srows, drows, contrib, p, 0)
                    pltpu.sync_copy(contrib.at[0], accum.at[didx.at[slot]],
                                    add=True)
                return 0
            lax.fori_loop(0, steps, step, 0)
            if async_scatter:
                drain_scatter(steps - 2)
                drain_scatter(steps - 1)
            plsc.subcore_barrier()

            pltpu.sync_copy(accum.at[pl.ds(r0, rps)],
                            out_hbm.at[pl.ds(c * N + r0, rps)])

        return k(srctab, dsttab, srcidx3, dstidx3, zeros)

    return run


def _compute1(CH):
    def f(srows, drows, contrib, p, cq):
        cvec = jnp.where(_iota16() < 8, 1.0, 0.2).astype(jnp.float32)
        swap = jnp.bitwise_and(_iota16() + 8, 15)

        @plsc.parallel_loop(0, CH, 1, unroll=4)
        def edge(i):
            el16 = srows[p, i, pl.ds(0, 16)]
            ab = drows[p, i, :]
            q = el16 * cvec + ab
            w16 = jnp.exp(jnp.maximum(q, _lane_gather(q, swap)))
            contrib[cq, i, pl.ds(0, 16)] = w16
            for hh in range(8):
                hv = srows[p, i, pl.ds(16 + 16 * hh, 16)]
                contrib[cq, i, pl.ds(16 + 16 * hh, 16)] = hv * _splat(w16, hh)
    return f


def _compute2(CH):
    def f(srows, drows, contrib, p, cq):
        iota = _iota16()
        zeros_i = jnp.zeros((16,), jnp.int32)
        ones_i = jnp.ones((16,), jnp.int32)
        pfull = jnp.full((16,), p, dtype=jnp.int32)

        @plsc.parallel_loop(0, CH // 16, 1, unroll=2)
        def group(g):
            evec = g * 16 + iota
            el16 = plsc.load_gather(srows, [pfull, evec, zeros_i])
            a16 = plsc.load_gather(drows, [pfull, evec, zeros_i])
            b16 = plsc.load_gather(drows, [pfull, evec, ones_i])
            w16 = jnp.exp(jnp.maximum(el16 + a16, 0.2 * el16 + b16))
            for j in range(16):
                e = g * 16 + j
                wsp = _splat(w16, j)
                row0 = srows[p, e, pl.ds(0, 16)]
                row0 = jnp.where(iota == 0, 1.0, row0)
                contrib[cq, e, pl.ds(0, 16)] = row0 * wsp
                contrib[cq, e, pl.ds(16, 16)] = srows[p, e, pl.ds(16, 16)] * wsp
                contrib[cq, e, pl.ds(32, 16)] = srows[p, e, pl.ds(32, 16)] * wsp
    return f


CH1, CH2 = 80, 80
_edge_pass1_run = _make_edge_pass(ROW1, 16, ACC1, CH1, _compute1(CH1),
                                  async_scatter=False)
_edge_pass2_run = _make_edge_pass(ROW2, 8, ACC2, CH2, _compute2(CH2))


def _tc_prep1(x, W1, ALR, interpret=False):
    N = x.shape[0]
    BN = 1000

    def body(x_ref, w_ref, alr_ref, src_ref, elr_ref, mx_ref):
        i = pl.program_id(0)
        xb = x_ref[...]
        hb = jnp.dot(xb, w_ref[...], preferred_element_type=jnp.float32)
        elr = jnp.dot(hb, alr_ref[...], preferred_element_type=jnp.float32)
        el = elr[:, 0:8]
        src_ref[...] = jnp.concatenate([el, el, hb], axis=1)
        elr_ref[...] = elr
        bmax = jnp.max(el, axis=0, keepdims=True)

        @pl.when(i == 0)
        def _():
            mx_ref[...] = bmax

        @pl.when(i > 0)
        def _():
            mx_ref[...] = jnp.maximum(mx_ref[...], bmax)

    return pl.pallas_call(
        body,
        grid=(N // BN,),
        in_specs=[pl.BlockSpec((BN, 128), lambda i: (i, 0)),
                  pl.BlockSpec((128, 128), lambda i: (0, 0)),
                  pl.BlockSpec((128, 16), lambda i: (0, 0))],
        out_specs=[pl.BlockSpec((BN, ROW1), lambda i: (i, 0)),
                   pl.BlockSpec((BN, 16), lambda i: (i, 0)),
                   pl.BlockSpec((1, 8), lambda i: (0, 0))],
        out_shape=[jax.ShapeDtypeStruct((N, ROW1), jnp.float32),
                   jax.ShapeDtypeStruct((N, 16), jnp.float32),
                   jax.ShapeDtypeStruct((1, 8), jnp.float32)],
        interpret=interpret,
    )(x, W1, ALR)


def _tc_dsttab1(elr, maxel, interpret=False):
    N = elr.shape[0]
    BN = 1000

    def body(elr_ref, mx_ref, out_ref):
        er = elr_ref[...][:, 8:16]
        t = er + mx_ref[...]
        m = jnp.where(t > 0, t, 0.2 * t)
        out_ref[...] = jnp.concatenate([er - m, 0.2 * er - m], axis=1)

    return pl.pallas_call(
        body,
        grid=(N // BN,),
        in_specs=[pl.BlockSpec((BN, 16), lambda i: (i, 0)),
                  pl.BlockSpec((1, 8), lambda i: (0, 0))],
        out_specs=pl.BlockSpec((BN, 16), lambda i: (i, 0)),
        out_shape=jax.ShapeDtypeStruct((N, 16), jnp.float32),
        interpret=interpret,
    )(elr, maxel)


def _tc_prep2(p0, p1, b1, W2, al2, ar2, resW2, b2, interpret=False):
    N = p0.shape[0]
    BN = 1000

    def body(p0_ref, p1_ref, b1_ref, w2_ref, al2_ref, ar2_ref, rw_ref, b2_ref,
             src_ref, elr_ref, res_ref, mx_ref):
        i = pl.program_id(0)
        acc = p0_ref[...] + p1_ref[...]
        num = acc[:, 16:ACC1]
        parts = []
        for hh in range(8):
            dh = acc[:, hh:hh + 1]
            parts.append(num[:, 16 * hh:16 * hh + 16] / (dh + 1e-16))
        rst = jnp.concatenate(parts, axis=1) + b1_ref[...]
        h2 = jnp.where(rst > 0, rst, jnp.exp(rst) - 1.0)
        h2w = jnp.dot(h2, w2_ref[...], preferred_element_type=jnp.float32)
        el2 = jnp.dot(h2w, al2_ref[...], preferred_element_type=jnp.float32)
        er2 = jnp.dot(h2w, ar2_ref[...], preferred_element_type=jnp.float32)
        res = jnp.dot(h2, rw_ref[...], preferred_element_type=jnp.float32)
        res_ref[...] = res + b2_ref[...]
        src_ref[...] = jnp.concatenate(
            [el2, h2w, jnp.zeros((h2w.shape[0], 7), jnp.float32)], axis=1)
        elr_ref[...] = jnp.concatenate(
            [el2, er2, jnp.zeros((h2w.shape[0], 14), jnp.float32)], axis=1)
        bmax = jnp.max(el2, axis=0, keepdims=True)

        @pl.when(i == 0)
        def _():
            mx_ref[...] = bmax

        @pl.when(i > 0)
        def _():
            mx_ref[...] = jnp.maximum(mx_ref[...], bmax)

    return pl.pallas_call(
        body,
        grid=(N // BN,),
        in_specs=[pl.BlockSpec((BN, ACC1), lambda i: (i, 0)),
                  pl.BlockSpec((BN, ACC1), lambda i: (i, 0)),
                  pl.BlockSpec((1, 128), lambda i: (0, 0)),
                  pl.BlockSpec((128, 40), lambda i: (0, 0)),
                  pl.BlockSpec((40, 1), lambda i: (0, 0)),
                  pl.BlockSpec((40, 1), lambda i: (0, 0)),
                  pl.BlockSpec((128, 40), lambda i: (0, 0)),
                  pl.BlockSpec((1, 40), lambda i: (0, 0))],
        out_specs=[pl.BlockSpec((BN, ROW2), lambda i: (i, 0)),
                   pl.BlockSpec((BN, 16), lambda i: (i, 0)),
                   pl.BlockSpec((BN, 40), lambda i: (i, 0)),
                   pl.BlockSpec((1, 1), lambda i: (0, 0))],
        out_shape=[jax.ShapeDtypeStruct((N, ROW2), jnp.float32),
                   jax.ShapeDtypeStruct((N, 16), jnp.float32),
                   jax.ShapeDtypeStruct((N, 40), jnp.float32),
                   jax.ShapeDtypeStruct((1, 1), jnp.float32)],
        interpret=interpret,
    )(p0, p1, b1, W2, al2, ar2, resW2, b2)


def _tc_dsttab2(elr2, maxel2, interpret=False):
    N = elr2.shape[0]
    BN = 1000

    def body(elr_ref, mx_ref, out_ref):
        e = elr_ref[...]
        er2 = e[:, 1:2]
        t = er2 + mx_ref[...]
        m = jnp.where(t > 0, t, 0.2 * t)
        out_ref[...] = jnp.concatenate(
            [er2 - m, 0.2 * er2 - m,
             jnp.zeros((e.shape[0], 6), jnp.float32)], axis=1)

    return pl.pallas_call(
        body,
        grid=(N // BN,),
        in_specs=[pl.BlockSpec((BN, 16), lambda i: (i, 0)),
                  pl.BlockSpec((1, 1), lambda i: (0, 0))],
        out_specs=pl.BlockSpec((BN, 8), lambda i: (i, 0)),
        out_shape=jax.ShapeDtypeStruct((N, 8), jnp.float32),
        interpret=interpret,
    )(elr2, maxel2)


def _tc_final(q0, q1, res, interpret=False):
    N = q0.shape[0]
    BN = 1000

    def body(q0_ref, q1_ref, res_ref, out_ref):
        acc = q0_ref[...] + q1_ref[...]
        out_ref[...] = acc[:, 1:41] / (acc[:, 0:1] + 1e-16) + res_ref[...]

    return pl.pallas_call(
        body,
        grid=(N // BN,),
        in_specs=[pl.BlockSpec((BN, ROW2), lambda i: (i, 0)),
                  pl.BlockSpec((BN, ROW2), lambda i: (i, 0)),
                  pl.BlockSpec((BN, 40), lambda i: (i, 0))],
        out_specs=pl.BlockSpec((BN, 40), lambda i: (i, 0)),
        out_shape=jax.ShapeDtypeStruct((N, 40), jnp.float32),
        interpret=interpret,
    )(q0, q1, res)


def kernel(x, edge_index, W1, al1, ar1, b1, W2, al2, ar2, b2, resW2):
    N = x.shape[0]
    src = edge_index[0]
    dst = edge_index[1]

    alr_l = (jnp.eye(8, dtype=jnp.float32)[:, None, :] * al1[:, :, None]
             ).reshape(128, 8)
    alr_r = (jnp.eye(8, dtype=jnp.float32)[:, None, :] * ar1[:, :, None]
             ).reshape(128, 8)
    ALR = jnp.concatenate([alr_l, alr_r], axis=1)

    E = src.shape[0]
    EW = E // NW
    src1 = src.reshape(NW, EW // CH1, CH1)
    dst1 = dst.reshape(NW, EW // CH1, CH1)
    src2 = src.reshape(NW, EW // CH2, CH2)
    dst2 = dst.reshape(NW, EW // CH2, CH2)
    zeros1 = jnp.zeros((N // NS, ACC1), jnp.float32)
    zeros2 = jnp.zeros((N // NS, ACC2), jnp.float32)

    srctab1, elr1, maxel1 = _tc_prep1(x, W1, ALR)
    dsttab1 = _tc_dsttab1(elr1, maxel1)
    part1 = _edge_pass1_run(srctab1, dsttab1, src1, dst1, zeros1)
    p0, p1 = part1[:N], part1[N:]

    srctab2, elr2, res2, maxel2 = _tc_prep2(
        p0, p1, b1.reshape(1, 128), W2, al2.reshape(40, 1), ar2.reshape(40, 1),
        resW2, b2.reshape(1, 40))
    dsttab2 = _tc_dsttab2(elr2, maxel2)
    part2 = _edge_pass2_run(srctab2, dsttab2, src2, dst2, zeros2)

    return _tc_final(part2[:N], part2[N:], res2)

# --- scband reference (transcript-rebuilt; emitter-appended) ---
"""Pipeline reference for scband-gat-79980880986112 (READ-ONLY COPY).

The authoritative reference and input builder live on the scoring server;
editing this copy changes nothing except your own understanding.
"""

import jax, jax.numpy as jnp
import numpy as np


def _gat_layer(x, src, dst, W, al, ar, b, H, F, resW=None, act=None):
    N = x.shape[0]
    h = (x @ W).reshape(N, H, F)
    el = jnp.sum(h * al[None, :, :], axis=-1)  # [N, H]
    er = jnp.sum(h * ar[None, :, :], axis=-1)  # [N, H]
    e = jax.nn.leaky_relu(el[src] + er[dst], negative_slope=0.2)  # [E, H]
    emax = jax.ops.segment_max(e, dst, num_segments=N)
    emax = jnp.where(jnp.isfinite(emax), emax, 0.0)
    emax = jax.lax.stop_gradient(emax)
    ex = jnp.exp(e - emax[dst])
    denom = jax.ops.segment_sum(ex, dst, num_segments=N)
    alpha = ex / (denom[dst] + 1e-16)  # edge softmax over incoming edges of dst
    msg = alpha[:, :, None] * h[src]  # [E, H, F]
    rst = jax.ops.segment_sum(msg, dst, num_segments=N)  # [N, H, F]
    if resW is not None:
        rst = rst + (x @ resW).reshape(N, H, F)
    rst = rst + b.reshape(1, H, F)
    if act is not None:
        rst = act(rst)
    return rst


def setup_inputs(seed: int = 0):
    key = jax.random.key(seed)
    ks = jax.random.split(key, 12)
    N, E, D = 10000, 320000, 128
    x = jax.random.normal(ks[0], (N, D), dtype=jnp.float32)
    edge_index = jax.random.randint(ks[1], (2, E), 0, N)
    W1 = jax.random.normal(ks[2], (D, 8 * 16), dtype=jnp.float32) * 0.1
    al1 = jax.random.normal(ks[3], (8, 16), dtype=jnp.float32) * 0.1
    ar1 = jax.random.normal(ks[4], (8, 16), dtype=jnp.float32) * 0.1
    b1 = jnp.zeros((8 * 16,), dtype=jnp.float32)
    W2 = jax.random.normal(ks[5], (128, 40), dtype=jnp.float32) * 0.1
    al2 = jax.random.normal(ks[6], (1, 40), dtype=jnp.float32) * 0.1
    ar2 = jax.random.normal(ks[7], (1, 40), dtype=jnp.float32) * 0.1
    b2 = jnp.zeros((40,), dtype=jnp.float32)
    resW2 = jax.random.normal(ks[8], (128, 40), dtype=jnp.float32) * 0.1
    return {"x": x, "edge_index": edge_index, "W1": W1, "al1": al1, "ar1": ar1, "b1": b1, "W2": W2, "al2": al2, "ar2": ar2, "b2": b2, "resW2": resW2}


def reference(x, edge_index, W1, al1, ar1, b1, W2, al2, ar2, b2, resW2):
    src = edge_index[0]
    dst = edge_index[1]
    # layer 0: GATConv(128 -> 16, 8 heads), elu, no residual, flatten heads
    h = _gat_layer(x, src, dst, W1, al1, ar1, b1, 8, 16, resW=None, act=jax.nn.elu)
    h = h.reshape(h.shape[0], -1)  # [N, 128]
    # layer 1: GATConv(128 -> 40, 1 head), residual (res_fc since dims differ), no activation
    out = _gat_layer(h, src, dst, W2, al2, ar2, b2, 1, 40, resW=resW2, act=None)
    return out.mean(axis=1)  # [N, 40]

if __name__ == "__main__":
    import jax
    _d = setup_inputs()
    print(jax.jit(kernel)(*tuple(_d.values())))

</pallas_src>

<mosaic_0001>
#map = affine_map<(d0, d1) -> (0, 0)>
#map1 = affine_map<(d0, d1) -> (0, 0, 0)>
module attributes {stable_mosaic.version = 14 : i64} {
  func.func @k(%arg0: i32, %arg1: i32, %arg2: memref<10000x144xf32, #tpu.memory_space<hbm>>, %arg3: memref<10000x16xf32, #tpu.memory_space<hbm>>, %arg4: memref<32x125x80xi32, #tpu.memory_space<hbm>>, %arg5: memref<32x125x80xi32, #tpu.memory_space<hbm>>, %arg6: memref<625x144xf32, #tpu.memory_space<hbm>>, %arg7: memref<20000x144xf32, #tpu.memory_space<hbm>>, %arg8: memref<4x80xi32, #tpu.memory_space<vmem>>, %arg9: memref<4x80xi32, #tpu.memory_space<vmem>>, %arg10: memref<2x80x144xf32, #tpu.memory_space<vmem>>, %arg11: memref<2x80x16xf32, #tpu.memory_space<vmem>>, %arg12: memref<1x80x144xf32, #tpu.memory_space<vmem>>, %arg13: memref<10000x144xf32, #tpu.memory_space<vmem_shared>>, %arg14: memref<4x!tpu.dma_semaphore, #tpu.memory_space<semaphore_mem>>, %arg15: memref<2x!tpu.dma_semaphore, #tpu.memory_space<semaphore_mem>>, %arg16: memref<2x!tpu.dma_semaphore, #tpu.memory_space<semaphore_mem>>, %arg17: memref<2x!tpu.dma_semaphore, #tpu.memory_space<semaphore_mem>>) attributes {dimension_semantics = [#tpu.dimension_semantics<core_parallel>, #tpu.dimension_semantics<subcore_parallel>], iteration_bounds = array<i64: 2, 16>, scalar_prefetch = 0 : i64, scratch_operands = 10 : i64, tpu.core_type = #tpu.core_type<sc_vector_subcore>, window_params = [{transform_indices = #map}, {transform_indices = #map}, {transform_indices = #map1}, {transform_indices = #map1}, {transform_indices = #map}, {transform_indices = #map}]} {
    %mul3A = arith.constant 2 : i32
    %mul3A_0 = arith.muli %arg1, %mul3A : i32
    %add3A = arith.addi %mul3A_0, %arg0 : i32
    %mul3A_1 = arith.constant 625 : i32
    %mul3A_2 = arith.muli %arg1, %mul3A_1 : i32
    "tpu.region"() ({
      %run_scoped3A = tpu.sem_alloc : memref<!tpu.dma_semaphore, #tpu.memory_space<semaphore_mem>>
      %dma_start3A_140 = arith.constant 0 : i32
      %dma_start3A_141 = tpu.memref_slice %arg13[%mul3A_2, %dma_start3A_140] : memref<10000x144xf32, #tpu.memory_space<vmem_shared>> -> memref<625x144xf32, #tpu.memory_space<vmem_shared>>
      tpu.enqueue_dma source(%arg6 : memref<625x144xf32, #tpu.memory_space<hbm>>) target(%dma_start3A_141 : memref<625x144xf32, #tpu.memory_space<vmem_shared>>) target_semaphore(%run_scoped3A : memref<!tpu.dma_semaphore, #tpu.memory_space<semaphore_mem>>)
      %dma_wait3A_142 = arith.constant 0 : i32
      %dma_wait3A_143 = tpu.memref_slice %arg13[%mul3A_2, %dma_wait3A_142] : memref<10000x144xf32, #tpu.memory_space<vmem_shared>> -> memref<625x144xf32, #tpu.memory_space<vmem_shared>>
      tpu.wait_dma2 semaphore(%run_scoped3A : memref<!tpu.dma_semaphore, #tpu.memory_space<semaphore_mem>>) src(%arg6 : memref<625x144xf32, #tpu.memory_space<hbm>>) dst(%dma_wait3A_143 : memref<625x144xf32, #tpu.memory_space<vmem_shared>>)
      tpu.yield
    }) : () -> ()
    %barrier3A = arith.constant 0 : index
    tpu.barrier barrier_id(%barrier3A)
    %and3A = arith.constant 0 : i32
    %and3A_3 = arith.constant 3 : i32
    %and3A_4 = arith.andi %and3A, %and3A_3 : i32
    %dma_start3A = arith.constant 0 : i32
    %dma_start3A_5 = arith.constant 0 : i32
    %dma_start3A_6 = tpu.memref_slice %arg8[%and3A_4, %dma_start3A_5] : memref<4x80xi32, #tpu.memory_space<vmem>> -> memref<1x80xi32, #tpu.memory_space<vmem>>
    %dma_start3A_7 = tpu.memref_squeeze %dma_start3A_6 : memref<1x80xi32, #tpu.memory_space<vmem>> -> memref<80xi32, #tpu.memory_space<vmem>>
    %dma_start3A_8 = arith.constant 0 : i32
    %dma_start3A_9 = tpu.memref_slice %arg4[%add3A, %dma_start3A, %dma_start3A_8] : memref<32x125x80xi32, #tpu.memory_space<hbm>> -> memref<1x1x80xi32, #tpu.memory_space<hbm>>
    %dma_start3A_10 = tpu.memref_squeeze %dma_start3A_9 : memref<1x1x80xi32, #tpu.memory_space<hbm>> -> memref<80xi32, #tpu.memory_space<hbm>>
    %dma_start3A_11 = tpu.memref_slice %arg14[%and3A_4] : memref<4x!tpu.dma_semaphore, #tpu.memory_space<semaphore_mem>> -> memref<1x!tpu.dma_semaphore, #tpu.memory_space<semaphore_mem>>
    %dma_start3A_12 = tpu.memref_squeeze %dma_start3A_11 : memref<1x!tpu.dma_semaphore, #tpu.memory_space<semaphore_mem>> -> memref<!tpu.dma_semaphore, #tpu.memory_space<semaphore_mem>>
    %dma_start3A_13 = arith.constant 0 : i32
    %dma_start3A_14 = tpu.memref_slice %arg8[%and3A_4, %dma_start3A_13] : memref<4x80xi32, #tpu.memory_space<vmem>> -> memref<1x80xi32, #tpu.memory_space<vmem>>
    %dma_start3A_15 = tpu.memref_squeeze %dma_start3A_14 : memref<1x80xi32, #tpu.memory_space<vmem>> -> memref<80xi32, #tpu.memory_space<vmem>>
    %dma_start3A_16 = arith.constant 0 : i32
    %dma_start3A_17 = tpu.memref_slice %arg4[%add3A, %dma_start3A, %dma_start3A_16] : memref<32x125x80xi32, #tpu.memory_space<hbm>> -> memref<1x1x80xi32, #tpu.memory_space<hbm>>
    %dma_start3A_18 = tpu.memref_squeeze %dma_start3A_17 : memref<1x1x80xi32, #tpu.memory_space<hbm>> -> memref<80xi32, #tpu.memory_space<hbm>>
    tpu.enqueue_dma source(%dma_start3A_18 : memref<80xi32, #tpu.memory_space<hbm>>) target(%dma_start3A_15 : memref<80xi32, #tpu.memory_space<vmem>>) target_semaphore(%dma_start3A_12 : memref<!tpu.dma_semaphore, #tpu.memory_space<semaphore_mem>>)
    %dma_start3A_19 = arith.constant 0 : i32
    %dma_start3A_20 = arith.constant 0 : i32
    %dma_start3A_21 = tpu.memref_slice %arg9[%and3A_4, %dma_start3A_20] : memref<4x80xi32, #tpu.memory_space<vmem>> -> memref<1x80xi32, #tpu.memory_space<vmem>>
    %dma_start3A_22 = tpu.memref_squeeze %dma_start3A_21 : memref<1x80xi32, #tpu.memory_space<vmem>> -> memref<80xi32, #tpu.memory_space<vmem>>
    %dma_start3A_23 = arith.constant 0 : i32
    %dma_start3A_24 = tpu.memref_slice %arg5[%add3A, %dma_start3A_19, %dma_start3A_23] : memref<32x125x80xi32, #tpu.memory_space<hbm>> -> memref<1x1x80xi32, #tpu.memory_space<hbm>>
    %dma_start3A_25 = tpu.memref_squeeze %dma_start3A_24 : memref<1x1x80xi32, #tpu.memory_space<hbm>> -> memref<80xi32, #tpu.memory_space<hbm>>
    %dma_start3A_26 = tpu.memref_slice %arg14[%and3A_4] : memref<4x!tpu.dma_semaphore, #tpu.memory_space<semaphore_mem>> -> memref<1x!tpu.dma_semaphore, #tpu.memory_space<semaphore_mem>>
    %dma_start3A_27 = tpu.memref_squeeze %dma_start3A_26 : memref<1x!tpu.dma_semaphore, #tpu.memory_space<semaphore_mem>> -> memref<!tpu.dma_semaphore, #tpu.memory_space<semaphore_mem>>
    %dma_start3A_28 = arith.constant 0 : i32
    %dma_start3A_29 = tpu.memref_slice %arg9[%and3A_4, %dma_start3A_28] : memref<4x80xi32, #tpu.memory_space<vmem>> -> memref<1x80xi32, #tpu.memory_space<vmem>>
    %dma_start3A_30 = tpu.memref_squeeze %dma_start3A_29 : memref<1x80xi32, #tpu.memory_space<vmem>> -> memref<80xi32, #tpu.memory_space<vmem>>
    %dma_start3A_31 = arith.constant 0 : i32
    %dma_start3A_32 = tpu.memref_slice %arg5[%add3A, %dma_start3A_19, %dma_start3A_31] : memref<32x125x80xi32, #tpu.memory_space<hbm>> -> memref<1x1x80xi32, #tpu.memory_space<hbm>>
    %dma_start3A_33 = tpu.memref_squeeze %dma_start3A_32 : memref<1x1x80xi32, #tpu.memory_space<hbm>> -> memref<80xi32, #tpu.memory_space<hbm>>
    tpu.enqueue_dma source(%dma_start3A_33 : memref<80xi32, #tpu.memory_space<hbm>>) target(%dma_start3A_30 : memref<80xi32, #tpu.memory_space<vmem>>) target_semaphore(%dma_start3A_27 : memref<!tpu.dma_semaphore, #tpu.memory_space<semaphore_mem>>)
    %and3A_34 = arith.constant 1 : i32
    %and3A_35 = arith.constant 3 : i32
    %and3A_36 = arith.andi %and3A_34, %and3A_35 : i32
    %dma_start3A_37 = arith.constant 1 : i32
    %dma_start3A_38 = arith.constant 0 : i32
    %dma_start3A_39 = tpu.memref_slice %arg8[%and3A_36, %dma_start3A_38] : memref<4x80xi32, #tpu.memory_space<vmem>> -> memref<1x80xi32, #tpu.memory_space<vmem>>
    %dma_start3A_40 = tpu.memref_squeeze %dma_start3A_39 : memref<1x80xi32, #tpu.memory_space<vmem>> -> memref<80xi32, #tpu.memory_space<vmem>>
    %dma_start3A_41 = arith.constant 0 : i32
    %dma_start3A_42 = tpu.memref_slice %arg4[%add3A, %dma_start3A_37, %dma_start3A_41] : memref<32x125x80xi32, #tpu.memory_space<hbm>> -> memref<1x1x80xi32, #tpu.memory_space<hbm>>
    %dma_start3A_43 = tpu.memref_squeeze %dma_start3A_42 : memref<1x1x80xi32, #tpu.memory_space<hbm>> -> memref<80xi32, #tpu.memory_space<hbm>>
    %dma_start3A_44 = tpu.memref_slice %arg14[%and3A_36] : memref<4x!tpu.dma_semaphore, #tpu.memory_space<semaphore_mem>> -> memref<1x!tpu.dma_semaphore, #tpu.memory_space<semaphore_mem>>
    %dma_start3A_45 = tpu.memref_squeeze %dma_start3A_44 : memref<1x!tpu.dma_semaphore, #tpu.memory_space<semaphore_mem>> -> memref<!tpu.dma_semaphore, #tpu.memory_space<semaphore_mem>>
    %dma_start3A_46 = arith.constant 0 : i32
    %dma_start3A_47 = tpu.memref_slice %arg8[%and3A_36, %dma_start3A_46] : memref<4x80xi32, #tpu.memory_space<vmem>> -> memref<1x80xi32, #tpu.memory_space<vmem>>
    %dma_start3A_48 = tpu.memref_squeeze %dma_start3A_47 : memref<1x80xi32, #tpu.memory_space<vmem>> -> memref<80xi32, #tpu.memory_space<vmem>>
    %dma_start3A_49 = arith.constant 0 : i32
    %dma_start3A_50 = tpu.memref_slice %arg4[%add3A, %dma_start3A_37, %dma_start3A_49] : memref<32x125x80xi32, #tpu.memory_space<hbm>> -> memref<1x1x80xi32, #tpu.memory_space<hbm>>
    %dma_start3A_51 = tpu.memref_squeeze %dma_start3A_50 : memref<1x1x80xi32, #tpu.memory_space<hbm>> -> memref<80xi32, #tpu.memory_space<hbm>>
    tpu.enqueue_dma source(%dma_start3A_51 : memref<80xi32, #tpu.memory_space<hbm>>) target(%dma_start3A_48 : memref<80xi32, #tpu.memory_space<vmem>>) target_semaphore(%dma_start3A_45 : memref<!tpu.dma_semaphore, #tpu.memory_space<semaphore_mem>>)
    %dma_start3A_52 = arith.constant 1 : i32
    %dma_start3A_53 = arith.constant 0 : i32
    %dma_start3A_54 = tpu.memref_slice %arg9[%and3A_36, %dma_start3A_53] : memref<4x80xi32, #tpu.memory_space<vmem>> -> memref<1x80xi32, #tpu.memory_space<vmem>>
    %dma_start3A_55 = tpu.memref_squeeze %dma_start3A_54 : memref<1x80xi32, #tpu.memory_space<vmem>> -> memref<80xi32, #tpu.memory_space<vmem>>
    %dma_start3A_56 = arith.constant 0 : i32
    %dma_start3A_57 = tpu.memref_slice %arg5[%add3A, %dma_start3A_52, %dma_start3A_56] : memref<32x125x80xi32, #tpu.memory_space<hbm>> -> memref<1x1x80xi32, #tpu.memory_space<hbm>>
    %dma_start3A_58 = tpu.memref_squeeze %dma_start3A_57 : memref<1x1x80xi32, #tpu.memory_space<hbm>> -> memref<80xi32, #tpu.memory_space<hbm>>
    %dma_start3A_59 = tpu.memref_slice %arg14[%and3A_36] : memref<4x!tpu.dma_semaphore, #tpu.memory_space<semaphore_mem>> -> memref<1x!tpu.dma_semaphore, #tpu.memory_space<semaphore_mem>>
    %dma_start3A_60 = tpu.memref_squeeze %dma_start3A_59 : memref<1x!tpu.dma_semaphore, #tpu.memory_space<semaphore_mem>> -> memref<!tpu.dma_semaphore, #tpu.memory_space<semaphore_mem>>
    %dma_start3A_61 = arith.constant 0 : i32
    %dma_start3A_62 = tpu.memref_slice %arg9[%and3A_36, %dma_start3A_61] : memref<4x80xi32, #tpu.memory_space<vmem>> -> memref<1x80xi32, #tpu.memory_space<vmem>>
    %dma_start3A_63 = tpu.memref_squeeze %dma_start3A_62 : memref<1x80xi32, #tpu.memory_space<vmem>> -> memref<80xi32, #tpu.memory_space<vmem>>
    %dma_start3A_64 = arith.constant 0 : i32
    %dma_start3A_65 = tpu.memref_slice %arg5[%add3A, %dma_start3A_52, %dma_start3A_64] : memref<32x125x80xi32, #tpu.memory_space<hbm>> -> memref<1x1x80xi32, #tpu.memory_space<hbm>>
    %dma_start3A_66 = tpu.memref_squeeze %dma_start3A_65 : memref<1x1x80xi32, #tpu.memory_space<hbm>> -> memref<80xi32, #tpu.memory_space<hbm>>
    tpu.enqueue_dma source(%dma_start3A_66 : memref<80xi32, #tpu.memory_space<hbm>>) target(%dma_start3A_63 : memref<80xi32, #tpu.memory_space<vmem>>) target_semaphore(%dma_start3A_60 : memref<!tpu.dma_semaphore, #tpu.memory_space<semaphore_mem>>)
    %and3A_67 = arith.constant 0 : i32
    %and3A_68 = arith.constant 3 : i32
    %and3A_69 = arith.andi %and3A_67, %and3A_68 : i32
    %dma_wait3A = arith.constant 0 : i32
    %dma_wait3A_70 = arith.constant 0 : i32
    %dma_wait3A_71 = tpu.memref_slice %arg8[%and3A_69, %dma_wait3A_70] : memref<4x80xi32, #tpu.memory_space<vmem>> -> memref<1x80xi32, #tpu.memory_space<vmem>>
    %dma_wait3A_72 = tpu.memref_squeeze %dma_wait3A_71 : memref<1x80xi32, #tpu.memory_space<vmem>> -> memref<80xi32, #tpu.memory_space<vmem>>
    %dma_wait3A_73 = arith.constant 0 : i32
    %dma_wait3A_74 = tpu.memref_slice %arg4[%add3A, %dma_wait3A, %dma_wait3A_73] : memref<32x125x80xi32, #tpu.memory_space<hbm>> -> memref<1x1x80xi32, #tpu.memory_space<hbm>>
    %dma_wait3A_75 = tpu.memref_squeeze %dma_wait3A_74 : memref<1x1x80xi32, #tpu.memory_space<hbm>> -> memref<80xi32, #tpu.memory_space<hbm>>
    %dma_wait3A_76 = tpu.memref_slice %arg14[%and3A_69] : memref<4x!tpu.dma_semaphore, #tpu.memory_space<semaphore_mem>> -> memref<1x!tpu.dma_semaphore, #tpu.memory_space<semaphore_mem>>
    %dma_wait3A_77 = tpu.memref_squeeze %dma_wait3A_76 : memref<1x!tpu.dma_semaphore, #tpu.memory_space<semaphore_mem>> -> memref<!tpu.dma_semaphore, #tpu.memory_space<semaphore_mem>>
    %dma_wait3A_78 = arith.constant 0 : i32
    %dma_wait3A_79 = tpu.memref_slice %arg8[%and3A_69, %dma_wait3A_78] : memref<4x80xi32, #tpu.memory_space<vmem>> -> memref<1x80xi32, #tpu.memory_space<vmem>>
    %dma_wait3A_80 = tpu.memref_squeeze %dma_wait3A_79 : memref<1x80xi32, #tpu.memory_space<vmem>> -> memref<80xi32, #tpu.memory_space<vmem>>
    %dma_wait3A_81 = arith.constant 0 : i32
    %dma_wait3A_82 = tpu.memref_slice %arg4[%add3A, %dma_wait3A, %dma_wait3A_81] : memref<32x125x80xi32, #tpu.memory_space<hbm>> -> memref<1x1x80xi32, #tpu.memory_space<hbm>>
    %dma_wait3A_83 = tpu.memref_squeeze %dma_wait3A_82 : memref<1x1x80xi32, #tpu.memory_space<hbm>> -> memref<80xi32, #tpu.memory_space<hbm>>
    tpu.wait_dma2 semaphore(%dma_wait3A_77 : memref<!tpu.dma_semaphore, #tpu.memory_space<semaphore_mem>>) src(%dma_wait3A_83 : memref<80xi32, #tpu.memory_space<hbm>>) dst(%dma_wait3A_80 : memref<80xi32, #tpu.memory_space<vmem>>)
    %dma_wait3A_84 = arith.constant 0 : i32
    %dma_wait3A_85 = arith.constant 0 : i32
    %dma_wait3A_86 = tpu.memref_slice %arg9[%and3A_69, %dma_wait3A_85] : memref<4x80xi32, #tpu.memory_space<vmem>> -> memref<1x80xi32, #tpu.memory_space<vmem>>
    %dma_wait3A_87 = tpu.memref_squeeze %dma_wait3A_86 : memref<1x80xi32, #tpu.memory_space<vmem>> -> memref<80xi32, #tpu.memory_space<vmem>>
    %dma_wait3A_88 = arith.constant 0 : i32
    %dma_wait3A_89 = tpu.memref_slice %arg5[%add3A, %dma_wait3A_84, %dma_wait3A_88] : memref<32x125x80xi32, #tpu.memory_space<hbm>> -> memref<1x1x80xi32, #tpu.memory_space<hbm>>
    %dma_wait3A_90 = tpu.memref_squeeze %dma_wait3A_89 : memref<1x1x80xi32, #tpu.memory_space<hbm>> -> memref<80xi32, #tpu.memory_space<hbm>>
    %dma_wait3A_91 = tpu.memref_slice %arg14[%and3A_69] : memref<4x!tpu.dma_semaphore, #tpu.memory_space<semaphore_mem>> -> memref<1x!tpu.dma_semaphore, #tpu.memory_space<semaphore_mem>>
    %dma_wait3A_92 = tpu.memref_squeeze %dma_wait3A_91 : memref<1x!tpu.dma_semaphore, #tpu.memory_space<semaphore_mem>> -> memref<!tpu.dma_semaphore, #tpu.memory_space<semaphore_mem>>
    %dma_wait3A_93 = arith.constant 0 : i32
    %dma_wait3A_94 = tpu.memref_slice %arg9[%and3A_69, %dma_wait3A_93] : memref<4x80xi32, #tpu.memory_space<vmem>> -> memref<1x80xi32, #tpu.memory_space<vmem>>
    %dma_wait3A_95 = tpu.memref_squeeze %dma_wait3A_94 : memref<1x80xi32, #tpu.memory_space<vmem>> -> memref<80xi32, #tpu.memory_space<vmem>>
    %dma_wait3A_96 = arith.constant 0 : i32
    %dma_wait3A_97 = tpu.memref_slice %arg5[%add3A, %dma_wait3A_84, %dma_wait3A_96] : memref<32x125x80xi32, #tpu.memory_space<hbm>> -> memref<1x1x80xi32, #tpu.memory_space<hbm>>
    %dma_wait3A_98 = tpu.memref_squeeze %dma_wait3A_97 : memref<1x1x80xi32, #tpu.memory_space<hbm>> -> memref<80xi32, #tpu.memory_space<hbm>>
    tpu.wait_dma2 semaphore(%dma_wait3A_92 : memref<!tpu.dma_semaphore, #tpu.memory_space<semaphore_mem>>) src(%dma_wait3A_98 : memref<80xi32, #tpu.memory_space<hbm>>) dst(%dma_wait3A_95 : memref<80xi32, #tpu.memory_space<vmem>>)
    %and3A_99 = arith.constant 0 : i32
    %and3A_100 = arith.constant 3 : i32
    %and3A_101 = arith.andi %and3A_99, %and3A_100 : i32
    %dma_start3A_102 = arith.constant 0 : i32
    %dma_start3A_103 = arith.constant 0 : i32
    %dma_start3A_104 = arith.constant 0 : i32
    %dma_start3A_105 = arith.constant 0 : i32
    %dma_start3A_106 = tpu.memref_slice %arg10[%dma_start3A_102, %dma_start3A_104, %dma_start3A_105] : memref<2x80x144xf32, #tpu.memory_space<vmem>> -> memref<1x80x144xf32, #tpu.memory_space<vmem>>
    %dma_start3A_107 = tpu.memref_squeeze %dma_start3A_106 : memref<1x80x144xf32, #tpu.memory_space<vmem>> -> memref<80x144xf32, #tpu.memory_space<vmem>>
    %dma_start3A_108 = arith.constant 0 : i32
    %dma_start3A_109 = tpu.memref_slice %arg8[%and3A_101, %dma_start3A_108] : memref<4x80xi32, #tpu.memory_space<vmem>> -> memref<1x80xi32, #tpu.memory_space<vmem>>
    %dma_start3A_110 = tpu.memref_squeeze %dma_start3A_109 : memref<1x80xi32, #tpu.memory_space<vmem>> -> memref<80xi32, #tpu.memory_space<vmem>>
    %dma_start3A_111 = arith.constant 0 : i32
    %dma_start3A_112 = arith.constant 0 : i32
    %dma_start3A_113 = tpu.memref_slice %arg2[%dma_start3A_111, %dma_start3A_112] : memref<10000x144xf32, #tpu.memory_space<hbm>> -> memref<10000x144xf32, #tpu.memory_space<hbm>>
    %dma_start3A_114 = tpu.memref_slice %arg15[%dma_start3A_103] : memref<2x!tpu.dma_semaphore, #tpu.memory_space<semaphore_mem>> -> memref<1x!tpu.dma_semaphore, #tpu.memory_space<semaphore_mem>>
    %dma_start3A_115 = tpu.memref_squeeze %dma_start3A_114 : memref<1x!tpu.dma_semaphore, #tpu.memory_space<semaphore_mem>> -> memref<!tpu.dma_semaphore, #tpu.memory_space<semaphore_mem>>
    tpu.enqueue_indirect_dma source(%dma_start3A_113 : memref<10000x144xf32, #tpu.memory_space<hbm>>) target(%dma_start3A_107 : memref<80x144xf32, #tpu.memory_space<vmem>>) offsets(%dma_start3A_110 : memref<80xi32, #tpu.memory_space<vmem>>) semaphore(%dma_start3A_115 : memref<!tpu.dma_semaphore, #tpu.memory_space<semaphore_mem>>)
    %dma_start3A_116 = arith.constant 0 : i32
    %dma_start3A_117 = arith.constant 0 : i32
    %dma_start3A_118 = arith.constant 0 : i32
    %dma_start3A_119 = arith.constant 0 : i32
    %dma_start3A_120 = tpu.memref_slice %arg11[%dma_start3A_116, %dma_start3A_118, %dma_start3A_119] : memref<2x80x16xf32, #tpu.memory_space<vmem>> -> memref<1x80x16xf32, #tpu.memory_space<vmem>>
    %dma_start3A_121 = tpu.memref_squeeze %dma_start3A_120 : memref<1x80x16xf32, #tpu.memory_space<vmem>> -> memref<80x16xf32, #tpu.memory_space<vmem>>
    %dma_start3A_122 = arith.constant 0 : i32
    %dma_start3A_123 = tpu.memref_slice %arg9[%and3A_101, %dma_start3A_122] : memref<4x80xi32, #tpu.memory_space<vmem>> -> memref<1x80xi32, #tpu.memory_space<vmem>>
    %dma_start3A_124 = tpu.memref_squeeze %dma_start3A_123 : memref<1x80xi32, #tpu.memory_space<vmem>> -> memref<80xi32, #tpu.memory_space<vmem>>
    %dma_start3A_125 = arith.constant 0 : i32
    %dma_start3A_126 = arith.constant 0 : i32
    %dma_start3A_127 = tpu.memref_slice %arg3[%dma_start3A_125, %dma_start3A_126] : memref<10000x16xf32, #tpu.memory_space<hbm>> -> memref<10000x16xf32, #tpu.memory_space<hbm>>
    %dma_start3A_128 = tpu.memref_slice %arg16[%dma_start3A_117] : memref<2x!tpu.dma_semaphore, #tpu.memory_space<semaphore_mem>> -> memref<1x!tpu.dma_semaphore, #tpu.memory_space<semaphore_mem>>
    %dma_start3A_129 = tpu.memref_squeeze %dma_start3A_128 : memref<1x!tpu.dma_semaphore, #tpu.memory_space<semaphore_mem>> -> memref<!tpu.dma_semaphore, #tpu.memory_space<semaphore_mem>>
    tpu.enqueue_indirect_dma source(%dma_start3A_127 : memref<10000x16xf32, #tpu.memory_space<hbm>>) target(%dma_start3A_121 : memref<80x16xf32, #tpu.memory_space<vmem>>) offsets(%dma_start3A_124 : memref<80xi32, #tpu.memory_space<vmem>>) semaphore(%dma_start3A_129 : memref<!tpu.dma_semaphore, #tpu.memory_space<semaphore_mem>>)
    %scan3A = arith.constant 0 : i32
    %scan3A_130 = arith.constant 0 : i32
    %scan3A_131 = arith.constant 125 : i32
    %scan3A_132 = arith.addi %scan3A_130, %scan3A_131 : i32
    %scan3A_133 = arith.constant 1 : i32
    %scan3A_134 = scf.for %scan3A_140 = %scan3A_130 to %scan3A_132 step %scan3A_133 iter_args(%scan3A_141 = %scan3A) -> (i32)  : i32 {
      %and3A_142 = arith.constant 1 : i32
      %and3A_143 = arith.andi %scan3A_140, %and3A_142 : i32
      %add3A_144 = arith.constant 2 : i32
      %add3A_145 = arith.addi %scan3A_140, %add3A_144 : i32
      %lt3A = arith.constant 125 : i32
      %lt3A_146 = arith.cmpi slt, %add3A_145, %lt3A : i32
      %convert_element_type3A = arith.extui %lt3A_146 : i1 to i32
      %cond3A = arith.constant 0 : i32
      %cond3A_147 = arith.cmpi ne, %convert_element_type3A, %cond3A : i32
      scf.if %cond3A_147 {
        %add3A_198 = arith.constant 2 : i32
        %add3A_199 = arith.addi %scan3A_140, %add3A_198 : i32
        %and3A_200 = arith.constant 3 : i32
        %and3A_201 = arith.andi %add3A_199, %and3A_200 : i32
        %dma_start3A_202 = arith.constant 0 : i32
        %dma_start3A_203 = tpu.memref_slice %arg8[%and3A_201, %dma_start3A_202] : memref<4x80xi32, #tpu.memory_space<vmem>> -> memref<1x80xi32, #tpu.memory_space<vmem>>
        %dma_start3A_204 = tpu.memref_squeeze %dma_start3A_203 : memref<1x80xi32, #tpu.memory_space<vmem>> -> memref<80xi32, #tpu.memory_space<vmem>>
        %dma_start3A_205 = arith.constant 0 : i32
        %dma_start3A_206 = tpu.memref_slice %arg4[%add3A, %add3A_199, %dma_start3A_205] : memref<32x125x80xi32, #tpu.memory_space<hbm>> -> memref<1x1x80xi32, #tpu.memory_space<hbm>>
        %dma_start3A_207 = tpu.memref_squeeze %dma_start3A_206 : memref<1x1x80xi32, #tpu.memory_space<hbm>> -> memref<80xi32, #tpu.memory_space<hbm>>
        %dma_start3A_208 = tpu.memref_slice %arg14[%and3A_201] : memref<4x!tpu.dma_semaphore, #tpu.memory_space<semaphore_mem>> -> memref<1x!tpu.dma_semaphore, #tpu.memory_space<semaphore_mem>>
        %dma_start3A_209 = tpu.memref_squeeze %dma_start3A_208 : memref<1x!tpu.dma_semaphore, #tpu.memory_space<semaphore_mem>> -> memref<!tpu.dma_semaphore, #tpu.memory_space<semaphore_mem>>
        %dma_start3A_210 = arith.constant 0 : i32
        %dma_start3A_211 = tpu.memref_slice %arg8[%and3A_201, %dma_start3A_210] : memref<4x80xi32, #tpu.memory_space<vmem>> -> memref<1x80xi32, #tpu.memory_space<vmem>>
        %dma_start3A_212 = tpu.memref_squeeze %dma_start3A_211 : memref<1x80xi32, #tpu.memory_space<vmem>> -> memref<80xi32, #tpu.memory_space<vmem>>
        %dma_start3A_213 = arith.constant 0 : i32
        %dma_start3A_214 = tpu.memref_slice %arg4[%add3A, %add3A_199, %dma_start3A_213] : memref<32x125x80xi32, #tpu.memory_space<hbm>> -> memref<1x1x80xi32, #tpu.memory_space<hbm>>
        %dma_start3A_215 = tpu.memref_squeeze %dma_start3A_214 : memref<1x1x80xi32, #tpu.memory_space<hbm>> -> memref<80xi32, #tpu.memory_space<hbm>>
        tpu.enqueue_dma source(%dma_start3A_215 : memref<80xi32, #tpu.memory_space<hbm>>) target(%dma_start3A_212 : memref<80xi32, #tpu.memory_space<vmem>>) target_semaphore(%dma_start3A_209 : memref<!tpu.dma_semaphore, #tpu.memory_space<semaphore_mem>>)
        %dma_start3A_216 = arith.constant 0 : i32
        %dma_start3A_217 = tpu.memref_slice %arg9[%and3A_201, %dma_start3A_216] : memref<4x80xi32, #tpu.memory_space<vmem>> -> memref<1x80xi32, #tpu.memory_space<vmem>>
        %dma_start3A_218 = tpu.memref_squeeze %dma_start3A_217 : memref<1x80xi32, #tpu.memory_space<vmem>> -> memref<80xi32, #tpu.memory_space<vmem>>
        %dma_start3A_219 = arith.constant 0 : i32
        %dma_start3A_220 = tpu.memref_slice %arg5[%add3A, %add3A_199, %dma_start3A_219] : memref<32x125x80xi32, #tpu.memory_space<hbm>> -> memref<1x1x80xi32, #tpu.memory_space<hbm>>
        %dma_start3A_221 = tpu.memref_squeeze %dma_start3A_220 : memref<1x1x80xi32, #tpu.memory_space<hbm>> -> memref<80xi32, #tpu.memory_space<hbm>>
        %dma_start3A_222 = tpu.memref_slice %arg14[%and3A_201] : memref<4x!tpu.dma_semaphore, #tpu.memory_space<semaphore_mem>> -> memref<1x!tpu.dma_semaphore, #tpu.memory_space<semaphore_mem>>
        %dma_start3A_223 = tpu.memref_squeeze %dma_start3A_222 : memref<1x!tpu.dma_semaphore, #tpu.memory_space<semaphore_mem>> -> memref<!tpu.dma_semaphore, #tpu.memory_space<semaphore_mem>>
        %dma_start3A_224 = arith.constant 0 : i32
        %dma_start3A_225 = tpu.memref_slice %arg9[%and3A_201, %dma_start3A_224] : memref<4x80xi32, #tpu.memory_space<vmem>> -> memref<1x80xi32, #tpu.memory_space<vmem>>
        %dma_start3A_226 = tpu.memref_squeeze %dma_start3A_225 : memref<1x80xi32, #tpu.memory_space<vmem>> -> memref<80xi32, #tpu.memory_space<vmem>>
        %dma_start3A_227 = arith.constant 0 : i32
        %dma_start3A_228 = tpu.memref_slice %arg5[%add3A, %add3A_199, %dma_start3A_227] : memref<32x125x80xi32, #tpu.memory_space<hbm>> -> memref<1x1x80xi32, #tpu.memory_space<hbm>>
        %dma_start3A_229 = tpu.memref_squeeze %dma_start3A_228 : memref<1x1x80xi32, #tpu.memory_space<hbm>> -> memref<80xi32, #tpu.memory_space<hbm>>
        tpu.enqueue_dma source(%dma_start3A_229 : memref<80xi32, #tpu.memory_space<hbm>>) target(%dma_start3A_226 : memref<80xi32, #tpu.memory_space<vmem>>) target_semaphore(%dma_start3A_223 : memref<!tpu.dma_semaphore, #tpu.memory_space<semaphore_mem>>)
      } else {
      }
      %add3A_148 = arith.constant 1 : i32
      %add3A_149 = arith.addi %scan3A_140, %add3A_148 : i32
      %lt3A_150 = arith.constant 125 : i32
      %lt3A_151 = arith.cmpi slt, %add3A_149, %lt3A_150 : i32
      %convert_element_type3A_152 = arith.extui %lt3A_151 : i1 to i32
      %cond3A_153 = arith.constant 0 : i32
      %cond3A_154 = arith.cmpi ne, %convert_element_type3A_152, %cond3A_153 : i32
      scf.if %cond3A_154 {
        %add3A_198 = arith.constant 1 : i32
        %add3A_199 = arith.addi %scan3A_140, %add3A_198 : i32
        %and3A_200 = arith.constant 3 : i32
        %and3A_201 = arith.andi %add3A_199, %and3A_200 : i32
        %dma_wait3A_202 = arith.constant 0 : i32
        %dma_wait3A_203 = tpu.memref_slice %arg8[%and3A_201, %dma_wait3A_202] : memref<4x80xi32, #tpu.memory_space<vmem>> -> memref<1x80xi32, #tpu.memory_space<vmem>>
        %dma_wait3A_204 = tpu.memref_squeeze %dma_wait3A_203 : memref<1x80xi32, #tpu.memory_space<vmem>> -> memref<80xi32, #tpu.memory_space<vmem>>
        %dma_wait3A_205 = arith.constant 0 : i32
        %dma_wait3A_206 = tpu.memref_slice %arg4[%add3A, %add3A_199, %dma_wait3A_205] : memref<32x125x80xi32, #tpu.memory_space<hbm>> -> memref<1x1x80xi32, #tpu.memory_space<hbm>>
        %dma_wait3A_207 = tpu.memref_squeeze %dma_wait3A_206 : memref<1x1x80xi32, #tpu.memory_space<hbm>> -> memref<80xi32, #tpu.memory_space<hbm>>
        %dma_wait3A_208 = tpu.memref_slice %arg14[%and3A_201] : memref<4x!tpu.dma_semaphore, #tpu.memory_space<semaphore_mem>> -> memref<1x!tpu.dma_semaphore, #tpu.memory_space<semaphore_mem>>
        %dma_wait3A_209 = tpu.memref_squeeze %dma_wait3A_208 : memref<1x!tpu.dma_semaphore, #tpu.memory_space<semaphore_mem>> -> memref<!tpu.dma_semaphore, #tpu.memory_space<semaphore_mem>>
        %dma_wait3A_210 = arith.constant 0 : i32
        %dma_wait3A_211 = tpu.memref_slice %arg8[%and3A_201, %dma_wait3A_210] : memref<4x80xi32, #tpu.memory_space<vmem>> -> memref<1x80xi32, #tpu.memory_space<vmem>>
        %dma_wait3A_212 = tpu.memref_squeeze %dma_wait3A_211 : memref<1x80xi32, #tpu.memory_space<vmem>> -> memref<80xi32, #tpu.memory_space<vmem>>
        %dma_wait3A_213 = arith.constant 0 : i32
        %dma_wait3A_214 = tpu.memref_slice %arg4[%add3A, %add3A_199, %dma_wait3A_213] : memref<32x125x80xi32, #tpu.memory_space<hbm>> -> memref<1x1x80xi32, #tpu.memory_space<hbm>>
        %dma_wait3A_215 = tpu.memref_squeeze %dma_wait3A_214 : memref<1x1x80xi32, #tpu.memory_space<hbm>> -> memref<80xi32, #tpu.memory_space<hbm>>
        tpu.wait_dma2 semaphore(%dma_wait3A_209 : memref<!tpu.dma_semaphore, #tpu.memory_space<semaphore_mem>>) src(%dma_wait3A_215 : memref<80xi32, #tpu.memory_space<hbm>>) dst(%dma_wait3A_212 : memref<80xi32, #tpu.memory_space<vmem>>)
        %dma_wait3A_216 = arith.constant 0 : i32
        %dma_wait3A_217 = tpu.memref_slice %arg9[%and3A_201, %dma_wait3A_216] : memref<4x80xi32, #tpu.memory_space<vmem>> -> memref<1x80xi32, #tpu.memory_space<vmem>>
        %dma_wait3A_218 = tpu.memref_squeeze %dma_wait3A_217 : memref<1x80xi32, #tpu.memory_space<vmem>> -> memref<80xi32, #tpu.memory_space<vmem>>
        %dma_wait3A_219 = arith.constant 0 : i32
        %dma_wait3A_220 = tpu.memref_slice %arg5[%add3A, %add3A_199, %dma_wait3A_219] : memref<32x125x80xi32, #tpu.memory_space<hbm>> -> memref<1x1x80xi32, #tpu.memory_space<hbm>>
        %dma_wait3A_221 = tpu.memref_squeeze %dma_wait3A_220 : memref<1x1x80xi32, #tpu.memory_space<hbm>> -> memref<80xi32, #tpu.memory_space<hbm>>
        %dma_wait3A_222 = tpu.memref_slice %arg14[%and3A_201] : memref<4x!tpu.dma_semaphore, #tpu.memory_space<semaphore_mem>> -> memref<1x!tpu.dma_semaphore, #tpu.memory_space<semaphore_mem>>
        %dma_wait3A_223 = tpu.memref_squeeze %dma_wait3A_222 : memref<1x!tpu.dma_semaphore, #tpu.memory_space<semaphore_mem>> -> memref<!tpu.dma_semaphore, #tpu.memory_space<semaphore_mem>>
        %dma_wait3A_224 = arith.constant 0 : i32
        %dma_wait3A_225 = tpu.memref_slice %arg9[%and3A_201, %dma_wait3A_224] : memref<4x80xi32, #tpu.memory_space<vmem>> -> memref<1x80xi32, #tpu.memory_space<vmem>>
        %dma_wait3A_226 = tpu.memref_squeeze %dma_wait3A_225 : memref<1x80xi32, #tpu.memory_space<vmem>> -> memref<80xi32, #tpu.memory_space<vmem>>
        %dma_wait3A_227 = arith.constant 0 : i32
        %dma_wait3A_228 = tpu.memref_slice %arg5[%add3A, %add3A_199, %dma_wait3A_227] : memref<32x125x80xi32, #tpu.memory_space<hbm>> -> memref<1x1x80xi32, #tpu.memory_space<hbm>>
        %dma_wait3A_229 = tpu.memref_squeeze %dma_wait3A_228 : memref<1x1x80xi32, #tpu.memory_space<hbm>> -> memref<80xi32, #tpu.memory_space<hbm>>
        tpu.wait_dma2 semaphore(%dma_wait3A_223 : memref<!tpu.dma_semaphore, #tpu.memory_space<semaphore_mem>>) src(%dma_wait3A_229 : memref<80xi32, #tpu.memory_space<hbm>>) dst(%dma_wait3A_226 : memref<80xi32, #tpu.memory_space<vmem>>)
        %add3A_230 = arith.constant 1 : i32
        %add3A_231 = arith.addi %scan3A_140, %add3A_230 : i32
        %sub3A = arith.constant 1 : i32
        %sub3A_232 = arith.subi %sub3A, %and3A_143 : i32
        %and3A_233 = arith.constant 3 : i32
        %and3A_234 = arith.andi %add3A_231, %and3A_233 : i32
        %dma_start3A_235 = arith.constant 0 : i32
        %dma_start3A_236 = arith.constant 0 : i32
        %dma_start3A_237 = tpu.memref_slice %arg10[%sub3A_232, %dma_start3A_235, %dma_start3A_236] : memref<2x80x144xf32, #tpu.memory_space<vmem>> -> memref<1x80x144xf32, #tpu.memory_space<vmem>>
        %dma_start3A_238 = tpu.memref_squeeze %dma_start3A_237 : memref<1x80x144xf32, #tpu.memory_space<vmem>> -> memref<80x144xf32, #tpu.memory_space<vmem>>
        %dma_start3A_239 = arith.constant 0 : i32
        %dma_start3A_240 = tpu.memref_slice %arg8[%and3A_234, %dma_start3A_239] : memref<4x80xi32, #tpu.memory_space<vmem>> -> memref<1x80xi32, #tpu.memory_space<vmem>>
        %dma_start3A_241 = tpu.memref_squeeze %dma_start3A_240 : memref<1x80xi32, #tpu.memory_space<vmem>> -> memref<80xi32, #tpu.memory_space<vmem>>
        %dma_start3A_242 = arith.constant 0 : i32
        %dma_start3A_243 = arith.constant 0 : i32
        %dma_start3A_244 = tpu.memref_slice %arg2[%dma_start3A_242, %dma_start3A_243] : memref<10000x144xf32, #tpu.memory_space<hbm>> -> memref<10000x144xf32, #tpu.memory_space<hbm>>
        %dma_start3A_245 = tpu.memref_slice %arg15[%sub3A_232] : memref<2x!tpu.dma_semaphore, #tpu.memory_space<semaphore_mem>> -> memref<1x!tpu.dma_semaphore, #tpu.memory_space<semaphore_mem>>
        %dma_start3A_246 = tpu.memref_squeeze %dma_start3A_245 : memref<1x!tpu.dma_semaphore, #tpu.memory_space<semaphore_mem>> -> memref<!tpu.dma_semaphore, #tpu.memory_space<semaphore_mem>>
        tpu.enqueue_indirect_dma source(%dma_start3A_244 : memref<10000x144xf32, #tpu.memory_space<hbm>>) target(%dma_start3A_238 : memref<80x144xf32, #tpu.memory_space<vmem>>) offsets(%dma_start3A_241 : memref<80xi32, #tpu.memory_space<vmem>>) semaphore(%dma_start3A_246 : memref<!tpu.dma_semaphore, #tpu.memory_space<semaphore_mem>>)
        %dma_start3A_247 = arith.constant 0 : i32
        %dma_start3A_248 = arith.constant 0 : i32
        %dma_start3A_249 = tpu.memref_slice %arg11[%sub3A_232, %dma_start3A_247, %dma_start3A_248] : memref<2x80x16xf32, #tpu.memory_space<vmem>> -> memref<1x80x16xf32, #tpu.memory_space<vmem>>
        %dma_start3A_250 = tpu.memref_squeeze %dma_start3A_249 : memref<1x80x16xf32, #tpu.memory_space<vmem>> -> memref<80x16xf32, #tpu.memory_space<vmem>>
        %dma_start3A_251 = arith.constant 0 : i32
        %dma_start3A_252 = tpu.memref_slice %arg9[%and3A_234, %dma_start3A_251] : memref<4x80xi32, #tpu.memory_space<vmem>> -> memref<1x80xi32, #tpu.memory_space<vmem>>
        %dma_start3A_253 = tpu.memref_squeeze %dma_start3A_252 : memref<1x80xi32, #tpu.memory_space<vmem>> -> memref<80xi32, #tpu.memory_space<vmem>>
        %dma_start3A_254 = arith.constant 0 : i32
        %dma_start3A_255 = arith.constant 0 : i32
        %dma_start3A_256 = tpu.memref_slice %arg3[%dma_start3A_254, %dma_start3A_255] : memref<10000x16xf32, #tpu.memory_space<hbm>> -> memref<10000x16xf32, #tpu.memory_space<hbm>>
        %dma_start3A_257 = tpu.memref_slice %arg16[%sub3A_232] : memref<2x!tpu.dma_semaphore, #tpu.memory_space<semaphore_mem>> -> memref<1x!tpu.dma_semaphore, #tpu.memory_space<semaphore_mem>>
        %dma_start3A_258 = tpu.memref_squeeze %dma_start3A_257 : memref<1x!tpu.dma_semaphore, #tpu.memory_space<semaphore_mem>> -> memref<!tpu.dma_semaphore, #tpu.memory_space<semaphore_mem>>
        tpu.enqueue_indirect_dma source(%dma_start3A_256 : memref<10000x16xf32, #tpu.memory_space<hbm>>) target(%dma_start3A_250 : memref<80x16xf32, #tpu.memory_space<vmem>>) offsets(%dma_start3A_253 : memref<80xi32, #tpu.memory_space<vmem>>) semaphore(%dma_start3A_258 : memref<!tpu.dma_semaphore, #tpu.memory_space<semaphore_mem>>)
      } else {
      }
      %and3A_155 = arith.constant 3 : i32
      %and3A_156 = arith.andi %scan3A_140, %and3A_155 : i32
      %dma_wait3A_157 = arith.constant 0 : i32
      %dma_wait3A_158 = arith.constant 0 : i32
      %dma_wait3A_159 = tpu.memref_slice %arg10[%and3A_143, %dma_wait3A_157, %dma_wait3A_158] : memref<2x80x144xf32, #tpu.memory_space<vmem>> -> memref<1x80x144xf32, #tpu.memory_space<vmem>>
      %dma_wait3A_160 = tpu.memref_squeeze %dma_wait3A_159 : memref<1x80x144xf32, #tpu.memory_space<vmem>> -> memref<80x144xf32, #tpu.memory_space<vmem>>
      %dma_wait3A_161 = arith.constant 0 : i32
      %dma_wait3A_162 = tpu.memref_slice %arg8[%and3A_156, %dma_wait3A_161] : memref<4x80xi32, #tpu.memory_space<vmem>> -> memref<1x80xi32, #tpu.memory_space<vmem>>
      %dma_wait3A_163 = tpu.memref_squeeze %dma_wait3A_162 : memref<1x80xi32, #tpu.memory_space<vmem>> -> memref<80xi32, #tpu.memory_space<vmem>>
      %dma_wait3A_164 = arith.constant 0 : i32
      %dma_wait3A_165 = arith.constant 0 : i32
      %dma_wait3A_166 = tpu.memref_slice %arg2[%dma_wait3A_164, %dma_wait3A_165] : memref<10000x144xf32, #tpu.memory_space<hbm>> -> memref<10000x144xf32, #tpu.memory_space<hbm>>
      %dma_wait3A_167 = tpu.memref_slice %arg15[%and3A_143] : memref<2x!tpu.dma_semaphore, #tpu.memory_space<semaphore_mem>> -> memref<1x!tpu.dma_semaphore, #tpu.memory_space<semaphore_mem>>
      %dma_wait3A_168 = tpu.memref_squeeze %dma_wait3A_167 : memref<1x!tpu.dma_semaphore, #tpu.memory_space<semaphore_mem>> -> memref<!tpu.dma_semaphore, #tpu.memory_space<semaphore_mem>>
      tpu.wait_indirect_dma semaphore(%dma_wait3A_168 : memref<!tpu.dma_semaphore, #tpu.memory_space<semaphore_mem>>) src(%dma_wait3A_166 : memref<10000x144xf32, #tpu.memory_space<hbm>>) dst(%dma_wait3A_160 : memref<80x144xf32, #tpu.memory_space<vmem>>)
      %dma_wait3A_169 = arith.constant 0 : i32
      %dma_wait3A_170 = arith.constant 0 : i32
      %dma_wait3A_171 = tpu.memref_slice %arg11[%and3A_143, %dma_wait3A_169, %dma_wait3A_170] : memref<2x80x16xf32, #tpu.memory_space<vmem>> -> memref<1x80x16xf32, #tpu.memory_space<vmem>>
      %dma_wait3A_172 = tpu.memref_squeeze %dma_wait3A_171 : memref<1x80x16xf32, #tpu.memory_space<vmem>> -> memref<80x16xf32, #tpu.memory_space<vmem>>
      %dma_wait3A_173 = arith.constant 0 : i32
      %dma_wait3A_174 = tpu.memref_slice %arg9[%and3A_156, %dma_wait3A_173] : memref<4x80xi32, #tpu.memory_space<vmem>> -> memref<1x80xi32, #tpu.memory_space<vmem>>
      %dma_wait3A_175 = tpu.memref_squeeze %dma_wait3A_174 : memref<1x80xi32, #tpu.memory_space<vmem>> -> memref<80xi32, #tpu.memory_space<vmem>>
      %dma_wait3A_176 = arith.constant 0 : i32
      %dma_wait3A_177 = arith.constant 0 : i32
      %dma_wait3A_178 = tpu.memref_slice %arg3[%dma_wait3A_176, %dma_wait3A_177] : memref<10000x16xf32, #tpu.memory_space<hbm>> -> memref<10000x16xf32, #tpu.memory_space<hbm>>
      %dma_wait3A_179 = tpu.memref_slice %arg16[%and3A_143] : memref<2x!tpu.dma_semaphore, #tpu.memory_space<semaphore_mem>> -> memref<1x!tpu.dma_semaphore, #tpu.memory_space<semaphore_mem>>
      %dma_wait3A_180 = tpu.memref_squeeze %dma_wait3A_179 : memref<1x!tpu.dma_semaphore, #tpu.memory_space<semaphore_mem>> -> memref<!tpu.dma_semaphore, #tpu.memory_space<semaphore_mem>>
      tpu.wait_indirect_dma semaphore(%dma_wait3A_180 : memref<!tpu.dma_semaphore, #tpu.memory_space<semaphore_mem>>) src(%dma_wait3A_178 : memref<10000x16xf32, #tpu.memory_space<hbm>>) dst(%dma_wait3A_172 : memref<80x16xf32, #tpu.memory_space<vmem>>)
      %and3A_181 = arith.constant 3 : i32
      %and3A_182 = arith.andi %scan3A_140, %and3A_181 : i32
      %iota3A = tpu.iota {dimensions = array<i32: 0>} : vector<16xi32>
      %lt3A_183 = arith.constant 8 : i32
      %lt3A_184 = vector.broadcast %lt3A_183 : i32 to vector<16xi32>
      %lt3A_185 = arith.cmpi slt, %iota3A, %lt3A_184 : vector<16xi32>
      %jit3A = arith.constant 1.000000e+00 : f32
      %jit3A_186 = arith.constant 2.000000e-01 : f32
      %broadcast_in_dim3A = vector.broadcast %jit3A : f32 to vector<16xf32>
      %broadcast_in_dim3A_187 = vector.broadcast %jit3A_186 : f32 to vector<16xf32>
      %select_n3A = arith.select %lt3A_185, %broadcast_in_dim3A, %broadcast_in_dim3A_187 : vector<16xi1>, vector<16xf32>
      %iota3A_188 = tpu.iota {dimensions = array<i32: 0>} : vector<16xi32>
      %add3A_189 = arith.constant 8 : i32
      %add3A_190 = vector.broadcast %add3A_189 : i32 to vector<16xi32>
      %add3A_191 = arith.addi %iota3A_188, %add3A_190 : vector<16xi32>
      %and3A_192 = arith.constant 15 : i32
      %and3A_193 = vector.broadcast %and3A_192 : i32 to vector<16xi32>
      %and3A_194 = arith.andi %add3A_191, %and3A_193 : vector<16xi32>
      %parallel_loop3A = arith.constant 0 : i32
      %parallel_loop3A_195 = arith.constant 80 : i32
      %parallel_loop3A_196 = arith.constant 1 : i32
      scf.for %parallel_loop3A_198 = %parallel_loop3A to %parallel_loop3A_195 step %parallel_loop3A_196  : i32 {
        %parallel_loop3A_199 = arith.index_cast %and3A_143 : i32 to index
        %parallel_loop3A_200 = arith.index_cast %parallel_loop3A_198 : i32 to index
        %parallel_loop3A_201 = arith.constant 0 : index
        %parallel_loop3A_202 = tpu.vector_load %arg10[%parallel_loop3A_199, %parallel_loop3A_200, %parallel_loop3A_201] {strides = array<i32>} : memref<2x80x144xf32, #tpu.memory_space<vmem>>, vector<16xf32>,
        %parallel_loop3A_203 = arith.index_cast %and3A_143 : i32 to index
        %parallel_loop3A_204 = arith.index_cast %parallel_loop3A_198 : i32 to index
        %parallel_loop3A_205 = arith.constant 0 : index
        %parallel_loop3A_206 = tpu.vector_load %arg11[%parallel_loop3A_203, %parallel_loop3A_204, %parallel_loop3A_205] {strides = array<i32>} : memref<2x80x16xf32, #tpu.memory_space<vmem>>, vector<16xf32>,
        %parallel_loop3A_207 = arith.mulf %parallel_loop3A_202, %select_n3A : vector<16xf32>
        %parallel_loop3A_208 = arith.addf %parallel_loop3A_207, %parallel_loop3A_206 : vector<16xf32>
        %parallel_loop3A_209 = vector.shape_cast %and3A_194 : vector<16xi32> to vector<16x1xi32>
        %parallel_loop3A_210 = vector.shape_cast %parallel_loop3A_209 : vector<16x1xi32> to vector<16xi32>
        %parallel_loop3A_211 = tpu.dynamic_gather %parallel_loop3A_208[%parallel_loop3A_210] in [0] : vector<16xf32>, vector<16xi32> -> vector<16xf32>
        %parallel_loop3A_212 = arith.maximumf %parallel_loop3A_208, %parallel_loop3A_211 : vector<16xf32>
        %parallel_loop3A_213 = math.exp %parallel_loop3A_212 : vector<16xf32>
        %parallel_loop3A_214 = arith.constant 0 : i32
        %parallel_loop3A_215 = arith.index_cast %parallel_loop3A_214 : i32 to index
        %parallel_loop3A_216 = arith.index_cast %parallel_loop3A_198 : i32 to index
        %parallel_loop3A_217 = arith.constant 0 : index
        %parallel_loop3A_218 = tpu.vector_load %arg12[%parallel_loop3A_215, %parallel_loop3A_216, %parallel_loop3A_217] {strides = array<i32>} : memref<1x80x144xf32, #tpu.memory_space<vmem>>, vector<16xf32>,
        tpu.vector_store %arg12[%parallel_loop3A_215, %parallel_loop3A_216, %parallel_loop3A_217], %parallel_loop3A_213 {strides = array<i32>} : memref<1x80x144xf32, #tpu.memory_space<vmem>>, vector<16xf32>,
        %parallel_loop3A_219 = arith.index_cast %and3A_143 : i32 to index
        %parallel_loop3A_220 = arith.index_cast %parallel_loop3A_198 : i32 to index
        %parallel_loop3A_221 = arith.constant 16 : index
        %parallel_loop3A_222 = tpu.vector_load %arg10[%parallel_loop3A_219, %parallel_loop3A_220, %parallel_loop3A_221] {strides = array<i32>} : memref<2x80x144xf32, #tpu.memory_space<vmem>>, vector<16xf32>,
        %parallel_loop3A_223 = arith.constant 0 : i32
        %parallel_loop3A_224 = vector.broadcast %parallel_loop3A_223 : i32 to vector<16xi32>
        %parallel_loop3A_225 = vector.shape_cast %parallel_loop3A_224 : vector<16xi32> to vector<16x1xi32>
        %parallel_loop3A_226 = vector.shape_cast %parallel_loop3A_225 : vector<16x1xi32> to vector<16xi32>
        %parallel_loop3A_227 = tpu.dynamic_gather %parallel_loop3A_213[%parallel_loop3A_226] in [0] : vector<16xf32>, vector<16xi32> -> vector<16xf32>
        %parallel_loop3A_228 = arith.mulf %parallel_loop3A_222, %parallel_loop3A_227 : vector<16xf32>
        %parallel_loop3A_229 = arith.constant 0 : i32
        %parallel_loop3A_230 = arith.index_cast %parallel_loop3A_229 : i32 to index
        %parallel_loop3A_231 = arith.index_cast %parallel_loop3A_198 : i32 to index
        %parallel_loop3A_232 = arith.constant 16 : index
        %parallel_loop3A_233 = tpu.vector_load %arg12[%parallel_loop3A_230, %parallel_loop3A_231, %parallel_loop3A_232] {strides = array<i32>} : memref<1x80x144xf32, #tpu.memory_space<vmem>>, vector<16xf32>,
        tpu.vector_store %arg12[%parallel_loop3A_230, %parallel_loop3A_231, %parallel_loop3A_232], %parallel_loop3A_228 {strides = array<i32>} : memref<1x80x144xf32, #tpu.memory_space<vmem>>, vector<16xf32>,
        %parallel_loop3A_234 = arith.index_cast %and3A_143 : i32 to index
        %parallel_loop3A_235 = arith.index_cast %parallel_loop3A_198 : i32 to index
        %parallel_loop3A_236 = arith.constant 32 : index
        %parallel_loop3A_237 = tpu.vector_load %arg10[%parallel_loop3A_234, %parallel_loop3A_235, %parallel_loop3A_236] {strides = array<i32>} : memref<2x80x144xf32, #tpu.memory_space<vmem>>, vector<16xf32>,
        %parallel_loop3A_238 = arith.constant 1 : i32
        %parallel_loop3A_239 = vector.broadcast %parallel_loop3A_238 : i32 to vector<16xi32>
        %parallel_loop3A_240 = vector.shape_cast %parallel_loop3A_239 : vector<16xi32> to vector<16x1xi32>
        %parallel_loop3A_241 = vector.shape_cast %parallel_loop3A_240 : vector<16x1xi32> to vector<16xi32>
        %parallel_loop3A_242 = tpu.dynamic_gather %parallel_loop3A_213[%parallel_loop3A_241] in [0] : vector<16xf32>, vector<16xi32> -> vector<16xf32>
        %parallel_loop3A_243 = arith.mulf %parallel_loop3A_237, %parallel_loop3A_242 : vector<16xf32>
        %parallel_loop3A_244 = arith.constant 0 : i32
        %parallel_loop3A_245 = arith.index_cast %parallel_loop3A_244 : i32 to index
        %parallel_loop3A_246 = arith.index_cast %parallel_loop3A_198 : i32 to index
        %parallel_loop3A_247 = arith.constant 32 : index
        %parallel_loop3A_248 = tpu.vector_load %arg12[%parallel_loop3A_245, %parallel_loop3A_246, %parallel_loop3A_247] {strides = array<i32>} : memref<1x80x144xf32, #tpu.memory_space<vmem>>, vector<16xf32>,
        tpu.vector_store %arg12[%parallel_loop3A_245, %parallel_loop3A_246, %parallel_loop3A_247], %parallel_loop3A_243 {strides = array<i32>} : memref<1x80x144xf32, #tpu.memory_space<vmem>>, vector<16xf32>,
        %parallel_loop3A_249 = arith.index_cast %and3A_143 : i32 to index
        %parallel_loop3A_250 = arith.index_cast %parallel_loop3A_198 : i32 to index
        %parallel_loop3A_251 = arith.constant 48 : index
        %parallel_loop3A_252 = tpu.vector_load %arg10[%parallel_loop3A_249, %parallel_loop3A_250, %parallel_loop3A_251] {strides = array<i32>} : memref<2x80x144xf32, #tpu.memory_space<vmem>>, vector<16xf32>,
        %parallel_loop3A_253 = arith.constant 2 : i32
        %parallel_loop3A_254 = vector.broadcast %parallel_loop3A_253 : i32 to vector<16xi32>
        %parallel_loop3A_255 = vector.shape_cast %parallel_loop3A_254 : vector<16xi32> to vector<16x1xi32>
        %parallel_loop3A_256 = vector.shape_cast %parallel_loop3A_255 : vector<16x1xi32> to vector<16xi32>
        %parallel_loop3A_257 = tpu.dynamic_gather %parallel_loop3A_213[%parallel_loop3A_256] in [0] : vector<16xf32>, vector<16xi32> -> vector<16xf32>
        %parallel_loop3A_258 = arith.mulf %parallel_loop3A_252, %parallel_loop3A_257 : vector<16xf32>
        %parallel_loop3A_259 = arith.constant 0 : i32
        %parallel_loop3A_260 = arith.index_cast %parallel_loop3A_259 : i32 to index
        %parallel_loop3A_261 = arith.index_cast %parallel_loop3A_198 : i32 to index
        %parallel_loop3A_262 = arith.constant 48 : index
        %parallel_loop3A_263 = tpu.vector_load %arg12[%parallel_loop3A_260, %parallel_loop3A_261, %parallel_loop3A_262] {strides = array<i32>} : memref<1x80x144xf32, #tpu.memory_space<vmem>>, vector<16xf32>,
        tpu.vector_store %arg12[%parallel_loop3A_260, %parallel_loop3A_261, %parallel_loop3A_262], %parallel_loop3A_258 {strides = array<i32>} : memref<1x80x144xf32, #tpu.memory_space<vmem>>, vector<16xf32>,
        %parallel_loop3A_264 = arith.index_cast %and3A_143 : i32 to index
        %parallel_loop3A_265 = arith.index_cast %parallel_loop3A_198 : i32 to index
        %parallel_loop3A_266 = arith.constant 64 : index
        %parallel_loop3A_267 = tpu.vector_load %arg10[%parallel_loop3A_264, %parallel_loop3A_265, %parallel_loop3A_266] {strides = array<i32>} : memref<2x80x144xf32, #tpu.memory_space<vmem>>, vector<16xf32>,
        %parallel_loop3A_268 = arith.constant 3 : i32
        %parallel_loop3A_269 = vector.broadcast %parallel_loop3A_268 : i32 to vector<16xi32>
        %parallel_loop3A_270 = vector.shape_cast %parallel_loop3A_269 : vector<16xi32> to vector<16x1xi32>
        %parallel_loop3A_271 = vector.shape_cast %parallel_loop3A_270 : vector<16x1xi32> to vector<16xi32>
        %parallel_loop3A_272 = tpu.dynamic_gather %parallel_loop3A_213[%parallel_loop3A_271] in [0] : vector<16xf32>, vector<16xi32> -> vector<16xf32>
        %parallel_loop3A_273 = arith.mulf %parallel_loop3A_267, %parallel_loop3A_272 : vector<16xf32>
        %parallel_loop3A_274 = arith.constant 0 : i32
        %parallel_loop3A_275 = arith.index_cast %parallel_loop3A_274 : i32 to index
        %parallel_loop3A_276 = arith.index_cast %parallel_loop3A_198 : i32 to index
        %parallel_loop3A_277 = arith.constant 64 : index
        %parallel_loop3A_278 = tpu.vector_load %arg12[%parallel_loop3A_275, %parallel_loop3A_276, %parallel_loop3A_277] {strides = array<i32>} : memref<1x80x144xf32, #tpu.memory_space<vmem>>, vector<16xf32>,
        tpu.vector_store %arg12[%parallel_loop3A_275, %parallel_loop3A_276, %parallel_loop3A_277], %parallel_loop3A_273 {strides = array<i32>} : memref<1x80x144xf32, #tpu.memory_space<vmem>>, vector<16xf32>,
        %parallel_loop3A_279 = arith.index_cast %and3A_143 : i32 to index
        %parallel_loop3A_280 = arith.index_cast %parallel_loop3A_198 : i32 to index
        %parallel_loop3A_281 = arith.constant 80 : index
        %parallel_loop3A_282 = tpu.vector_load %arg10[%parallel_loop3A_279, %parallel_loop3A_280, %parallel_loop3A_281] {strides = array<i32>} : memref<2x80x144xf32, #tpu.memory_space<vmem>>, vector<16xf32>,
        %parallel_loop3A_283 = arith.constant 4 : i32
        %parallel_loop3A_284 = vector.broadcast %parallel_loop3A_283 : i32 to vector<16xi32>
        %parallel_loop3A_285 = vector.shape_cast %parallel_loop3A_284 : vector<16xi32> to vector<16x1xi32>
        %parallel_loop3A_286 = vector.shape_cast %parallel_loop3A_285 : vector<16x1xi32> to vector<16xi32>
        %parallel_loop3A_287 = tpu.dynamic_gather %parallel_loop3A_213[%parallel_loop3A_286] in [0] : vector<16xf32>, vector<16xi32> -> vector<16xf32>
        %parallel_loop3A_288 = arith.mulf %parallel_loop3A_282, %parallel_loop3A_287 : vector<16xf32>
        %parallel_loop3A_289 = arith.constant 0 : i32
        %parallel_loop3A_290 = arith.index_cast %parallel_loop3A_289 : i32 to index
        %parallel_loop3A_291 = arith.index_cast %parallel_loop3A_198 : i32 to index
        %parallel_loop3A_292 = arith.constant 80 : index
        %parallel_loop3A_293 = tpu.vector_load %arg12[%parallel_loop3A_290, %parallel_loop3A_291, %parallel_loop3A_292] {strides = array<i32>} : memref<1x80x144xf32, #tpu.memory_space<vmem>>, vector<16xf32>,
        tpu.vector_store %arg12[%parallel_loop3A_290, %parallel_loop3A_291, %parallel_loop3A_292], %parallel_loop3A_288 {strides = array<i32>} : memref<1x80x144xf32, #tpu.memory_space<vmem>>, vector<16xf32>,
        %parallel_loop3A_294 = arith.index_cast %and3A_143 : i32 to index
        %parallel_loop3A_295 = arith.index_cast %parallel_loop3A_198 : i32 to index
        %parallel_loop3A_296 = arith.constant 96 : index
        %parallel_loop3A_297 = tpu.vector_load %arg10[%parallel_loop3A_294, %parallel_loop3A_295, %parallel_loop3A_296] {strides = array<i32>} : memref<2x80x144xf32, #tpu.memory_space<vmem>>, vector<16xf32>,
        %parallel_loop3A_298 = arith.constant 5 : i32
        %parallel_loop3A_299 = vector.broadcast %parallel_loop3A_298 : i32 to vector<16xi32>
        %parallel_loop3A_300 = vector.shape_cast %parallel_loop3A_299 : vector<16xi32> to vector<16x1xi32>
        %parallel_loop3A_301 = vector.shape_cast %parallel_loop3A_300 : vector<16x1xi32> to vector<16xi32>
        %parallel_loop3A_302 = tpu.dynamic_gather %parallel_loop3A_213[%parallel_loop3A_301] in [0] : vector<16xf32>, vector<16xi32> -> vector<16xf32>
        %parallel_loop3A_303 = arith.mulf %parallel_loop3A_297, %parallel_loop3A_302 : vector<16xf32>
        %parallel_loop3A_304 = arith.constant 0 : i32
        %parallel_loop3A_305 = arith.index_cast %parallel_loop3A_304 : i32 to index
        %parallel_loop3A_306 = arith.index_cast %parallel_loop3A_198 : i32 to index
        %parallel_loop3A_307 = arith.constant 96 : index
        %parallel_loop3A_308 = tpu.vector_load %arg12[%parallel_loop3A_305, %parallel_loop3A_306, %parallel_loop3A_307] {strides = array<i32>} : memref<1x80x144xf32, #tpu.memory_space<vmem>>, vector<16xf32>,
        tpu.vector_store %arg12[%parallel_loop3A_305, %parallel_loop3A_306, %parallel_loop3A_307], %parallel_loop3A_303 {strides = array<i32>} : memref<1x80x144xf32, #tpu.memory_space<vmem>>, vector<16xf32>,
        %parallel_loop3A_309 = arith.index_cast %and3A_143 : i32 to index
        %parallel_loop3A_310 = arith.index_cast %parallel_loop3A_198 : i32 to index
        %parallel_loop3A_311 = arith.constant 112 : index
        %parallel_loop3A_312 = tpu.vector_load %arg10[%parallel_loop3A_309, %parallel_loop3A_310, %parallel_loop3A_311] {strides = array<i32>} : memref<2x80x144xf32, #tpu.memory_space<vmem>>, vector<16xf32>,
        %parallel_loop3A_313 = arith.constant 6 : i32
        %parallel_loop3A_314 = vector.broadcast %parallel_loop3A_313 : i32 to vector<16xi32>
        %parallel_loop3A_315 = vector.shape_cast %parallel_loop3A_314 : vector<16xi32> to vector<16x1xi32>
        %parallel_loop3A_316 = vector.shape_cast %parallel_loop3A_315 : vector<16x1xi32> to vector<16xi32>
        %parallel_loop3A_317 = tpu.dynamic_gather %parallel_loop3A_213[%parallel_loop3A_316] in [0] : vector<16xf32>, vector<16xi32> -> vector<16xf32>
        %parallel_loop3A_318 = arith.mulf %parallel_loop3A_312, %parallel_loop3A_317 : vector<16xf32>
        %parallel_loop3A_319 = arith.constant 0 : i32
        %parallel_loop3A_320 = arith.index_cast %parallel_loop3A_319 : i32 to index
        %parallel_loop3A_321 = arith.index_cast %parallel_loop3A_198 : i32 to index
        %parallel_loop3A_322 = arith.constant 112 : index
        %parallel_loop3A_323 = tpu.vector_load %arg12[%parallel_loop3A_320, %parallel_loop3A_321, %parallel_loop3A_322] {strides = array<i32>} : memref<1x80x144xf32, #tpu.memory_space<vmem>>, vector<16xf32>,
        tpu.vector_store %arg12[%parallel_loop3A_320, %parallel_loop3A_321, %parallel_loop3A_322], %parallel_loop3A_318 {strides = array<i32>} : memref<1x80x144xf32, #tpu.memory_space<vmem>>, vector<16xf32>,
        %parallel_loop3A_324 = arith.index_cast %and3A_143 : i32 to index
        %parallel_loop3A_325 = arith.index_cast %parallel_loop3A_198 : i32 to index
        %parallel_loop3A_326 = arith.constant 128 : index
        %parallel_loop3A_327 = tpu.vector_load %arg10[%parallel_loop3A_324, %parallel_loop3A_325, %parallel_loop3A_326] {strides = array<i32>} : memref<2x80x144xf32, #tpu.memory_space<vmem>>, vector<16xf32>,
        %parallel_loop3A_328 = arith.constant 7 : i32
        %parallel_loop3A_329 = vector.broadcast %parallel_loop3A_328 : i32 to vector<16xi32>
        %parallel_loop3A_330 = vector.shape_cast %parallel_loop3A_329 : vector<16xi32> to vector<16x1xi32>
        %parallel_loop3A_331 = vector.shape_cast %parallel_loop3A_330 : vector<16x1xi32> to vector<16xi32>
        %parallel_loop3A_332 = tpu.dynamic_gather %parallel_loop3A_213[%parallel_loop3A_331] in [0] : vector<16xf32>, vector<16xi32> -> vector<16xf32>
        %parallel_loop3A_333 = arith.mulf %parallel_loop3A_327, %parallel_loop3A_332 : vector<16xf32>
        %parallel_loop3A_334 = arith.constant 0 : i32
        %parallel_loop3A_335 = arith.index_cast %parallel_loop3A_334 : i32 to index
        %parallel_loop3A_336 = arith.index_cast %parallel_loop3A_198 : i32 to index
        %parallel_loop3A_337 = arith.constant 128 : index
        %parallel_loop3A_338 = tpu.vector_load %arg12[%parallel_loop3A_335, %parallel_loop3A_336, %parallel_loop3A_337] {strides = array<i32>} : memref<1x80x144xf32, #tpu.memory_space<vmem>>, vector<16xf32>,
        tpu.vector_store %arg12[%parallel_loop3A_335, %parallel_loop3A_336, %parallel_loop3A_337], %parallel_loop3A_333 {strides = array<i32>} : memref<1x80x144xf32, #tpu.memory_space<vmem>>, vector<16xf32>,
      } {sc.loop_unroll_factor = 4 : i64, sc.parallel_access}
      %run_scoped3A = arith.constant 0 : i32
      "tpu.region"() ({
        %run_scoped3A_198 = tpu.sem_alloc : memref<!tpu.dma_semaphore, #tpu.memory_space<semaphore_mem>>
        %dma_start3A_199 = arith.constant 0 : i32
        %dma_start3A_200 = arith.constant 0 : i32
        %dma_start3A_201 = tpu.memref_slice %arg12[%run_scoped3A, %dma_start3A_199, %dma_start3A_200] : memref<1x80x144xf32, #tpu.memory_space<vmem>> -> memref<1x80x144xf32, #tpu.memory_space<vmem>>
        %dma_start3A_202 = tpu.memref_squeeze %dma_start3A_201 : memref<1x80x144xf32, #tpu.memory_space<vmem>> -> memref<80x144xf32, #tpu.memory_space<vmem>>
        %dma_start3A_203 = arith.constant 0 : i32
        %dma_start3A_204 = tpu.memref_slice %arg9[%and3A_182, %dma_start3A_203] : memref<4x80xi32, #tpu.memory_space<vmem>> -> memref<1x80xi32, #tpu.memory_space<vmem>>
        %dma_start3A_205 = tpu.memref_squeeze %dma_start3A_204 : memref<1x80xi32, #tpu.memory_space<vmem>> -> memref<80xi32, #tpu.memory_space<vmem>>
        %dma_start3A_206 = arith.constant 0 : i32
        %dma_start3A_207 = arith.constant 0 : i32
        %dma_start3A_208 = tpu.memref_slice %arg13[%dma_start3A_206, %dma_start3A_207] : memref<10000x144xf32, #tpu.memory_space<vmem_shared>> -> memref<10000x144xf32, #tpu.memory_space<vmem_shared>>
        tpu.enqueue_indirect_dma source(%dma_start3A_202 : memref<80x144xf32, #tpu.memory_space<vmem>>) target(%dma_start3A_208 : memref<10000x144xf32, #tpu.memory_space<vmem_shared>>) offsets(%dma_start3A_205 : memref<80xi32, #tpu.memory_space<vmem>>) semaphore(%run_scoped3A_198 : memref<!tpu.dma_semaphore, #tpu.memory_space<semaphore_mem>>) {add = true}
        %dma_wait3A_209 = arith.constant 0 : i32
        %dma_wait3A_210 = arith.constant 0 : i32
        %dma_wait3A_211 = tpu.memref_slice %arg12[%run_scoped3A, %dma_wait3A_209, %dma_wait3A_210] : memref<1x80x144xf32, #tpu.memory_space<vmem>> -> memref<1x80x144xf32, #tpu.memory_space<vmem>>
        %dma_wait3A_212 = tpu.memref_squeeze %dma_wait3A_211 : memref<1x80x144xf32, #tpu.memory_space<vmem>> -> memref<80x144xf32, #tpu.memory_space<vmem>>
        %dma_wait3A_213 = arith.constant 0 : i32
        %dma_wait3A_214 = tpu.memref_slice %arg9[%and3A_182, %dma_wait3A_213] : memref<4x80xi32, #tpu.memory_space<vmem>> -> memref<1x80xi32, #tpu.memory_space<vmem>>
        %dma_wait3A_215 = tpu.memref_squeeze %dma_wait3A_214 : memref<1x80xi32, #tpu.memory_space<vmem>> -> memref<80xi32, #tpu.memory_space<vmem>>
        %dma_wait3A_216 = arith.constant 0 : i32
        %dma_wait3A_217 = arith.constant 0 : i32
        %dma_wait3A_218 = tpu.memref_slice %arg13[%dma_wait3A_216, %dma_wait3A_217] : memref<10000x144xf32, #tpu.memory_space<vmem_shared>> -> memref<10000x144xf32, #tpu.memory_space<vmem_shared>>
        tpu.wait_indirect_dma semaphore(%run_scoped3A_198 : memref<!tpu.dma_semaphore, #tpu.memory_space<semaphore_mem>>) src(%dma_wait3A_212 : memref<80x144xf32, #tpu.memory_space<vmem>>) dst(%dma_wait3A_218 : memref<10000x144xf32, #tpu.memory_space<vmem_shared>>)
        tpu.yield
      }) : () -> ()
      %scan3A_197 = arith.constant 0 : i32
      scf.yield %scan3A_197 : i32
    }
    %scan3A_135 = arith.constant 125 : i32
    %barrier3A_136 = arith.constant 0 : index
    tpu.barrier barrier_id(%barrier3A_136)
    %mul3A_137 = arith.constant 10000 : i32
    %mul3A_138 = arith.muli %arg0, %mul3A_137 : i32
    %add3A_139 = arith.addi %mul3A_138, %mul3A_2 : i32
    "tpu.region"() ({
      %run_scoped3A = tpu.sem_alloc : memref<!tpu.dma_semaphore, #tpu.memory_space<semaphore_mem>>
      %dma_start3A_140 = arith.constant 0 : i32
      %dma_start3A_141 = tpu.memref_slice %arg7[%add3A_139, %dma_start3A_140] : memref<20000x144xf32, #tpu.memory_space<hbm>> -> memref<625x144xf32, #tpu.memory_space<hbm>>
      %dma_start3A_142 = arith.constant 0 : i32
      %dma_start3A_143 = tpu.memref_slice %arg13[%mul3A_2, %dma_start3A_142] : memref<10000x144xf32, #tpu.memory_space<vmem_shared>> -> memref<625x144xf32, #tpu.memory_space<vmem_shared>>
      tpu.enqueue_dma source(%dma_start3A_143 : memref<625x144xf32, #tpu.memory_space<vmem_shared>>) target(%dma_start3A_141 : memref<625x144xf32, #tpu.memory_space<hbm>>) target_semaphore(%run_scoped3A : memref<!tpu.dma_semaphore, #tpu.memory_space<semaphore_mem>>)
      %dma_wait3A_144 = arith.constant 0 : i32
      %dma_wait3A_145 = tpu.memref_slice %arg7[%add3A_139, %dma_wait3A_144] : memref<20000x144xf32, #tpu.memory_space<hbm>> -> memref<625x144xf32, #tpu.memory_space<hbm>>
      %dma_wait3A_146 = arith.constant 0 : i32
      %dma_wait3A_147 = tpu.memref_slice %arg13[%mul3A_2, %dma_wait3A_146] : memref<10000x144xf32, #tpu.memory_space<vmem_shared>> -> memref<625x144xf32, #tpu.memory_space<vmem_shared>>
      tpu.wait_dma2 semaphore(%run_scoped3A : memref<!tpu.dma_semaphore, #tpu.memory_space<semaphore_mem>>) src(%dma_wait3A_147 : memref<625x144xf32, #tpu.memory_space<vmem_shared>>) dst(%dma_wait3A_145 : memref<625x144xf32, #tpu.memory_space<hbm>>)
      tpu.yield
    }) : () -> ()
    return
  }
}

#map = affine_map<(d0, d1) -> (0, 0)>
#map1 = affine_map<(d0, d1) -> (0, 0, 0)>
module attributes {stable_mosaic.version = 14 : i64} {
  func.func @k(%arg0: i32, %arg1: i32, %arg2: memref<10000x48xf32, #tpu.memory_space<hbm>>, %arg3: memref<10000x8xf32, #tpu.memory_space<hbm>>, %arg4: memref<32x125x80xi32, #tpu.memory_space<hbm>>, %arg5: memref<32x125x80xi32, #tpu.memory_space<hbm>>, %arg6: memref<625x48xf32, #tpu.memory_space<hbm>>, %arg7: memref<20000x48xf32, #tpu.memory_space<hbm>>, %arg8: memref<4x80xi32, #tpu.memory_space<vmem>>, %arg9: memref<4x80xi32, #tpu.memory_space<vmem>>, %arg10: memref<2x80x48xf32, #tpu.memory_space<vmem>>, %arg11: memref<2x80x8xf32, #tpu.memory_space<vmem>>, %arg12: memref<2x80x48xf32, #tpu.memory_space<vmem>>, %arg13: memref<10000x48xf32, #tpu.memory_space<vmem_shared>>, %arg14: memref<4x!tpu.dma_semaphore, #tpu.memory_space<semaphore_mem>>, %arg15: memref<2x!tpu.dma_semaphore, #tpu.memory_space<semaphore_mem>>, %arg16: memref<2x!tpu.dma_semaphore, #tpu.memory_space<semaphore_mem>>, %arg17: memref<2x!tpu.dma_semaphore, #tpu.memory_space<semaphore_mem>>) attributes {dimension_semantics = [#tpu.dimension_semantics<core_parallel>, #tpu.dimension_semantics<subcore_parallel>], iteration_bounds = array<i64: 2, 16>, scalar_prefetch = 0 : i64, scratch_operands = 10 : i64, tpu.core_type = #tpu.core_type<sc_vector_subcore>, window_params = [{transform_indices = #map}, {transform_indices = #map}, {transform_indices = #map1}, {transform_indices = #map1}, {transform_indices = #map}, {transform_indices = #map}]} {
    %mul3A = arith.constant 2 : i32
    %mul3A_0 = arith.muli %arg1, %mul3A : i32
    %add3A = arith.addi %mul3A_0, %arg0 : i32
    %mul3A_1 = arith.constant 625 : i32
    %mul3A_2 = arith.muli %arg1, %mul3A_1 : i32
    "tpu.region"() ({
      %run_scoped3A = tpu.sem_alloc : memref<!tpu.dma_semaphore, #tpu.memory_space<semaphore_mem>>
      %dma_start3A_176 = arith.constant 0 : i32
      %dma_start3A_177 = tpu.memref_slice %arg13[%mul3A_2, %dma_start3A_176] : memref<10000x48xf32, #tpu.memory_space<vmem_shared>> -> memref<625x48xf32, #tpu.memory_space<vmem_shared>>
      tpu.enqueue_dma source(%arg6 : memref<625x48xf32, #tpu.memory_space<hbm>>) target(%dma_start3A_177 : memref<625x48xf32, #tpu.memory_space<vmem_shared>>) target_semaphore(%run_scoped3A : memref<!tpu.dma_semaphore, #tpu.memory_space<semaphore_mem>>)
      %dma_wait3A_178 = arith.constant 0 : i32
      %dma_wait3A_179 = tpu.memref_slice %arg13[%mul3A_2, %dma_wait3A_178] : memref<10000x48xf32, #tpu.memory_space<vmem_shared>> -> memref<625x48xf32, #tpu.memory_space<vmem_shared>>
      tpu.wait_dma2 semaphore(%run_scoped3A : memref<!tpu.dma_semaphore, #tpu.memory_space<semaphore_mem>>) src(%arg6 : memref<625x48xf32, #tpu.memory_space<hbm>>) dst(%dma_wait3A_179 : memref<625x48xf32, #tpu.memory_space<vmem_shared>>)
      tpu.yield
    }) : () -> ()
    %barrier3A = arith.constant 0 : index
    tpu.barrier barrier_id(%barrier3A)
    %and3A = arith.constant 0 : i32
    %and3A_3 = arith.constant 3 : i32
    %and3A_4 = arith.andi %and3A, %and3A_3 : i32
    %dma_start3A = arith.constant 0 : i32
    %dma_start3A_5 = arith.constant 0 : i32
    %dma_start3A_6 = tpu.memref_slice %arg8[%and3A_4, %dma_start3A_5] : memref<4x80xi32, #tpu.memory_space<vmem>> -> memref<1x80xi32, #tpu.memory_space<vmem>>
    %dma_start3A_7 = tpu.memref_squeeze %dma_start3A_6 : memref<1x80xi32, #tpu.memory_space<vmem>> -> memref<80xi32, #tpu.memory_space<vmem>>
    %dma_start3A_8 = arith.constant 0 : i32
    %dma_start3A_9 = tpu.memref_slice %arg4[%add3A, %dma_start3A, %dma_start3A_8] : memref<32x125x80xi32, #tpu.memory_space<hbm>> -> memref<1x1x80xi32, #tpu.memory_space<hbm>>
    %dma_start3A_10 = tpu.memref_squeeze %dma_start3A_9 : memref<1x1x80xi32, #tpu.memory_space<hbm>> -> memref<80xi32, #tpu.memory_space<hbm>>
    %dma_start3A_11 = tpu.memref_slice %arg14[%and3A_4] : memref<4x!tpu.dma_semaphore, #tpu.memory_space<semaphore_mem>> -> memref<1x!tpu.dma_semaphore, #tpu.memory_space<semaphore_mem>>
    %dma_start3A_12 = tpu.memref_squeeze %dma_start3A_11 : memref<1x!tpu.dma_semaphore, #tpu.memory_space<semaphore_mem>> -> memref<!tpu.dma_semaphore, #tpu.memory_space<semaphore_mem>>
    %dma_start3A_13 = arith.constant 0 : i32
    %dma_start3A_14 = tpu.memref_slice %arg8[%and3A_4, %dma_start3A_13] : memref<4x80xi32, #tpu.memory_space<vmem>> -> memref<1x80xi32, #tpu.memory_space<vmem>>
    %dma_start3A_15 = tpu.memref_squeeze %dma_start3A_14 : memref<1x80xi32, #tpu.memory_space<vmem>> -> memref<80xi32, #tpu.memory_space<vmem>>
    %dma_start3A_16 = arith.constant 0 : i32
    %dma_start3A_17 = tpu.memref_slice %arg4[%add3A, %dma_start3A, %dma_start3A_16] : memref<32x125x80xi32, #tpu.memory_space<hbm>> -> memref<1x1x80xi32, #tpu.memory_space<hbm>>
    %dma_start3A_18 = tpu.memref_squeeze %dma_start3A_17 : memref<1x1x80xi32, #tpu.memory_space<hbm>> -> memref<80xi32, #tpu.memory_space<hbm>>
    tpu.enqueue_dma source(%dma_start3A_18 : memref<80xi32, #tpu.memory_space<hbm>>) target(%dma_start3A_15 : memref<80xi32, #tpu.memory_space<vmem>>) target_semaphore(%dma_start3A_12 : memref<!tpu.dma_semaphore, #tpu.memory_space<semaphore_mem>>)
    %dma_start3A_19 = arith.constant 0 : i32
    %dma_start3A_20 = arith.constant 0 : i32
    %dma_start3A_21 = tpu.memref_slice %arg9[%and3A_4, %dma_start3A_20] : memref<4x80xi32, #tpu.memory_space<vmem>> -> memref<1x80xi32, #tpu.memory_space<vmem>>
    %dma_start3A_22 = tpu.memref_squeeze %dma_start3A_21 : memref<1x80xi32, #tpu.memory_space<vmem>> -> memref<80xi32, #tpu.memory_space<vmem>>
    %dma_start3A_23 = arith.constant 0 : i32
    %dma_start3A_24 = tpu.memref_slice %arg5[%add3A, %dma_start3A_19, %dma_start3A_23] : memref<32x125x80xi32, #tpu.memory_space<hbm>> -> memref<1x1x80xi32, #tpu.memory_space<hbm>>
    %dma_start3A_25 = tpu.memref_squeeze %dma_start3A_24 : memref<1x1x80xi32, #tpu.memory_space<hbm>> -> memref<80xi32, #tpu.memory_space<hbm>>
    %dma_start3A_26 = tpu.memref_slice %arg14[%and3A_4] : memref<4x!tpu.dma_semaphore, #tpu.memory_space<semaphore_mem>> -> memref<1x!tpu.dma_semaphore, #tpu.memory_space<semaphore_mem>>
    %dma_start3A_27 = tpu.memref_squeeze %dma_start3A_26 : memref<1x!tpu.dma_semaphore, #tpu.memory_space<semaphore_mem>> -> memref<!tpu.dma_semaphore, #tpu.memory_space<semaphore_mem>>
    %dma_start3A_28 = arith.constant 0 : i32
    %dma_start3A_29 = tpu.memref_slice %arg9[%and3A_4, %dma_start3A_28] : memref<4x80xi32, #tpu.memory_space<vmem>> -> memref<1x80xi32, #tpu.memory_space<vmem>>
    %dma_start3A_30 = tpu.memref_squeeze %dma_start3A_29 : memref<1x80xi32, #tpu.memory_space<vmem>> -> memref<80xi32, #tpu.memory_space<vmem>>
    %dma_start3A_31 = arith.constant 0 : i32
    %dma_start3A_32 = tpu.memref_slice %arg5[%add3A, %dma_start3A_19, %dma_start3A_31] : memref<32x125x80xi32, #tpu.memory_space<hbm>> -> memref<1x1x80xi32, #tpu.memory_space<hbm>>
    %dma_start3A_33 = tpu.memref_squeeze %dma_start3A_32 : memref<1x1x80xi32, #tpu.memory_space<hbm>> -> memref<80xi32, #tpu.memory_space<hbm>>
    tpu.enqueue_dma source(%dma_start3A_33 : memref<80xi32, #tpu.memory_space<hbm>>) target(%dma_start3A_30 : memref<80xi32, #tpu.memory_space<vmem>>) target_semaphore(%dma_start3A_27 : memref<!tpu.dma_semaphore, #tpu.memory_space<semaphore_mem>>)
    %and3A_34 = arith.constant 1 : i32
    %and3A_35 = arith.constant 3 : i32
    %and3A_36 = arith.andi %and3A_34, %and3A_35 : i32
    %dma_start3A_37 = arith.constant 1 : i32
    %dma_start3A_38 = arith.constant 0 : i32
    %dma_start3A_39 = tpu.memref_slice %arg8[%and3A_36, %dma_start3A_38] : memref<4x80xi32, #tpu.memory_space<vmem>> -> memref<1x80xi32, #tpu.memory_space<vmem>>
    %dma_start3A_40 = tpu.memref_squeeze %dma_start3A_39 : memref<1x80xi32, #tpu.memory_space<vmem>> -> memref<80xi32, #tpu.memory_space<vmem>>
    %dma_start3A_41 = arith.constant 0 : i32
    %dma_start3A_42 = tpu.memref_slice %arg4[%add3A, %dma_start3A_37, %dma_start3A_41] : memref<32x125x80xi32, #tpu.memory_space<hbm>> -> memref<1x1x80xi32, #tpu.memory_space<hbm>>
    %dma_start3A_43 = tpu.memref_squeeze %dma_start3A_42 : memref<1x1x80xi32, #tpu.memory_space<hbm>> -> memref<80xi32, #tpu.memory_space<hbm>>
    %dma_start3A_44 = tpu.memref_slice %arg14[%and3A_36] : memref<4x!tpu.dma_semaphore, #tpu.memory_space<semaphore_mem>> -> memref<1x!tpu.dma_semaphore, #tpu.memory_space<semaphore_mem>>
    %dma_start3A_45 = tpu.memref_squeeze %dma_start3A_44 : memref<1x!tpu.dma_semaphore, #tpu.memory_space<semaphore_mem>> -> memref<!tpu.dma_semaphore, #tpu.memory_space<semaphore_mem>>
    %dma_start3A_46 = arith.constant 0 : i32
    %dma_start3A_47 = tpu.memref_slice %arg8[%and3A_36, %dma_start3A_46] : memref<4x80xi32, #tpu.memory_space<vmem>> -> memref<1x80xi32, #tpu.memory_space<vmem>>
    %dma_start3A_48 = tpu.memref_squeeze %dma_start3A_47 : memref<1x80xi32, #tpu.memory_space<vmem>> -> memref<80xi32, #tpu.memory_space<vmem>>
    %dma_start3A_49 = arith.constant 0 : i32
    %dma_start3A_50 = tpu.memref_slice %arg4[%add3A, %dma_start3A_37, %dma_start3A_49] : memref<32x125x80xi32, #tpu.memory_space<hbm>> -> memref<1x1x80xi32, #tpu.memory_space<hbm>>
    %dma_start3A_51 = tpu.memref_squeeze %dma_start3A_50 : memref<1x1x80xi32, #tpu.memory_space<hbm>> -> memref<80xi32, #tpu.memory_space<hbm>>
    tpu.enqueue_dma source(%dma_start3A_51 : memref<80xi32, #tpu.memory_space<hbm>>) target(%dma_start3A_48 : memref<80xi32, #tpu.memory_space<vmem>>) target_semaphore(%dma_start3A_45 : memref<!tpu.dma_semaphore, #tpu.memory_space<semaphore_mem>>)
    %dma_start3A_52 = arith.constant 1 : i32
    %dma_start3A_53 = arith.constant 0 : i32
    %dma_start3A_54 = tpu.memref_slice %arg9[%and3A_36, %dma_start3A_53] : memref<4x80xi32, #tpu.memory_space<vmem>> -> memref<1x80xi32, #tpu.memory_space<vmem>>
    %dma_start3A_55 = tpu.memref_squeeze %dma_start3A_54 : memref<1x80xi32, #tpu.memory_space<vmem>> -> memref<80xi32, #tpu.memory_space<vmem>>
    %dma_start3A_56 = arith.constant 0 : i32
    %dma_start3A_57 = tpu.memref_slice %arg5[%add3A, %dma_start3A_52, %dma_start3A_56] : memref<32x125x80xi32, #tpu.memory_space<hbm>> -> memref<1x1x80xi32, #tpu.memory_space<hbm>>
    %dma_start3A_58 = tpu.memref_squeeze %dma_start3A_57 : memref<1x1x80xi32, #tpu.memory_space<hbm>> -> memref<80xi32, #tpu.memory_space<hbm>>
    %dma_start3A_59 = tpu.memref_slice %arg14[%and3A_36] : memref<4x!tpu.dma_semaphore, #tpu.memory_space<semaphore_mem>> -> memref<1x!tpu.dma_semaphore, #tpu.memory_space<semaphore_mem>>
    %dma_start3A_60 = tpu.memref_squeeze %dma_start3A_59 : memref<1x!tpu.dma_semaphore, #tpu.memory_space<semaphore_mem>> -> memref<!tpu.dma_semaphore, #tpu.memory_space<semaphore_mem>>
    %dma_start3A_61 = arith.constant 0 : i32
    %dma_start3A_62 = tpu.memref_slice %arg9[%and3A_36, %dma_start3A_61] : memref<4x80xi32, #tpu.memory_space<vmem>> -> memref<1x80xi32, #tpu.memory_space<vmem>>
    %dma_start3A_63 = tpu.memref_squeeze %dma_start3A_62 : memref<1x80xi32, #tpu.memory_space<vmem>> -> memref<80xi32, #tpu.memory_space<vmem>>
    %dma_start3A_64 = arith.constant 0 : i32
    %dma_start3A_65 = tpu.memref_slice %arg5[%add3A, %dma_start3A_52, %dma_start3A_64] : memref<32x125x80xi32, #tpu.memory_space<hbm>> -> memref<1x1x80xi32, #tpu.memory_space<hbm>>
    %dma_start3A_66 = tpu.memref_squeeze %dma_start3A_65 : memref<1x1x80xi32, #tpu.memory_space<hbm>> -> memref<80xi32, #tpu.memory_space<hbm>>
    tpu.enqueue_dma source(%dma_start3A_66 : memref<80xi32, #tpu.memory_space<hbm>>) target(%dma_start3A_63 : memref<80xi32, #tpu.memory_space<vmem>>) target_semaphore(%dma_start3A_60 : memref<!tpu.dma_semaphore, #tpu.memory_space<semaphore_mem>>)
    %and3A_67 = arith.constant 0 : i32
    %and3A_68 = arith.constant 3 : i32
    %and3A_69 = arith.andi %and3A_67, %and3A_68 : i32
    %dma_wait3A = arith.constant 0 : i32
    %dma_wait3A_70 = arith.constant 0 : i32
    %dma_wait3A_71 = tpu.memref_slice %arg8[%and3A_69, %dma_wait3A_70] : memref<4x80xi32, #tpu.memory_space<vmem>> -> memref<1x80xi32, #tpu.memory_space<vmem>>
    %dma_wait3A_72 = tpu.memref_squeeze %dma_wait3A_71 : memref<1x80xi32, #tpu.memory_space<vmem>> -> memref<80xi32, #tpu.memory_space<vmem>>
    %dma_wait3A_73 = arith.constant 0 : i32
    %dma_wait3A_74 = tpu.memref_slice %arg4[%add3A, %dma_wait3A, %dma_wait3A_73] : memref<32x125x80xi32, #tpu.memory_space<hbm>> -> memref<1x1x80xi32, #tpu.memory_space<hbm>>
    %dma_wait3A_75 = tpu.memref_squeeze %dma_wait3A_74 : memref<1x1x80xi32, #tpu.memory_space<hbm>> -> memref<80xi32, #tpu.memory_space<hbm>>
    %dma_wait3A_76 = tpu.memref_slice %arg14[%and3A_69] : memref<4x!tpu.dma_semaphore, #tpu.memory_space<semaphore_mem>> -> memref<1x!tpu.dma_semaphore, #tpu.memory_space<semaphore_mem>>
    %dma_wait3A_77 = tpu.memref_squeeze %dma_wait3A_76 : memref<1x!tpu.dma_semaphore, #tpu.memory_space<semaphore_mem>> -> memref<!tpu.dma_semaphore, #tpu.memory_space<semaphore_mem>>
    %dma_wait3A_78 = arith.constant 0 : i32
    %dma_wait3A_79 = tpu.memref_slice %arg8[%and3A_69, %dma_wait3A_78] : memref<4x80xi32, #tpu.memory_space<vmem>> -> memref<1x80xi32, #tpu.memory_space<vmem>>
    %dma_wait3A_80 = tpu.memref_squeeze %dma_wait3A_79 : memref<1x80xi32, #tpu.memory_space<vmem>> -> memref<80xi32, #tpu.memory_space<vmem>>
    %dma_wait3A_81 = arith.constant 0 : i32
    %dma_wait3A_82 = tpu.memref_slice %arg4[%add3A, %dma_wait3A, %dma_wait3A_81] : memref<32x125x80xi32, #tpu.memory_space<hbm>> -> memref<1x1x80xi32, #tpu.memory_space<hbm>>
    %dma_wait3A_83 = tpu.memref_squeeze %dma_wait3A_82 : memref<1x1x80xi32, #tpu.memory_space<hbm>> -> memref<80xi32, #tpu.memory_space<hbm>>
    tpu.wait_dma2 semaphore(%dma_wait3A_77 : memref<!tpu.dma_semaphore, #tpu.memory_space<semaphore_mem>>) src(%dma_wait3A_83 : memref<80xi32, #tpu.memory_space<hbm>>) dst(%dma_wait3A_80 : memref<80xi32, #tpu.memory_space<vmem>>)
    %dma_wait3A_84 = arith.constant 0 : i32
    %dma_wait3A_85 = arith.constant 0 : i32
    %dma_wait3A_86 = tpu.memref_slice %arg9[%and3A_69, %dma_wait3A_85] : memref<4x80xi32, #tpu.memory_space<vmem>> -> memref<1x80xi32, #tpu.memory_space<vmem>>
    %dma_wait3A_87 = tpu.memref_squeeze %dma_wait3A_86 : memref<1x80xi32, #tpu.memory_space<vmem>> -> memref<80xi32, #tpu.memory_space<vmem>>
    %dma_wait3A_88 = arith.constant 0 : i32
    %dma_wait3A_89 = tpu.memref_slice %arg5[%add3A, %dma_wait3A_84, %dma_wait3A_88] : memref<32x125x80xi32, #tpu.memory_space<hbm>> -> memref<1x1x80xi32, #tpu.memory_space<hbm>>
    %dma_wait3A_90 = tpu.memref_squeeze %dma_wait3A_89 : memref<1x1x80xi32, #tpu.memory_space<hbm>> -> memref<80xi32, #tpu.memory_space<hbm>>
    %dma_wait3A_91 = tpu.memref_slice %arg14[%and3A_69] : memref<4x!tpu.dma_semaphore, #tpu.memory_space<semaphore_mem>> -> memref<1x!tpu.dma_semaphore, #tpu.memory_space<semaphore_mem>>
    %dma_wait3A_92 = tpu.memref_squeeze %dma_wait3A_91 : memref<1x!tpu.dma_semaphore, #tpu.memory_space<semaphore_mem>> -> memref<!tpu.dma_semaphore, #tpu.memory_space<semaphore_mem>>
    %dma_wait3A_93 = arith.constant 0 : i32
    %dma_wait3A_94 = tpu.memref_slice %arg9[%and3A_69, %dma_wait3A_93] : memref<4x80xi32, #tpu.memory_space<vmem>> -> memref<1x80xi32, #tpu.memory_space<vmem>>
    %dma_wait3A_95 = tpu.memref_squeeze %dma_wait3A_94 : memref<1x80xi32, #tpu.memory_space<vmem>> -> memref<80xi32, #tpu.memory_space<vmem>>
    %dma_wait3A_96 = arith.constant 0 : i32
    %dma_wait3A_97 = tpu.memref_slice %arg5[%add3A, %dma_wait3A_84, %dma_wait3A_96] : memref<32x125x80xi32, #tpu.memory_space<hbm>> -> memref<1x1x80xi32, #tpu.memory_space<hbm>>
    %dma_wait3A_98 = tpu.memref_squeeze %dma_wait3A_97 : memref<1x1x80xi32, #tpu.memory_space<hbm>> -> memref<80xi32, #tpu.memory_space<hbm>>
    tpu.wait_dma2 semaphore(%dma_wait3A_92 : memref<!tpu.dma_semaphore, #tpu.memory_space<semaphore_mem>>) src(%dma_wait3A_98 : memref<80xi32, #tpu.memory_space<hbm>>) dst(%dma_wait3A_95 : memref<80xi32, #tpu.memory_space<vmem>>)
    %and3A_99 = arith.constant 0 : i32
    %and3A_100 = arith.constant 3 : i32
    %and3A_101 = arith.andi %and3A_99, %and3A_100 : i32
    %dma_start3A_102 = arith.constant 0 : i32
    %dma_start3A_103 = arith.constant 0 : i32
    %dma_start3A_104 = arith.constant 0 : i32
    %dma_start3A_105 = arith.constant 0 : i32
    %dma_start3A_106 = tpu.memref_slice %arg10[%dma_start3A_102, %dma_start3A_104, %dma_start3A_105] : memref<2x80x48xf32, #tpu.memory_space<vmem>> -> memref<1x80x48xf32, #tpu.memory_space<vmem>>
    %dma_start3A_107 = tpu.memref_squeeze %dma_start3A_106 : memref<1x80x48xf32, #tpu.memory_space<vmem>> -> memref<80x48xf32, #tpu.memory_space<vmem>>
    %dma_start3A_108 = arith.constant 0 : i32
    %dma_start3A_109 = tpu.memref_slice %arg8[%and3A_101, %dma_start3A_108] : memref<4x80xi32, #tpu.memory_space<vmem>> -> memref<1x80xi32, #tpu.memory_space<vmem>>
    %dma_start3A_110 = tpu.memref_squeeze %dma_start3A_109 : memref<1x80xi32, #tpu.memory_space<vmem>> -> memref<80xi32, #tpu.memory_space<vmem>>
    %dma_start3A_111 = arith.constant 0 : i32
    %dma_start3A_112 = arith.constant 0 : i32
    %dma_start3A_113 = tpu.memref_slice %arg2[%dma_start3A_111, %dma_start3A_112] : memref<10000x48xf32, #tpu.memory_space<hbm>> -> memref<10000x48xf32, #tpu.memory_space<hbm>>
    %dma_start3A_114 = tpu.memref_slice %arg15[%dma_start3A_103] : memref<2x!tpu.dma_semaphore, #tpu.memory_space<semaphore_mem>> -> memref<1x!tpu.dma_semaphore, #tpu.memory_space<semaphore_mem>>
    %dma_start3A_115 = tpu.memref_squeeze %dma_start3A_114 : memref<1x!tpu.dma_semaphore, #tpu.memory_space<semaphore_mem>> -> memref<!tpu.dma_semaphore, #tpu.memory_space<semaphore_mem>>
    tpu.enqueue_indirect_dma source(%dma_start3A_113 : memref<10000x48xf32, #tpu.memory_space<hbm>>) target(%dma_start3A_107 : memref<80x48xf32, #tpu.memory_space<vmem>>) offsets(%dma_start3A_110 : memref<80xi32, #tpu.memory_space<vmem>>) semaphore(%dma_start3A_115 : memref<!tpu.dma_semaphore, #tpu.memory_space<semaphore_mem>>)
    %dma_start3A_116 = arith.constant 0 : i32
    %dma_start3A_117 = arith.constant 0 : i32
    %dma_start3A_118 = arith.constant 0 : i32
    %dma_start3A_119 = arith.constant 0 : i32
    %dma_start3A_120 = tpu.memref_slice %arg11[%dma_start3A_116, %dma_start3A_118, %dma_start3A_119] : memref<2x80x8xf32, #tpu.memory_space<vmem>> -> memref<1x80x8xf32, #tpu.memory_space<vmem>>
    %dma_start3A_121 = tpu.memref_squeeze %dma_start3A_120 : memref<1x80x8xf32, #tpu.memory_space<vmem>> -> memref<80x8xf32, #tpu.memory_space<vmem>>
    %dma_start3A_122 = arith.constant 0 : i32
    %dma_start3A_123 = tpu.memref_slice %arg9[%and3A_101, %dma_start3A_122] : memref<4x80xi32, #tpu.memory_space<vmem>> -> memref<1x80xi32, #tpu.memory_space<vmem>>
    %dma_start3A_124 = tpu.memref_squeeze %dma_start3A_123 : memref<1x80xi32, #tpu.memory_space<vmem>> -> memref<80xi32, #tpu.memory_space<vmem>>
    %dma_start3A_125 = arith.constant 0 : i32
    %dma_start3A_126 = arith.constant 0 : i32
    %dma_start3A_127 = tpu.memref_slice %arg3[%dma_start3A_125, %dma_start3A_126] : memref<10000x8xf32, #tpu.memory_space<hbm>> -> memref<10000x8xf32, #tpu.memory_space<hbm>>
    %dma_start3A_128 = tpu.memref_slice %arg16[%dma_start3A_117] : memref<2x!tpu.dma_semaphore, #tpu.memory_space<semaphore_mem>> -> memref<1x!tpu.dma_semaphore, #tpu.memory_space<semaphore_mem>>
    %dma_start3A_129 = tpu.memref_squeeze %dma_start3A_128 : memref<1x!tpu.dma_semaphore, #tpu.memory_space<semaphore_mem>> -> memref<!tpu.dma_semaphore, #tpu.memory_space<semaphore_mem>>
    tpu.enqueue_indirect_dma source(%dma_start3A_127 : memref<10000x8xf32, #tpu.memory_space<hbm>>) target(%dma_start3A_121 : memref<80x8xf32, #tpu.memory_space<vmem>>) offsets(%dma_start3A_124 : memref<80xi32, #tpu.memory_space<vmem>>) semaphore(%dma_start3A_129 : memref<!tpu.dma_semaphore, #tpu.memory_space<semaphore_mem>>)
    %scan3A = arith.constant 0 : i32
    %scan3A_130 = arith.constant 0 : i32
    %scan3A_131 = arith.constant 125 : i32
    %scan3A_132 = arith.addi %scan3A_130, %scan3A_131 : i32
    %scan3A_133 = arith.constant 1 : i32
    %scan3A_134 = scf.for %scan3A_176 = %scan3A_130 to %scan3A_132 step %scan3A_133 iter_args(%scan3A_177 = %scan3A) -> (i32)  : i32 {
      %and3A_178 = arith.constant 1 : i32
      %and3A_179 = arith.andi %scan3A_176, %and3A_178 : i32
      %add3A_180 = arith.constant 2 : i32
      %add3A_181 = arith.addi %scan3A_176, %add3A_180 : i32
      %lt3A = arith.constant 125 : i32
      %lt3A_182 = arith.cmpi slt, %add3A_181, %lt3A : i32
      %convert_element_type3A = arith.extui %lt3A_182 : i1 to i32
      %cond3A = arith.constant 0 : i32
      %cond3A_183 = arith.cmpi ne, %convert_element_type3A, %cond3A : i32
      scf.if %cond3A_183 {
        %add3A_242 = arith.constant 2 : i32
        %add3A_243 = arith.addi %scan3A_176, %add3A_242 : i32
        %and3A_244 = arith.constant 3 : i32
        %and3A_245 = arith.andi %add3A_243, %and3A_244 : i32
        %dma_start3A_246 = arith.constant 0 : i32
        %dma_start3A_247 = tpu.memref_slice %arg8[%and3A_245, %dma_start3A_246] : memref<4x80xi32, #tpu.memory_space<vmem>> -> memref<1x80xi32, #tpu.memory_space<vmem>>
        %dma_start3A_248 = tpu.memref_squeeze %dma_start3A_247 : memref<1x80xi32, #tpu.memory_space<vmem>> -> memref<80xi32, #tpu.memory_space<vmem>>
        %dma_start3A_249 = arith.constant 0 : i32
        %dma_start3A_250 = tpu.memref_slice %arg4[%add3A, %add3A_243, %dma_start3A_249] : memref<32x125x80xi32, #tpu.memory_space<hbm>> -> memref<1x1x80xi32, #tpu.memory_space<hbm>>
        %dma_start3A_251 = tpu.memref_squeeze %dma_start3A_250 : memref<1x1x80xi32, #tpu.memory_space<hbm>> -> memref<80xi32, #tpu.memory_space<hbm>>
        %dma_start3A_252 = tpu.memref_slice %arg14[%and3A_245] : memref<4x!tpu.dma_semaphore, #tpu.memory_space<semaphore_mem>> -> memref<1x!tpu.dma_semaphore, #tpu.memory_space<semaphore_mem>>
        %dma_start3A_253 = tpu.memref_squeeze %dma_start3A_252 : memref<1x!tpu.dma_semaphore, #tpu.memory_space<semaphore_mem>> -> memref<!tpu.dma_semaphore, #tpu.memory_space<semaphore_mem>>
        %dma_start3A_254 = arith.constant 0 : i32
        %dma_start3A_255 = tpu.memref_slice %arg8[%and3A_245, %dma_start3A_254] : memref<4x80xi32, #tpu.memory_space<vmem>> -> memref<1x80xi32, #tpu.memory_space<vmem>>
        %dma_start3A_256 = tpu.memref_squeeze %dma_start3A_255 : memref<1x80xi32, #tpu.memory_space<vmem>> -> memref<80xi32, #tpu.memory_space<vmem>>
        %dma_start3A_257 = arith.constant 0 : i32
        %dma_start3A_258 = tpu.memref_slice %arg4[%add3A, %add3A_243, %dma_start3A_257] : memref<32x125x80xi32, #tpu.memory_space<hbm>> -> memref<1x1x80xi32, #tpu.memory_space<hbm>>
        %dma_start3A_259 = tpu.memref_squeeze %dma_start3A_258 : memref<1x1x80xi32, #tpu.memory_space<hbm>> -> memref<80xi32, #tpu.memory_space<hbm>>
        tpu.enqueue_dma source(%dma_start3A_259 : memref<80xi32, #tpu.memory_space<hbm>>) target(%dma_start3A_256 : memref<80xi32, #tpu.memory_space<vmem>>) target_semaphore(%dma_start3A_253 : memref<!tpu.dma_semaphore, #tpu.memory_space<semaphore_mem>>)
        %dma_start3A_260 = arith.constant 0 : i32
        %dma_start3A_261 = tpu.memref_slice %arg9[%and3A_245, %dma_start3A_260] : memref<4x80xi32, #tpu.memory_space<vmem>> -> memref<1x80xi32, #tpu.memory_space<vmem>>
        %dma_start3A_262 = tpu.memref_squeeze %dma_start3A_261 : memref<1x80xi32, #tpu.memory_space<vmem>> -> memref<80xi32, #tpu.memory_space<vmem>>
        %dma_start3A_263 = arith.constant 0 : i32
        %dma_start3A_264 = tpu.memref_slice %arg5[%add3A, %add3A_243, %dma_start3A_263] : memref<32x125x80xi32, #tpu.memory_space<hbm>> -> memref<1x1x80xi32, #tpu.memory_space<hbm>>
        %dma_start3A_265 = tpu.memref_squeeze %dma_start3A_264 : memref<1x1x80xi32, #tpu.memory_space<hbm>> -> memref<80xi32, #tpu.memory_space<hbm>>
        %dma_start3A_266 = tpu.memref_slice %arg14[%and3A_245] : memref<4x!tpu.dma_semaphore, #tpu.memory_space<semaphore_mem>> -> memref<1x!tpu.dma_semaphore, #tpu.memory_space<semaphore_mem>>
        %dma_start3A_267 = tpu.memref_squeeze %dma_start3A_266 : memref<1x!tpu.dma_semaphore, #tpu.memory_space<semaphore_mem>> -> memref<!tpu.dma_semaphore, #tpu.memory_space<semaphore_mem>>
        %dma_start3A_268 = arith.constant 0 : i32
        %dma_start3A_269 = tpu.memref_slice %arg9[%and3A_245, %dma_start3A_268] : memref<4x80xi32, #tpu.memory_space<vmem>> -> memref<1x80xi32, #tpu.memory_space<vmem>>
        %dma_start3A_270 = tpu.memref_squeeze %dma_start3A_269 : memref<1x80xi32, #tpu.memory_space<vmem>> -> memref<80xi32, #tpu.memory_space<vmem>>
        %dma_start3A_271 = arith.constant 0 : i32
        %dma_start3A_272 = tpu.memref_slice %arg5[%add3A, %add3A_243, %dma_start3A_271] : memref<32x125x80xi32, #tpu.memory_space<hbm>> -> memref<1x1x80xi32, #tpu.memory_space<hbm>>
        %dma_start3A_273 = tpu.memref_squeeze %dma_start3A_272 : memref<1x1x80xi32, #tpu.memory_space<hbm>> -> memref<80xi32, #tpu.memory_space<hbm>>
        tpu.enqueue_dma source(%dma_start3A_273 : memref<80xi32, #tpu.memory_space<hbm>>) target(%dma_start3A_270 : memref<80xi32, #tpu.memory_space<vmem>>) target_semaphore(%dma_start3A_267 : memref<!tpu.dma_semaphore, #tpu.memory_space<semaphore_mem>>)
      } else {
      }
      %add3A_184 = arith.constant 1 : i32
      %add3A_185 = arith.addi %scan3A_176, %add3A_184 : i32
      %lt3A_186 = arith.constant 125 : i32
      %lt3A_187 = arith.cmpi slt, %add3A_185, %lt3A_186 : i32
      %convert_element_type3A_188 = arith.extui %lt3A_187 : i1 to i32
      %cond3A_189 = arith.constant 0 : i32
      %cond3A_190 = arith.cmpi ne, %convert_element_type3A_188, %cond3A_189 : i32
      scf.if %cond3A_190 {
        %add3A_242 = arith.constant 1 : i32
        %add3A_243 = arith.addi %scan3A_176, %add3A_242 : i32
        %and3A_244 = arith.constant 3 : i32
        %and3A_245 = arith.andi %add3A_243, %and3A_244 : i32
        %dma_wait3A_246 = arith.constant 0 : i32
        %dma_wait3A_247 = tpu.memref_slice %arg8[%and3A_245, %dma_wait3A_246] : memref<4x80xi32, #tpu.memory_space<vmem>> -> memref<1x80xi32, #tpu.memory_space<vmem>>
        %dma_wait3A_248 = tpu.memref_squeeze %dma_wait3A_247 : memref<1x80xi32, #tpu.memory_space<vmem>> -> memref<80xi32, #tpu.memory_space<vmem>>
        %dma_wait3A_249 = arith.constant 0 : i32
        %dma_wait3A_250 = tpu.memref_slice %arg4[%add3A, %add3A_243, %dma_wait3A_249] : memref<32x125x80xi32, #tpu.memory_space<hbm>> -> memref<1x1x80xi32, #tpu.memory_space<hbm>>
        %dma_wait3A_251 = tpu.memref_squeeze %dma_wait3A_250 : memref<1x1x80xi32, #tpu.memory_space<hbm>> -> memref<80xi32, #tpu.memory_space<hbm>>
        %dma_wait3A_252 = tpu.memref_slice %arg14[%and3A_245] : memref<4x!tpu.dma_semaphore, #tpu.memory_space<semaphore_mem>> -> memref<1x!tpu.dma_semaphore, #tpu.memory_space<semaphore_mem>>
        %dma_wait3A_253 = tpu.memref_squeeze %dma_wait3A_252 : memref<1x!tpu.dma_semaphore, #tpu.memory_space<semaphore_mem>> -> memref<!tpu.dma_semaphore, #tpu.memory_space<semaphore_mem>>
        %dma_wait3A_254 = arith.constant 0 : i32
        %dma_wait3A_255 = tpu.memref_slice %arg8[%and3A_245, %dma_wait3A_254] : memref<4x80xi32, #tpu.memory_space<vmem>> -> memref<1x80xi32, #tpu.memory_space<vmem>>
        %dma_wait3A_256 = tpu.memref_squeeze %dma_wait3A_255 : memref<1x80xi32, #tpu.memory_space<vmem>> -> memref<80xi32, #tpu.memory_space<vmem>>
        %dma_wait3A_257 = arith.constant 0 : i32
        %dma_wait3A_258 = tpu.memref_slice %arg4[%add3A, %add3A_243, %dma_wait3A_257] : memref<32x125x80xi32, #tpu.memory_space<hbm>> -> memref<1x1x80xi32, #tpu.memory_space<hbm>>
        %dma_wait3A_259 = tpu.memref_squeeze %dma_wait3A_258 : memref<1x1x80xi32, #tpu.memory_space<hbm>> -> memref<80xi32, #tpu.memory_space<hbm>>
        tpu.wait_dma2 semaphore(%dma_wait3A_253 : memref<!tpu.dma_semaphore, #tpu.memory_space<semaphore_mem>>) src(%dma_wait3A_259 : memref<80xi32, #tpu.memory_space<hbm>>) dst(%dma_wait3A_256 : memref<80xi32, #tpu.memory_space<vmem>>)
        %dma_wait3A_260 = arith.constant 0 : i32
        %dma_wait3A_261 = tpu.memref_slice %arg9[%and3A_245, %dma_wait3A_260] : memref<4x80xi32, #tpu.memory_space<vmem>> -> memref<1x80xi32, #tpu.memory_space<vmem>>
        %dma_wait3A_262 = tpu.memref_squeeze %dma_wait3A_261 : memref<1x80xi32, #tpu.memory_space<vmem>> -> memref<80xi32, #tpu.memory_space<vmem>>
        %dma_wait3A_263 = arith.constant 0 : i32
        %dma_wait3A_264 = tpu.memref_slice %arg5[%add3A, %add3A_243, %dma_wait3A_263] : memref<32x125x80xi32, #tpu.memory_space<hbm>> -> memref<1x1x80xi32, #tpu.memory_space<hbm>>
        %dma_wait3A_265 = tpu.memref_squeeze %dma_wait3A_264 : memref<1x1x80xi32, #tpu.memory_space<hbm>> -> memref<80xi32, #tpu.memory_space<hbm>>
        %dma_wait3A_266 = tpu.memref_slice %arg14[%and3A_245] : memref<4x!tpu.dma_semaphore, #tpu.memory_space<semaphore_mem>> -> memref<1x!tpu.dma_semaphore, #tpu.memory_space<semaphore_mem>>
        %dma_wait3A_267 = tpu.memref_squeeze %dma_wait3A_266 : memref<1x!tpu.dma_semaphore, #tpu.memory_space<semaphore_mem>> -> memref<!tpu.dma_semaphore, #tpu.memory_space<semaphore_mem>>
        %dma_wait3A_268 = arith.constant 0 : i32
        %dma_wait3A_269 = tpu.memref_slice %arg9[%and3A_245, %dma_wait3A_268] : memref<4x80xi32, #tpu.memory_space<vmem>> -> memref<1x80xi32, #tpu.memory_space<vmem>>
        %dma_wait3A_270 = tpu.memref_squeeze %dma_wait3A_269 : memref<1x80xi32, #tpu.memory_space<vmem>> -> memref<80xi32, #tpu.memory_space<vmem>>
        %dma_wait3A_271 = arith.constant 0 : i32
        %dma_wait3A_272 = tpu.memref_slice %arg5[%add3A, %add3A_243, %dma_wait3A_271] : memref<32x125x80xi32, #tpu.memory_space<hbm>> -> memref<1x1x80xi32, #tpu.memory_space<hbm>>
        %dma_wait3A_273 = tpu.memref_squeeze %dma_wait3A_272 : memref<1x1x80xi32, #tpu.memory_space<hbm>> -> memref<80xi32, #tpu.memory_space<hbm>>
        tpu.wait_dma2 semaphore(%dma_wait3A_267 : memref<!tpu.dma_semaphore, #tpu.memory_space<semaphore_mem>>) src(%dma_wait3A_273 : memref<80xi32, #tpu.memory_space<hbm>>) dst(%dma_wait3A_270 : memref<80xi32, #tpu.memory_space<vmem>>)
        %add3A_274 = arith.constant 1 : i32
        %add3A_275 = arith.addi %scan3A_176, %add3A_274 : i32
        %sub3A = arith.constant 1 : i32
        %sub3A_276 = arith.subi %sub3A, %and3A_179 : i32
        %and3A_277 = arith.constant 3 : i32
        %and3A_278 = arith.andi %add3A_275, %and3A_277 : i32
        %dma_start3A_279 = arith.constant 0 : i32
        %dma_start3A_280 = arith.constant 0 : i32
        %dma_start3A_281 = tpu.memref_slice %arg10[%sub3A_276, %dma_start3A_279, %dma_start3A_280] : memref<2x80x48xf32, #tpu.memory_space<vmem>> -> memref<1x80x48xf32, #tpu.memory_space<vmem>>
        %dma_start3A_282 = tpu.memref_squeeze %dma_start3A_281 : memref<1x80x48xf32, #tpu.memory_space<vmem>> -> memref<80x48xf32, #tpu.memory_space<vmem>>
        %dma_start3A_283 = arith.constant 0 : i32
        %dma_start3A_284 = tpu.memref_slice %arg8[%and3A_278, %dma_start3A_283] : memref<4x80xi32, #tpu.memory_space<vmem>> -> memref<1x80xi32, #tpu.memory_space<vmem>>
        %dma_start3A_285 = tpu.memref_squeeze %dma_start3A_284 : memref<1x80xi32, #tpu.memory_space<vmem>> -> memref<80xi32, #tpu.memory_space<vmem>>
        %dma_start3A_286 = arith.constant 0 : i32
        %dma_start3A_287 = arith.constant 0 : i32
        %dma_start3A_288 = tpu.memref_slice %arg2[%dma_start3A_286, %dma_start3A_287] : memref<10000x48xf32, #tpu.memory_space<hbm>> -> memref<10000x48xf32, #tpu.memory_space<hbm>>
        %dma_start3A_289 = tpu.memref_slice %arg15[%sub3A_276] : memref<2x!tpu.dma_semaphore, #tpu.memory_space<semaphore_mem>> -> memref<1x!tpu.dma_semaphore, #tpu.memory_space<semaphore_mem>>
        %dma_start3A_290 = tpu.memref_squeeze %dma_start3A_289 : memref<1x!tpu.dma_semaphore, #tpu.memory_space<semaphore_mem>> -> memref<!tpu.dma_semaphore, #tpu.memory_space<semaphore_mem>>
        tpu.enqueue_indirect_dma source(%dma_start3A_288 : memref<10000x48xf32, #tpu.memory_space<hbm>>) target(%dma_start3A_282 : memref<80x48xf32, #tpu.memory_space<vmem>>) offsets(%dma_start3A_285 : memref<80xi32, #tpu.memory_space<vmem>>) semaphore(%dma_start3A_290 : memref<!tpu.dma_semaphore, #tpu.memory_space<semaphore_mem>>)
        %dma_start3A_291 = arith.constant 0 : i32
        %dma_start3A_292 = arith.constant 0 : i32
        %dma_start3A_293 = tpu.memref_slice %arg11[%sub3A_276, %dma_start3A_291, %dma_start3A_292] : memref<2x80x8xf32, #tpu.memory_space<vmem>> -> memref<1x80x8xf32, #tpu.memory_space<vmem>>
        %dma_start3A_294 = tpu.memref_squeeze %dma_start3A_293 : memref<1x80x8xf32, #tpu.memory_space<vmem>> -> memref<80x8xf32, #tpu.memory_space<vmem>>
        %dma_start3A_295 = arith.constant 0 : i32
        %dma_start3A_296 = tpu.memref_slice %arg9[%and3A_278, %dma_start3A_295] : memref<4x80xi32, #tpu.memory_space<vmem>> -> memref<1x80xi32, #tpu.memory_space<vmem>>
        %dma_start3A_297 = tpu.memref_squeeze %dma_start3A_296 : memref<1x80xi32, #tpu.memory_space<vmem>> -> memref<80xi32, #tpu.memory_space<vmem>>
        %dma_start3A_298 = arith.constant 0 : i32
        %dma_start3A_299 = arith.constant 0 : i32
        %dma_start3A_300 = tpu.memref_slice %arg3[%dma_start3A_298, %dma_start3A_299] : memref<10000x8xf32, #tpu.memory_space<hbm>> -> memref<10000x8xf32, #tpu.memory_space<hbm>>
        %dma_start3A_301 = tpu.memref_slice %arg16[%sub3A_276] : memref<2x!tpu.dma_semaphore, #tpu.memory_space<semaphore_mem>> -> memref<1x!tpu.dma_semaphore, #tpu.memory_space<semaphore_mem>>
        %dma_start3A_302 = tpu.memref_squeeze %dma_start3A_301 : memref<1x!tpu.dma_semaphore, #tpu.memory_space<semaphore_mem>> -> memref<!tpu.dma_semaphore, #tpu.memory_space<semaphore_mem>>
        tpu.enqueue_indirect_dma source(%dma_start3A_300 : memref<10000x8xf32, #tpu.memory_space<hbm>>) target(%dma_start3A_294 : memref<80x8xf32, #tpu.memory_space<vmem>>) offsets(%dma_start3A_297 : memref<80xi32, #tpu.memory_space<vmem>>) semaphore(%dma_start3A_302 : memref<!tpu.dma_semaphore, #tpu.memory_space<semaphore_mem>>)
      } else {
      }
      %and3A_191 = arith.constant 3 : i32
      %and3A_192 = arith.andi %scan3A_176, %and3A_191 : i32
      %dma_wait3A_193 = arith.constant 0 : i32
      %dma_wait3A_194 = arith.constant 0 : i32
      %dma_wait3A_195 = tpu.memref_slice %arg10[%and3A_179, %dma_wait3A_193, %dma_wait3A_194] : memref<2x80x48xf32, #tpu.memory_space<vmem>> -> memref<1x80x48xf32, #tpu.memory_space<vmem>>
      %dma_wait3A_196 = tpu.memref_squeeze %dma_wait3A_195 : memref<1x80x48xf32, #tpu.memory_space<vmem>> -> memref<80x48xf32, #tpu.memory_space<vmem>>
      %dma_wait3A_197 = arith.constant 0 : i32
      %dma_wait3A_198 = tpu.memref_slice %arg8[%and3A_192, %dma_wait3A_197] : memref<4x80xi32, #tpu.memory_space<vmem>> -> memref<1x80xi32, #tpu.memory_space<vmem>>
      %dma_wait3A_199 = tpu.memref_squeeze %dma_wait3A_198 : memref<1x80xi32, #tpu.memory_space<vmem>> -> memref<80xi32, #tpu.memory_space<vmem>>
      %dma_wait3A_200 = arith.constant 0 : i32
      %dma_wait3A_201 = arith.constant 0 : i32
      %dma_wait3A_202 = tpu.memref_slice %arg2[%dma_wait3A_200, %dma_wait3A_201] : memref<10000x48xf32, #tpu.memory_space<hbm>> -> memref<10000x48xf32, #tpu.memory_space<hbm>>
      %dma_wait3A_203 = tpu.memref_slice %arg15[%and3A_179] : memref<2x!tpu.dma_semaphore, #tpu.memory_space<semaphore_mem>> -> memref<1x!tpu.dma_semaphore, #tpu.memory_space<semaphore_mem>>
      %dma_wait3A_204 = tpu.memref_squeeze %dma_wait3A_203 : memref<1x!tpu.dma_semaphore, #tpu.memory_space<semaphore_mem>> -> memref<!tpu.dma_semaphore, #tpu.memory_space<semaphore_mem>>
      tpu.wait_indirect_dma semaphore(%dma_wait3A_204 : memref<!tpu.dma_semaphore, #tpu.memory_space<semaphore_mem>>) src(%dma_wait3A_202 : memref<10000x48xf32, #tpu.memory_space<hbm>>) dst(%dma_wait3A_196 : memref<80x48xf32, #tpu.memory_space<vmem>>)
      %dma_wait3A_205 = arith.constant 0 : i32
      %dma_wait3A_206 = arith.constant 0 : i32
      %dma_wait3A_207 = tpu.memref_slice %arg11[%and3A_179, %dma_wait3A_205, %dma_wait3A_206] : memref<2x80x8xf32, #tpu.memory_space<vmem>> -> memref<1x80x8xf32, #tpu.memory_space<vmem>>
      %dma_wait3A_208 = tpu.memref_squeeze %dma_wait3A_207 : memref<1x80x8xf32, #tpu.memory_space<vmem>> -> memref<80x8xf32, #tpu.memory_space<vmem>>
      %dma_wait3A_209 = arith.constant 0 : i32
      %dma_wait3A_210 = tpu.memref_slice %arg9[%and3A_192, %dma_wait3A_209] : memref<4x80xi32, #tpu.memory_space<vmem>> -> memref<1x80xi32, #tpu.memory_space<vmem>>
      %dma_wait3A_211 = tpu.memref_squeeze %dma_wait3A_210 : memref<1x80xi32, #tpu.memory_space<vmem>> -> memref<80xi32, #tpu.memory_space<vmem>>
      %dma_wait3A_212 = arith.constant 0 : i32
      %dma_wait3A_213 = arith.constant 0 : i32
      %dma_wait3A_214 = tpu.memref_slice %arg3[%dma_wait3A_212, %dma_wait3A_213] : memref<10000x8xf32, #tpu.memory_space<hbm>> -> memref<10000x8xf32, #tpu.memory_space<hbm>>
      %dma_wait3A_215 = tpu.memref_slice %arg16[%and3A_179] : memref<2x!tpu.dma_semaphore, #tpu.memory_space<semaphore_mem>> -> memref<1x!tpu.dma_semaphore, #tpu.memory_space<semaphore_mem>>
      %dma_wait3A_216 = tpu.memref_squeeze %dma_wait3A_215 : memref<1x!tpu.dma_semaphore, #tpu.memory_space<semaphore_mem>> -> memref<!tpu.dma_semaphore, #tpu.memory_space<semaphore_mem>>
      tpu.wait_indirect_dma semaphore(%dma_wait3A_216 : memref<!tpu.dma_semaphore, #tpu.memory_space<semaphore_mem>>) src(%dma_wait3A_214 : memref<10000x8xf32, #tpu.memory_space<hbm>>) dst(%dma_wait3A_208 : memref<80x8xf32, #tpu.memory_space<vmem>>)
      %and3A_217 = arith.constant 3 : i32
      %and3A_218 = arith.andi %scan3A_176, %and3A_217 : i32
      %ge3A = arith.constant 2 : i32
      %ge3A_219 = arith.cmpi sge, %scan3A_176, %ge3A : i32
      %convert_element_type3A_220 = arith.extui %ge3A_219 : i1 to i32
      %cond3A_221 = arith.constant 0 : i32
      %cond3A_222 = arith.cmpi ne, %convert_element_type3A_220, %cond3A_221 : i32
      scf.if %cond3A_222 {
        %sub3A = arith.constant 2 : i32
        %sub3A_242 = arith.subi %scan3A_176, %sub3A : i32
        %and3A_243 = arith.constant 3 : i32
        %and3A_244 = arith.andi %sub3A_242, %and3A_243 : i32
        %and3A_245 = arith.constant 1 : i32
        %and3A_246 = arith.andi %sub3A_242, %and3A_245 : i32
        %dma_wait3A_247 = arith.constant 0 : i32
        %dma_wait3A_248 = arith.constant 0 : i32
        %dma_wait3A_249 = tpu.memref_slice %arg12[%and3A_246, %dma_wait3A_247, %dma_wait3A_248] : memref<2x80x48xf32, #tpu.memory_space<vmem>> -> memref<1x80x48xf32, #tpu.memory_space<vmem>>
        %dma_wait3A_250 = tpu.memref_squeeze %dma_wait3A_249 : memref<1x80x48xf32, #tpu.memory_space<vmem>> -> memref<80x48xf32, #tpu.memory_space<vmem>>
        %dma_wait3A_251 = arith.constant 0 : i32
        %dma_wait3A_252 = tpu.memref_slice %arg9[%and3A_244, %dma_wait3A_251] : memref<4x80xi32, #tpu.memory_space<vmem>> -> memref<1x80xi32, #tpu.memory_space<vmem>>
        %dma_wait3A_253 = tpu.memref_squeeze %dma_wait3A_252 : memref<1x80xi32, #tpu.memory_space<vmem>> -> memref<80xi32, #tpu.memory_space<vmem>>
        %dma_wait3A_254 = arith.constant 0 : i32
        %dma_wait3A_255 = arith.constant 0 : i32
        %dma_wait3A_256 = tpu.memref_slice %arg13[%dma_wait3A_254, %dma_wait3A_255] : memref<10000x48xf32, #tpu.memory_space<vmem_shared>> -> memref<10000x48xf32, #tpu.memory_space<vmem_shared>>
        %dma_wait3A_257 = tpu.memref_slice %arg17[%and3A_246] : memref<2x!tpu.dma_semaphore, #tpu.memory_space<semaphore_mem>> -> memref<1x!tpu.dma_semaphore, #tpu.memory_space<semaphore_mem>>
        %dma_wait3A_258 = tpu.memref_squeeze %dma_wait3A_257 : memref<1x!tpu.dma_semaphore, #tpu.memory_space<semaphore_mem>> -> memref<!tpu.dma_semaphore, #tpu.memory_space<semaphore_mem>>
        tpu.wait_indirect_dma semaphore(%dma_wait3A_258 : memref<!tpu.dma_semaphore, #tpu.memory_space<semaphore_mem>>) src(%dma_wait3A_250 : memref<80x48xf32, #tpu.memory_space<vmem>>) dst(%dma_wait3A_256 : memref<10000x48xf32, #tpu.memory_space<vmem_shared>>)
      } else {
      }
      %iota3A = tpu.iota {dimensions = array<i32: 0>} : vector<16xi32>
      %broadcast_in_dim3A = arith.constant 0 : i32
      %broadcast_in_dim3A_223 = vector.broadcast %broadcast_in_dim3A : i32 to vector<16xi32>
      %broadcast_in_dim3A_224 = arith.constant 1 : i32
      %broadcast_in_dim3A_225 = vector.broadcast %broadcast_in_dim3A_224 : i32 to vector<16xi32>
      %broadcast_in_dim3A_226 = vector.broadcast %and3A_179 : i32 to vector<16xi32>
      %parallel_loop3A = arith.constant 0 : i32
      %parallel_loop3A_227 = arith.constant 5 : i32
      %parallel_loop3A_228 = arith.constant 1 : i32
      scf.for %parallel_loop3A_242 = %parallel_loop3A to %parallel_loop3A_227 step %parallel_loop3A_228  : i32 {
        %parallel_loop3A_243 = arith.constant 16 : i32
        %parallel_loop3A_244 = arith.muli %parallel_loop3A_242, %parallel_loop3A_243 : i32
        %parallel_loop3A_245 = vector.broadcast %parallel_loop3A_244 : i32 to vector<16xi32>
        %parallel_loop3A_246 = arith.addi %parallel_loop3A_245, %iota3A : vector<16xi32>
        %parallel_loop3A_247 = tpu.vector_load_idx %arg10[%broadcast_in_dim3A_226, %parallel_loop3A_246, %broadcast_in_dim3A_223] : memref<2x80x48xf32, #tpu.memory_space<vmem>>[vector<16xi32>, vector<16xi32>, vector<16xi32>], vector<16xf32>,
        %parallel_loop3A_248 = tpu.vector_load_idx %arg11[%broadcast_in_dim3A_226, %parallel_loop3A_246, %broadcast_in_dim3A_223] : memref<2x80x8xf32, #tpu.memory_space<vmem>>[vector<16xi32>, vector<16xi32>, vector<16xi32>], vector<16xf32>,
        %parallel_loop3A_249 = tpu.vector_load_idx %arg11[%broadcast_in_dim3A_226, %parallel_loop3A_246, %broadcast_in_dim3A_225] : memref<2x80x8xf32, #tpu.memory_space<vmem>>[vector<16xi32>, vector<16xi32>, vector<16xi32>], vector<16xf32>,
        %parallel_loop3A_250 = arith.addf %parallel_loop3A_247, %parallel_loop3A_248 : vector<16xf32>
        %parallel_loop3A_251 = arith.constant 2.000000e-01 : f32
        %parallel_loop3A_252 = vector.broadcast %parallel_loop3A_251 : f32 to vector<16xf32>
        %parallel_loop3A_253 = arith.mulf %parallel_loop3A_252, %parallel_loop3A_247 : vector<16xf32>
        %parallel_loop3A_254 = arith.addf %parallel_loop3A_253, %parallel_loop3A_249 : vector<16xf32>
        %parallel_loop3A_255 = arith.maximumf %parallel_loop3A_250, %parallel_loop3A_254 : vector<16xf32>
        %parallel_loop3A_256 = math.exp %parallel_loop3A_255 : vector<16xf32>
        %parallel_loop3A_257 = arith.constant 16 : i32
        %parallel_loop3A_258 = arith.muli %parallel_loop3A_242, %parallel_loop3A_257 : i32
        %parallel_loop3A_259 = arith.constant 0 : i32
        %parallel_loop3A_260 = arith.addi %parallel_loop3A_258, %parallel_loop3A_259 : i32
        %parallel_loop3A_261 = arith.constant 0 : i32
        %parallel_loop3A_262 = vector.broadcast %parallel_loop3A_261 : i32 to vector<16xi32>
        %parallel_loop3A_263 = vector.shape_cast %parallel_loop3A_262 : vector<16xi32> to vector<16x1xi32>
        %parallel_loop3A_264 = vector.shape_cast %parallel_loop3A_263 : vector<16x1xi32> to vector<16xi32>
        %parallel_loop3A_265 = tpu.dynamic_gather %parallel_loop3A_256[%parallel_loop3A_264] in [0] : vector<16xf32>, vector<16xi32> -> vector<16xf32>
        %parallel_loop3A_266 = arith.index_cast %and3A_179 : i32 to index
        %parallel_loop3A_267 = arith.index_cast %parallel_loop3A_260 : i32 to index
        %parallel_loop3A_268 = arith.constant 0 : index
        %parallel_loop3A_269 = tpu.vector_load %arg10[%parallel_loop3A_266, %parallel_loop3A_267, %parallel_loop3A_268] {strides = array<i32>} : memref<2x80x48xf32, #tpu.memory_space<vmem>>, vector<16xf32>,
        %parallel_loop3A_270 = arith.constant 0 : i32
        %parallel_loop3A_271 = vector.broadcast %parallel_loop3A_270 : i32 to vector<16xi32>
        %parallel_loop3A_272 = arith.cmpi eq, %iota3A, %parallel_loop3A_271 : vector<16xi32>
        %parallel_loop3A_273 = arith.constant 1.000000e+00 : f32
        %parallel_loop3A_274 = vector.broadcast %parallel_loop3A_273 : f32 to vector<16xf32>
        %parallel_loop3A_275 = arith.select %parallel_loop3A_272, %parallel_loop3A_274, %parallel_loop3A_269 : vector<16xi1>, vector<16xf32>
        %parallel_loop3A_276 = arith.mulf %parallel_loop3A_275, %parallel_loop3A_265 : vector<16xf32>
        %parallel_loop3A_277 = arith.index_cast %and3A_179 : i32 to index
        %parallel_loop3A_278 = arith.index_cast %parallel_loop3A_260 : i32 to index
        %parallel_loop3A_279 = arith.constant 0 : index
        %parallel_loop3A_280 = tpu.vector_load %arg12[%parallel_loop3A_277, %parallel_loop3A_278, %parallel_loop3A_279] {strides = array<i32>} : memref<2x80x48xf32, #tpu.memory_space<vmem>>, vector<16xf32>,
        tpu.vector_store %arg12[%parallel_loop3A_277, %parallel_loop3A_278, %parallel_loop3A_279], %parallel_loop3A_276 {strides = array<i32>} : memref<2x80x48xf32, #tpu.memory_space<vmem>>, vector<16xf32>,
        %parallel_loop3A_281 = arith.index_cast %and3A_179 : i32 to index
        %parallel_loop3A_282 = arith.index_cast %parallel_loop3A_260 : i32 to index
        %parallel_loop3A_283 = arith.constant 16 : index
        %parallel_loop3A_284 = tpu.vector_load %arg10[%parallel_loop3A_281, %parallel_loop3A_282, %parallel_loop3A_283] {strides = array<i32>} : memref<2x80x48xf32, #tpu.memory_space<vmem>>, vector<16xf32>,
        %parallel_loop3A_285 = arith.mulf %parallel_loop3A_284, %parallel_loop3A_265 : vector<16xf32>
        %parallel_loop3A_286 = arith.index_cast %and3A_179 : i32 to index
        %parallel_loop3A_287 = arith.index_cast %parallel_loop3A_260 : i32 to index
        %parallel_loop3A_288 = arith.constant 16 : index
        %parallel_loop3A_289 = tpu.vector_load %arg12[%parallel_loop3A_286, %parallel_loop3A_287, %parallel_loop3A_288] {strides = array<i32>} : memref<2x80x48xf32, #tpu.memory_space<vmem>>, vector<16xf32>,
        tpu.vector_store %arg12[%parallel_loop3A_286, %parallel_loop3A_287, %parallel_loop3A_288], %parallel_loop3A_285 {strides = array<i32>} : memref<2x80x48xf32, #tpu.memory_space<vmem>>, vector<16xf32>,
        %parallel_loop3A_290 = arith.index_cast %and3A_179 : i32 to index
        %parallel_loop3A_291 = arith.index_cast %parallel_loop3A_260 : i32 to index
        %parallel_loop3A_292 = arith.constant 32 : index
        %parallel_loop3A_293 = tpu.vector_load %arg10[%parallel_loop3A_290, %parallel_loop3A_291, %parallel_loop3A_292] {strides = array<i32>} : memref<2x80x48xf32, #tpu.memory_space<vmem>>, vector<16xf32>,
        %parallel_loop3A_294 = arith.mulf %parallel_loop3A_293, %parallel_loop3A_265 : vector<16xf32>
        %parallel_loop3A_295 = arith.index_cast %and3A_179 : i32 to index
        %parallel_loop3A_296 = arith.index_cast %parallel_loop3A_260 : i32 to index
        %parallel_loop3A_297 = arith.constant 32 : index
        %parallel_loop3A_298 = tpu.vector_load %arg12[%parallel_loop3A_295, %parallel_loop3A_296, %parallel_loop3A_297] {strides = array<i32>} : memref<2x80x48xf32, #tpu.memory_space<vmem>>, vector<16xf32>,
        tpu.vector_store %arg12[%parallel_loop3A_295, %parallel_loop3A_296, %parallel_loop3A_297], %parallel_loop3A_294 {strides = array<i32>} : memref<2x80x48xf32, #tpu.memory_space<vmem>>, vector<16xf32>,
        %parallel_loop3A_299 = arith.constant 16 : i32
        %parallel_loop3A_300 = arith.muli %parallel_loop3A_242, %parallel_loop3A_299 : i32
        %parallel_loop3A_301 = arith.constant 1 : i32
        %parallel_loop3A_302 = arith.addi %parallel_loop3A_300, %parallel_loop3A_301 : i32
        %parallel_loop3A_303 = arith.constant 1 : i32
        %parallel_loop3A_304 = vector.broadcast %parallel_loop3A_303 : i32 to vector<16xi32>
        %parallel_loop3A_305 = vector.shape_cast %parallel_loop3A_304 : vector<16xi32> to vector<16x1xi32>
        %parallel_loop3A_306 = vector.shape_cast %parallel_loop3A_305 : vector<16x1xi32> to vector<16xi32>
        %parallel_loop3A_307 = tpu.dynamic_gather %parallel_loop3A_256[%parallel_loop3A_306] in [0] : vector<16xf32>, vector<16xi32> -> vector<16xf32>
        %parallel_loop3A_308 = arith.index_cast %and3A_179 : i32 to index
        %parallel_loop3A_309 = arith.index_cast %parallel_loop3A_302 : i32 to index
        %parallel_loop3A_310 = arith.constant 0 : index
        %parallel_loop3A_311 = tpu.vector_load %arg10[%parallel_loop3A_308, %parallel_loop3A_309, %parallel_loop3A_310] {strides = array<i32>} : memref<2x80x48xf32, #tpu.memory_space<vmem>>, vector<16xf32>,
        %parallel_loop3A_312 = arith.constant 0 : i32
        %parallel_loop3A_313 = vector.broadcast %parallel_loop3A_312 : i32 to vector<16xi32>
        %parallel_loop3A_314 = arith.cmpi eq, %iota3A, %parallel_loop3A_313 : vector<16xi32>
        %parallel_loop3A_315 = arith.constant 1.000000e+00 : f32
        %parallel_loop3A_316 = vector.broadcast %parallel_loop3A_315 : f32 to vector<16xf32>
        %parallel_loop3A_317 = arith.select %parallel_loop3A_314, %parallel_loop3A_316, %parallel_loop3A_311 : vector<16xi1>, vector<16xf32>
        %parallel_loop3A_318 = arith.mulf %parallel_loop3A_317, %parallel_loop3A_307 : vector<16xf32>
        %parallel_loop3A_319 = arith.index_cast %and3A_179 : i32 to index
        %parallel_loop3A_320 = arith.index_cast %parallel_loop3A_302 : i32 to index
        %parallel_loop3A_321 = arith.constant 0 : index
        %parallel_loop3A_322 = tpu.vector_load %arg12[%parallel_loop3A_319, %parallel_loop3A_320, %parallel_loop3A_321] {strides = array<i32>} : memref<2x80x48xf32, #tpu.memory_space<vmem>>, vector<16xf32>,
        tpu.vector_store %arg12[%parallel_loop3A_319, %parallel_loop3A_320, %parallel_loop3A_321], %parallel_loop3A_318 {strides = array<i32>} : memref<2x80x48xf32, #tpu.memory_space<vmem>>, vector<16xf32>,
        %parallel_loop3A_323 = arith.index_cast %and3A_179 : i32 to index
        %parallel_loop3A_324 = arith.index_cast %parallel_loop3A_302 : i32 to index
        %parallel_loop3A_325 = arith.constant 16 : index
        %parallel_loop3A_326 = tpu.vector_load %arg10[%parallel_loop3A_323, %parallel_loop3A_324, %parallel_loop3A_325] {strides = array<i32>} : memref<2x80x48xf32, #tpu.memory_space<vmem>>, vector<16xf32>,
        %parallel_loop3A_327 = arith.mulf %parallel_loop3A_326, %parallel_loop3A_307 : vector<16xf32>
        %parallel_loop3A_328 = arith.index_cast %and3A_179 : i32 to index
        %parallel_loop3A_329 = arith.index_cast %parallel_loop3A_302 : i32 to index
        %parallel_loop3A_330 = arith.constant 16 : index
        %parallel_loop3A_331 = tpu.vector_load %arg12[%parallel_loop3A_328, %parallel_loop3A_329, %parallel_loop3A_330] {strides = array<i32>} : memref<2x80x48xf32, #tpu.memory_space<vmem>>, vector<16xf32>,
        tpu.vector_store %arg12[%parallel_loop3A_328, %parallel_loop3A_329, %parallel_loop3A_330], %parallel_loop3A_327 {strides = array<i32>} : memref<2x80x48xf32, #tpu.memory_space<vmem>>, vector<16xf32>,
        %parallel_loop3A_332 = arith.index_cast %and3A_179 : i32 to index
        %parallel_loop3A_333 = arith.index_cast %parallel_loop3A_302 : i32 to index
        %parallel_loop3A_334 = arith.constant 32 : index
        %parallel_loop3A_335 = tpu.vector_load %arg10[%parallel_loop3A_332, %parallel_loop3A_333, %parallel_loop3A_334] {strides = array<i32>} : memref<2x80x48xf32, #tpu.memory_space<vmem>>, vector<16xf32>,
        %parallel_loop3A_336 = arith.mulf %parallel_loop3A_335, %parallel_loop3A_307 : vector<16xf32>
        %parallel_loop3A_337 = arith.index_cast %and3A_179 : i32 to index
        %parallel_loop3A_338 = arith.index_cast %parallel_loop3A_302 : i32 to index
        %parallel_loop3A_339 = arith.constant 32 : index
        %parallel_loop3A_340 = tpu.vector_load %arg12[%parallel_loop3A_337, %parallel_loop3A_338, %parallel_loop3A_339] {strides = array<i32>} : memref<2x80x48xf32, #tpu.memory_space<vmem>>, vector<16xf32>,
        tpu.vector_store %arg12[%parallel_loop3A_337, %parallel_loop3A_338, %parallel_loop3A_339], %parallel_loop3A_336 {strides = array<i32>} : memref<2x80x48xf32, #tpu.memory_space<vmem>>, vector<16xf32>,
        %parallel_loop3A_341 = arith.constant 16 : i32
        %parallel_loop3A_342 = arith.muli %parallel_loop3A_242, %parallel_loop3A_341 : i32
        %parallel_loop3A_343 = arith.constant 2 : i32
        %parallel_loop3A_344 = arith.addi %parallel_loop3A_342, %parallel_loop3A_343 : i32
        %parallel_loop3A_345 = arith.constant 2 : i32
        %parallel_loop3A_346 = vector.broadcast %parallel_loop3A_345 : i32 to vector<16xi32>
        %parallel_loop3A_347 = vector.shape_cast %parallel_loop3A_346 : vector<16xi32> to vector<16x1xi32>
        %parallel_loop3A_348 = vector.shape_cast %parallel_loop3A_347 : vector<16x1xi32> to vector<16xi32>
        %parallel_loop3A_349 = tpu.dynamic_gather %parallel_loop3A_256[%parallel_loop3A_348] in [0] : vector<16xf32>, vector<16xi32> -> vector<16xf32>
        %parallel_loop3A_350 = arith.index_cast %and3A_179 : i32 to index
        %parallel_loop3A_351 = arith.index_cast %parallel_loop3A_344 : i32 to index
        %parallel_loop3A_352 = arith.constant 0 : index
        %parallel_loop3A_353 = tpu.vector_load %arg10[%parallel_loop3A_350, %parallel_loop3A_351, %parallel_loop3A_352] {strides = array<i32>} : memref<2x80x48xf32, #tpu.memory_space<vmem>>, vector<16xf32>,
        %parallel_loop3A_354 = arith.constant 0 : i32
        %parallel_loop3A_355 = vector.broadcast %parallel_loop3A_354 : i32 to vector<16xi32>
        %parallel_loop3A_356 = arith.cmpi eq, %iota3A, %parallel_loop3A_355 : vector<16xi32>
        %parallel_loop3A_357 = arith.constant 1.000000e+00 : f32
        %parallel_loop3A_358 = vector.broadcast %parallel_loop3A_357 : f32 to vector<16xf32>
        %parallel_loop3A_359 = arith.select %parallel_loop3A_356, %parallel_loop3A_358, %parallel_loop3A_353 : vector<16xi1>, vector<16xf32>
        %parallel_loop3A_360 = arith.mulf %parallel_loop3A_359, %parallel_loop3A_349 : vector<16xf32>
        %parallel_loop3A_361 = arith.index_cast %and3A_179 : i32 to index
        %parallel_loop3A_362 = arith.index_cast %parallel_loop3A_344 : i32 to index
        %parallel_loop3A_363 = arith.constant 0 : index
        %parallel_loop3A_364 = tpu.vector_load %arg12[%parallel_loop3A_361, %parallel_loop3A_362, %parallel_loop3A_363] {strides = array<i32>} : memref<2x80x48xf32, #tpu.memory_space<vmem>>, vector<16xf32>,
        tpu.vector_store %arg12[%parallel_loop3A_361, %parallel_loop3A_362, %parallel_loop3A_363], %parallel_loop3A_360 {strides = array<i32>} : memref<2x80x48xf32, #tpu.memory_space<vmem>>, vector<16xf32>,
        %parallel_loop3A_365 = arith.index_cast %and3A_179 : i32 to index
        %parallel_loop3A_366 = arith.index_cast %parallel_loop3A_344 : i32 to index
        %parallel_loop3A_367 = arith.constant 16 : index
        %parallel_loop3A_368 = tpu.vector_load %arg10[%parallel_loop3A_365, %parallel_loop3A_366, %parallel_loop3A_367] {strides = array<i32>} : memref<2x80x48xf32, #tpu.memory_space<vmem>>, vector<16xf32>,
        %parallel_loop3A_369 = arith.mulf %parallel_loop3A_368, %parallel_loop3A_349 : vector<16xf32>
        %parallel_loop3A_370 = arith.index_cast %and3A_179 : i32 to index
        %parallel_loop3A_371 = arith.index_cast %parallel_loop3A_344 : i32 to index
        %parallel_loop3A_372 = arith.constant 16 : index
        %parallel_loop3A_373 = tpu.vector_load %arg12[%parallel_loop3A_370, %parallel_loop3A_371, %parallel_loop3A_372] {strides = array<i32>} : memref<2x80x48xf32, #tpu.memory_space<vmem>>, vector<16xf32>,
        tpu.vector_store %arg12[%parallel_loop3A_370, %parallel_loop3A_371, %parallel_loop3A_372], %parallel_loop3A_369 {strides = array<i32>} : memref<2x80x48xf32, #tpu.memory_space<vmem>>, vector<16xf32>,
        %parallel_loop3A_374 = arith.index_cast %and3A_179 : i32 to index
        %parallel_loop3A_375 = arith.index_cast %parallel_loop3A_344 : i32 to index
        %parallel_loop3A_376 = arith.constant 32 : index
        %parallel_loop3A_377 = tpu.vector_load %arg10[%parallel_loop3A_374, %parallel_loop3A_375, %parallel_loop3A_376] {strides = array<i32>} : memref<2x80x48xf32, #tpu.memory_space<vmem>>, vector<16xf32>,
        %parallel_loop3A_378 = arith.mulf %parallel_loop3A_377, %parallel_loop3A_349 : vector<16xf32>
        %parallel_loop3A_379 = arith.index_cast %and3A_179 : i32 to index
        %parallel_loop3A_380 = arith.index_cast %parallel_loop3A_344 : i32 to index
        %parallel_loop3A_381 = arith.constant 32 : index
        %parallel_loop3A_382 = tpu.vector_load %arg12[%parallel_loop3A_379, %parallel_loop3A_380, %parallel_loop3A_381] {strides = array<i32>} : memref<2x80x48xf32, #tpu.memory_space<vmem>>, vector<16xf32>,
        tpu.vector_store %arg12[%parallel_loop3A_379, %parallel_loop3A_380, %parallel_loop3A_381], %parallel_loop3A_378 {strides = array<i32>} : memref<2x80x48xf32, #tpu.memory_space<vmem>>, vector<16xf32>,
        %parallel_loop3A_383 = arith.constant 16 : i32
        %parallel_loop3A_384 = arith.muli %parallel_loop3A_242, %parallel_loop3A_383 : i32
        %parallel_loop3A_385 = arith.constant 3 : i32
        %parallel_loop3A_386 = arith.addi %parallel_loop3A_384, %parallel_loop3A_385 : i32
        %parallel_loop3A_387 = arith.constant 3 : i32
        %parallel_loop3A_388 = vector.broadcast %parallel_loop3A_387 : i32 to vector<16xi32>
        %parallel_loop3A_389 = vector.shape_cast %parallel_loop3A_388 : vector<16xi32> to vector<16x1xi32>
        %parallel_loop3A_390 = vector.shape_cast %parallel_loop3A_389 : vector<16x1xi32> to vector<16xi32>
        %parallel_loop3A_391 = tpu.dynamic_gather %parallel_loop3A_256[%parallel_loop3A_390] in [0] : vector<16xf32>, vector<16xi32> -> vector<16xf32>
        %parallel_loop3A_392 = arith.index_cast %and3A_179 : i32 to index
        %parallel_loop3A_393 = arith.index_cast %parallel_loop3A_386 : i32 to index
        %parallel_loop3A_394 = arith.constant 0 : index
        %parallel_loop3A_395 = tpu.vector_load %arg10[%parallel_loop3A_392, %parallel_loop3A_393, %parallel_loop3A_394] {strides = array<i32>} : memref<2x80x48xf32, #tpu.memory_space<vmem>>, vector<16xf32>,
        %parallel_loop3A_396 = arith.constant 0 : i32
        %parallel_loop3A_397 = vector.broadcast %parallel_loop3A_396 : i32 to vector<16xi32>
        %parallel_loop3A_398 = arith.cmpi eq, %iota3A, %parallel_loop3A_397 : vector<16xi32>
        %parallel_loop3A_399 = arith.constant 1.000000e+00 : f32
        %parallel_loop3A_400 = vector.broadcast %parallel_loop3A_399 : f32 to vector<16xf32>
        %parallel_loop3A_401 = arith.select %parallel_loop3A_398, %parallel_loop3A_400, %parallel_loop3A_395 : vector<16xi1>, vector<16xf32>
        %parallel_loop3A_402 = arith.mulf %parallel_loop3A_401, %parallel_loop3A_391 : vector<16xf32>
        %parallel_loop3A_403 = arith.index_cast %and3A_179 : i32 to index
        %parallel_loop3A_404 = arith.index_cast %parallel_loop3A_386 : i32 to index
        %parallel_loop3A_405 = arith.constant 0 : index
        %parallel_loop3A_406 = tpu.vector_load %arg12[%parallel_loop3A_403, %parallel_loop3A_404, %parallel_loop3A_405] {strides = array<i32>} : memref<2x80x48xf32, #tpu.memory_space<vmem>>, vector<16xf32>,
        tpu.vector_store %arg12[%parallel_loop3A_403, %parallel_loop3A_404, %parallel_loop3A_405], %parallel_loop3A_402 {strides = array<i32>} : memref<2x80x48xf32, #tpu.memory_space<vmem>>, vector<16xf32>,
        %parallel_loop3A_407 = arith.index_cast %and3A_179 : i32 to index
        %parallel_loop3A_408 = arith.index_cast %parallel_loop3A_386 : i32 to index
        %parallel_loop3A_409 = arith.constant 16 : index
        %parallel_loop3A_410 = tpu.vector_load %arg10[%parallel_loop3A_407, %parallel_loop3A_408, %parallel_loop3A_409] {strides = array<i32>} : memref<2x80x48xf32, #tpu.memory_space<vmem>>, vector<16xf32>,
        %parallel_loop3A_411 = arith.mulf %parallel_loop3A_410, %parallel_loop3A_391 : vector<16xf32>
        %parallel_loop3A_412 = arith.index_cast %and3A_179 : i32 to index
        %parallel_loop3A_413 = arith.index_cast %parallel_loop3A_386 : i32 to index
        %parallel_loop3A_414 = arith.constant 16 : index
        %parallel_loop3A_415 = tpu.vector_load %arg12[%parallel_loop3A_412, %parallel_loop3A_413, %parallel_loop3A_414] {strides = array<i32>} : memref<2x80x48xf32, #tpu.memory_space<vmem>>, vector<16xf32>,
        tpu.vector_store %arg12[%parallel_loop3A_412, %parallel_loop3A_413, %parallel_loop3A_414], %parallel_loop3A_411 {strides = array<i32>} : memref<2x80x48xf32, #tpu.memory_space<vmem>>, vector<16xf32>,
        %parallel_loop3A_416 = arith.index_cast %and3A_179 : i32 to index
        %parallel_loop3A_417 = arith.index_cast %parallel_loop3A_386 : i32 to index
        %parallel_loop3A_418 = arith.constant 32 : index
        %parallel_loop3A_419 = tpu.vector_load %arg10[%parallel_loop3A_416, %parallel_loop3A_417, %parallel_loop3A_418] {strides = array<i32>} : memref<2x80x48xf32, #tpu.memory_space<vmem>>, vector<16xf32>,
        %parallel_loop3A_420 = arith.mulf %parallel_loop3A_419, %parallel_loop3A_391 : vector<16xf32>
        %parallel_loop3A_421 = arith.index_cast %and3A_179 : i32 to index
        %parallel_loop3A_422 = arith.index_cast %parallel_loop3A_386 : i32 to index
        %parallel_loop3A_423 = arith.constant 32 : index
        %parallel_loop3A_424 = tpu.vector_load %arg12[%parallel_loop3A_421, %parallel_loop3A_422, %parallel_loop3A_423] {strides = array<i32>} : memref<2x80x48xf32, #tpu.memory_space<vmem>>, vector<16xf32>,
        tpu.vector_store %arg12[%parallel_loop3A_421, %parallel_loop3A_422, %parallel_loop3A_423], %parallel_loop3A_420 {strides = array<i32>} : memref<2x80x48xf32, #tpu.memory_space<vmem>>, vector<16xf32>,
        %parallel_loop3A_425 = arith.constant 16 : i32
        %parallel_loop3A_426 = arith.muli %parallel_loop3A_242, %parallel_loop3A_425 : i32
        %parallel_loop3A_427 = arith.constant 4 : i32
        %parallel_loop3A_428 = arith.addi %parallel_loop3A_426, %parallel_loop3A_427 : i32
        %parallel_loop3A_429 = arith.constant 4 : i32
        %parallel_loop3A_430 = vector.broadcast %parallel_loop3A_429 : i32 to vector<16xi32>
        %parallel_loop3A_431 = vector.shape_cast %parallel_loop3A_430 : vector<16xi32> to vector<16x1xi32>
        %parallel_loop3A_432 = vector.shape_cast %parallel_loop3A_431 : vector<16x1xi32> to vector<16xi32>
        %parallel_loop3A_433 = tpu.dynamic_gather %parallel_loop3A_256[%parallel_loop3A_432] in [0] : vector<16xf32>, vector<16xi32> -> vector<16xf32>
        %parallel_loop3A_434 = arith.index_cast %and3A_179 : i32 to index
        %parallel_loop3A_435 = arith.index_cast %parallel_loop3A_428 : i32 to index
        %parallel_loop3A_436 = arith.constant 0 : index
        %parallel_loop3A_437 = tpu.vector_load %arg10[%parallel_loop3A_434, %parallel_loop3A_435, %parallel_loop3A_436] {strides = array<i32>} : memref<2x80x48xf32, #tpu.memory_space<vmem>>, vector<16xf32>,
        %parallel_loop3A_438 = arith.constant 0 : i32
        %parallel_loop3A_439 = vector.broadcast %parallel_loop3A_438 : i32 to vector<16xi32>
        %parallel_loop3A_440 = arith.cmpi eq, %iota3A, %parallel_loop3A_439 : vector<16xi32>
        %parallel_loop3A_441 = arith.constant 1.000000e+00 : f32
        %parallel_loop3A_442 = vector.broadcast %parallel_loop3A_441 : f32 to vector<16xf32>
        %parallel_loop3A_443 = arith.select %parallel_loop3A_440, %parallel_loop3A_442, %parallel_loop3A_437 : vector<16xi1>, vector<16xf32>
        %parallel_loop3A_444 = arith.mulf %parallel_loop3A_443, %parallel_loop3A_433 : vector<16xf32>
        %parallel_loop3A_445 = arith.index_cast %and3A_179 : i32 to index
        %parallel_loop3A_446 = arith.index_cast %parallel_loop3A_428 : i32 to index
        %parallel_loop3A_447 = arith.constant 0 : index
        %parallel_loop3A_448 = tpu.vector_load %arg12[%parallel_loop3A_445, %parallel_loop3A_446, %parallel_loop3A_447] {strides = array<i32>} : memref<2x80x48xf32, #tpu.memory_space<vmem>>, vector<16xf32>,
        tpu.vector_store %arg12[%parallel_loop3A_445, %parallel_loop3A_446, %parallel_loop3A_447], %parallel_loop3A_444 {strides = array<i32>} : memref<2x80x48xf32, #tpu.memory_space<vmem>>, vector<16xf32>,
        %parallel_loop3A_449 = arith.index_cast %and3A_179 : i32 to index
        %parallel_loop3A_450 = arith.index_cast %parallel_loop3A_428 : i32 to index
        %parallel_loop3A_451 = arith.constant 16 : index
        %parallel_loop3A_452 = tpu.vector_load %arg10[%parallel_loop3A_449, %parallel_loop3A_450, %parallel_loop3A_451] {strides = array<i32>} : memref<2x80x48xf32, #tpu.memory_space<vmem>>, vector<16xf32>,
        %parallel_loop3A_453 = arith.mulf %parallel_loop3A_452, %parallel_loop3A_433 : vector<16xf32>
        %parallel_loop3A_454 = arith.index_cast %and3A_179 : i32 to index
        %parallel_loop3A_455 = arith.index_cast %parallel_loop3A_428 : i32 to index
        %parallel_loop3A_456 = arith.constant 16 : index
        %parallel_loop3A_457 = tpu.vector_load %arg12[%parallel_loop3A_454, %parallel_loop3A_455, %parallel_loop3A_456] {strides = array<i32>} : memref<2x80x48xf32, #tpu.memory_space<vmem>>, vector<16xf32>,
        tpu.vector_store %arg12[%parallel_loop3A_454, %parallel_loop3A_455, %parallel_loop3A_456], %parallel_loop3A_453 {strides = array<i32>} : memref<2x80x48xf32, #tpu.memory_space<vmem>>, vector<16xf32>,
        %parallel_loop3A_458 = arith.index_cast %and3A_179 : i32 to index
        %parallel_loop3A_459 = arith.index_cast %parallel_loop3A_428 : i32 to index
        %parallel_loop3A_460 = arith.constant 32 : index
        %parallel_loop3A_461 = tpu.vector_load %arg10[%parallel_loop3A_458, %parallel_loop3A_459, %parallel_loop3A_460] {strides = array<i32>} : memref<2x80x48xf32, #tpu.memory_space<vmem>>, vector<16xf32>,
        %parallel_loop3A_462 = arith.mulf %parallel_loop3A_461, %parallel_loop3A_433 : vector<16xf32>
        %parallel_loop3A_463 = arith.index_cast %and3A_179 : i32 to index
        %parallel_loop3A_464 = arith.index_cast %parallel_loop3A_428 : i32 to index
        %parallel_loop3A_465 = arith.constant 32 : index
        %parallel_loop3A_466 = tpu.vector_load %arg12[%parallel_loop3A_463, %parallel_loop3A_464, %parallel_loop3A_465] {strides = array<i32>} : memref<2x80x48xf32, #tpu.memory_space<vmem>>, vector<16xf32>,
        tpu.vector_store %arg12[%parallel_loop3A_463, %parallel_loop3A_464, %parallel_loop3A_465], %parallel_loop3A_462 {strides = array<i32>} : memref<2x80x48xf32, #tpu.memory_space<vmem>>, vector<16xf32>,
        %parallel_loop3A_467 = arith.constant 16 : i32
        %parallel_loop3A_468 = arith.muli %parallel_loop3A_242, %parallel_loop3A_467 : i32
        %parallel_loop3A_469 = arith.constant 5 : i32
        %parallel_loop3A_470 = arith.addi %parallel_loop3A_468, %parallel_loop3A_469 : i32
        %parallel_loop3A_471 = arith.constant 5 : i32
        %parallel_loop3A_472 = vector.broadcast %parallel_loop3A_471 : i32 to vector<16xi32>
        %parallel_loop3A_473 = vector.shape_cast %parallel_loop3A_472 : vector<16xi32> to vector<16x1xi32>
        %parallel_loop3A_474 = vector.shape_cast %parallel_loop3A_473 : vector<16x1xi32> to vector<16xi32>
        %parallel_loop3A_475 = tpu.dynamic_gather %parallel_loop3A_256[%parallel_loop3A_474] in [0] : vector<16xf32>, vector<16xi32> -> vector<16xf32>
        %parallel_loop3A_476 = arith.index_cast %and3A_179 : i32 to index
        %parallel_loop3A_477 = arith.index_cast %parallel_loop3A_470 : i32 to index
        %parallel_loop3A_478 = arith.constant 0 : index
        %parallel_loop3A_479 = tpu.vector_load %arg10[%parallel_loop3A_476, %parallel_loop3A_477, %parallel_loop3A_478] {strides = array<i32>} : memref<2x80x48xf32, #tpu.memory_space<vmem>>, vector<16xf32>,
        %parallel_loop3A_480 = arith.constant 0 : i32
        %parallel_loop3A_481 = vector.broadcast %parallel_loop3A_480 : i32 to vector<16xi32>
        %parallel_loop3A_482 = arith.cmpi eq, %iota3A, %parallel_loop3A_481 : vector<16xi32>
        %parallel_loop3A_483 = arith.constant 1.000000e+00 : f32
        %parallel_loop3A_484 = vector.broadcast %parallel_loop3A_483 : f32 to vector<16xf32>
        %parallel_loop3A_485 = arith.select %parallel_loop3A_482, %parallel_loop3A_484, %parallel_loop3A_479 : vector<16xi1>, vector<16xf32>
        %parallel_loop3A_486 = arith.mulf %parallel_loop3A_485, %parallel_loop3A_475 : vector<16xf32>
        %parallel_loop3A_487 = arith.index_cast %and3A_179 : i32 to index
        %parallel_loop3A_488 = arith.index_cast %parallel_loop3A_470 : i32 to index
        %parallel_loop3A_489 = arith.constant 0 : index
        %parallel_loop3A_490 = tpu.vector_load %arg12[%parallel_loop3A_487, %parallel_loop3A_488, %parallel_loop3A_489] {strides = array<i32>} : memref<2x80x48xf32, #tpu.memory_space<vmem>>, vector<16xf32>,
        tpu.vector_store %arg12[%parallel_loop3A_487, %parallel_loop3A_488, %parallel_loop3A_489], %parallel_loop3A_486 {strides = array<i32>} : memref<2x80x48xf32, #tpu.memory_space<vmem>>, vector<16xf32>,
        %parallel_loop3A_491 = arith.index_cast %and3A_179 : i32 to index
        %parallel_loop3A_492 = arith.index_cast %parallel_loop3A_470 : i32 to index
        %parallel_loop3A_493 = arith.constant 16 : index
        %parallel_loop3A_494 = tpu.vector_load %arg10[%parallel_loop3A_491, %parallel_loop3A_492, %parallel_loop3A_493] {strides = array<i32>} : memref<2x80x48xf32, #tpu.memory_space<vmem>>, vector<16xf32>,
        %parallel_loop3A_495 = arith.mulf %parallel_loop3A_494, %parallel_loop3A_475 : vector<16xf32>
        %parallel_loop3A_496 = arith.index_cast %and3A_179 : i32 to index
        %parallel_loop3A_497 = arith.index_cast %parallel_loop3A_470 : i32 to index
        %parallel_loop3A_498 = arith.constant 16 : index
        %parallel_loop3A_499 = tpu.vector_load %arg12[%parallel_loop3A_496, %parallel_loop3A_497, %parallel_loop3A_498] {strides = array<i32>} : memref<2x80x48xf32, #tpu.memory_space<vmem>>, vector<16xf32>,
        tpu.vector_store %arg12[%parallel_loop3A_496, %parallel_loop3A_497, %parallel_loop3A_498], %parallel_loop3A_495 {strides = array<i32>} : memref<2x80x48xf32, #tpu.memory_space<vmem>>, vector<16xf32>,
        %parallel_loop3A_500 = arith.index_cast %and3A_179 : i32 to index
        %parallel_loop3A_501 = arith.index_cast %parallel_loop3A_470 : i32 to index
        %parallel_loop3A_502 = arith.constant 32 : index
        %parallel_loop3A_503 = tpu.vector_load %arg10[%parallel_loop3A_500, %parallel_loop3A_501, %parallel_loop3A_502] {strides = array<i32>} : memref<2x80x48xf32, #tpu.memory_space<vmem>>, vector<16xf32>,
        %parallel_loop3A_504 = arith.mulf %parallel_loop3A_503, %parallel_loop3A_475 : vector<16xf32>
        %parallel_loop3A_505 = arith.index_cast %and3A_179 : i32 to index
        %parallel_loop3A_506 = arith.index_cast %parallel_loop3A_470 : i32 to index
        %parallel_loop3A_507 = arith.constant 32 : index
        %parallel_loop3A_508 = tpu.vector_load %arg12[%parallel_loop3A_505, %parallel_loop3A_506, %parallel_loop3A_507] {strides = array<i32>} : memref<2x80x48xf32, #tpu.memory_space<vmem>>, vector<16xf32>,
        tpu.vector_store %arg12[%parallel_loop3A_505, %parallel_loop3A_506, %parallel_loop3A_507], %parallel_loop3A_504 {strides = array<i32>} : memref<2x80x48xf32, #tpu.memory_space<vmem>>, vector<16xf32>,
        %parallel_loop3A_509 = arith.constant 16 : i32
        %parallel_loop3A_510 = arith.muli %parallel_loop3A_242, %parallel_loop3A_509 : i32
        %parallel_loop3A_511 = arith.constant 6 : i32
        %parallel_loop3A_512 = arith.addi %parallel_loop3A_510, %parallel_loop3A_511 : i32
        %parallel_loop3A_513 = arith.constant 6 : i32
        %parallel_loop3A_514 = vector.broadcast %parallel_loop3A_513 : i32 to vector<16xi32>
        %parallel_loop3A_515 = vector.shape_cast %parallel_loop3A_514 : vector<16xi32> to vector<16x1xi32>
        %parallel_loop3A_516 = vector.shape_cast %parallel_loop3A_515 : vector<16x1xi32> to vector<16xi32>
        %parallel_loop3A_517 = tpu.dynamic_gather %parallel_loop3A_256[%parallel_loop3A_516] in [0] : vector<16xf32>, vector<16xi32> -> vector<16xf32>
        %parallel_loop3A_518 = arith.index_cast %and3A_179 : i32 to index
        %parallel_loop3A_519 = arith.index_cast %parallel_loop3A_512 : i32 to index
        %parallel_loop3A_520 = arith.constant 0 : index
        %parallel_loop3A_521 = tpu.vector_load %arg10[%parallel_loop3A_518, %parallel_loop3A_519, %parallel_loop3A_520] {strides = array<i32>} : memref<2x80x48xf32, #tpu.memory_space<vmem>>, vector<16xf32>,
        %parallel_loop3A_522 = arith.constant 0 : i32
        %parallel_loop3A_523 = vector.broadcast %parallel_loop3A_522 : i32 to vector<16xi32>
        %parallel_loop3A_524 = arith.cmpi eq, %iota3A, %parallel_loop3A_523 : vector<16xi32>
        %parallel_loop3A_525 = arith.constant 1.000000e+00 : f32
        %parallel_loop3A_526 = vector.broadcast %parallel_loop3A_525 : f32 to vector<16xf32>
        %parallel_loop3A_527 = arith.select %parallel_loop3A_524, %parallel_loop3A_526, %parallel_loop3A_521 : vector<16xi1>, vector<16xf32>
        %parallel_loop3A_528 = arith.mulf %parallel_loop3A_527, %parallel_loop3A_517 : vector<16xf32>
        %parallel_loop3A_529 = arith.index_cast %and3A_179 : i32 to index
        %parallel_loop3A_530 = arith.index_cast %parallel_loop3A_512 : i32 to index
        %parallel_loop3A_531 = arith.constant 0 : index
        %parallel_loop3A_532 = tpu.vector_load %arg12[%parallel_loop3A_529, %parallel_loop3A_530, %parallel_loop3A_531] {strides = array<i32>} : memref<2x80x48xf32, #tpu.memory_space<vmem>>, vector<16xf32>,
        tpu.vector_store %arg12[%parallel_loop3A_529, %parallel_loop3A_530, %parallel_loop3A_531], %parallel_loop3A_528 {strides = array<i32>} : memref<2x80x48xf32, #tpu.memory_space<vmem>>, vector<16xf32>,
        %parallel_loop3A_533 = arith.index_cast %and3A_179 : i32 to index
        %parallel_loop3A_534 = arith.index_cast %parallel_loop3A_512 : i32 to index
        %parallel_loop3A_535 = arith.constant 16 : index
        %parallel_loop3A_536 = tpu.vector_load %arg10[%parallel_loop3A_533, %parallel_loop3A_534, %parallel_loop3A_535] {strides = array<i32>} : memref<2x80x48xf32, #tpu.memory_space<vmem>>, vector<16xf32>,
        %parallel_loop3A_537 = arith.mulf %parallel_loop3A_536, %parallel_loop3A_517 : vector<16xf32>
        %parallel_loop3A_538 = arith.index_cast %and3A_179 : i32 to index
        %parallel_loop3A_539 = arith.index_cast %parallel_loop3A_512 : i32 to index
        %parallel_loop3A_540 = arith.constant 16 : index
        %parallel_loop3A_541 = tpu.vector_load %arg12[%parallel_loop3A_538, %parallel_loop3A_539, %parallel_loop3A_540] {strides = array<i32>} : memref<2x80x48xf32, #tpu.memory_space<vmem>>, vector<16xf32>,
        tpu.vector_store %arg12[%parallel_loop3A_538, %parallel_loop3A_539, %parallel_loop3A_540], %parallel_loop3A_537 {strides = array<i32>} : memref<2x80x48xf32, #tpu.memory_space<vmem>>, vector<16xf32>,
        %parallel_loop3A_542 = arith.index_cast %and3A_179 : i32 to index
        %parallel_loop3A_543 = arith.index_cast %parallel_loop3A_512 : i32 to index
        %parallel_loop3A_544 = arith.constant 32 : index
        %parallel_loop3A_545 = tpu.vector_load %arg10[%parallel_loop3A_542, %parallel_loop3A_543, %parallel_loop3A_544] {strides = array<i32>} : memref<2x80x48xf32, #tpu.memory_space<vmem>>, vector<16xf32>,
        %parallel_loop3A_546 = arith.mulf %parallel_loop3A_545, %parallel_loop3A_517 : vector<16xf32>
        %parallel_loop3A_547 = arith.index_cast %and3A_179 : i32 to index
        %parallel_loop3A_548 = arith.index_cast %parallel_loop3A_512 : i32 to index
        %parallel_loop3A_549 = arith.constant 32 : index
        %parallel_loop3A_550 = tpu.vector_load %arg12[%parallel_loop3A_547, %parallel_loop3A_548, %parallel_loop3A_549] {strides = array<i32>} : memref<2x80x48xf32, #tpu.memory_space<vmem>>, vector<16xf32>,
        tpu.vector_store %arg12[%parallel_loop3A_547, %parallel_loop3A_548, %parallel_loop3A_549], %parallel_loop3A_546 {strides = array<i32>} : memref<2x80x48xf32, #tpu.memory_space<vmem>>, vector<16xf32>,
        %parallel_loop3A_551 = arith.constant 16 : i32
        %parallel_loop3A_552 = arith.muli %parallel_loop3A_242, %parallel_loop3A_551 : i32
        %parallel_loop3A_553 = arith.constant 7 : i32
        %parallel_loop3A_554 = arith.addi %parallel_loop3A_552, %parallel_loop3A_553 : i32
        %parallel_loop3A_555 = arith.constant 7 : i32
        %parallel_loop3A_556 = vector.broadcast %parallel_loop3A_555 : i32 to vector<16xi32>
        %parallel_loop3A_557 = vector.shape_cast %parallel_loop3A_556 : vector<16xi32> to vector<16x1xi32>
        %parallel_loop3A_558 = vector.shape_cast %parallel_loop3A_557 : vector<16x1xi32> to vector<16xi32>
        %parallel_loop3A_559 = tpu.dynamic_gather %parallel_loop3A_256[%parallel_loop3A_558] in [0] : vector<16xf32>, vector<16xi32> -> vector<16xf32>
        %parallel_loop3A_560 = arith.index_cast %and3A_179 : i32 to index
        %parallel_loop3A_561 = arith.index_cast %parallel_loop3A_554 : i32 to index
        %parallel_loop3A_562 = arith.constant 0 : index
        %parallel_loop3A_563 = tpu.vector_load %arg10[%parallel_loop3A_560, %parallel_loop3A_561, %parallel_loop3A_562] {strides = array<i32>} : memref<2x80x48xf32, #tpu.memory_space<vmem>>, vector<16xf32>,
        %parallel_loop3A_564 = arith.constant 0 : i32
        %parallel_loop3A_565 = vector.broadcast %parallel_loop3A_564 : i32 to vector<16xi32>
        %parallel_loop3A_566 = arith.cmpi eq, %iota3A, %parallel_loop3A_565 : vector<16xi32>
        %parallel_loop3A_567 = arith.constant 1.000000e+00 : f32
        %parallel_loop3A_568 = vector.broadcast %parallel_loop3A_567 : f32 to vector<16xf32>
        %parallel_loop3A_569 = arith.select %parallel_loop3A_566, %parallel_loop3A_568, %parallel_loop3A_563 : vector<16xi1>, vector<16xf32>
        %parallel_loop3A_570 = arith.mulf %parallel_loop3A_569, %parallel_loop3A_559 : vector<16xf32>
        %parallel_loop3A_571 = arith.index_cast %and3A_179 : i32 to index
        %parallel_loop3A_572 = arith.index_cast %parallel_loop3A_554 : i32 to index
        %parallel_loop3A_573 = arith.constant 0 : index
        %parallel_loop3A_574 = tpu.vector_load %arg12[%parallel_loop3A_571, %parallel_loop3A_572, %parallel_loop3A_573] {strides = array<i32>} : memref<2x80x48xf32, #tpu.memory_space<vmem>>, vector<16xf32>,
        tpu.vector_store %arg12[%parallel_loop3A_571, %parallel_loop3A_572, %parallel_loop3A_573], %parallel_loop3A_570 {strides = array<i32>} : memref<2x80x48xf32, #tpu.memory_space<vmem>>, vector<16xf32>,
        %parallel_loop3A_575 = arith.index_cast %and3A_179 : i32 to index
        %parallel_loop3A_576 = arith.index_cast %parallel_loop3A_554 : i32 to index
        %parallel_loop3A_577 = arith.constant 16 : index
        %parallel_loop3A_578 = tpu.vector_load %arg10[%parallel_loop3A_575, %parallel_loop3A_576, %parallel_loop3A_577] {strides = array<i32>} : memref<2x80x48xf32, #tpu.memory_space<vmem>>, vector<16xf32>,
        %parallel_loop3A_579 = arith.mulf %parallel_loop3A_578, %parallel_loop3A_559 : vector<16xf32>
        %parallel_loop3A_580 = arith.index_cast %and3A_179 : i32 to index
        %parallel_loop3A_581 = arith.index_cast %parallel_loop3A_554 : i32 to index
        %parallel_loop3A_582 = arith.constant 16 : index
        %parallel_loop3A_583 = tpu.vector_load %arg12[%parallel_loop3A_580, %parallel_loop3A_581, %parallel_loop3A_582] {strides = array<i32>} : memref<2x80x48xf32, #tpu.memory_space<vmem>>, vector<16xf32>,
        tpu.vector_store %arg12[%parallel_loop3A_580, %parallel_loop3A_581, %parallel_loop3A_582], %parallel_loop3A_579 {strides = array<i32>} : memref<2x80x48xf32, #tpu.memory_space<vmem>>, vector<16xf32>,
        %parallel_loop3A_584 = arith.index_cast %and3A_179 : i32 to index
        %parallel_loop3A_585 = arith.index_cast %parallel_loop3A_554 : i32 to index
        %parallel_loop3A_586 = arith.constant 32 : index
        %parallel_loop3A_587 = tpu.vector_load %arg10[%parallel_loop3A_584, %parallel_loop3A_585, %parallel_loop3A_586] {strides = array<i32>} : memref<2x80x48xf32, #tpu.memory_space<vmem>>, vector<16xf32>,
        %parallel_loop3A_588 = arith.mulf %parallel_loop3A_587, %parallel_loop3A_559 : vector<16xf32>
        %parallel_loop3A_589 = arith.index_cast %and3A_179 : i32 to index
        %parallel_loop3A_590 = arith.index_cast %parallel_loop3A_554 : i32 to index
        %parallel_loop3A_591 = arith.constant 32 : index
        %parallel_loop3A_592 = tpu.vector_load %arg12[%parallel_loop3A_589, %parallel_loop3A_590, %parallel_loop3A_591] {strides = array<i32>} : memref<2x80x48xf32, #tpu.memory_space<vmem>>, vector<16xf32>,
        tpu.vector_store %arg12[%parallel_loop3A_589, %parallel_loop3A_590, %parallel_loop3A_591], %parallel_loop3A_588 {strides = array<i32>} : memref<2x80x48xf32, #tpu.memory_space<vmem>>, vector<16xf32>,
        %parallel_loop3A_593 = arith.constant 16 : i32
        %parallel_loop3A_594 = arith.muli %parallel_loop3A_242, %parallel_loop3A_593 : i32
        %parallel_loop3A_595 = arith.constant 8 : i32
        %parallel_loop3A_596 = arith.addi %parallel_loop3A_594, %parallel_loop3A_595 : i32
        %parallel_loop3A_597 = arith.constant 8 : i32
        %parallel_loop3A_598 = vector.broadcast %parallel_loop3A_597 : i32 to vector<16xi32>
        %parallel_loop3A_599 = vector.shape_cast %parallel_loop3A_598 : vector<16xi32> to vector<16x1xi32>
        %parallel_loop3A_600 = vector.shape_cast %parallel_loop3A_599 : vector<16x1xi32> to vector<16xi32>
        %parallel_loop3A_601 = tpu.dynamic_gather %parallel_loop3A_256[%parallel_loop3A_600] in [0] : vector<16xf32>, vector<16xi32> -> vector<16xf32>
        %parallel_loop3A_602 = arith.index_cast %and3A_179 : i32 to index
        %parallel_loop3A_603 = arith.index_cast %parallel_loop3A_596 : i32 to index
        %parallel_loop3A_604 = arith.constant 0 : index
        %parallel_loop3A_605 = tpu.vector_load %arg10[%parallel_loop3A_602, %parallel_loop3A_603, %parallel_loop3A_604] {strides = array<i32>} : memref<2x80x48xf32, #tpu.memory_space<vmem>>, vector<16xf32>,
        %parallel_loop3A_606 = arith.constant 0 : i32
        %parallel_loop3A_607 = vector.broadcast %parallel_loop3A_606 : i32 to vector<16xi32>
        %parallel_loop3A_608 = arith.cmpi eq, %iota3A, %parallel_loop3A_607 : vector<16xi32>
        %parallel_loop3A_609 = arith.constant 1.000000e+00 : f32
        %parallel_loop3A_610 = vector.broadcast %parallel_loop3A_609 : f32 to vector<16xf32>
        %parallel_loop3A_611 = arith.select %parallel_loop3A_608, %parallel_loop3A_610, %parallel_loop3A_605 : vector<16xi1>, vector<16xf32>
        %parallel_loop3A_612 = arith.mulf %parallel_loop3A_611, %parallel_loop3A_601 : vector<16xf32>
        %parallel_loop3A_613 = arith.index_cast %and3A_179 : i32 to index
        %parallel_loop3A_614 = arith.index_cast %parallel_loop3A_596 : i32 to index
        %parallel_loop3A_615 = arith.constant 0 : index
        %parallel_loop3A_616 = tpu.vector_load %arg12[%parallel_loop3A_613, %parallel_loop3A_614, %parallel_loop3A_615] {strides = array<i32>} : memref<2x80x48xf32, #tpu.memory_space<vmem>>, vector<16xf32>,
        tpu.vector_store %arg12[%parallel_loop3A_613, %parallel_loop3A_614, %parallel_loop3A_615], %parallel_loop3A_612 {strides = array<i32>} : memref<2x80x48xf32, #tpu.memory_space<vmem>>, vector<16xf32>,
        %parallel_loop3A_617 = arith.index_cast %and3A_179 : i32 to index
        %parallel_loop3A_618 = arith.index_cast %parallel_loop3A_596 : i32 to index
        %parallel_loop3A_619 = arith.constant 16 : index
        %parallel_loop3A_620 = tpu.vector_load %arg10[%parallel_loop3A_617, %parallel_loop3A_618, %parallel_loop3A_619] {strides = array<i32>} : memref<2x80x48xf32, #tpu.memory_space<vmem>>, vector<16xf32>,
        %parallel_loop3A_621 = arith.mulf %parallel_loop3A_620, %parallel_loop3A_601 : vector<16xf32>
        %parallel_loop3A_622 = arith.index_cast %and3A_179 : i32 to index
        %parallel_loop3A_623 = arith.index_cast %parallel_loop3A_596 : i32 to index
        %parallel_loop3A_624 = arith.constant 16 : index
        %parallel_loop3A_625 = tpu.vector_load %arg12[%parallel_loop3A_622, %parallel_loop3A_623, %parallel_loop3A_624] {strides = array<i32>} : memref<2x80x48xf32, #tpu.memory_space<vmem>>, vector<16xf32>,
        tpu.vector_store %arg12[%parallel_loop3A_622, %parallel_loop3A_623, %parallel_loop3A_624], %parallel_loop3A_621 {strides = array<i32>} : memref<2x80x48xf32, #tpu.memory_space<vmem>>, vector<16xf32>,
        %parallel_loop3A_626 = arith.index_cast %and3A_179 : i32 to index
        %parallel_loop3A_627 = arith.index_cast %parallel_loop3A_596 : i32 to index
        %parallel_loop3A_628 = arith.constant 32 : index
        %parallel_loop3A_629 = tpu.vector_load %arg10[%parallel_loop3A_626, %parallel_loop3A_627, %parallel_loop3A_628] {strides = array<i32>} : memref<2x80x48xf32, #tpu.memory_space<vmem>>, vector<16xf32>,
        %parallel_loop3A_630 = arith.mulf %parallel_loop3A_629, %parallel_loop3A_601 : vector<16xf32>
        %parallel_loop3A_631 = arith.index_cast %and3A_179 : i32 to index
        %parallel_loop3A_632 = arith.index_cast %parallel_loop3A_596 : i32 to index
        %parallel_loop3A_633 = arith.constant 32 : index
        %parallel_loop3A_634 = tpu.vector_load %arg12[%parallel_loop3A_631, %parallel_loop3A_632, %parallel_loop3A_633] {strides = array<i32>} : memref<2x80x48xf32, #tpu.memory_space<vmem>>, vector<16xf32>,
        tpu.vector_store %arg12[%parallel_loop3A_631, %parallel_loop3A_632, %parallel_loop3A_633], %parallel_loop3A_630 {strides = array<i32>} : memref<2x80x48xf32, #tpu.memory_space<vmem>>, vector<16xf32>,
        %parallel_loop3A_635 = arith.constant 16 : i32
        %parallel_loop3A_636 = arith.muli %parallel_loop3A_242, %parallel_loop3A_635 : i32
        %parallel_loop3A_637 = arith.constant 9 : i32
        %parallel_loop3A_638 = arith.addi %parallel_loop3A_636, %parallel_loop3A_637 : i32
        %parallel_loop3A_639 = arith.constant 9 : i32
        %parallel_loop3A_640 = vector.broadcast %parallel_loop3A_639 : i32 to vector<16xi32>
        %parallel_loop3A_641 = vector.shape_cast %parallel_loop3A_640 : vector<16xi32> to vector<16x1xi32>
        %parallel_loop3A_642 = vector.shape_cast %parallel_loop3A_641 : vector<16x1xi32> to vector<16xi32>
        %parallel_loop3A_643 = tpu.dynamic_gather %parallel_loop3A_256[%parallel_loop3A_642] in [0] : vector<16xf32>, vector<16xi32> -> vector<16xf32>
        %parallel_loop3A_644 = arith.index_cast %and3A_179 : i32 to index
        %parallel_loop3A_645 = arith.index_cast %parallel_loop3A_638 : i32 to index
        %parallel_loop3A_646 = arith.constant 0 : index
        %parallel_loop3A_647 = tpu.vector_load %arg10[%parallel_loop3A_644, %parallel_loop3A_645, %parallel_loop3A_646] {strides = array<i32>} : memref<2x80x48xf32, #tpu.memory_space<vmem>>, vector<16xf32>,
        %parallel_loop3A_648 = arith.constant 0 : i32
        %parallel_loop3A_649 = vector.broadcast %parallel_loop3A_648 : i32 to vector<16xi32>
        %parallel_loop3A_650 = arith.cmpi eq, %iota3A, %parallel_loop3A_649 : vector<16xi32>
        %parallel_loop3A_651 = arith.constant 1.000000e+00 : f32
        %parallel_loop3A_652 = vector.broadcast %parallel_loop3A_651 : f32 to vector<16xf32>
        %parallel_loop3A_653 = arith.select %parallel_loop3A_650, %parallel_loop3A_652, %parallel_loop3A_647 : vector<16xi1>, vector<16xf32>
        %parallel_loop3A_654 = arith.mulf %parallel_loop3A_653, %parallel_loop3A_643 : vector<16xf32>
        %parallel_loop3A_655 = arith.index_cast %and3A_179 : i32 to index
        %parallel_loop3A_656 = arith.index_cast %parallel_loop3A_638 : i32 to index
        %parallel_loop3A_657 = arith.constant 0 : index
        %parallel_loop3A_658 = tpu.vector_load %arg12[%parallel_loop3A_655, %parallel_loop3A_656, %parallel_loop3A_657] {strides = array<i32>} : memref<2x80x48xf32, #tpu.memory_space<vmem>>, vector<16xf32>,
        tpu.vector_store %arg12[%parallel_loop3A_655, %parallel_loop3A_656, %parallel_loop3A_657], %parallel_loop3A_654 {strides = array<i32>} : memref<2x80x48xf32, #tpu.memory_space<vmem>>, vector<16xf32>,
        %parallel_loop3A_659 = arith.index_cast %and3A_179 : i32 to index
        %parallel_loop3A_660 = arith.index_cast %parallel_loop3A_638 : i32 to index
        %parallel_loop3A_661 = arith.constant 16 : index
        %parallel_loop3A_662 = tpu.vector_load %arg10[%parallel_loop3A_659, %parallel_loop3A_660, %parallel_loop3A_661] {strides = array<i32>} : memref<2x80x48xf32, #tpu.memory_space<vmem>>, vector<16xf32>,
        %parallel_loop3A_663 = arith.mulf %parallel_loop3A_662, %parallel_loop3A_643 : vector<16xf32>
        %parallel_loop3A_664 = arith.index_cast %and3A_179 : i32 to index
        %parallel_loop3A_665 = arith.index_cast %parallel_loop3A_638 : i32 to index
        %parallel_loop3A_666 = arith.constant 16 : index
        %parallel_loop3A_667 = tpu.vector_load %arg12[%parallel_loop3A_664, %parallel_loop3A_665, %parallel_loop3A_666] {strides = array<i32>} : memref<2x80x48xf32, #tpu.memory_space<vmem>>, vector<16xf32>,
        tpu.vector_store %arg12[%parallel_loop3A_664, %parallel_loop3A_665, %parallel_loop3A_666], %parallel_loop3A_663 {strides = array<i32>} : memref<2x80x48xf32, #tpu.memory_space<vmem>>, vector<16xf32>,
        %parallel_loop3A_668 = arith.index_cast %and3A_179 : i32 to index
        %parallel_loop3A_669 = arith.index_cast %parallel_loop3A_638 : i32 to index
        %parallel_loop3A_670 = arith.constant 32 : index
        %parallel_loop3A_671 = tpu.vector_load %arg10[%parallel_loop3A_668, %parallel_loop3A_669, %parallel_loop3A_670] {strides = array<i32>} : memref<2x80x48xf32, #tpu.memory_space<vmem>>, vector<16xf32>,
        %parallel_loop3A_672 = arith.mulf %parallel_loop3A_671, %parallel_loop3A_643 : vector<16xf32>
        %parallel_loop3A_673 = arith.index_cast %and3A_179 : i32 to index
        %parallel_loop3A_674 = arith.index_cast %parallel_loop3A_638 : i32 to index
        %parallel_loop3A_675 = arith.constant 32 : index
        %parallel_loop3A_676 = tpu.vector_load %arg12[%parallel_loop3A_673, %parallel_loop3A_674, %parallel_loop3A_675] {strides = array<i32>} : memref<2x80x48xf32, #tpu.memory_space<vmem>>, vector<16xf32>,
        tpu.vector_store %arg12[%parallel_loop3A_673, %parallel_loop3A_674, %parallel_loop3A_675], %parallel_loop3A_672 {strides = array<i32>} : memref<2x80x48xf32, #tpu.memory_space<vmem>>, vector<16xf32>,
        %parallel_loop3A_677 = arith.constant 16 : i32
        %parallel_loop3A_678 = arith.muli %parallel_loop3A_242, %parallel_loop3A_677 : i32
        %parallel_loop3A_679 = arith.constant 10 : i32
        %parallel_loop3A_680 = arith.addi %parallel_loop3A_678, %parallel_loop3A_679 : i32
        %parallel_loop3A_681 = arith.constant 10 : i32
        %parallel_loop3A_682 = vector.broadcast %parallel_loop3A_681 : i32 to vector<16xi32>
        %parallel_loop3A_683 = vector.shape_cast %parallel_loop3A_682 : vector<16xi32> to vector<16x1xi32>
        %parallel_loop3A_684 = vector.shape_cast %parallel_loop3A_683 : vector<16x1xi32> to vector<16xi32>
        %parallel_loop3A_685 = tpu.dynamic_gather %parallel_loop3A_256[%parallel_loop3A_684] in [0] : vector<16xf32>, vector<16xi32> -> vector<16xf32>
        %parallel_loop3A_686 = arith.index_cast %and3A_179 : i32 to index
        %parallel_loop3A_687 = arith.index_cast %parallel_loop3A_680 : i32 to index
        %parallel_loop3A_688 = arith.constant 0 : index
        %parallel_loop3A_689 = tpu.vector_load %arg10[%parallel_loop3A_686, %parallel_loop3A_687, %parallel_loop3A_688] {strides = array<i32>} : memref<2x80x48xf32, #tpu.memory_space<vmem>>, vector<16xf32>,
        %parallel_loop3A_690 = arith.constant 0 : i32
        %parallel_loop3A_691 = vector.broadcast %parallel_loop3A_690 : i32 to vector<16xi32>
        %parallel_loop3A_692 = arith.cmpi eq, %iota3A, %parallel_loop3A_691 : vector<16xi32>
        %parallel_loop3A_693 = arith.constant 1.000000e+00 : f32
        %parallel_loop3A_694 = vector.broadcast %parallel_loop3A_693 : f32 to vector<16xf32>
        %parallel_loop3A_695 = arith.select %parallel_loop3A_692, %parallel_loop3A_694, %parallel_loop3A_689 : vector<16xi1>, vector<16xf32>
        %parallel_loop3A_696 = arith.mulf %parallel_loop3A_695, %parallel_loop3A_685 : vector<16xf32>
        %parallel_loop3A_697 = arith.index_cast %and3A_179 : i32 to index
        %parallel_loop3A_698 = arith.index_cast %parallel_loop3A_680 : i32 to index
        %parallel_loop3A_699 = arith.constant 0 : index
        %parallel_loop3A_700 = tpu.vector_load %arg12[%parallel_loop3A_697, %parallel_loop3A_698, %parallel_loop3A_699] {strides = array<i32>} : memref<2x80x48xf32, #tpu.memory_space<vmem>>, vector<16xf32>,
        tpu.vector_store %arg12[%parallel_loop3A_697, %parallel_loop3A_698, %parallel_loop3A_699], %parallel_loop3A_696 {strides = array<i32>} : memref<2x80x48xf32, #tpu.memory_space<vmem>>, vector<16xf32>,
        %parallel_loop3A_701 = arith.index_cast %and3A_179 : i32 to index
        %parallel_loop3A_702 = arith.index_cast %parallel_loop3A_680 : i32 to index
        %parallel_loop3A_703 = arith.constant 16 : index
        %parallel_loop3A_704 = tpu.vector_load %arg10[%parallel_loop3A_701, %parallel_loop3A_702, %parallel_loop3A_703] {strides = array<i32>} : memref<2x80x48xf32, #tpu.memory_space<vmem>>, vector<16xf32>,
        %parallel_loop3A_705 = arith.mulf %parallel_loop3A_704, %parallel_loop3A_685 : vector<16xf32>
        %parallel_loop3A_706 = arith.index_cast %and3A_179 : i32 to index
        %parallel_loop3A_707 = arith.index_cast %parallel_loop3A_680 : i32 to index
        %parallel_loop3A_708 = arith.constant 16 : index
        %parallel_loop3A_709 = tpu.vector_load %arg12[%parallel_loop3A_706, %parallel_loop3A_707, %parallel_loop3A_708] {strides = array<i32>} : memref<2x80x48xf32, #tpu.memory_space<vmem>>, vector<16xf32>,
        tpu.vector_store %arg12[%parallel_loop3A_706, %parallel_loop3A_707, %parallel_loop3A_708], %parallel_loop3A_705 {strides = array<i32>} : memref<2x80x48xf32, #tpu.memory_space<vmem>>, vector<16xf32>,
        %parallel_loop3A_710 = arith.index_cast %and3A_179 : i32 to index
        %parallel_loop3A_711 = arith.index_cast %parallel_loop3A_680 : i32 to index
        %parallel_loop3A_712 = arith.constant 32 : index
        %parallel_loop3A_713 = tpu.vector_load %arg10[%parallel_loop3A_710, %parallel_loop3A_711, %parallel_loop3A_712] {strides = array<i32>} : memref<2x80x48xf32, #tpu.memory_space<vmem>>, vector<16xf32>,
        %parallel_loop3A_714 = arith.mulf %parallel_loop3A_713, %parallel_loop3A_685 : vector<16xf32>
        %parallel_loop3A_715 = arith.index_cast %and3A_179 : i32 to index
        %parallel_loop3A_716 = arith.index_cast %parallel_loop3A_680 : i32 to index
        %parallel_loop3A_717 = arith.constant 32 : index
        %parallel_loop3A_718 = tpu.vector_load %arg12[%parallel_loop3A_715, %parallel_loop3A_716, %parallel_loop3A_717] {strides = array<i32>} : memref<2x80x48xf32, #tpu.memory_space<vmem>>, vector<16xf32>,
        tpu.vector_store %arg12[%parallel_loop3A_715, %parallel_loop3A_716, %parallel_loop3A_717], %parallel_loop3A_714 {strides = array<i32>} : memref<2x80x48xf32, #tpu.memory_space<vmem>>, vector<16xf32>,
        %parallel_loop3A_719 = arith.constant 16 : i32
        %parallel_loop3A_720 = arith.muli %parallel_loop3A_242, %parallel_loop3A_719 : i32
        %parallel_loop3A_721 = arith.constant 11 : i32
        %parallel_loop3A_722 = arith.addi %parallel_loop3A_720, %parallel_loop3A_721 : i32
        %parallel_loop3A_723 = arith.constant 11 : i32
        %parallel_loop3A_724 = vector.broadcast %parallel_loop3A_723 : i32 to vector<16xi32>
        %parallel_loop3A_725 = vector.shape_cast %parallel_loop3A_724 : vector<16xi32> to vector<16x1xi32>
        %parallel_loop3A_726 = vector.shape_cast %parallel_loop3A_725 : vector<16x1xi32> to vector<16xi32>
        %parallel_loop3A_727 = tpu.dynamic_gather %parallel_loop3A_256[%parallel_loop3A_726] in [0] : vector<16xf32>, vector<16xi32> -> vector<16xf32>
        %parallel_loop3A_728 = arith.index_cast %and3A_179 : i32 to index
        %parallel_loop3A_729 = arith.index_cast %parallel_loop3A_722 : i32 to index
        %parallel_loop3A_730 = arith.constant 0 : index
        %parallel_loop3A_731 = tpu.vector_load %arg10[%parallel_loop3A_728, %parallel_loop3A_729, %parallel_loop3A_730] {strides = array<i32>} : memref<2x80x48xf32, #tpu.memory_space<vmem>>, vector<16xf32>,
        %parallel_loop3A_732 = arith.constant 0 : i32
        %parallel_loop3A_733 = vector.broadcast %parallel_loop3A_732 : i32 to vector<16xi32>
        %parallel_loop3A_734 = arith.cmpi eq, %iota3A, %parallel_loop3A_733 : vector<16xi32>
        %parallel_loop3A_735 = arith.constant 1.000000e+00 : f32
        %parallel_loop3A_736 = vector.broadcast %parallel_loop3A_735 : f32 to vector<16xf32>
        %parallel_loop3A_737 = arith.select %parallel_loop3A_734, %parallel_loop3A_736, %parallel_loop3A_731 : vector<16xi1>, vector<16xf32>
        %parallel_loop3A_738 = arith.mulf %parallel_loop3A_737, %parallel_loop3A_727 : vector<16xf32>
        %parallel_loop3A_739 = arith.index_cast %and3A_179 : i32 to index
        %parallel_loop3A_740 = arith.index_cast %parallel_loop3A_722 : i32 to index
        %parallel_loop3A_741 = arith.constant 0 : index
        %parallel_loop3A_742 = tpu.vector_load %arg12[%parallel_loop3A_739, %parallel_loop3A_740, %parallel_loop3A_741] {strides = array<i32>} : memref<2x80x48xf32, #tpu.memory_space<vmem>>, vector<16xf32>,
        tpu.vector_store %arg12[%parallel_loop3A_739, %parallel_loop3A_740, %parallel_loop3A_741], %parallel_loop3A_738 {strides = array<i32>} : memref<2x80x48xf32, #tpu.memory_space<vmem>>, vector<16xf32>,
        %parallel_loop3A_743 = arith.index_cast %and3A_179 : i32 to index
        %parallel_loop3A_744 = arith.index_cast %parallel_loop3A_722 : i32 to index
        %parallel_loop3A_745 = arith.constant 16 : index
        %parallel_loop3A_746 = tpu.vector_load %arg10[%parallel_loop3A_743, %parallel_loop3A_744, %parallel_loop3A_745] {strides = array<i32>} : memref<2x80x48xf32, #tpu.memory_space<vmem>>, vector<16xf32>,
        %parallel_loop3A_747 = arith.mulf %parallel_loop3A_746, %parallel_loop3A_727 : vector<16xf32>
        %parallel_loop3A_748 = arith.index_cast %and3A_179 : i32 to index
        %parallel_loop3A_749 = arith.index_cast %parallel_loop3A_722 : i32 to index
        %parallel_loop3A_750 = arith.constant 16 : index
        %parallel_loop3A_751 = tpu.vector_load %arg12[%parallel_loop3A_748, %parallel_loop3A_749, %parallel_loop3A_750] {strides = array<i32>} : memref<2x80x48xf32, #tpu.memory_space<vmem>>, vector<16xf32>,
        tpu.vector_store %arg12[%parallel_loop3A_748, %parallel_loop3A_749, %parallel_loop3A_750], %parallel_loop3A_747 {strides = array<i32>} : memref<2x80x48xf32, #tpu.memory_space<vmem>>, vector<16xf32>,
        %parallel_loop3A_752 = arith.index_cast %and3A_179 : i32 to index
        %parallel_loop3A_753 = arith.index_cast %parallel_loop3A_722 : i32 to index
        %parallel_loop3A_754 = arith.constant 32 : index
        %parallel_loop3A_755 = tpu.vector_load %arg10[%parallel_loop3A_752, %parallel_loop3A_753, %parallel_loop3A_754] {strides = array<i32>} : memref<2x80x48xf32, #tpu.memory_space<vmem>>, vector<16xf32>,
        %parallel_loop3A_756 = arith.mulf %parallel_loop3A_755, %parallel_loop3A_727 : vector<16xf32>
        %parallel_loop3A_757 = arith.index_cast %and3A_179 : i32 to index
        %parallel_loop3A_758 = arith.index_cast %parallel_loop3A_722 : i32 to index
        %parallel_loop3A_759 = arith.constant 32 : index
        %parallel_loop3A_760 = tpu.vector_load %arg12[%parallel_loop3A_757, %parallel_loop3A_758, %parallel_loop3A_759] {strides = array<i32>} : memref<2x80x48xf32, #tpu.memory_space<vmem>>, vector<16xf32>,
        tpu.vector_store %arg12[%parallel_loop3A_757, %parallel_loop3A_758, %parallel_loop3A_759], %parallel_loop3A_756 {strides = array<i32>} : memref<2x80x48xf32, #tpu.memory_space<vmem>>, vector<16xf32>,
        %parallel_loop3A_761 = arith.constant 16 : i32
        %parallel_loop3A_762 = arith.muli %parallel_loop3A_242, %parallel_loop3A_761 : i32
        %parallel_loop3A_763 = arith.constant 12 : i32
        %parallel_loop3A_764 = arith.addi %parallel_loop3A_762, %parallel_loop3A_763 : i32
        %parallel_loop3A_765 = arith.constant 12 : i32
        %parallel_loop3A_766 = vector.broadcast %parallel_loop3A_765 : i32 to vector<16xi32>
        %parallel_loop3A_767 = vector.shape_cast %parallel_loop3A_766 : vector<16xi32> to vector<16x1xi32>
        %parallel_loop3A_768 = vector.shape_cast %parallel_loop3A_767 : vector<16x1xi32> to vector<16xi32>
        %parallel_loop3A_769 = tpu.dynamic_gather %parallel_loop3A_256[%parallel_loop3A_768] in [0] : vector<16xf32>, vector<16xi32> -> vector<16xf32>
        %parallel_loop3A_770 = arith.index_cast %and3A_179 : i32 to index
        %parallel_loop3A_771 = arith.index_cast %parallel_loop3A_764 : i32 to index
        %parallel_loop3A_772 = arith.constant 0 : index
        %parallel_loop3A_773 = tpu.vector_load %arg10[%parallel_loop3A_770, %parallel_loop3A_771, %parallel_loop3A_772] {strides = array<i32>} : memref<2x80x48xf32, #tpu.memory_space<vmem>>, vector<16xf32>,
        %parallel_loop3A_774 = arith.constant 0 : i32
        %parallel_loop3A_775 = vector.broadcast %parallel_loop3A_774 : i32 to vector<16xi32>
        %parallel_loop3A_776 = arith.cmpi eq, %iota3A, %parallel_loop3A_775 : vector<16xi32>
        %parallel_loop3A_777 = arith.constant 1.000000e+00 : f32
        %parallel_loop3A_778 = vector.broadcast %parallel_loop3A_777 : f32 to vector<16xf32>
        %parallel_loop3A_779 = arith.select %parallel_loop3A_776, %parallel_loop3A_778, %parallel_loop3A_773 : vector<16xi1>, vector<16xf32>
        %parallel_loop3A_780 = arith.mulf %parallel_loop3A_779, %parallel_loop3A_769 : vector<16xf32>
        %parallel_loop3A_781 = arith.index_cast %and3A_179 : i32 to index
        %parallel_loop3A_782 = arith.index_cast %parallel_loop3A_764 : i32 to index
        %parallel_loop3A_783 = arith.constant 0 : index
        %parallel_loop3A_784 = tpu.vector_load %arg12[%parallel_loop3A_781, %parallel_loop3A_782, %parallel_loop3A_783] {strides = array<i32>} : memref<2x80x48xf32, #tpu.memory_space<vmem>>, vector<16xf32>,
        tpu.vector_store %arg12[%parallel_loop3A_781, %parallel_loop3A_782, %parallel_loop3A_783], %parallel_loop3A_780 {strides = array<i32>} : memref<2x80x48xf32, #tpu.memory_space<vmem>>, vector<16xf32>,
        %parallel_loop3A_785 = arith.index_cast %and3A_179 : i32 to index
        %parallel_loop3A_786 = arith.index_cast %parallel_loop3A_764 : i32 to index
        %parallel_loop3A_787 = arith.constant 16 : index
        %parallel_loop3A_788 = tpu.vector_load %arg10[%parallel_loop3A_785, %parallel_loop3A_786, %parallel_loop3A_787] {strides = array<i32>} : memref<2x80x48xf32, #tpu.memory_space<vmem>>, vector<16xf32>,
        %parallel_loop3A_789 = arith.mulf %parallel_loop3A_788, %parallel_loop3A_769 : vector<16xf32>
        %parallel_loop3A_790 = arith.index_cast %and3A_179 : i32 to index
        %parallel_loop3A_791 = arith.index_cast %parallel_loop3A_764 : i32 to index
        %parallel_loop3A_792 = arith.constant 16 : index
        %parallel_loop3A_793 = tpu.vector_load %arg12[%parallel_loop3A_790, %parallel_loop3A_791, %parallel_loop3A_792] {strides = array<i32>} : memref<2x80x48xf32, #tpu.memory_space<vmem>>, vector<16xf32>,
        tpu.vector_store %arg12[%parallel_loop3A_790, %parallel_loop3A_791, %parallel_loop3A_792], %parallel_loop3A_789 {strides = array<i32>} : memref<2x80x48xf32, #tpu.memory_space<vmem>>, vector<16xf32>,
        %parallel_loop3A_794 = arith.index_cast %and3A_179 : i32 to index
        %parallel_loop3A_795 = arith.index_cast %parallel_loop3A_764 : i32 to index
        %parallel_loop3A_796 = arith.constant 32 : index
        %parallel_loop3A_797 = tpu.vector_load %arg10[%parallel_loop3A_794, %parallel_loop3A_795, %parallel_loop3A_796] {strides = array<i32>} : memref<2x80x48xf32, #tpu.memory_space<vmem>>, vector<16xf32>,
        %parallel_loop3A_798 = arith.mulf %parallel_loop3A_797, %parallel_loop3A_769 : vector<16xf32>
        %parallel_loop3A_799 = arith.index_cast %and3A_179 : i32 to index
        %parallel_loop3A_800 = arith.index_cast %parallel_loop3A_764 : i32 to index
        %parallel_loop3A_801 = arith.constant 32 : index
        %parallel_loop3A_802 = tpu.vector_load %arg12[%parallel_loop3A_799, %parallel_loop3A_800, %parallel_loop3A_801] {strides = array<i32>} : memref<2x80x48xf32, #tpu.memory_space<vmem>>, vector<16xf32>,
        tpu.vector_store %arg12[%parallel_loop3A_799, %parallel_loop3A_800, %parallel_loop3A_801], %parallel_loop3A_798 {strides = array<i32>} : memref<2x80x48xf32, #tpu.memory_space<vmem>>, vector<16xf32>,
        %parallel_loop3A_803 = arith.constant 16 : i32
        %parallel_loop3A_804 = arith.muli %parallel_loop3A_242, %parallel_loop3A_803 : i32
        %parallel_loop3A_805 = arith.constant 13 : i32
        %parallel_loop3A_806 = arith.addi %parallel_loop3A_804, %parallel_loop3A_805 : i32
        %parallel_loop3A_807 = arith.constant 13 : i32
        %parallel_loop3A_808 = vector.broadcast %parallel_loop3A_807 : i32 to vector<16xi32>
        %parallel_loop3A_809 = vector.shape_cast %parallel_loop3A_808 : vector<16xi32> to vector<16x1xi32>
        %parallel_loop3A_810 = vector.shape_cast %parallel_loop3A_809 : vector<16x1xi32> to vector<16xi32>
        %parallel_loop3A_811 = tpu.dynamic_gather %parallel_loop3A_256[%parallel_loop3A_810] in [0] : vector<16xf32>, vector<16xi32> -> vector<16xf32>
        %parallel_loop3A_812 = arith.index_cast %and3A_179 : i32 to index
        %parallel_loop3A_813 = arith.index_cast %parallel_loop3A_806 : i32 to index
        %parallel_loop3A_814 = arith.constant 0 : index
        %parallel_loop3A_815 = tpu.vector_load %arg10[%parallel_loop3A_812, %parallel_loop3A_813, %parallel_loop3A_814] {strides = array<i32>} : memref<2x80x48xf32, #tpu.memory_space<vmem>>, vector<16xf32>,
        %parallel_loop3A_816 = arith.constant 0 : i32
        %parallel_loop3A_817 = vector.broadcast %parallel_loop3A_816 : i32 to vector<16xi32>
        %parallel_loop3A_818 = arith.cmpi eq, %iota3A, %parallel_loop3A_817 : vector<16xi32>
        %parallel_loop3A_819 = arith.constant 1.000000e+00 : f32
        %parallel_loop3A_820 = vector.broadcast %parallel_loop3A_819 : f32 to vector<16xf32>
        %parallel_loop3A_821 = arith.select %parallel_loop3A_818, %parallel_loop3A_820, %parallel_loop3A_815 : vector<16xi1>, vector<16xf32>
        %parallel_loop3A_822 = arith.mulf %parallel_loop3A_821, %parallel_loop3A_811 : vector<16xf32>
        %parallel_loop3A_823 = arith.index_cast %and3A_179 : i32 to index
        %parallel_loop3A_824 = arith.index_cast %parallel_loop3A_806 : i32 to index
        %parallel_loop3A_825 = arith.constant 0 : index
        %parallel_loop3A_826 = tpu.vector_load %arg12[%parallel_loop3A_823, %parallel_loop3A_824, %parallel_loop3A_825] {strides = array<i32>} : memref<2x80x48xf32, #tpu.memory_space<vmem>>, vector<16xf32>,
        tpu.vector_store %arg12[%parallel_loop3A_823, %parallel_loop3A_824, %parallel_loop3A_825], %parallel_loop3A_822 {strides = array<i32>} : memref<2x80x48xf32, #tpu.memory_space<vmem>>, vector<16xf32>,
        %parallel_loop3A_827 = arith.index_cast %and3A_179 : i32 to index
        %parallel_loop3A_828 = arith.index_cast %parallel_loop3A_806 : i32 to index
        %parallel_loop3A_829 = arith.constant 16 : index
        %parallel_loop3A_830 = tpu.vector_load %arg10[%parallel_loop3A_827, %parallel_loop3A_828, %parallel_loop3A_829] {strides = array<i32>} : memref<2x80x48xf32, #tpu.memory_space<vmem>>, vector<16xf32>,
        %parallel_loop3A_831 = arith.mulf %parallel_loop3A_830, %parallel_loop3A_811 : vector<16xf32>
        %parallel_loop3A_832 = arith.index_cast %and3A_179 : i32 to index
        %parallel_loop3A_833 = arith.index_cast %parallel_loop3A_806 : i32 to index
        %parallel_loop3A_834 = arith.constant 16 : index
        %parallel_loop3A_835 = tpu.vector_load %arg12[%parallel_loop3A_832, %parallel_loop3A_833, %parallel_loop3A_834] {strides = array<i32>} : memref<2x80x48xf32, #tpu.memory_space<vmem>>, vector<16xf32>,
        tpu.vector_store %arg12[%parallel_loop3A_832, %parallel_loop3A_833, %parallel_loop3A_834], %parallel_loop3A_831 {strides = array<i32>} : memref<2x80x48xf32, #tpu.memory_space<vmem>>, vector<16xf32>,
        %parallel_loop3A_836 = arith.index_cast %and3A_179 : i32 to index
        %parallel_loop3A_837 = arith.index_cast %parallel_loop3A_806 : i32 to index
        %parallel_loop3A_838 = arith.constant 32 : index
        %parallel_loop3A_839 = tpu.vector_load %arg10[%parallel_loop3A_836, %parallel_loop3A_837, %parallel_loop3A_838] {strides = array<i32>} : memref<2x80x48xf32, #tpu.memory_space<vmem>>, vector<16xf32>,
        %parallel_loop3A_840 = arith.mulf %parallel_loop3A_839, %parallel_loop3A_811 : vector<16xf32>
        %parallel_loop3A_841 = arith.index_cast %and3A_179 : i32 to index
        %parallel_loop3A_842 = arith.index_cast %parallel_loop3A_806 : i32 to index
        %parallel_loop3A_843 = arith.constant 32 : index
        %parallel_loop3A_844 = tpu.vector_load %arg12[%parallel_loop3A_841, %parallel_loop3A_842, %parallel_loop3A_843] {strides = array<i32>} : memref<2x80x48xf32, #tpu.memory_space<vmem>>, vector<16xf32>,
        tpu.vector_store %arg12[%parallel_loop3A_841, %parallel_loop3A_842, %parallel_loop3A_843], %parallel_loop3A_840 {strides = array<i32>} : memref<2x80x48xf32, #tpu.memory_space<vmem>>, vector<16xf32>,
        %parallel_loop3A_845 = arith.constant 16 : i32
        %parallel_loop3A_846 = arith.muli %parallel_loop3A_242, %parallel_loop3A_845 : i32
        %parallel_loop3A_847 = arith.constant 14 : i32
        %parallel_loop3A_848 = arith.addi %parallel_loop3A_846, %parallel_loop3A_847 : i32
        %parallel_loop3A_849 = arith.constant 14 : i32
        %parallel_loop3A_850 = vector.broadcast %parallel_loop3A_849 : i32 to vector<16xi32>
        %parallel_loop3A_851 = vector.shape_cast %parallel_loop3A_850 : vector<16xi32> to vector<16x1xi32>
        %parallel_loop3A_852 = vector.shape_cast %parallel_loop3A_851 : vector<16x1xi32> to vector<16xi32>
        %parallel_loop3A_853 = tpu.dynamic_gather %parallel_loop3A_256[%parallel_loop3A_852] in [0] : vector<16xf32>, vector<16xi32> -> vector<16xf32>
        %parallel_loop3A_854 = arith.index_cast %and3A_179 : i32 to index
        %parallel_loop3A_855 = arith.index_cast %parallel_loop3A_848 : i32 to index
        %parallel_loop3A_856 = arith.constant 0 : index
        %parallel_loop3A_857 = tpu.vector_load %arg10[%parallel_loop3A_854, %parallel_loop3A_855, %parallel_loop3A_856] {strides = array<i32>} : memref<2x80x48xf32, #tpu.memory_space<vmem>>, vector<16xf32>,
        %parallel_loop3A_858 = arith.constant 0 : i32
        %parallel_loop3A_859 = vector.broadcast %parallel_loop3A_858 : i32 to vector<16xi32>
        %parallel_loop3A_860 = arith.cmpi eq, %iota3A, %parallel_loop3A_859 : vector<16xi32>
        %parallel_loop3A_861 = arith.constant 1.000000e+00 : f32
        %parallel_loop3A_862 = vector.broadcast %parallel_loop3A_861 : f32 to vector<16xf32>
        %parallel_loop3A_863 = arith.select %parallel_loop3A_860, %parallel_loop3A_862, %parallel_loop3A_857 : vector<16xi1>, vector<16xf32>
        %parallel_loop3A_864 = arith.mulf %parallel_loop3A_863, %parallel_loop3A_853 : vector<16xf32>
        %parallel_loop3A_865 = arith.index_cast %and3A_179 : i32 to index
        %parallel_loop3A_866 = arith.index_cast %parallel_loop3A_848 : i32 to index
        %parallel_loop3A_867 = arith.constant 0 : index
        %parallel_loop3A_868 = tpu.vector_load %arg12[%parallel_loop3A_865, %parallel_loop3A_866, %parallel_loop3A_867] {strides = array<i32>} : memref<2x80x48xf32, #tpu.memory_space<vmem>>, vector<16xf32>,
        tpu.vector_store %arg12[%parallel_loop3A_865, %parallel_loop3A_866, %parallel_loop3A_867], %parallel_loop3A_864 {strides = array<i32>} : memref<2x80x48xf32, #tpu.memory_space<vmem>>, vector<16xf32>,
        %parallel_loop3A_869 = arith.index_cast %and3A_179 : i32 to index
        %parallel_loop3A_870 = arith.index_cast %parallel_loop3A_848 : i32 to index
        %parallel_loop3A_871 = arith.constant 16 : index
        %parallel_loop3A_872 = tpu.vector_load %arg10[%parallel_loop3A_869, %parallel_loop3A_870, %parallel_loop3A_871] {strides = array<i32>} : memref<2x80x48xf32, #tpu.memory_space<vmem>>, vector<16xf32>,
        %parallel_loop3A_873 = arith.mulf %parallel_loop3A_872, %parallel_loop3A_853 : vector<16xf32>
        %parallel_loop3A_874 = arith.index_cast %and3A_179 : i32 to index
        %parallel_loop3A_875 = arith.index_cast %parallel_loop3A_848 : i32 to index
        %parallel_loop3A_876 = arith.constant 16 : index
        %parallel_loop3A_877 = tpu.vector_load %arg12[%parallel_loop3A_874, %parallel_loop3A_875, %parallel_loop3A_876] {strides = array<i32>} : memref<2x80x48xf32, #tpu.memory_space<vmem>>, vector<16xf32>,
        tpu.vector_store %arg12[%parallel_loop3A_874, %parallel_loop3A_875, %parallel_loop3A_876], %parallel_loop3A_873 {strides = array<i32>} : memref<2x80x48xf32, #tpu.memory_space<vmem>>, vector<16xf32>,
        %parallel_loop3A_878 = arith.index_cast %and3A_179 : i32 to index
        %parallel_loop3A_879 = arith.index_cast %parallel_loop3A_848 : i32 to index
        %parallel_loop3A_880 = arith.constant 32 : index
        %parallel_loop3A_881 = tpu.vector_load %arg10[%parallel_loop3A_878, %parallel_loop3A_879, %parallel_loop3A_880] {strides = array<i32>} : memref<2x80x48xf32, #tpu.memory_space<vmem>>, vector<16xf32>,
        %parallel_loop3A_882 = arith.mulf %parallel_loop3A_881, %parallel_loop3A_853 : vector<16xf32>
        %parallel_loop3A_883 = arith.index_cast %and3A_179 : i32 to index
        %parallel_loop3A_884 = arith.index_cast %parallel_loop3A_848 : i32 to index
        %parallel_loop3A_885 = arith.constant 32 : index
        %parallel_loop3A_886 = tpu.vector_load %arg12[%parallel_loop3A_883, %parallel_loop3A_884, %parallel_loop3A_885] {strides = array<i32>} : memref<2x80x48xf32, #tpu.memory_space<vmem>>, vector<16xf32>,
        tpu.vector_store %arg12[%parallel_loop3A_883, %parallel_loop3A_884, %parallel_loop3A_885], %parallel_loop3A_882 {strides = array<i32>} : memref<2x80x48xf32, #tpu.memory_space<vmem>>, vector<16xf32>,
        %parallel_loop3A_887 = arith.constant 16 : i32
        %parallel_loop3A_888 = arith.muli %parallel_loop3A_242, %parallel_loop3A_887 : i32
        %parallel_loop3A_889 = arith.constant 15 : i32
        %parallel_loop3A_890 = arith.addi %parallel_loop3A_888, %parallel_loop3A_889 : i32
        %parallel_loop3A_891 = arith.constant 15 : i32
        %parallel_loop3A_892 = vector.broadcast %parallel_loop3A_891 : i32 to vector<16xi32>
        %parallel_loop3A_893 = vector.shape_cast %parallel_loop3A_892 : vector<16xi32> to vector<16x1xi32>
        %parallel_loop3A_894 = vector.shape_cast %parallel_loop3A_893 : vector<16x1xi32> to vector<16xi32>
        %parallel_loop3A_895 = tpu.dynamic_gather %parallel_loop3A_256[%parallel_loop3A_894] in [0] : vector<16xf32>, vector<16xi32> -> vector<16xf32>
        %parallel_loop3A_896 = arith.index_cast %and3A_179 : i32 to index
        %parallel_loop3A_897 = arith.index_cast %parallel_loop3A_890 : i32 to index
        %parallel_loop3A_898 = arith.constant 0 : index
        %parallel_loop3A_899 = tpu.vector_load %arg10[%parallel_loop3A_896, %parallel_loop3A_897, %parallel_loop3A_898] {strides = array<i32>} : memref<2x80x48xf32, #tpu.memory_space<vmem>>, vector<16xf32>,
        %parallel_loop3A_900 = arith.constant 0 : i32
        %parallel_loop3A_901 = vector.broadcast %parallel_loop3A_900 : i32 to vector<16xi32>
        %parallel_loop3A_902 = arith.cmpi eq, %iota3A, %parallel_loop3A_901 : vector<16xi32>
        %parallel_loop3A_903 = arith.constant 1.000000e+00 : f32
        %parallel_loop3A_904 = vector.broadcast %parallel_loop3A_903 : f32 to vector<16xf32>
        %parallel_loop3A_905 = arith.select %parallel_loop3A_902, %parallel_loop3A_904, %parallel_loop3A_899 : vector<16xi1>, vector<16xf32>
        %parallel_loop3A_906 = arith.mulf %parallel_loop3A_905, %parallel_loop3A_895 : vector<16xf32>
        %parallel_loop3A_907 = arith.index_cast %and3A_179 : i32 to index
        %parallel_loop3A_908 = arith.index_cast %parallel_loop3A_890 : i32 to index
        %parallel_loop3A_909 = arith.constant 0 : index
        %parallel_loop3A_910 = tpu.vector_load %arg12[%parallel_loop3A_907, %parallel_loop3A_908, %parallel_loop3A_909] {strides = array<i32>} : memref<2x80x48xf32, #tpu.memory_space<vmem>>, vector<16xf32>,
        tpu.vector_store %arg12[%parallel_loop3A_907, %parallel_loop3A_908, %parallel_loop3A_909], %parallel_loop3A_906 {strides = array<i32>} : memref<2x80x48xf32, #tpu.memory_space<vmem>>, vector<16xf32>,
        %parallel_loop3A_911 = arith.index_cast %and3A_179 : i32 to index
        %parallel_loop3A_912 = arith.index_cast %parallel_loop3A_890 : i32 to index
        %parallel_loop3A_913 = arith.constant 16 : index
        %parallel_loop3A_914 = tpu.vector_load %arg10[%parallel_loop3A_911, %parallel_loop3A_912, %parallel_loop3A_913] {strides = array<i32>} : memref<2x80x48xf32, #tpu.memory_space<vmem>>, vector<16xf32>,
        %parallel_loop3A_915 = arith.mulf %parallel_loop3A_914, %parallel_loop3A_895 : vector<16xf32>
        %parallel_loop3A_916 = arith.index_cast %and3A_179 : i32 to index
        %parallel_loop3A_917 = arith.index_cast %parallel_loop3A_890 : i32 to index
        %parallel_loop3A_918 = arith.constant 16 : index
        %parallel_loop3A_919 = tpu.vector_load %arg12[%parallel_loop3A_916, %parallel_loop3A_917, %parallel_loop3A_918] {strides = array<i32>} : memref<2x80x48xf32, #tpu.memory_space<vmem>>, vector<16xf32>,
        tpu.vector_store %arg12[%parallel_loop3A_916, %parallel_loop3A_917, %parallel_loop3A_918], %parallel_loop3A_915 {strides = array<i32>} : memref<2x80x48xf32, #tpu.memory_space<vmem>>, vector<16xf32>,
        %parallel_loop3A_920 = arith.index_cast %and3A_179 : i32 to index
        %parallel_loop3A_921 = arith.index_cast %parallel_loop3A_890 : i32 to index
        %parallel_loop3A_922 = arith.constant 32 : index
        %parallel_loop3A_923 = tpu.vector_load %arg10[%parallel_loop3A_920, %parallel_loop3A_921, %parallel_loop3A_922] {strides = array<i32>} : memref<2x80x48xf32, #tpu.memory_space<vmem>>, vector<16xf32>,
        %parallel_loop3A_924 = arith.mulf %parallel_loop3A_923, %parallel_loop3A_895 : vector<16xf32>
        %parallel_loop3A_925 = arith.index_cast %and3A_179 : i32 to index
        %parallel_loop3A_926 = arith.index_cast %parallel_loop3A_890 : i32 to index
        %parallel_loop3A_927 = arith.constant 32 : index
        %parallel_loop3A_928 = tpu.vector_load %arg12[%parallel_loop3A_925, %parallel_loop3A_926, %parallel_loop3A_927] {strides = array<i32>} : memref<2x80x48xf32, #tpu.memory_space<vmem>>, vector<16xf32>,
        tpu.vector_store %arg12[%parallel_loop3A_925, %parallel_loop3A_926, %parallel_loop3A_927], %parallel_loop3A_924 {strides = array<i32>} : memref<2x80x48xf32, #tpu.memory_space<vmem>>, vector<16xf32>,
      } {sc.loop_unroll_factor = 2 : i64, sc.parallel_access}
      %dma_start3A_229 = arith.constant 0 : i32
      %dma_start3A_230 = arith.constant 0 : i32
      %dma_start3A_231 = tpu.memref_slice %arg12[%and3A_179, %dma_start3A_229, %dma_start3A_230] : memref<2x80x48xf32, #tpu.memory_space<vmem>> -> memref<1x80x48xf32, #tpu.memory_space<vmem>>
      %dma_start3A_232 = tpu.memref_squeeze %dma_start3A_231 : memref<1x80x48xf32, #tpu.memory_space<vmem>> -> memref<80x48xf32, #tpu.memory_space<vmem>>
      %dma_start3A_233 = arith.constant 0 : i32
      %dma_start3A_234 = tpu.memref_slice %arg9[%and3A_218, %dma_start3A_233] : memref<4x80xi32, #tpu.memory_space<vmem>> -> memref<1x80xi32, #tpu.memory_space<vmem>>
      %dma_start3A_235 = tpu.memref_squeeze %dma_start3A_234 : memref<1x80xi32, #tpu.memory_space<vmem>> -> memref<80xi32, #tpu.memory_space<vmem>>
      %dma_start3A_236 = arith.constant 0 : i32
      %dma_start3A_237 = arith.constant 0 : i32
      %dma_start3A_238 = tpu.memref_slice %arg13[%dma_start3A_236, %dma_start3A_237] : memref<10000x48xf32, #tpu.memory_space<vmem_shared>> -> memref<10000x48xf32, #tpu.memory_space<vmem_shared>>
      %dma_start3A_239 = tpu.memref_slice %arg17[%and3A_179] : memref<2x!tpu.dma_semaphore, #tpu.memory_space<semaphore_mem>> -> memref<1x!tpu.dma_semaphore, #tpu.memory_space<semaphore_mem>>
      %dma_start3A_240 = tpu.memref_squeeze %dma_start3A_239 : memref<1x!tpu.dma_semaphore, #tpu.memory_space<semaphore_mem>> -> memref<!tpu.dma_semaphore, #tpu.memory_space<semaphore_mem>>
      tpu.enqueue_indirect_dma source(%dma_start3A_232 : memref<80x48xf32, #tpu.memory_space<vmem>>) target(%dma_start3A_238 : memref<10000x48xf32, #tpu.memory_space<vmem_shared>>) offsets(%dma_start3A_235 : memref<80xi32, #tpu.memory_space<vmem>>) semaphore(%dma_start3A_240 : memref<!tpu.dma_semaphore, #tpu.memory_space<semaphore_mem>>) {add = true}
      %scan3A_241 = arith.constant 0 : i32
      scf.yield %scan3A_241 : i32
    }
    %scan3A_135 = arith.constant 125 : i32
    %and3A_136 = arith.constant 123 : i32
    %and3A_137 = arith.constant 3 : i32
    %and3A_138 = arith.andi %and3A_136, %and3A_137 : i32
    %and3A_139 = arith.constant 123 : i32
    %and3A_140 = arith.constant 1 : i32
    %and3A_141 = arith.andi %and3A_139, %and3A_140 : i32
    %dma_wait3A_142 = arith.constant 0 : i32
    %dma_wait3A_143 = arith.constant 0 : i32
    %dma_wait3A_144 = tpu.memref_slice %arg12[%and3A_141, %dma_wait3A_142, %dma_wait3A_143] : memref<2x80x48xf32, #tpu.memory_space<vmem>> -> memref<1x80x48xf32, #tpu.memory_space<vmem>>
    %dma_wait3A_145 = tpu.memref_squeeze %dma_wait3A_144 : memref<1x80x48xf32, #tpu.memory_space<vmem>> -> memref<80x48xf32, #tpu.memory_space<vmem>>
    %dma_wait3A_146 = arith.constant 0 : i32
    %dma_wait3A_147 = tpu.memref_slice %arg9[%and3A_138, %dma_wait3A_146] : memref<4x80xi32, #tpu.memory_space<vmem>> -> memref<1x80xi32, #tpu.memory_space<vmem>>
    %dma_wait3A_148 = tpu.memref_squeeze %dma_wait3A_147 : memref<1x80xi32, #tpu.memory_space<vmem>> -> memref<80xi32, #tpu.memory_space<vmem>>
    %dma_wait3A_149 = arith.constant 0 : i32
    %dma_wait3A_150 = arith.constant 0 : i32
    %dma_wait3A_151 = tpu.memref_slice %arg13[%dma_wait3A_149, %dma_wait3A_150] : memref<10000x48xf32, #tpu.memory_space<vmem_shared>> -> memref<10000x48xf32, #tpu.memory_space<vmem_shared>>
    %dma_wait3A_152 = tpu.memref_slice %arg17[%and3A_141] : memref<2x!tpu.dma_semaphore, #tpu.memory_space<semaphore_mem>> -> memref<1x!tpu.dma_semaphore, #tpu.memory_space<semaphore_mem>>
    %dma_wait3A_153 = tpu.memref_squeeze %dma_wait3A_152 : memref<1x!tpu.dma_semaphore, #tpu.memory_space<semaphore_mem>> -> memref<!tpu.dma_semaphore, #tpu.memory_space<semaphore_mem>>
    tpu.wait_indirect_dma semaphore(%dma_wait3A_153 : memref<!tpu.dma_semaphore, #tpu.memory_space<semaphore_mem>>) src(%dma_wait3A_145 : memref<80x48xf32, #tpu.memory_space<vmem>>) dst(%dma_wait3A_151 : memref<10000x48xf32, #tpu.memory_space<vmem_shared>>)
    %and3A_154 = arith.constant 124 : i32
    %and3A_155 = arith.constant 3 : i32
    %and3A_156 = arith.andi %and3A_154, %and3A_155 : i32
    %and3A_157 = arith.constant 124 : i32
    %and3A_158 = arith.constant 1 : i32
    %and3A_159 = arith.andi %and3A_157, %and3A_158 : i32
    %dma_wait3A_160 = arith.constant 0 : i32
    %dma_wait3A_161 = arith.constant 0 : i32
    %dma_wait3A_162 = tpu.memref_slice %arg12[%and3A_159, %dma_wait3A_160, %dma_wait3A_161] : memref<2x80x48xf32, #tpu.memory_space<vmem>> -> memref<1x80x48xf32, #tpu.memory_space<vmem>>
    %dma_wait3A_163 = tpu.memref_squeeze %dma_wait3A_162 : memref<1x80x48xf32, #tpu.memory_space<vmem>> -> memref<80x48xf32, #tpu.memory_space<vmem>>
    %dma_wait3A_164 = arith.constant 0 : i32
    %dma_wait3A_165 = tpu.memref_slice %arg9[%and3A_156, %dma_wait3A_164] : memref<4x80xi32, #tpu.memory_space<vmem>> -> memref<1x80xi32, #tpu.memory_space<vmem>>
    %dma_wait3A_166 = tpu.memref_squeeze %dma_wait3A_165 : memref<1x80xi32, #tpu.memory_space<vmem>> -> memref<80xi32, #tpu.memory_space<vmem>>
    %dma_wait3A_167 = arith.constant 0 : i32
    %dma_wait3A_168 = arith.constant 0 : i32
    %dma_wait3A_169 = tpu.memref_slice %arg13[%dma_wait3A_167, %dma_wait3A_168] : memref<10000x48xf32, #tpu.memory_space<vmem_shared>> -> memref<10000x48xf32, #tpu.memory_space<vmem_shared>>
    %dma_wait3A_170 = tpu.memref_slice %arg17[%and3A_159] : memref<2x!tpu.dma_semaphore, #tpu.memory_space<semaphore_mem>> -> memref<1x!tpu.dma_semaphore, #tpu.memory_space<semaphore_mem>>
    %dma_wait3A_171 = tpu.memref_squeeze %dma_wait3A_170 : memref<1x!tpu.dma_semaphore, #tpu.memory_space<semaphore_mem>> -> memref<!tpu.dma_semaphore, #tpu.memory_space<semaphore_mem>>
    tpu.wait_indirect_dma semaphore(%dma_wait3A_171 : memref<!tpu.dma_semaphore, #tpu.memory_space<semaphore_mem>>) src(%dma_wait3A_163 : memref<80x48xf32, #tpu.memory_space<vmem>>) dst(%dma_wait3A_169 : memref<10000x48xf32, #tpu.memory_space<vmem_shared>>)
    %barrier3A_172 = arith.constant 0 : index
    tpu.barrier barrier_id(%barrier3A_172)
    %mul3A_173 = arith.constant 10000 : i32
    %mul3A_174 = arith.muli %arg0, %mul3A_173 : i32
    %add3A_175 = arith.addi %mul3A_174, %mul3A_2 : i32
    "tpu.region"() ({
      %run_scoped3A = tpu.sem_alloc : memref<!tpu.dma_semaphore, #tpu.memory_space<semaphore_mem>>
      %dma_start3A_176 = arith.constant 0 : i32
      %dma_start3A_177 = tpu.memref_slice %arg7[%add3A_175, %dma_start3A_176] : memref<20000x48xf32, #tpu.memory_space<hbm>> -> memref<625x48xf32, #tpu.memory_space<hbm>>
      %dma_start3A_178 = arith.constant 0 : i32
      %dma_start3A_179 = tpu.memref_slice %arg13[%mul3A_2, %dma_start3A_178] : memref<10000x48xf32, #tpu.memory_space<vmem_shared>> -> memref<625x48xf32, #tpu.memory_space<vmem_shared>>
      tpu.enqueue_dma source(%dma_start3A_179 : memref<625x48xf32, #tpu.memory_space<vmem_shared>>) target(%dma_start3A_177 : memref<625x48xf32, #tpu.memory_space<hbm>>) target_semaphore(%run_scoped3A : memref<!tpu.dma_semaphore, #tpu.memory_space<semaphore_mem>>)
      %dma_wait3A_180 = arith.constant 0 : i32
      %dma_wait3A_181 = tpu.memref_slice %arg7[%add3A_175, %dma_wait3A_180] : memref<20000x48xf32, #tpu.memory_space<hbm>> -> memref<625x48xf32, #tpu.memory_space<hbm>>
      %dma_wait3A_182 = arith.constant 0 : i32
      %dma_wait3A_183 = tpu.memref_slice %arg13[%mul3A_2, %dma_wait3A_182] : memref<10000x48xf32, #tpu.memory_space<vmem_shared>> -> memref<625x48xf32, #tpu.memory_space<vmem_shared>>
      tpu.wait_dma2 semaphore(%run_scoped3A : memref<!tpu.dma_semaphore, #tpu.memory_space<semaphore_mem>>) src(%dma_wait3A_183 : memref<625x48xf32, #tpu.memory_space<vmem_shared>>) dst(%dma_wait3A_181 : memref<625x48xf32, #tpu.memory_space<hbm>>)
      tpu.yield
    }) : () -> ()
    return
  }
}

module attributes {stable_mosaic.version = 14 : i64} {
  func.func @body(%arg0: i32, %arg1: memref<1000x128xf32, #tpu.memory_space<vmem>>, %arg2: memref<128x128xf32, #tpu.memory_space<vmem>>, %arg3: memref<128x16xf32, #tpu.memory_space<vmem>>, %arg4: memref<1000x144xf32, #tpu.memory_space<vmem>>, %arg5: memref<1000x16xf32, #tpu.memory_space<vmem>>, %arg6: memref<1x8xf32, #tpu.memory_space<vmem>>) attributes {dimension_semantics = [#tpu.dimension_semantics<arbitrary>], iteration_bounds = array<i64: 10>, scalar_prefetch = 0 : i64, scratch_operands = 0 : i64, tpu.core_type = #tpu.core_type<tc>, window_params = [{transform_indices = @transform_0, window_bounds = array<i64: 1000, 128>}, {pipeline_mode = #tpu.pipeline_mode<synchronous>, transform_indices = @transform_1, window_bounds = array<i64: 128, 128>}, {pipeline_mode = #tpu.pipeline_mode<synchronous>, transform_indices = @transform_2, window_bounds = array<i64: 128, 16>}, {transform_indices = @transform_3, window_bounds = array<i64: 1000, 144>}, {transform_indices = @transform_4, window_bounds = array<i64: 1000, 16>}, {pipeline_mode = #tpu.pipeline_mode<synchronous>, transform_indices = @transform_5, window_bounds = array<i64: 1, 8>}]} {
    %get3A = arith.constant 0 : index
    %get3A_0 = arith.constant 0 : index
    %get3A_1 = vector.load %arg1[%get3A, %get3A_0] : memref<1000x128xf32, #tpu.memory_space<vmem>>, vector<1000x128xf32>
    %get3A_2 = arith.constant 0 : index
    %get3A_3 = arith.constant 0 : index
    %get3A_4 = vector.load %arg2[%get3A_2, %get3A_3] : memref<128x128xf32, #tpu.memory_space<vmem>>, vector<128x128xf32>
    %dot_general3A = arith.constant dense<0.000000e+00> : vector<1000x128xf32>
    %dot_general3A_5 = tpu.matmul %get3A_1, %get3A_4, %dot_general3A {dimension_numbers = #tpu.dot_dimension_numbers<[1], [0], [0], [1], [0, 0, 1, 1], [], []>, transpose_lhs_hint = false} : vector<1000x128xf32>, vector<128x128xf32>, vector<1000x128xf32> -> vector<1000x128xf32>
    %get3A_6 = arith.constant 0 : index
    %get3A_7 = arith.constant 0 : index
    %get3A_8 = vector.load %arg3[%get3A_6, %get3A_7] : memref<128x16xf32, #tpu.memory_space<vmem>>, vector<128x16xf32>
    %dot_general3A_9 = arith.constant dense<0.000000e+00> : vector<1000x16xf32>
    %dot_general3A_10 = tpu.matmul %dot_general3A_5, %get3A_8, %dot_general3A_9 {dimension_numbers = #tpu.dot_dimension_numbers<[1], [0], [0], [1], [0, 0, 1, 1], [], []>, transpose_lhs_hint = false} : vector<1000x128xf32>, vector<128x16xf32>, vector<1000x16xf32> -> vector<1000x16xf32>
    %slice3A = vector.extract_strided_slice %dot_general3A_10 {offsets = [0, 0], sizes = [1000, 8], strides = [1, 1]} : vector<1000x16xf32> to vector<1000x8xf32>
    %concatenate3A = tpu.concatenate %slice3A, %slice3A, %dot_general3A_5 in 1 : vector<1000x8xf32>, vector<1000x8xf32>, vector<1000x128xf32> -> vector<1000x144xf32>
    %swap3A = arith.constant 0 : index
    %swap3A_11 = arith.constant 0 : index
    %swap3A_12 = vector.load %arg4[%swap3A, %swap3A_11] : memref<1000x144xf32, #tpu.memory_space<vmem>>, vector<1000x144xf32>
    tpu.vector_store %arg4[%swap3A, %swap3A_11], %concatenate3A {strides = array<i32>} : memref<1000x144xf32, #tpu.memory_space<vmem>>, vector<1000x144xf32>,
    %swap3A_13 = arith.constant 0 : index
    %swap3A_14 = arith.constant 0 : index
    %swap3A_15 = vector.load %arg5[%swap3A_13, %swap3A_14] : memref<1000x16xf32, #tpu.memory_space<vmem>>, vector<1000x16xf32>
    tpu.vector_store %arg5[%swap3A_13, %swap3A_14], %dot_general3A_10 {strides = array<i32>} : memref<1000x16xf32, #tpu.memory_space<vmem>>, vector<1000x16xf32>,
    %reduce_max3A = arith.constant dense<0xFF800000> : vector<8xf32>
    %reduce_max3A_16 = vector.multi_reduction <maximumf>, %slice3A, %reduce_max3A [0] : vector<1000x8xf32> to vector<8xf32>
    %broadcast_in_dim3A = vector.shape_cast %reduce_max3A_16 : vector<8xf32> to vector<1x8xf32>
    %eq3A = arith.constant 0 : i32
    %eq3A_17 = arith.cmpi eq, %arg0, %eq3A : i32
    %convert_element_type3A = arith.extui %eq3A_17 : i1 to i32
    %cond3A = arith.constant 0 : i32
    %cond3A_18 = arith.cmpi ne, %convert_element_type3A, %cond3A : i32
    scf.if %cond3A_18 {
      %swap3A_23 = arith.constant 0 : index
      %swap3A_24 = arith.constant 0 : index
      %swap3A_25 = vector.load %arg6[%swap3A_23, %swap3A_24] : memref<1x8xf32, #tpu.memory_space<vmem>>, vector<1x8xf32>
      tpu.vector_store %arg6[%swap3A_23, %swap3A_24], %broadcast_in_dim3A {strides = array<i32>} : memref<1x8xf32, #tpu.memory_space<vmem>>, vector<1x8xf32>,
    } else {
    }
    %gt3A = arith.constant 0 : i32
    %gt3A_19 = arith.cmpi sgt, %arg0, %gt3A : i32
    %convert_element_type3A_20 = arith.extui %gt3A_19 : i1 to i32
    %cond3A_21 = arith.constant 0 : i32
    %cond3A_22 = arith.cmpi ne, %convert_element_type3A_20, %cond3A_21 : i32
    scf.if %cond3A_22 {
      %get3A_23 = arith.constant 0 : index
      %get3A_24 = arith.constant 0 : index
      %get3A_25 = vector.load %arg6[%get3A_23, %get3A_24] : memref<1x8xf32, #tpu.memory_space<vmem>>, vector<1x8xf32>
      %max3A = arith.maximumf %get3A_25, %broadcast_in_dim3A : vector<1x8xf32>
      %swap3A_26 = arith.constant 0 : index
      %swap3A_27 = arith.constant 0 : index
      %swap3A_28 = vector.load %arg6[%swap3A_26, %swap3A_27] : memref<1x8xf32, #tpu.memory_space<vmem>>, vector<1x8xf32>
      tpu.vector_store %arg6[%swap3A_26, %swap3A_27], %max3A {strides = array<i32>} : memref<1x8xf32, #tpu.memory_space<vmem>>, vector<1x8xf32>,
    } else {
    }
    return
  }
  func.func @transform_0(%arg0: i32) -> (i32, i32) {
    %c0_i32 = arith.constant 0 : i32
    %c0_i32_0 = arith.constant 0 : i32
    return %arg0, %c0_i32 : i32, i32
  }
  func.func @transform_1(%arg0: i32) -> (i32, i32) {
    %c0_i32 = arith.constant 0 : i32
    %c0_i32_0 = arith.constant 0 : i32
    %c0_i32_1 = arith.constant 0 : i32
    return %c0_i32, %c0_i32_0 : i32, i32
  }
  func.func @transform_2(%arg0: i32) -> (i32, i32) {
    %c0_i32 = arith.constant 0 : i32
    %c0_i32_0 = arith.constant 0 : i32
    %c0_i32_1 = arith.constant 0 : i32
    return %c0_i32, %c0_i32_0 : i32, i32
  }
  func.func @transform_3(%arg0: i32) -> (i32, i32) {
    %c0_i32 = arith.constant 0 : i32
    %c0_i32_0 = arith.constant 0 : i32
    return %arg0, %c0_i32 : i32, i32
  }
  func.func @transform_4(%arg0: i32) -> (i32, i32) {
    %c0_i32 = arith.constant 0 : i32
    %c0_i32_0 = arith.constant 0 : i32
    return %arg0, %c0_i32 : i32, i32
  }
  func.func @transform_5(%arg0: i32) -> (i32, i32) {
    %c0_i32 = arith.constant 0 : i32
    %c0_i32_0 = arith.constant 0 : i32
    %c0_i32_1 = arith.constant 0 : i32
    return %c0_i32, %c0_i32_0 : i32, i32
  }
}

module attributes {stable_mosaic.version = 14 : i64} {
  func.func @body(%arg0: i32, %arg1: memref<1000x16xf32, #tpu.memory_space<vmem>>, %arg2: memref<1x8xf32, #tpu.memory_space<vmem>>, %arg3: memref<1000x16xf32, #tpu.memory_space<vmem>>) attributes {dimension_semantics = [#tpu.dimension_semantics<arbitrary>], iteration_bounds = array<i64: 10>, scalar_prefetch = 0 : i64, scratch_operands = 0 : i64, tpu.core_type = #tpu.core_type<tc>, window_params = [{transform_indices = @transform_0, window_bounds = array<i64: 1000, 16>}, {pipeline_mode = #tpu.pipeline_mode<synchronous>, transform_indices = @transform_1, window_bounds = array<i64: 1, 8>}, {transform_indices = @transform_2, window_bounds = array<i64: 1000, 16>}]} {
    %get3A = arith.constant 0 : index
    %get3A_0 = arith.constant 0 : index
    %get3A_1 = vector.load %arg1[%get3A, %get3A_0] : memref<1000x16xf32, #tpu.memory_space<vmem>>, vector<1000x16xf32>
    %slice3A = vector.extract_strided_slice %get3A_1 {offsets = [0, 8], sizes = [1000, 8], strides = [1, 1]} : vector<1000x16xf32> to vector<1000x8xf32>
    %get3A_2 = arith.constant 0 : index
    %get3A_3 = arith.constant 0 : index
    %get3A_4 = vector.load %arg2[%get3A_2, %get3A_3] : memref<1x8xf32, #tpu.memory_space<vmem>>, vector<1x8xf32>
    %add3A = vector.broadcast %get3A_4 : vector<1x8xf32> to vector<1000x8xf32>
    %add3A_5 = arith.addf %slice3A, %add3A : vector<1000x8xf32>
    %gt3A = arith.constant 0.000000e+00 : f32
    %gt3A_6 = vector.broadcast %gt3A : f32 to vector<1000x8xf32>
    %gt3A_7 = arith.cmpf ogt, %add3A_5, %gt3A_6 : vector<1000x8xf32>
    %mul3A = arith.constant 2.000000e-01 : f32
    %mul3A_8 = vector.broadcast %mul3A : f32 to vector<1000x8xf32>
    %mul3A_9 = arith.mulf %mul3A_8, %add3A_5 : vector<1000x8xf32>
    %select_n3A = arith.select %gt3A_7, %add3A_5, %mul3A_9 : vector<1000x8xi1>, vector<1000x8xf32>
    %sub3A = arith.subf %slice3A, %select_n3A : vector<1000x8xf32>
    %mul3A_10 = arith.constant 2.000000e-01 : f32
    %mul3A_11 = vector.broadcast %mul3A_10 : f32 to vector<1000x8xf32>
    %mul3A_12 = arith.mulf %mul3A_11, %slice3A : vector<1000x8xf32>
    %sub3A_13 = arith.subf %mul3A_12, %select_n3A : vector<1000x8xf32>
    %concatenate3A = tpu.concatenate %sub3A, %sub3A_13 in 1 : vector<1000x8xf32>, vector<1000x8xf32> -> vector<1000x16xf32>
    %swap3A = arith.constant 0 : index
    %swap3A_14 = arith.constant 0 : index
    %swap3A_15 = vector.load %arg3[%swap3A, %swap3A_14] : memref<1000x16xf32, #tpu.memory_space<vmem>>, vector<1000x16xf32>
    tpu.vector_store %arg3[%swap3A, %swap3A_14], %concatenate3A {strides = array<i32>} : memref<1000x16xf32, #tpu.memory_space<vmem>>, vector<1000x16xf32>,
    return
  }
  func.func @transform_0(%arg0: i32) -> (i32, i32) {
    %c0_i32 = arith.constant 0 : i32
    %c0_i32_0 = arith.constant 0 : i32
    return %arg0, %c0_i32 : i32, i32
  }
  func.func @transform_1(%arg0: i32) -> (i32, i32) {
    %c0_i32 = arith.constant 0 : i32
    %c0_i32_0 = arith.constant 0 : i32
    %c0_i32_1 = arith.constant 0 : i32
    return %c0_i32, %c0_i32_0 : i32, i32
  }
  func.func @transform_2(%arg0: i32) -> (i32, i32) {
    %c0_i32 = arith.constant 0 : i32
    %c0_i32_0 = arith.constant 0 : i32
    return %arg0, %c0_i32 : i32, i32
  }
}

module attributes {stable_mosaic.version = 14 : i64} {
  func.func @body(%arg0: i32, %arg1: memref<1000x144xf32, #tpu.memory_space<vmem>>, %arg2: memref<1000x144xf32, #tpu.memory_space<vmem>>, %arg3: memref<1x128xf32, #tpu.memory_space<vmem>>, %arg4: memref<128x40xf32, #tpu.memory_space<vmem>>, %arg5: memref<40x1xf32, #tpu.memory_space<vmem>>, %arg6: memref<40x1xf32, #tpu.memory_space<vmem>>, %arg7: memref<128x40xf32, #tpu.memory_space<vmem>>, %arg8: memref<1x40xf32, #tpu.memory_space<vmem>>, %arg9: memref<1000x48xf32, #tpu.memory_space<vmem>>, %arg10: memref<1000x16xf32, #tpu.memory_space<vmem>>, %arg11: memref<1000x40xf32, #tpu.memory_space<vmem>>, %arg12: memref<1x1xf32, #tpu.memory_space<vmem>>) attributes {dimension_semantics = [#tpu.dimension_semantics<arbitrary>], iteration_bounds = array<i64: 10>, scalar_prefetch = 0 : i64, scratch_operands = 0 : i64, tpu.core_type = #tpu.core_type<tc>, window_params = [{transform_indices = @transform_0, window_bounds = array<i64: 1000, 144>}, {transform_indices = @transform_1, window_bounds = array<i64: 1000, 144>}, {pipeline_mode = #tpu.pipeline_mode<synchronous>, transform_indices = @transform_2, window_bounds = array<i64: 1, 128>}, {pipeline_mode = #tpu.pipeline_mode<synchronous>, transform_indices = @transform_3, window_bounds = array<i64: 128, 40>}, {pipeline_mode = #tpu.pipeline_mode<synchronous>, transform_indices = @transform_4, window_bounds = array<i64: 40, 1>}, {pipeline_mode = #tpu.pipeline_mode<synchronous>, transform_indices = @transform_5, window_bounds = array<i64: 40, 1>}, {pipeline_mode = #tpu.pipeline_mode<synchronous>, transform_indices = @transform_6, window_bounds = array<i64: 128, 40>}, {pipeline_mode = #tpu.pipeline_mode<synchronous>, transform_indices = @transform_7, window_bounds = array<i64: 1, 40>}, {transform_indices = @transform_8, window_bounds = array<i64: 1000, 48>}, {transform_indices = @transform_9, window_bounds = array<i64: 1000, 16>}, {transform_indices = @transform_10, window_bounds = array<i64: 1000, 40>}, {pipeline_mode = #tpu.pipeline_mode<synchronous>, transform_indices = @transform_11, window_bounds = array<i64: 1, 1>}]} {
    %get3A = arith.constant 0 : index
    %get3A_0 = arith.constant 0 : index
    %get3A_1 = vector.load %arg1[%get3A, %get3A_0] : memref<1000x144xf32, #tpu.memory_space<vmem>>, vector<1000x144xf32>
    %get3A_2 = arith.constant 0 : index
    %get3A_3 = arith.constant 0 : index
    %get3A_4 = vector.load %arg2[%get3A_2, %get3A_3] : memref<1000x144xf32, #tpu.memory_space<vmem>>, vector<1000x144xf32>
    %add3A = arith.addf %get3A_1, %get3A_4 : vector<1000x144xf32>
    %slice3A = vector.extract_strided_slice %add3A {offsets = [0, 16], sizes = [1000, 128], strides = [1, 1]} : vector<1000x144xf32> to vector<1000x128xf32>
    %slice3A_5 = vector.extract_strided_slice %add3A {offsets = [0, 0], sizes = [1000, 1], strides = [1, 1]} : vector<1000x144xf32> to vector<1000x1xf32>
    %slice3A_6 = vector.extract_strided_slice %slice3A {offsets = [0, 0], sizes = [1000, 16], strides = [1, 1]} : vector<1000x128xf32> to vector<1000x16xf32>
    %add3A_7 = arith.constant 1.000000e-16 : f32
    %add3A_8 = vector.broadcast %add3A_7 : f32 to vector<1000x1xf32>
    %add3A_9 = arith.addf %slice3A_5, %add3A_8 : vector<1000x1xf32>
    %div3A = vector.broadcast %add3A_9 : vector<1000x1xf32> to vector<1000x16xf32>
    %div3A_10 = arith.divf %slice3A_6, %div3A : vector<1000x16xf32>
    %slice3A_11 = vector.extract_strided_slice %add3A {offsets = [0, 1], sizes = [1000, 1], strides = [1, 1]} : vector<1000x144xf32> to vector<1000x1xf32>
    %slice3A_12 = vector.extract_strided_slice %slice3A {offsets = [0, 16], sizes = [1000, 16], strides = [1, 1]} : vector<1000x128xf32> to vector<1000x16xf32>
    %add3A_13 = arith.constant 1.000000e-16 : f32
    %add3A_14 = vector.broadcast %add3A_13 : f32 to vector<1000x1xf32>
    %add3A_15 = arith.addf %slice3A_11, %add3A_14 : vector<1000x1xf32>
    %div3A_16 = vector.broadcast %add3A_15 : vector<1000x1xf32> to vector<1000x16xf32>
    %div3A_17 = arith.divf %slice3A_12, %div3A_16 : vector<1000x16xf32>
    %slice3A_18 = vector.extract_strided_slice %add3A {offsets = [0, 2], sizes = [1000, 1], strides = [1, 1]} : vector<1000x144xf32> to vector<1000x1xf32>
    %slice3A_19 = vector.extract_strided_slice %slice3A {offsets = [0, 32], sizes = [1000, 16], strides = [1, 1]} : vector<1000x128xf32> to vector<1000x16xf32>
    %add3A_20 = arith.constant 1.000000e-16 : f32
    %add3A_21 = vector.broadcast %add3A_20 : f32 to vector<1000x1xf32>
    %add3A_22 = arith.addf %slice3A_18, %add3A_21 : vector<1000x1xf32>
    %div3A_23 = vector.broadcast %add3A_22 : vector<1000x1xf32> to vector<1000x16xf32>
    %div3A_24 = arith.divf %slice3A_19, %div3A_23 : vector<1000x16xf32>
    %slice3A_25 = vector.extract_strided_slice %add3A {offsets = [0, 3], sizes = [1000, 1], strides = [1, 1]} : vector<1000x144xf32> to vector<1000x1xf32>
    %slice3A_26 = vector.extract_strided_slice %slice3A {offsets = [0, 48], sizes = [1000, 16], strides = [1, 1]} : vector<1000x128xf32> to vector<1000x16xf32>
    %add3A_27 = arith.constant 1.000000e-16 : f32
    %add3A_28 = vector.broadcast %add3A_27 : f32 to vector<1000x1xf32>
    %add3A_29 = arith.addf %slice3A_25, %add3A_28 : vector<1000x1xf32>
    %div3A_30 = vector.broadcast %add3A_29 : vector<1000x1xf32> to vector<1000x16xf32>
    %div3A_31 = arith.divf %slice3A_26, %div3A_30 : vector<1000x16xf32>
    %slice3A_32 = vector.extract_strided_slice %add3A {offsets = [0, 4], sizes = [1000, 1], strides = [1, 1]} : vector<1000x144xf32> to vector<1000x1xf32>
    %slice3A_33 = vector.extract_strided_slice %slice3A {offsets = [0, 64], sizes = [1000, 16], strides = [1, 1]} : vector<1000x128xf32> to vector<1000x16xf32>
    %add3A_34 = arith.constant 1.000000e-16 : f32
    %add3A_35 = vector.broadcast %add3A_34 : f32 to vector<1000x1xf32>
    %add3A_36 = arith.addf %slice3A_32, %add3A_35 : vector<1000x1xf32>
    %div3A_37 = vector.broadcast %add3A_36 : vector<1000x1xf32> to vector<1000x16xf32>
    %div3A_38 = arith.divf %slice3A_33, %div3A_37 : vector<1000x16xf32>
    %slice3A_39 = vector.extract_strided_slice %add3A {offsets = [0, 5], sizes = [1000, 1], strides = [1, 1]} : vector<1000x144xf32> to vector<1000x1xf32>
    %slice3A_40 = vector.extract_strided_slice %slice3A {offsets = [0, 80], sizes = [1000, 16], strides = [1, 1]} : vector<1000x128xf32> to vector<1000x16xf32>
    %add3A_41 = arith.constant 1.000000e-16 : f32
    %add3A_42 = vector.broadcast %add3A_41 : f32 to vector<1000x1xf32>
    %add3A_43 = arith.addf %slice3A_39, %add3A_42 : vector<1000x1xf32>
    %div3A_44 = vector.broadcast %add3A_43 : vector<1000x1xf32> to vector<1000x16xf32>
    %div3A_45 = arith.divf %slice3A_40, %div3A_44 : vector<1000x16xf32>
    %slice3A_46 = vector.extract_strided_slice %add3A {offsets = [0, 6], sizes = [1000, 1], strides = [1, 1]} : vector<1000x144xf32> to vector<1000x1xf32>
    %slice3A_47 = vector.extract_strided_slice %slice3A {offsets = [0, 96], sizes = [1000, 16], strides = [1, 1]} : vector<1000x128xf32> to vector<1000x16xf32>
    %add3A_48 = arith.constant 1.000000e-16 : f32
    %add3A_49 = vector.broadcast %add3A_48 : f32 to vector<1000x1xf32>
    %add3A_50 = arith.addf %slice3A_46, %add3A_49 : vector<1000x1xf32>
    %div3A_51 = vector.broadcast %add3A_50 : vector<1000x1xf32> to vector<1000x16xf32>
    %div3A_52 = arith.divf %slice3A_47, %div3A_51 : vector<1000x16xf32>
    %slice3A_53 = vector.extract_strided_slice %add3A {offsets = [0, 7], sizes = [1000, 1], strides = [1, 1]} : vector<1000x144xf32> to vector<1000x1xf32>
    %slice3A_54 = vector.extract_strided_slice %slice3A {offsets = [0, 112], sizes = [1000, 16], strides = [1, 1]} : vector<1000x128xf32> to vector<1000x16xf32>
    %add3A_55 = arith.constant 1.000000e-16 : f32
    %add3A_56 = vector.broadcast %add3A_55 : f32 to vector<1000x1xf32>
    %add3A_57 = arith.addf %slice3A_53, %add3A_56 : vector<1000x1xf32>
    %div3A_58 = vector.broadcast %add3A_57 : vector<1000x1xf32> to vector<1000x16xf32>
    %div3A_59 = arith.divf %slice3A_54, %div3A_58 : vector<1000x16xf32>
    %concatenate3A = tpu.concatenate %div3A_10, %div3A_17, %div3A_24, %div3A_31, %div3A_38, %div3A_45, %div3A_52, %div3A_59 in 1 : vector<1000x16xf32>, vector<1000x16xf32>, vector<1000x16xf32>, vector<1000x16xf32>, vector<1000x16xf32>, vector<1000x16xf32>, vector<1000x16xf32>, vector<1000x16xf32> -> vector<1000x128xf32>
    %get3A_60 = arith.constant 0 : index
    %get3A_61 = arith.constant 0 : index
    %get3A_62 = vector.load %arg3[%get3A_60, %get3A_61] : memref<1x128xf32, #tpu.memory_space<vmem>>, vector<1x128xf32>
    %add3A_63 = vector.broadcast %get3A_62 : vector<1x128xf32> to vector<1000x128xf32>
    %add3A_64 = arith.addf %concatenate3A, %add3A_63 : vector<1000x128xf32>
    %gt3A = arith.constant 0.000000e+00 : f32
    %gt3A_65 = vector.broadcast %gt3A : f32 to vector<1000x128xf32>
    %gt3A_66 = arith.cmpf ogt, %add3A_64, %gt3A_65 : vector<1000x128xf32>
    %exp3A = math.exp %add3A_64 : vector<1000x128xf32>
    %sub3A = arith.constant 1.000000e+00 : f32
    %sub3A_67 = vector.broadcast %sub3A : f32 to vector<1000x128xf32>
    %sub3A_68 = arith.subf %exp3A, %sub3A_67 : vector<1000x128xf32>
    %select_n3A = arith.select %gt3A_66, %add3A_64, %sub3A_68 : vector<1000x128xi1>, vector<1000x128xf32>
    %get3A_69 = arith.constant 0 : index
    %get3A_70 = arith.constant 0 : index
    %get3A_71 = vector.load %arg4[%get3A_69, %get3A_70] : memref<128x40xf32, #tpu.memory_space<vmem>>, vector<128x40xf32>
    %dot_general3A = arith.constant dense<0.000000e+00> : vector<1000x40xf32>
    %dot_general3A_72 = tpu.matmul %select_n3A, %get3A_71, %dot_general3A {dimension_numbers = #tpu.dot_dimension_numbers<[1], [0], [0], [1], [0, 0, 1, 1], [], []>, transpose_lhs_hint = false} : vector<1000x128xf32>, vector<128x40xf32>, vector<1000x40xf32> -> vector<1000x40xf32>
    %get3A_73 = arith.constant 0 : index
    %get3A_74 = arith.constant 0 : index
    %get3A_75 = vector.load %arg5[%get3A_73, %get3A_74] : memref<40x1xf32, #tpu.memory_space<vmem>>, vector<40x1xf32>
    %dot_general3A_76 = arith.constant dense<0.000000e+00> : vector<1000x1xf32>
    %dot_general3A_77 = tpu.matmul %dot_general3A_72, %get3A_75, %dot_general3A_76 {dimension_numbers = #tpu.dot_dimension_numbers<[1], [0], [0], [1], [0, 0, 1, 1], [], []>, transpose_lhs_hint = false} : vector<1000x40xf32>, vector<40x1xf32>, vector<1000x1xf32> -> vector<1000x1xf32>
    %get3A_78 = arith.constant 0 : index
    %get3A_79 = arith.constant 0 : index
    %get3A_80 = vector.load %arg6[%get3A_78, %get3A_79] : memref<40x1xf32, #tpu.memory_space<vmem>>, vector<40x1xf32>
    %dot_general3A_81 = arith.constant dense<0.000000e+00> : vector<1000x1xf32>
    %dot_general3A_82 = tpu.matmul %dot_general3A_72, %get3A_80, %dot_general3A_81 {dimension_numbers = #tpu.dot_dimension_numbers<[1], [0], [0], [1], [0, 0, 1, 1], [], []>, transpose_lhs_hint = false} : vector<1000x40xf32>, vector<40x1xf32>, vector<1000x1xf32> -> vector<1000x1xf32>
    %get3A_83 = arith.constant 0 : index
    %get3A_84 = arith.constant 0 : index
    %get3A_85 = vector.load %arg7[%get3A_83, %get3A_84] : memref<128x40xf32, #tpu.memory_space<vmem>>, vector<128x40xf32>
    %dot_general3A_86 = arith.constant dense<0.000000e+00> : vector<1000x40xf32>
    %dot_general3A_87 = tpu.matmul %select_n3A, %get3A_85, %dot_general3A_86 {dimension_numbers = #tpu.dot_dimension_numbers<[1], [0], [0], [1], [0, 0, 1, 1], [], []>, transpose_lhs_hint = false} : vector<1000x128xf32>, vector<128x40xf32>, vector<1000x40xf32> -> vector<1000x40xf32>
    %get3A_88 = arith.constant 0 : index
    %get3A_89 = arith.constant 0 : index
    %get3A_90 = vector.load %arg8[%get3A_88, %get3A_89] : memref<1x40xf32, #tpu.memory_space<vmem>>, vector<1x40xf32>
    %add3A_91 = vector.broadcast %get3A_90 : vector<1x40xf32> to vector<1000x40xf32>
    %add3A_92 = arith.addf %dot_general3A_87, %add3A_91 : vector<1000x40xf32>
    %swap3A = arith.constant 0 : index
    %swap3A_93 = arith.constant 0 : index
    %swap3A_94 = vector.load %arg11[%swap3A, %swap3A_93] : memref<1000x40xf32, #tpu.memory_space<vmem>>, vector<1000x40xf32>
    tpu.vector_store %arg11[%swap3A, %swap3A_93], %add3A_92 {strides = array<i32>} : memref<1000x40xf32, #tpu.memory_space<vmem>>, vector<1000x40xf32>,
    %broadcast_in_dim3A = arith.constant 0.000000e+00 : f32
    %broadcast_in_dim3A_95 = vector.broadcast %broadcast_in_dim3A : f32 to vector<1000x7xf32>
    %concatenate3A_96 = tpu.concatenate %dot_general3A_77, %dot_general3A_72, %broadcast_in_dim3A_95 in 1 : vector<1000x1xf32>, vector<1000x40xf32>, vector<1000x7xf32> -> vector<1000x48xf32>
    %swap3A_97 = arith.constant 0 : index
    %swap3A_98 = arith.constant 0 : index
    %swap3A_99 = vector.load %arg9[%swap3A_97, %swap3A_98] : memref<1000x48xf32, #tpu.memory_space<vmem>>, vector<1000x48xf32>
    tpu.vector_store %arg9[%swap3A_97, %swap3A_98], %concatenate3A_96 {strides = array<i32>} : memref<1000x48xf32, #tpu.memory_space<vmem>>, vector<1000x48xf32>,
    %broadcast_in_dim3A_100 = arith.constant 0.000000e+00 : f32
    %broadcast_in_dim3A_101 = vector.broadcast %broadcast_in_dim3A_100 : f32 to vector<1000x14xf32>
    %concatenate3A_102 = tpu.concatenate %dot_general3A_77, %dot_general3A_82, %broadcast_in_dim3A_101 in 1 : vector<1000x1xf32>, vector<1000x1xf32>, vector<1000x14xf32> -> vector<1000x16xf32>
    %swap3A_103 = arith.constant 0 : index
    %swap3A_104 = arith.constant 0 : index
    %swap3A_105 = vector.load %arg10[%swap3A_103, %swap3A_104] : memref<1000x16xf32, #tpu.memory_space<vmem>>, vector<1000x16xf32>
    tpu.vector_store %arg10[%swap3A_103, %swap3A_104], %concatenate3A_102 {strides = array<i32>} : memref<1000x16xf32, #tpu.memory_space<vmem>>, vector<1000x16xf32>,
    %reduce_max3A = arith.constant dense<0xFF800000> : vector<1xf32>
    %reduce_max3A_106 = vector.multi_reduction <maximumf>, %dot_general3A_77, %reduce_max3A [0] : vector<1000x1xf32> to vector<1xf32>
    %broadcast_in_dim3A_107 = vector.shape_cast %reduce_max3A_106 : vector<1xf32> to vector<1x1xf32>
    %eq3A = arith.constant 0 : i32
    %eq3A_108 = arith.cmpi eq, %arg0, %eq3A : i32
    %convert_element_type3A = arith.extui %eq3A_108 : i1 to i32
    %cond3A = arith.constant 0 : i32
    %cond3A_109 = arith.cmpi ne, %convert_element_type3A, %cond3A : i32
    scf.if %cond3A_109 {
      %swap3A_115 = arith.constant 0 : index
      %swap3A_116 = arith.constant 0 : index
      %swap3A_117 = vector.load %arg12[%swap3A_115, %swap3A_116] : memref<1x1xf32, #tpu.memory_space<vmem>>, vector<1x1xf32>
      tpu.vector_store %arg12[%swap3A_115, %swap3A_116], %broadcast_in_dim3A_107 {strides = array<i32>} : memref<1x1xf32, #tpu.memory_space<vmem>>, vector<1x1xf32>,
    } else {
    }
    %gt3A_110 = arith.constant 0 : i32
    %gt3A_111 = arith.cmpi sgt, %arg0, %gt3A_110 : i32
    %convert_element_type3A_112 = arith.extui %gt3A_111 : i1 to i32
    %cond3A_113 = arith.constant 0 : i32
    %cond3A_114 = arith.cmpi ne, %convert_element_type3A_112, %cond3A_113 : i32
    scf.if %cond3A_114 {
      %get3A_115 = arith.constant 0 : index
      %get3A_116 = arith.constant 0 : index
      %get3A_117 = vector.load %arg12[%get3A_115, %get3A_116] : memref<1x1xf32, #tpu.memory_space<vmem>>, vector<1x1xf32>
      %max3A = arith.maximumf %get3A_117, %broadcast_in_dim3A_107 : vector<1x1xf32>
      %swap3A_118 = arith.constant 0 : index
      %swap3A_119 = arith.constant 0 : index
      %swap3A_120 = vector.load %arg12[%swap3A_118, %swap3A_119] : memref<1x1xf32, #tpu.memory_space<vmem>>, vector<1x1xf32>
      tpu.vector_store %arg12[%swap3A_118, %swap3A_119], %max3A {strides = array<i32>} : memref<1x1xf32, #tpu.memory_space<vmem>>, vector<1x1xf32>,
    } else {
    }
    return
  }
  func.func @transform_0(%arg0: i32) -> (i32, i32) {
    %c0_i32 = arith.constant 0 : i32
    %c0_i32_0 = arith.constant 0 : i32
    return %arg0, %c0_i32 : i32, i32
  }
  func.func @transform_1(%arg0: i32) -> (i32, i32) {
    %c0_i32 = arith.constant 0 : i32
    %c0_i32_0 = arith.constant 0 : i32
    return %arg0, %c0_i32 : i32, i32
  }
  func.func @transform_2(%arg0: i32) -> (i32, i32) {
    %c0_i32 = arith.constant 0 : i32
    %c0_i32_0 = arith.constant 0 : i32
    %c0_i32_1 = arith.constant 0 : i32
    return %c0_i32, %c0_i32_0 : i32, i32
  }
  func.func @transform_3(%arg0: i32) -> (i32, i32) {
    %c0_i32 = arith.constant 0 : i32
    %c0_i32_0 = arith.constant 0 : i32
    %c0_i32_1 = arith.constant 0 : i32
    return %c0_i32, %c0_i32_0 : i32, i32
  }
  func.func @transform_4(%arg0: i32) -> (i32, i32) {
    %c0_i32 = arith.constant 0 : i32
    %c0_i32_0 = arith.constant 0 : i32
    %c0_i32_1 = arith.constant 0 : i32
    return %c0_i32, %c0_i32_0 : i32, i32
  }
  func.func @transform_5(%arg0: i32) -> (i32, i32) {
    %c0_i32 = arith.constant 0 : i32
    %c0_i32_0 = arith.constant 0 : i32
    %c0_i32_1 = arith.constant 0 : i32
    return %c0_i32, %c0_i32_0 : i32, i32
  }
  func.func @transform_6(%arg0: i32) -> (i32, i32) {
    %c0_i32 = arith.constant 0 : i32
    %c0_i32_0 = arith.constant 0 : i32
    %c0_i32_1 = arith.constant 0 : i32
    return %c0_i32, %c0_i32_0 : i32, i32
  }
  func.func @transform_7(%arg0: i32) -> (i32, i32) {
    %c0_i32 = arith.constant 0 : i32
    %c0_i32_0 = arith.constant 0 : i32
    %c0_i32_1 = arith.constant 0 : i32
    return %c0_i32, %c0_i32_0 : i32, i32
  }
  func.func @transform_8(%arg0: i32) -> (i32, i32) {
    %c0_i32 = arith.constant 0 : i32
    %c0_i32_0 = arith.constant 0 : i32
    return %arg0, %c0_i32 : i32, i32
  }
  func.func @transform_9(%arg0: i32) -> (i32, i32) {
    %c0_i32 = arith.constant 0 : i32
    %c0_i32_0 = arith.constant 0 : i32
    return %arg0, %c0_i32 : i32, i32
  }
  func.func @transform_10(%arg0: i32) -> (i32, i32) {
    %c0_i32 = arith.constant 0 : i32
    %c0_i32_0 = arith.constant 0 : i32
    return %arg0, %c0_i32 : i32, i32
  }
  func.func @transform_11(%arg0: i32) -> (i32, i32) {
    %c0_i32 = arith.constant 0 : i32
    %c0_i32_0 = arith.constant 0 : i32
    %c0_i32_1 = arith.constant 0 : i32
    return %c0_i32, %c0_i32_0 : i32, i32
  }
}

module attributes {stable_mosaic.version = 14 : i64} {
  func.func @body(%arg0: i32, %arg1: memref<1000x16xf32, #tpu.memory_space<vmem>>, %arg2: memref<1x1xf32, #tpu.memory_space<vmem>>, %arg3: memref<1000x8xf32, #tpu.memory_space<vmem>>) attributes {dimension_semantics = [#tpu.dimension_semantics<arbitrary>], iteration_bounds = array<i64: 10>, scalar_prefetch = 0 : i64, scratch_operands = 0 : i64, tpu.core_type = #tpu.core_type<tc>, window_params = [{transform_indices = @transform_0, window_bounds = array<i64: 1000, 16>}, {pipeline_mode = #tpu.pipeline_mode<synchronous>, transform_indices = @transform_1, window_bounds = array<i64: 1, 1>}, {transform_indices = @transform_2, window_bounds = array<i64: 1000, 8>}]} {
    %get3A = arith.constant 0 : index
    %get3A_0 = arith.constant 0 : index
    %get3A_1 = vector.load %arg1[%get3A, %get3A_0] : memref<1000x16xf32, #tpu.memory_space<vmem>>, vector<1000x16xf32>
    %slice3A = vector.extract_strided_slice %get3A_1 {offsets = [0, 1], sizes = [1000, 1], strides = [1, 1]} : vector<1000x16xf32> to vector<1000x1xf32>
    %get3A_2 = arith.constant 0 : index
    %get3A_3 = arith.constant 0 : index
    %get3A_4 = vector.load %arg2[%get3A_2, %get3A_3] : memref<1x1xf32, #tpu.memory_space<vmem>>, vector<1x1xf32>
    %add3A = vector.broadcast %get3A_4 : vector<1x1xf32> to vector<1000x1xf32>
    %add3A_5 = arith.addf %slice3A, %add3A : vector<1000x1xf32>
    %gt3A = arith.constant 0.000000e+00 : f32
    %gt3A_6 = vector.broadcast %gt3A : f32 to vector<1000x1xf32>
    %gt3A_7 = arith.cmpf ogt, %add3A_5, %gt3A_6 : vector<1000x1xf32>
    %mul3A = arith.constant 2.000000e-01 : f32
    %mul3A_8 = vector.broadcast %mul3A : f32 to vector<1000x1xf32>
    %mul3A_9 = arith.mulf %mul3A_8, %add3A_5 : vector<1000x1xf32>
    %select_n3A = arith.select %gt3A_7, %add3A_5, %mul3A_9 : vector<1000x1xi1>, vector<1000x1xf32>
    %sub3A = arith.subf %slice3A, %select_n3A : vector<1000x1xf32>
    %mul3A_10 = arith.constant 2.000000e-01 : f32
    %mul3A_11 = vector.broadcast %mul3A_10 : f32 to vector<1000x1xf32>
    %mul3A_12 = arith.mulf %mul3A_11, %slice3A : vector<1000x1xf32>
    %sub3A_13 = arith.subf %mul3A_12, %select_n3A : vector<1000x1xf32>
    %broadcast_in_dim3A = arith.constant 0.000000e+00 : f32
    %broadcast_in_dim3A_14 = vector.broadcast %broadcast_in_dim3A : f32 to vector<1000x6xf32>
    %concatenate3A = tpu.concatenate %sub3A, %sub3A_13, %broadcast_in_dim3A_14 in 1 : vector<1000x1xf32>, vector<1000x1xf32>, vector<1000x6xf32> -> vector<1000x8xf32>
    %swap3A = arith.constant 0 : index
    %swap3A_15 = arith.constant 0 : index
    %swap3A_16 = vector.load %arg3[%swap3A, %swap3A_15] : memref<1000x8xf32, #tpu.memory_space<vmem>>, vector<1000x8xf32>
    tpu.vector_store %arg3[%swap3A, %swap3A_15], %concatenate3A {strides = array<i32>} : memref<1000x8xf32, #tpu.memory_space<vmem>>, vector<1000x8xf32>,
    return
  }
  func.func @transform_0(%arg0: i32) -> (i32, i32) {
    %c0_i32 = arith.constant 0 : i32
    %c0_i32_0 = arith.constant 0 : i32
    return %arg0, %c0_i32 : i32, i32
  }
  func.func @transform_1(%arg0: i32) -> (i32, i32) {
    %c0_i32 = arith.constant 0 : i32
    %c0_i32_0 = arith.constant 0 : i32
    %c0_i32_1 = arith.constant 0 : i32
    return %c0_i32, %c0_i32_0 : i32, i32
  }
  func.func @transform_2(%arg0: i32) -> (i32, i32) {
    %c0_i32 = arith.constant 0 : i32
    %c0_i32_0 = arith.constant 0 : i32
    return %arg0, %c0_i32 : i32, i32
  }
}

module attributes {stable_mosaic.version = 14 : i64} {
  func.func @body(%arg0: i32, %arg1: memref<1000x48xf32, #tpu.memory_space<vmem>>, %arg2: memref<1000x48xf32, #tpu.memory_space<vmem>>, %arg3: memref<1000x40xf32, #tpu.memory_space<vmem>>, %arg4: memref<1000x40xf32, #tpu.memory_space<vmem>>) attributes {dimension_semantics = [#tpu.dimension_semantics<arbitrary>], iteration_bounds = array<i64: 10>, scalar_prefetch = 0 : i64, scratch_operands = 0 : i64, tpu.core_type = #tpu.core_type<tc>, window_params = [{transform_indices = @transform_0, window_bounds = array<i64: 1000, 48>}, {transform_indices = @transform_1, window_bounds = array<i64: 1000, 48>}, {transform_indices = @transform_2, window_bounds = array<i64: 1000, 40>}, {transform_indices = @transform_3, window_bounds = array<i64: 1000, 40>}]} {
    %get3A = arith.constant 0 : index
    %get3A_0 = arith.constant 0 : index
    %get3A_1 = vector.load %arg1[%get3A, %get3A_0] : memref<1000x48xf32, #tpu.memory_space<vmem>>, vector<1000x48xf32>
    %get3A_2 = arith.constant 0 : index
    %get3A_3 = arith.constant 0 : index
    %get3A_4 = vector.load %arg2[%get3A_2, %get3A_3] : memref<1000x48xf32, #tpu.memory_space<vmem>>, vector<1000x48xf32>
    %add3A = arith.addf %get3A_1, %get3A_4 : vector<1000x48xf32>
    %slice3A = vector.extract_strided_slice %add3A {offsets = [0, 1], sizes = [1000, 40], strides = [1, 1]} : vector<1000x48xf32> to vector<1000x40xf32>
    %slice3A_5 = vector.extract_strided_slice %add3A {offsets = [0, 0], sizes = [1000, 1], strides = [1, 1]} : vector<1000x48xf32> to vector<1000x1xf32>
    %add3A_6 = arith.constant 1.000000e-16 : f32
    %add3A_7 = vector.broadcast %add3A_6 : f32 to vector<1000x1xf32>
    %add3A_8 = arith.addf %slice3A_5, %add3A_7 : vector<1000x1xf32>
    %div3A = vector.broadcast %add3A_8 : vector<1000x1xf32> to vector<1000x40xf32>
    %div3A_9 = arith.divf %slice3A, %div3A : vector<1000x40xf32>
    %get3A_10 = arith.constant 0 : index
    %get3A_11 = arith.constant 0 : index
    %get3A_12 = vector.load %arg3[%get3A_10, %get3A_11] : memref<1000x40xf32, #tpu.memory_space<vmem>>, vector<1000x40xf32>
    %add3A_13 = arith.addf %div3A_9, %get3A_12 : vector<1000x40xf32>
    %swap3A = arith.constant 0 : index
    %swap3A_14 = arith.constant 0 : index
    %swap3A_15 = vector.load %arg4[%swap3A, %swap3A_14] : memref<1000x40xf32, #tpu.memory_space<vmem>>, vector<1000x40xf32>
    tpu.vector_store %arg4[%swap3A, %swap3A_14], %add3A_13 {strides = array<i32>} : memref<1000x40xf32, #tpu.memory_space<vmem>>, vector<1000x40xf32>,
    return
  }
  func.func @transform_0(%arg0: i32) -> (i32, i32) {
    %c0_i32 = arith.constant 0 : i32
    %c0_i32_0 = arith.constant 0 : i32
    return %arg0, %c0_i32 : i32, i32
  }
  func.func @transform_1(%arg0: i32) -> (i32, i32) {
    %c0_i32 = arith.constant 0 : i32
    %c0_i32_0 = arith.constant 0 : i32
    return %arg0, %c0_i32 : i32, i32
  }
  func.func @transform_2(%arg0: i32) -> (i32, i32) {
    %c0_i32 = arith.constant 0 : i32
    %c0_i32_0 = arith.constant 0 : i32
    return %arg0, %c0_i32 : i32, i32
  }
  func.func @transform_3(%arg0: i32) -> (i32, i32) {
    %c0_i32 = arith.constant 0 : i32
    %c0_i32_0 = arith.constant 0 : i32
    return %arg0, %c0_i32 : i32, i32
  }
}

</mosaic_0001>

<sc_bundles>
// kernel: kernel.12.cloned.1.call-start
scs
__scs_entry_jumppad:
0x0: {  	(pc) =	sbr.rel $0x88, $3  }
0x1: {  	(tag) =	ssettag $0x0;
	lr =	simm.s32 $0x1  }
0x2: {  	[smem:$0x3F96] =	sst lr;
	_ =	strace $0xD0000000  }
0x3: {  	_ = 	snop  }
0x4: {  	_ = 	snop  }
0x5: {  	_ = 	snop  }
0x6: {  	_ = 	snop  }
0x7: {  	_ = 	snop  }
__scs_overlays_trampoline_lowered:
0x8: {  	[smem:$0x3FA5] =	sst s0  }
0x9: {  	[smem:$0x3FA6] =	sst s1  }
0xa: {  	[smem:$0x3FA7] =	sst s2  }
0xb: {  	[smem:$0x3FA8] =	sst s3  }
0xc: {  	[smem:$0x3FA9] =	sst s4  }
0xd: {  	[smem:$0x3FAA] =	sst s5  }
0xe: {  	[smem:$0x3FAB] =	sst s6  }
0xf: {  	[smem:$0x3FAC] =	sst s7  }
0x10: {  	[smem:$0x3FAD] =	sst s8  }
0x11: {  	[smem:$0x3FAE] =	sst s9;
	s0 =	simm.s32 @!p0 $0x0  }
0x12: {  	s1 =	sld [smem:$0x3F94];
	s0 =	simm.s32 @p0 $0x1  }
0x13: {  	[smem:$0x3FAF] =	sst s0;
	s0 =	simm.s32 @!p1 $0x0  }
0x14: {  	s2 =	sld [smem:$0x3F93];
	s0 =	simm.s32 @p1 $0x1  }
0x15: {  	[smem:$0x3FB0] =	sst s0;
	s0 =	simm.s32 @!p2 $0x0  }
0x16: {  	s3 =	sld [smem:$0x3FDB];
	s0 =	simm.s32 @p2 $0x1  }
0x17: {  	s4 =	simm.s32 $0x1BF5;
	[smem:$0x3FB2] =	sst s0  }
0x18: {  	s0 =	sld [smem:$0x3F95];
	_ =	swait.ge [sflag:s4], $0x0  }
0x19: {  	s7 =	sld [smem:$0x3F96]  }
0x1a: {  	s8 =	sadd.s32 $0xFFFFE003, lr  }
0x1b: {  	s9 =	sadd.s32 $0xFFFFFEF7, lr;
	s5 =	simm.s32 $0xFFFFFFFF;
	p2 =	slt.u32 s8, $0xFFFFF086  }
0x1c: {  	p1 =	slt.u32 s9, $0xF7A;
	s5 =	simm.s32 @!p2 $0x0  }
0x1d: {  	s5 =	simm.s32 @p1 $0x1;
	p0 =	seq.s32 s7, s2  }
0x1e: {  	s7 =	smul.u32 @!p0 $0xF7A, s2;
	p2 =	seq.s32 @!p0 s5, $0x0  }
0x1f: {  	s9 =	smul.u32 $0xF7A, s1;
	s8 =	simm.s32 @!p0 $0x1BF5;
	p2 =	por !p2, p0  }
0x20: {  	[sflag:s8] =	ssyncset.s32 @!p0 $0xFFFFF086;
	s6 =	sadd.s32 @!p0 s3, s7;
	s7 =	simm.s32 @!p0 $0x108  }
0x21: {  	s3 =	sadd.s32 s3, s9;
	s6 =	sadd.s32 @!p0 $0x88, s6;
	s7 =	simm.s32 @p2 $0x1082  }
0x22: {  	[simem:s7], [sflag:s8] =	dma.local @!p0 [hbm:s6], $0xF7A  }
0x23: {  	s9 =	sor.u32 $0xD0000000, s2;
	s6 =	simm.s32 $0x108;
	_ =	swait.ge @!p0 [sflag:s8], $0x0  }
0x24: {  	s3 =	sadd.s32 $0x88, s3;
	s6 =	simm.s32 @!p1 $0x1082;
	[sflag:s4] =	ssyncset.s32 $0xFFFFF086  }
0x25: {  	[simem:s6], [sflag:s4] =	dma.local [hbm:s3], $0xF7A  }
0x26: {  	[smem:$0x3F96] =	sst s1;
	(tag) =	ssettag s2;
	_ =	strace s9  }
0x27: {  	s1 =	sld [smem:$0x3FA6]  }
0x28: {  	s2 =	sld [smem:$0x3FA7]  }
0x29: {  	s4 =	sld [smem:$0x3FA9]  }
0x2a: {  	p0 =	seq.s32 s5, $0x0;
	s5 =	sld [smem:$0x3FAA]  }
0x2b: {  	s6 =	sld [smem:$0x3FAB]  }
0x2c: {  	s7 =	sld [smem:$0x3FAC]  }
0x2d: {  	s3 =	simm.s32 $0x108;
	s8 =	sld [smem:$0x3FAD]  }
0x2e: {  	s3 =	simm.s32 @!p0 $0x1082;
	s9 =	sld [smem:$0x3FAE]  }
0x2f: {  	lr =	sadd.s32 s0, s3;
	s0 =	sld [smem:$0x3FA5]  }
0x30: {  	s3 =	sld [smem:$0x3FA8]  }
0x31: {  	[smem:$0x3FB1] =	sst s10  }
0x32: {  	s10 =	sld [smem:$0x3FAF];
	_ =	sdelay $0x3  }
0x33: {  	p0 =	seq.s32 s10, $0x1;
	s10 =	sld [smem:$0x3FB1];
	_ =	sdelay $0x3  }
0x34: {  	[smem:$0x3FB1] =	sst s10  }
0x35: {  	s10 =	sld [smem:$0x3FB0];
	_ =	sdelay $0x3  }
0x36: {  	p1 =	seq.s32 s10, $0x1;
	s10 =	sld [smem:$0x3FB1];
	_ =	sdelay $0x3  }
0x37: {  	[smem:$0x3FB1] =	sst s10  }
0x38: {  	s10 =	sld [smem:$0x3FB2]  }
0x39: {  	_ = 	snop;
	(pc) =	sbr.ind lr, $3  }
0x3a: {  	_ = 	snop  }
0x3b: {  	_ = 	snop  }
0x3c: {  	p2 =	seq.s32 s10, $0x1;
	s10 =	sld [smem:$0x3FB1]  }
0x3d: {  	_ =	shalt  }
0x3e: {  	_ =	shalt  }
0x3f: {  	_ =	shalt  }
0x40: {  	_ =	shalt  }
0x41: {  	_ =	shalt  }
0x42: {  	_ =	shalt  }
0x43: {  	_ =	shalt  }
0x44: {  	_ =	shalt  }
0x45: {  	_ =	shalt  }
0x46: {  	_ =	shalt  }
0x47: {  	_ =	shalt  }
0x48: {  	_ =	shalt  }
0x49: {  	_ =	shalt  }
0x4a: {  	_ =	shalt  }
0x4b: {  	_ =	shalt  }
0x4c: {  	_ =	shalt  }
0x4d: {  	_ =	shalt  }
0x4e: {  	_ =	shalt  }
0x4f: {  	_ =	shalt  }
0x50: {  	_ =	shalt  }
0x51: {  	_ =	shalt  }
0x52: {  	_ =	shalt  }
0x53: {  	_ =	shalt  }
0x54: {  	_ =	shalt  }
0x55: {  	_ =	shalt  }
0x56: {  	_ =	shalt  }
0x57: {  	_ =	shalt  }
0x58: {  	_ =	shalt  }
0x59: {  	_ =	shalt  }
0x5a: {  	_ =	shalt  }
0x5b: {  	_ =	shalt  }
0x5c: {  	_ =	shalt  }
0x5d: {  	_ =	shalt  }
0x5e: {  	_ =	shalt  }
0x5f: {  	_ =	shalt  }
0x60: {  	_ =	shalt  }
0x61: {  	_ =	shalt  }
0x62: {  	_ =	shalt  }
0x63: {  	_ =	shalt  }
0x64: {  	_ =	shalt  }
0x65: {  	_ =	shalt  }
0x66: {  	_ =	shalt  }
0x67: {  	_ =	shalt  }
0x68: {  	_ =	shalt  }
0x69: {  	_ =	shalt  }
0x6a: {  	_ =	shalt  }
0x6b: {  	_ =	shalt  }
0x6c: {  	_ =	shalt  }
0x6d: {  	_ =	shalt  }
0x6e: {  	_ =	shalt  }
0x6f: {  	_ =	shalt  }
0x70: {  	_ =	shalt  }
0x71: {  	_ =	shalt  }
0x72: {  	_ =	shalt  }
0x73: {  	_ =	shalt  }
0x74: {  	_ =	shalt  }
0x75: {  	_ =	shalt  }
0x76: {  	_ =	shalt  }
0x77: {  	_ =	shalt  }
0x78: {  	_ =	shalt  }
0x79: {  	_ =	shalt  }
0x7a: {  	_ =	shalt  }
0x7b: {  	_ =	shalt  }
0x7c: {  	_ =	shalt  }
0x7d: {  	_ =	shalt  }
0x7e: {  	_ =	shalt  }
0x7f: {  	_ =	shalt  }
0x80: {  	_ =	shalt  }
0x81: {  	_ =	shalt  }
0x82: {  	_ =	shalt  }
0x83: {  	_ =	shalt  }
0x84: {  	_ =	shalt  }
0x85: {  	_ =	shalt  }
0x86: {  	_ =	shalt  }
0x87: {  	_ =	shalt  }
.Lfunc_end0:
.L_simem_size_0:
called_computation.1_lowered:
.L_overlay_start_0:
0x88: {  	s2 =	sld [smem:$0x3FD9]  }
0x89: {  	s3 =	sld [smem:$0x3FFE];
	_ =	sdelay $0x1  }
0x8a: {  	s1 =	srdreg.scid  }
0x8b: {  	s0 =	sand.u32 $0x1, s1  }
0x8c: {  	s17 =	sshll.u32 s0, $0xA;
	s2 =	sadd.s32 s3, s2  }
0x8d: {  	s2 =	sadd.s32 s2, s17  }
0x8e: {  	[smem:$0x3FBD] =	sst s2  }
0x8f: {  	_ = 	snop  }
0x90: {  	s2 =	sld [smem:$0x3FD0];
	(tm) =	ssettm $0x1  }
0x91: {  	s18 =	sld [smem:$0x3FFB];
	_ =	sdelay $0x3  }
0x92: {  	_ =	strace s18  }
0x93: {  	s3 =	sld [smem:$0x3FFC];
	_ =	sdelay $0x3  }
0x94: {  	_ =	strace s3  }
0x95: {  	s3 =	sld [smem:$0x3FFD];
	_ =	sdelay $0x3  }
0x96: {  	_ =	strace s3  }
0x97: {  	_ =	strace $0x8FFFFFFF  }
0x98: {  	s19 =	sld [smem:$0x3FDB];
	_ =	sdelay $0x1  }
0x99: {  	s4 =	simm.s32 $_scs_section_size  }
0x9a: {  	s5 =	simm.s32 $_size__tile_overlayer_lowered;
	s6 =	simm.s32 $_tile_overlayer_lowered  }
0x9b: {  	s22 =	simm.s32 $0x1BFF;
	s21 =	sshll.u32 s6, $0x1;
	s3 =	sadd.s32 s4, s19  }
0x9c: {  	s7 =	simm.s32 $0x0;
	s20 =	sshll.u32 s5, $0x1;
	s5 =	sadd.s32 s21, s3  }
0x9d: {  	[timem:s7], [sflag:s22] =	dma.local [hbm:s5], s20  }
0x9e: {  	_ =	swait.ge [sflag:s22], s20  }
0x9f: {  	s4 =	ssub.s32 $0x0, s20;
	[sflag:s22] =	ssyncset.done $0x0  }
0xa0: {  	[sflag:s22] =	ssyncadd.s32 s4;
	_ =	sdelay $0x1  }
0xa1: {  	s23 =	simm.s32 $0x1B8B  }
0xa2: {  	_ =	swait.ge [sflag:s23], $0x1  }
0xa3: {  	[sflag:s23] =	ssyncset.done $0x0  }
0xa4: {  	s25 =	simm.s32 $0x1B8E;
	s24 =	sld [smem:$0x3FFE];
	[sflag:s23] =	ssyncadd.s32 $0xFFFFFFFF  }
0xa5: {  	s26 =	simm.s32 $execute0_lowered;
	[smem:$0x3FD2] =	sst s25  }
0xa6: {  	s5 =	sshll.u32 s26, $0x1;
	_ =	strace $0x80000049;
	[dreg:$0x1] =	wrdreg $0xFFFFFFFF  }
0xa7: {  	s28 =	simm.s32 $_size_execute0_lowered;
	s3 =	sadd.s32 s3, s5;
	[dreg:$0x0] =	wrdreg $0x0  }
0xa8: {  	s5 =	sshll.u32 s28, $0x1;
	[dreg:$0x2] =	wrdreg s3  }
0xa9: {  	[dreg:$0x3] =	wrdreg s5  }
0xaa: {  	[dreg:$0x4] =	wrdreg $0xC0  }
0xab: {  	_ =	task [dreg:s7], $0x5FFFF  }
0xac: {  	[dreg:$0x1] =	wrdreg $0xFFFFFFFF  }
0xad: {  	[dreg:$0x0] =	wrdreg $0x60  }
0xae: {  	[dreg:$0x2] =	wrdreg s24  }
0xaf: {  	[dreg:$0x3] =	wrdreg s2  }
0xb0: {  	[dreg:$0x4] =	wrdreg $0x43800  }
0xb1: {  	[dreg:$0x5] =	wrdreg $0x9  }
0xb2: {  	_ =	task.clear_ibuf [dreg:s7], $0x6FFFF;
	_ =	strace $0x90000049  }
0xb3: {  	s29 =	simm.s32 $0x9;
	_ =	strace $0x8000004B  }
0xb4: {  	_ =	swait.ge [sflag:s29], $0x1  }
0xb5: {  	[sflag:s29] =	ssyncadd.s32 $0xFFFFFFFF  }
0xb6: {  	_ =	strace $0x9000004B  }
0xb7: {  	_ =	sfence  }
0xb8: {  	s30 =	sld [smem:$0x0];
	_ =	sdelay $0x2  }
0xb9: {  	s31 =	sshll.u32 s1, $0xD;
	s1 =	sshrl.u32 s1, $0x2  }
0xba: {  	s3 =	sand.u32 $0x4000, s31;
	s1 =	sadd.s32 s1, s30  }
0xbb: {  	s0 =	sor.u32 s3, s0;
	s1 =	sshll.u32 s1, $0x11  }
0xbc: {  	s0 =	sor.u32 s1, s0  }
0xbd: {  	s0 =	sadd.s32 $0x8F2B, s0  }
0xbe: {  	[sflag:s0] =	ssyncadd.remote.s32 $0x1  }
0xbf: {  	_ =	sfence.sel $0xFFFF  }
0xc0: {  	[dreg:$0x0] =	wrdreg $0xFFFFFFFF;
	(pc) =	sbr.abs _section_cstart, $3  }
0xc1: {  	[dreg:$0x1] =	wrdreg $0xFFFFFFFF  }
0xc2: {  	_ =	task.clear_ibuf [dreg:s7], $0x2FFFF;
	_ =	strace $0x9FFFFFFF  }
0xc3: {  	(tm) =	ssettm $0x7FFFFFFF  }
tec
execute0_lowered:
.L_overlay_start_1:
0x0: {  	(tag) =	ssettag $0x1  }
0x1: {  	s0 =	rddreg [dreg:$0x0]  }
0x2: {  	s1 =	rddreg [dreg:$0x1]  }
0x3: {  	s3 =	rddreg [dreg:$0x2];
	s4 =	simm.s32 $0x0  }
0x4: {  	s2 =	srdreg.scid;
	s8 =	stileid.u32;
	s18 =	simm.s32 $0xB  }
0x5: {  	s20 =	simm.s32 $0x50;
	s28 =	simm.s32 $0x0;
	[smem:$0x7FF] =	sst s4  }
0x6: {  	s2 =	sand.u32 $0x1, s2;
	s9 =	smul.u32 $0xEA6, s8;
	s5 =	sadd.s32 $0x4400, s0  }
0x7: {  	s6 =	sadd.s32 $0x1C00, s0;
	s7 =	sadd.s32 $0x32C00, s0;
	s11 =	sadd.s32 $0x13000, s0  }
0x8: {  	s22 =	sshll.u32 s8, $0x1;
	s24 =	smul.u32 $0x1D4C0, s8;
	s26 =	sshll.u32 s8, $0x6  }
0x9: {  	_ =	strace $0x8000004A;
	s10 =	smul.u32 $0xEA60, s2;
	s23 =	ssub.s32 $0x2, s2  }
0xa: {  	[dreg:$0x4] =	wrdreg s11;
	s2 =	sor.u32 s2, s22;
	s12 =	sshrl.u32 s23, $0x1  }
0xb: {  	v0 =	vlaneseq.u32;
	s22 =	simm.s32 $0x1;
	s9 =	sadd.s32 s9, s10;
	s25 =	ssub.s32 s23, s12  }
0xc: {  	v1 =	vimm.s32 $0x3;
	v2 =	vimm.s32 $0x1;
	v3 =	vimm.s32 $0x0;
	s10 =	sshrl.u32 s24, $0x2;
	s0 =	sadd.s32 s9, s0;
	s9 =	smul.u32 $0x2710, s2  }
0xd: {  	v4 =	vimm.s32 $0x2;
	v5 =	vimm.s32 $0x4;
	v6 =	vimm.s32 $0x5;
	s23 =	simm.s32 $0x280;
	s24 =	simm.s32 $0x2080;
	s17 =	sadd.s32 s10, s3  }
0xe: {  	v7 =	vimm.s32 $0x6;
	v8 =	vimm.s32 $0x7;
	v9 =	vimm.s32 $0x8;
	s10 =	sor.u32 $0x1C0B, s26;
	s16 =	smax.u32 s25, $0x1;
	s13 =	sshrl.u32 s9, $0x3  }
0xf: {  	v10 =	vimm.s32 $0x9;
	v11 =	vimm.s32 $0xA;
	v12 =	vimm.s32 $0xB;
	s25 =	simm.s32 $0xA;
	s26 =	simm.s32 $0x9;
	s29 =	sadd.s32 s7, s13  }
0x10: {  	v13 =	vimm.s32 $0xC;
	v17 =	vmul.u32 $0x30, v0;
	v19 =	vmul.u32 $0x8, v0;
	s30 =	sadd.s32 s1, s13;
	s14 =	sadd.s32 $0xA, s13;
	[dreg:$0x5] =	wrdreg s29  }
0x11: {  	v14 =	vimm.s32 $0xD;
	v15 =	vimm.s32 $0xE;
	v16 =	vimm.s32 $0xF;
	s15 =	sadd.s32 $0x14000, s0;
	[dreg:$0x6] =	wrdreg s30;
	s31 =	sadd.s32 s7, s14  }
0x12: {  	v17 =	vor.u32 $0xC00, v17;
	v18 =	vor.u32 $0x200, v19;
	v19 =	vor.u32 $0x201, v19;
	s17 =	sshrl.u32 s17, $0x3;
	s14 =	sadd.s32 s1, s14;
	[dreg:$0x7] =	wrdreg s31  }
.LBB2_1:
0x13: {  	s0 =	rddreg [dreg:$0x4]  }
0x14: {  	[spmem:s17], [sflag:s10] =	dma.local [hbm:s0], $0xEA6  }
0x15: {  	_ =	swait.ge [sflag:s18], $0xEA6  }
0x16: {  	[sflag:s18] =	ssyncset.done $0x0  }
0x17: {  	[sflag:s18] =	ssyncadd.s32 $0xFFFFF15A  }
0x18: {  	[bflag:$0x0] =	sbarrier.arrive $0xFFFF  }
0x19: {  	s21 =	rddreg [dreg:$0x5]  }
0x1a: {  	[tilespmem:s4], [sflag:$0x1] =	stream.linear.gather [hbm4b:s21+s4], $0x50, $0x38;
	[tilespmem:$0xB8B0] =	vst v63  }
0x1b: {  	s2 =	simm.s32 $0x140;
	s29 =	rddreg [dreg:$0x6]  }
0x1c: {  	[tilespmem:s2], [sflag:$0x1] =	stream.linear.gather [hbm4b:s29+s4], $0x50, $0x38;
	[tilespmem:$0xB8B0] =	vst v63  }
0x1d: {  	s30 =	rddreg [dreg:$0x7]  }
0x1e: {  	[tilespmem:s20], [sflag:$0x2] =	stream.linear.gather [hbm4b:s30+s4], $0x50, $0x38;
	[tilespmem:$0xB8B0] =	vst v63  }
0x1f: {  	s31 =	simm.s32 $0x190  }
0x20: {  	[tilespmem:s31], [sflag:$0x2] =	stream.linear.gather [hbm4b:s14+s4], $0x50, $0x38;
	[tilespmem:$0xB8B0] =	vst v63  }
0x21: {  	_ =	swait.ge [sflag:s22], $0x50  }
0x22: {  	[sflag:s22] =	ssyncset.done $0x0  }
0x23: {  	[sflag:s22] =	ssyncadd.s32 $0xFFFFFFB0  }
0x24: {  	_ =	swait.ge [sflag:s22], $0x50  }
0x25: {  	[sflag:s22] =	ssyncset.done $0x0  }
0x26: {  	[sflag:s22] =	ssyncadd.s32 $0xFFFFFFB0  }
0x27: {  	[tilespmem:s23], [sflag:$0x5] =	stream.indirect.gather [hbm4b:s5+s20], $0x30, s4, s20, $0xb8;
	[tilespmem:$0xB8B0] =	vst v63  }
0x28: {  	s0 =	simm.s32 $0x0  }
0x29: {  	[tilespmem:s24], [sflag:$0x7] =	stream.indirect.gather [hbm4b:s6+s20], $0x8, s2, s20, $0xb8;
	[tilespmem:$0xB8B0] =	vst v63  }
.LBB2_2:
0x2a: {  	p0 =	sgt.u32 s0, $0x7A  }
.Ltmp0:
0x2b: {  	_ = 	snop;
	(pc) =	sbr.rel @p0 .LBB2_4-.Ltmp0, $2  }
0x2c: {  	_ =	sdelay $0x2  }
0x2d: {  	s29 =	sand.u32 $0x1, s0  }
0x2e: {  	s2 =	sadd.s32 $0x2, s0  }
0x2f: {  	s30 =	smul.u32 $0x50, s2;
	_ =	sdelay $0x1  }
0x30: {  	s2 =	sand.u32 $0x3, s2;
	s30 =	sadd.s32 s9, s30  }
0x31: {  	s31 =	smul.u32 $0x50, s2;
	s30 =	sshrl.u32 s30, $0x3  }
.Ltmp1:
0x32: {  	s2 =	sadd.s32 $0x1, s2;
	s21 =	sadd.s32 s7, s30;
	(pc) =	sbr.rel .LBB2_5-.Ltmp1, $4  }
0x33: {  	[tilespmem:s31], [sflag:s2] =	stream.linear.gather [hbm4b:s21+s4], $0x50, $0x38;
	[tilespmem:$0xB8B0] =	vst v63  }
0x34: {  	s30 =	sadd.s32 s1, s30;
	s31 =	sadd.s32 $0x140, s31  }
0x35: {  	[tilespmem:s31], [sflag:s2] =	stream.linear.gather [hbm4b:s30+s4], $0x50, $0x38;
	[tilespmem:$0xB8B0] =	vst v63  }
0x36: {  	s2 =	sadd.s32 $0x1, s0  }
.LBB2_4:
0x37: {  	p0 =	seq.s32 s0, $0x7C  }
.Ltmp2:
0x38: {  	_ = 	snop;
	(pc) =	sbr.rel @p0 .LBB2_6-.Ltmp2, $2  }
0x39: {  	_ =	sdelay $0x2  }
0x3a: {  	s2 =	simm.s32 $0x7C;
	s30 =	simm.s32 $0x7D  }
.LBB2_5:
0x3b: {  	s21 =	sand.u32 $0x3, s2  }
0x3c: {  	s30 =	sadd.s32 $0x1, s21  }
0x3d: {  	s31 =	sxor.u32 $0x1, s29;
	_ =	swait.ge [sflag:s30], $0x50  }
0x3e: {  	s8 =	smul.u32 $0x3C00, s31;
	[sflag:s30] =	ssyncset.done $0x0  }
0x3f: {  	s11 =	smul.u32 $0xA00, s31;
	[sflag:s30] =	ssyncadd.s32 $0xFFFFFFB0  }
0x40: {  	s21 =	smul.u32 $0x50, s21;
	s8 =	sshrl.u32 s8, $0x2;
	_ =	swait.ge [sflag:s30], $0x50  }
0x41: {  	s19 =	sshrl.u32 s11, $0x2;
	s8 =	sadd.s32 $0x280, s8;
	[sflag:s30] =	ssyncset.done $0x0  }
0x42: {  	[sflag:s30] =	ssyncadd.s32 $0xFFFFFFB0;
	s30 =	sadd.s32 $0x5, s31;
	s31 =	sadd.s32 $0x7, s31  }
0x43: {  	[tilespmem:s8], [sflag:s30] =	stream.indirect.gather [hbm4b:s5+s20], $0x30, s21, s20, $0xb8;
	[tilespmem:$0xB8B0] =	vst v63  }
0x44: {  	s21 =	sadd.s32 $0x140, s21;
	s8 =	sadd.s32 $0x2080, s19;
	s30 =	smov.u32 s2  }
0x45: {  	[tilespmem:s8], [sflag:s31] =	stream.indirect.gather [hbm4b:s6+s20], $0x8, s21, s20, $0xb8;
	[tilespmem:$0xB8B0] =	vst v63  }
.LBB2_6:
0x46: {  	s2 =	sadd.s32 $0x5, s29  }
0x47: {  	s21 =	sadd.s32 $0x7, s29;
	s31 =	smul.u32 $0xF00, s29;
	_ =	swait.ge [sflag:s2], $0xF00  }
0x48: {  	p0 =	slt.u32 s0, $0x2;
	s0 =	sand.u32 $0x3, s0;
	[sflag:s2] =	ssyncset.done $0x0  }
0x49: {  	s8 =	sadd.s32 $0x210, s31;
	s11 =	sadd.s32 $0x240, s31;
	s12 =	sadd.s32 $0x2A0, s31  }
0x4a: {  	s19 =	sadd.s32 $0x2D0, s31;
	s13 =	sadd.s32 $0x390, s31;
	[sflag:s2] =	ssyncadd.s32 $0xFFFFF100  }
0x4b: {  	v20 =	vmov s29;
	s2 =	sadd.s32 @!p0 $0x9, s29;
	v23 =	vmov s8;
	v24 =	vmov s11;
	s8 =	sadd.s32 $0x330, s31;
	s11 =	sadd.s32 $0x360, s31  }
0x4c: {  	v26 =	vmov s12;
	v27 =	vmov s19;
	s12 =	sadd.s32 $0x3C0, s31;
	s19 =	sadd.s32 $0x3F0, s31;
	v30 =	vmov s13;
	s13 =	sadd.s32 $0x4B0, s31  }
0x4d: {  	v21 =	vmul.u32 $0xF00, v20;
	_ =	swait.ge [sflag:s21], $0x280;
	v28 =	vmov s8;
	v29 =	vmov s11;
	s8 =	sadd.s32 $0x450, s31;
	s11 =	sadd.s32 $0x480, s31  }
0x4e: {  	v20 =	vmul.u32 $0x280, v20;
	v31 =	vmov s12;
	v32 =	vmov s19;
	s12 =	sadd.s32 $0x4E0, s31;
	s19 =	sadd.s32 $0x510, s31;
	[sflag:s21] =	ssyncset.done $0x0  }
0x4f: {  	v22 =	vmov s31;
	v36 =	vmov s13;
	s13 =	sadd.s32 $0x5D0, s31;
	v34 =	vmov s8;
	[sflag:s21] =	ssyncadd.s32 $0xFFFFFD80;
	s21 =	sadd.s32 $0x270, s31  }
0x50: {  	v35 =	vmov s11;
	s8 =	sadd.s32 $0x570, s31;
	v37 =	vmov s12;
	_ =	swait.ge @!p0 [sflag:s2], $0xF00;
	v25 =	vmov s21;
	s21 =	sadd.s32 $0x420, s31  }
0x51: {  	s11 =	sadd.s32 $0x5A0, s31;
	v38 =	vmov s19;
	v42 =	vmov s13;
	[sflag:s2] =	ssyncset.done @!p0 $0x0;
	v33 =	vmov s21;
	s21 =	sadd.s32 $0x540, s31  }
0x52: {  	v40 =	vmov s8;
	v41 =	vmov s11;
	v39 =	vmov s21;
	[sflag:s2] =	ssyncadd.s32 @!p0 $0xFFFFF100;
	s2 =	simm.s32 $0x0;
	p0 =	por $0x1, $0x1  }
.LBB2_7:
0x53: {  	s8 =	sshll.u32 s2, $0x4  }
0x54: {  	v43 =	vor.u32 s8, v0  }
0x55: {  	s8 =	sor.u32 $0x10, s8;
	v44 =	vmul.u32 $0x30, v43;
	v43 =	vshll.u32 v43, $0x3  }
0x56: {  	v45 =	vor.u32 s8, v0;
	v43 =	vadd.s32 v20, v43  }
0x57: {  	v46 =	vmul.u32 $0x30, v45;
	v44 =	vadd.s32 v21, v44  }
0x58: {  	v47 =	vor.u32 $0x1, v43  }
0x59: {  	v45 =	vshll.u32 v45, $0x3;
	v46 =	vadd.s32 v21, v46  }
0x5a: {  	v45 =	vadd.s32 v20, v45  }
0x5b: {  	v48 =	vor.u32 $0x1, v45;
	v43 =	vld.idx.msk [tilespmem:v43+s24+$0x0], $0xffff  }
0x5c: {  	v44 =	vld.idx.msk [tilespmem:v44+s23+$0x0], $0xffff  }
0x5d: {  	v47 =	vld.idx.msk [tilespmem:v47+s24+$0x0], $0xffff  }
0x5e: {  	v46 =	vld.idx.msk [tilespmem:v46+s23+$0x0], $0xffff  }
0x5f: {  	v45 =	vld.idx.msk [tilespmem:v45+s24+$0x0], $0xffff  }
0x60: {  	v48 =	vld.idx.msk [tilespmem:v48+s24+$0x0], $0xffff;
	_ =	sdelay $0x1  }
0x61: {  	v49 =	vmul.f32 $2.000000030e-01, v44  }
0x62: {  	v50 =	vmul.f32 $2.000000030e-01, v46  }
0x63: {  	v43 =	vadd.f32 v43, v44;
	v53 =	vadd.f32 v47, v49  }
0x64: {  	v45 =	vadd.f32 v45, v46;
	v54 =	vadd.f32 v48, v50  }
0x65: {  	v43 =	vmax.f32 v43, v53  }
0x66: {  	v43 =	vmul.f32 $1.442695020e+00, v43;
	v55 =	vmax.f32 v45, v54  }
0x67: {  	v44 =	vmul.f32 $1.442695020e+00, v55  }
0x68: {  	(erf) = vpow2.f32 v43  }
0x69: {  	(erf) = vpow2.f32 v44;
	_ =	sdelay $0x2  }
0x6a: {  	s21 =	smul.u32 $0x300, s2  }
0x6b: {  	s8 =	smul.u32 $0x30, s8  }
0x6c: {  	v56 =	vld.idx.msk [tilespmem:v22+s21+$0x280 ss:$0x1], $0xffff  }
0x6d: {  	v57 =	vld.idx.msk [tilespmem:v22+s8+$0x280 ss:$0x1], $0xffff;
	_ =	sdelay $0x1  }
0x6e: {  	v43 =	vpop (erf)  }
0x6f: {  	vm0 =	veq.s32 v0, $0x0;
	v58 =	vperm.xlane v43, v3;
	v44 =	vpop (erf)  }
0x70: {  	v45 =	vsel vm0, $0x3F800000, v56;
	v59 =	vperm.xlane v44, v3  }
0x71: {  	v46 =	vsel vm0, $0x3F800000, v57;
	v45 =	vmul.f32 v45, v58  }
0x72: {  	v46 =	vmul.f32 v46, v59  }
0x73: {  	[tilespmem:v22+s21+$0x2580 ss:$0x1] =	vst.idx.msk $0xffff, v45  }
0x74: {  	v45 =	vld.idx.msk [tilespmem:v22+s21+$0x290 ss:$0x1], $0xffff;
	[tilespmem:v22+s8+$0x2580 ss:$0x1] =	vst.idx.msk $0xffff, v46  }
0x75: {  	v46 =	vld.idx.msk [tilespmem:v22+s8+$0x290 ss:$0x1], $0xffff;
	_ =	sdelay $0x3  }
0x76: {  	v45 =	vmul.f32 v45, v58  }
0x77: {  	v46 =	vmul.f32 v46, v59  }
0x78: {  	[tilespmem:v22+s21+$0x2590 ss:$0x1] =	vst.idx.msk $0xffff, v45  }
0x79: {  	v45 =	vld.idx.msk [tilespmem:v22+s21+$0x2A0 ss:$0x1], $0xffff;
	[tilespmem:v22+s8+$0x2590 ss:$0x1] =	vst.idx.msk $0xffff, v46  }
0x7a: {  	v46 =	vld.idx.msk [tilespmem:v22+s8+$0x2A0 ss:$0x1], $0xffff;
	_ =	sdelay $0x3  }
0x7b: {  	v45 =	vmul.f32 v45, v58  }
0x7c: {  	v46 =	vmul.f32 v46, v59  }
0x7d: {  	[tilespmem:v22+s21+$0x25A0 ss:$0x1] =	vst.idx.msk $0xffff, v45  }
0x7e: {  	v45 =	vld.idx.msk [tilespmem:v22+s21+$0x2B0 ss:$0x1], $0xffff;
	[tilespmem:v22+s8+$0x25A0 ss:$0x1] =	vst.idx.msk $0xffff, v46  }
0x7f: {  	v46 =	vld.idx.msk [tilespmem:v28+s21+$0x280 ss:$0x1], $0xffff;
	_ =	sdelay $0x2  }
0x80: {  	v60 =	vperm.xlane v43, v2  }
0x81: {  	v61 =	vperm.xlane v44, v2;
	v45 =	vsel vm0, $0x3F800000, v45  }
0x82: {  	v45 =	vmul.f32 v45, v60;
	v46 =	vsel vm0, $0x3F800000, v46  }
0x83: {  	v46 =	vmul.f32 v46, v61  }
0x84: {  	[tilespmem:v22+s21+$0x25B0 ss:$0x1] =	vst.idx.msk $0xffff, v45  }
0x85: {  	v45 =	vld.idx.msk [tilespmem:v22+s21+$0x2C0 ss:$0x1], $0xffff;
	[tilespmem:v28+s21+$0x2580 ss:$0x1] =	vst.idx.msk $0xffff, v46  }
0x86: {  	v46 =	vld.idx.msk [tilespmem:v28+s21+$0x290 ss:$0x1], $0xffff;
	_ =	sdelay $0x3  }
0x87: {  	v45 =	vmul.f32 v45, v60  }
0x88: {  	v46 =	vmul.f32 v46, v61  }
0x89: {  	[tilespmem:v22+s21+$0x25C0 ss:$0x1] =	vst.idx.msk $0xffff, v45  }
0x8a: {  	v45 =	vld.idx.msk [tilespmem:v22+s21+$0x2D0 ss:$0x1], $0xffff;
	[tilespmem:v28+s21+$0x2590 ss:$0x1] =	vst.idx.msk $0xffff, v46  }
0x8b: {  	v46 =	vld.idx.msk [tilespmem:v28+s21+$0x2A0 ss:$0x1], $0xffff;
	_ =	sdelay $0x3  }
0x8c: {  	v45 =	vmul.f32 v45, v60  }
0x8d: {  	v46 =	vmul.f32 v46, v61  }
0x8e: {  	[tilespmem:v22+s21+$0x25D0 ss:$0x1] =	vst.idx.msk $0xffff, v45  }
0x8f: {  	v45 =	vld.idx.msk [tilespmem:v22+s21+$0x2E0 ss:$0x1], $0xffff;
	[tilespmem:v28+s21+$0x25A0 ss:$0x1] =	vst.idx.msk $0xffff, v46  }
0x90: {  	v46 =	vld.idx.msk [tilespmem:v29+s21+$0x280 ss:$0x1], $0xffff;
	_ =	sdelay $0x2  }
0x91: {  	v62 =	vperm.xlane v43, v4  }
0x92: {  	v63 =	vperm.xlane v44, v4;
	v45 =	vsel vm0, $0x3F800000, v45  }
0x93: {  	v45 =	vmul.f32 v45, v62;
	v46 =	vsel vm0, $0x3F800000, v46  }
0x94: {  	v46 =	vmul.f32 v46, v63  }
0x95: {  	[tilespmem:v22+s21+$0x25E0 ss:$0x1] =	vst.idx.msk $0xffff, v45  }
0x96: {  	v45 =	vld.idx.msk [tilespmem:v22+s21+$0x2F0 ss:$0x1], $0xffff;
	[tilespmem:v29+s21+$0x2580 ss:$0x1] =	vst.idx.msk $0xffff, v46  }
0x97: {  	v46 =	vld.idx.msk [tilespmem:v29+s21+$0x290 ss:$0x1], $0xffff;
	_ =	sdelay $0x3  }
0x98: {  	v45 =	vmul.f32 v45, v62  }
0x99: {  	v46 =	vmul.f32 v46, v63  }
0x9a: {  	[tilespmem:v22+s21+$0x25F0 ss:$0x1] =	vst.idx.msk $0xffff, v45  }
0x9b: {  	v45 =	vld.idx.msk [tilespmem:v22+s21+$0x300 ss:$0x1], $0xffff;
	[tilespmem:v29+s21+$0x2590 ss:$0x1] =	vst.idx.msk $0xffff, v46  }
0x9c: {  	v46 =	vld.idx.msk [tilespmem:v29+s21+$0x2A0 ss:$0x1], $0xffff;
	_ =	sdelay $0x3  }
0x9d: {  	v45 =	vmul.f32 v45, v62  }
0x9e: {  	v46 =	vmul.f32 v46, v63  }
0x9f: {  	[tilespmem:v22+s21+$0x2600 ss:$0x1] =	vst.idx.msk $0xffff, v45  }
0xa0: {  	v45 =	vld.idx.msk [tilespmem:v22+s21+$0x310 ss:$0x1], $0xffff;
	[tilespmem:v29+s21+$0x25A0 ss:$0x1] =	vst.idx.msk $0xffff, v46  }
0xa1: {  	v46 =	vld.idx.msk [tilespmem:v30+s21+$0x280 ss:$0x1], $0xffff;
	_ =	sdelay $0x2  }
0xa2: {  	v52 =	vperm.xlane v43, v1  }
0xa3: {  	v53 =	vperm.xlane v44, v1;
	v45 =	vsel vm0, $0x3F800000, v45  }
0xa4: {  	v45 =	vmul.f32 v45, v52;
	v46 =	vsel vm0, $0x3F800000, v46  }
0xa5: {  	v46 =	vmul.f32 v46, v53  }
0xa6: {  	[tilespmem:v22+s21+$0x2610 ss:$0x1] =	vst.idx.msk $0xffff, v45  }
0xa7: {  	v45 =	vld.idx.msk [tilespmem:v22+s21+$0x320 ss:$0x1], $0xffff;
	[tilespmem:v30+s21+$0x2580 ss:$0x1] =	vst.idx.msk $0xffff, v46  }
0xa8: {  	v46 =	vld.idx.msk [tilespmem:v30+s21+$0x290 ss:$0x1], $0xffff;
	_ =	sdelay $0x3  }
0xa9: {  	v45 =	vmul.f32 v45, v52  }
0xaa: {  	v46 =	vmul.f32 v46, v53  }
0xab: {  	[tilespmem:v22+s21+$0x2620 ss:$0x1] =	vst.idx.msk $0xffff, v45  }
0xac: {  	v45 =	vld.idx.msk [tilespmem:v22+s21+$0x330 ss:$0x1], $0xffff;
	[tilespmem:v30+s21+$0x2590 ss:$0x1] =	vst.idx.msk $0xffff, v46  }
0xad: {  	v46 =	vld.idx.msk [tilespmem:v30+s21+$0x2A0 ss:$0x1], $0xffff;
	_ =	sdelay $0x3  }
0xae: {  	v45 =	vmul.f32 v45, v52  }
0xaf: {  	v46 =	vmul.f32 v46, v53  }
0xb0: {  	[tilespmem:v22+s21+$0x2630 ss:$0x1] =	vst.idx.msk $0xffff, v45  }
0xb1: {  	v45 =	vld.idx.msk [tilespmem:v22+s21+$0x340 ss:$0x1], $0xffff;
	[tilespmem:v30+s21+$0x25A0 ss:$0x1] =	vst.idx.msk $0xffff, v46  }
0xb2: {  	v46 =	vld.idx.msk [tilespmem:v31+s21+$0x280 ss:$0x1], $0xffff;
	_ =	sdelay $0x2  }
0xb3: {  	v54 =	vperm.xlane v43, v5  }
0xb4: {  	v55 =	vperm.xlane v44, v5;
	v45 =	vsel vm0, $0x3F800000, v45  }
0xb5: {  	v45 =	vmul.f32 v45, v54;
	v46 =	vsel vm0, $0x3F800000, v46  }
0xb6: {  	v46 =	vmul.f32 v46, v55  }
0xb7: {  	[tilespmem:v22+s21+$0x2640 ss:$0x1] =	vst.idx.msk $0xffff, v45  }
0xb8: {  	v45 =	vld.idx.msk [tilespmem:v22+s21+$0x350 ss:$0x1], $0xffff;
	[tilespmem:v31+s21+$0x2580 ss:$0x1] =	vst.idx.msk $0xffff, v46  }
0xb9: {  	v46 =	vld.idx.msk [tilespmem:v31+s21+$0x290 ss:$0x1], $0xffff;
	_ =	sdelay $0x3  }
0xba: {  	v45 =	vmul.f32 v45, v54  }
0xbb: {  	v46 =	vmul.f32 v46, v55  }
0xbc: {  	[tilespmem:v22+s21+$0x2650 ss:$0x1] =	vst.idx.msk $0xffff, v45  }
0xbd: {  	v45 =	vld.idx.msk [tilespmem:v22+s21+$0x360 ss:$0x1], $0xffff;
	[tilespmem:v31+s21+$0x2590 ss:$0x1] =	vst.idx.msk $0xffff, v46  }
0xbe: {  	v46 =	vld.idx.msk [tilespmem:v31+s21+$0x2A0 ss:$0x1], $0xffff;
	_ =	sdelay $0x3  }
0xbf: {  	v45 =	vmul.f32 v45, v54  }
0xc0: {  	v46 =	vmul.f32 v46, v55  }
0xc1: {  	[tilespmem:v22+s21+$0x2660 ss:$0x1] =	vst.idx.msk $0xffff, v45  }
0xc2: {  	v45 =	vld.idx.msk [tilespmem:v22+s21+$0x370 ss:$0x1], $0xffff;
	[tilespmem:v31+s21+$0x25A0 ss:$0x1] =	vst.idx.msk $0xffff, v46  }
0xc3: {  	v46 =	vld.idx.msk [tilespmem:v32+s21+$0x280 ss:$0x1], $0xffff;
	_ =	sdelay $0x2  }
0xc4: {  	v56 =	vperm.xlane v43, v6  }
0xc5: {  	v57 =	vperm.xlane v44, v6;
	v45 =	vsel vm0, $0x3F800000, v45  }
0xc6: {  	v45 =	vmul.f32 v45, v56;
	v46 =	vsel vm0, $0x3F800000, v46  }
0xc7: {  	v46 =	vmul.f32 v46, v57  }
0xc8: {  	[tilespmem:v22+s21+$0x2670 ss:$0x1] =	vst.idx.msk $0xffff, v45  }
0xc9: {  	v45 =	vld.idx.msk [tilespmem:v22+s21+$0x380 ss:$0x1], $0xffff;
	[tilespmem:v32+s21+$0x2580 ss:$0x1] =	vst.idx.msk $0xffff, v46  }
0xca: {  	v46 =	vld.idx.msk [tilespmem:v32+s21+$0x290 ss:$0x1], $0xffff;
	_ =	sdelay $0x3  }
0xcb: {  	v45 =	vmul.f32 v45, v56  }
0xcc: {  	v46 =	vmul.f32 v46, v57  }
0xcd: {  	[tilespmem:v22+s21+$0x2680 ss:$0x1] =	vst.idx.msk $0xffff, v45  }
0xce: {  	v45 =	vld.idx.msk [tilespmem:v22+s21+$0x390 ss:$0x1], $0xffff;
	[tilespmem:v32+s21+$0x2590 ss:$0x1] =	vst.idx.msk $0xffff, v46  }
0xcf: {  	v46 =	vld.idx.msk [tilespmem:v32+s21+$0x2A0 ss:$0x1], $0xffff;
	_ =	sdelay $0x3  }
0xd0: {  	v45 =	vmul.f32 v45, v56  }
0xd1: {  	v46 =	vmul.f32 v46, v57  }
0xd2: {  	[tilespmem:v22+s21+$0x2690 ss:$0x1] =	vst.idx.msk $0xffff, v45  }
0xd3: {  	v45 =	vld.idx.msk [tilespmem:v22+s21+$0x3A0 ss:$0x1], $0xffff;
	[tilespmem:v32+s21+$0x25A0 ss:$0x1] =	vst.idx.msk $0xffff, v46  }
0xd4: {  	v46 =	vld.idx.msk [tilespmem:v33+s21+$0x280 ss:$0x1], $0xffff;
	_ =	sdelay $0x2  }
0xd5: {  	v58 =	vperm.xlane v43, v7  }
0xd6: {  	v59 =	vperm.xlane v44, v7;
	v45 =	vsel vm0, $0x3F800000, v45  }
0xd7: {  	v45 =	vmul.f32 v45, v58;
	v46 =	vsel vm0, $0x3F800000, v46  }
0xd8: {  	v46 =	vmul.f32 v46, v59  }
0xd9: {  	[tilespmem:v22+s21+$0x26A0 ss:$0x1] =	vst.idx.msk $0xffff, v45  }
0xda: {  	v45 =	vld.idx.msk [tilespmem:v22+s21+$0x3B0 ss:$0x1], $0xffff;
	[tilespmem:v33+s21+$0x2580 ss:$0x1] =	vst.idx.msk $0xffff, v46  }
0xdb: {  	v46 =	vld.idx.msk [tilespmem:v33+s21+$0x290 ss:$0x1], $0xffff;
	_ =	sdelay $0x3  }
0xdc: {  	v45 =	vmul.f32 v45, v58  }
0xdd: {  	v46 =	vmul.f32 v46, v59  }
0xde: {  	[tilespmem:v22+s21+$0x26B0 ss:$0x1] =	vst.idx.msk $0xffff, v45  }
0xdf: {  	v45 =	vld.idx.msk [tilespmem:v22+s21+$0x3C0 ss:$0x1], $0xffff;
	[tilespmem:v33+s21+$0x2590 ss:$0x1] =	vst.idx.msk $0xffff, v46  }
0xe0: {  	v46 =	vld.idx.msk [tilespmem:v33+s21+$0x2A0 ss:$0x1], $0xffff;
	_ =	sdelay $0x3  }
0xe1: {  	v45 =	vmul.f32 v45, v58  }
0xe2: {  	v46 =	vmul.f32 v46, v59  }
0xe3: {  	[tilespmem:v22+s21+$0x26C0 ss:$0x1] =	vst.idx.msk $0xffff, v45  }
0xe4: {  	v45 =	vld.idx.msk [tilespmem:v22+s21+$0x3D0 ss:$0x1], $0xffff;
	[tilespmem:v33+s21+$0x25A0 ss:$0x1] =	vst.idx.msk $0xffff, v46  }
0xe5: {  	v46 =	vld.idx.msk [tilespmem:v34+s21+$0x280 ss:$0x1], $0xffff;
	_ =	sdelay $0x2  }
0xe6: {  	v60 =	vperm.xlane v43, v8  }
0xe7: {  	v61 =	vperm.xlane v44, v8;
	v45 =	vsel vm0, $0x3F800000, v45  }
0xe8: {  	v45 =	vmul.f32 v45, v60;
	v46 =	vsel vm0, $0x3F800000, v46  }
0xe9: {  	v46 =	vmul.f32 v46, v61  }
0xea: {  	[tilespmem:v22+s21+$0x26D0 ss:$0x1] =	vst.idx.msk $0xffff, v45  }
0xeb: {  	v45 =	vld.idx.msk [tilespmem:v22+s21+$0x3E0 ss:$0x1], $0xffff;
	[tilespmem:v34+s21+$0x2580 ss:$0x1] =	vst.idx.msk $0xffff, v46  }
0xec: {  	v46 =	vld.idx.msk [tilespmem:v34+s21+$0x290 ss:$0x1], $0xffff;
	_ =	sdelay $0x3  }
0xed: {  	v45 =	vmul.f32 v45, v60  }
0xee: {  	v46 =	vmul.f32 v46, v61  }
0xef: {  	[tilespmem:v22+s21+$0x26E0 ss:$0x1] =	vst.idx.msk $0xffff, v45  }
0xf0: {  	v45 =	vld.idx.msk [tilespmem:v22+s21+$0x3F0 ss:$0x1], $0xffff;
	[tilespmem:v34+s21+$0x2590 ss:$0x1] =	vst.idx.msk $0xffff, v46  }
0xf1: {  	v46 =	vld.idx.msk [tilespmem:v34+s21+$0x2A0 ss:$0x1], $0xffff;
	_ =	sdelay $0x3  }
0xf2: {  	v45 =	vmul.f32 v45, v60  }
0xf3: {  	v46 =	vmul.f32 v46, v61  }
0xf4: {  	[tilespmem:v22+s21+$0x26F0 ss:$0x1] =	vst.idx.msk $0xffff, v45  }
0xf5: {  	v45 =	vld.idx.msk [tilespmem:v22+s21+$0x400 ss:$0x1], $0xffff;
	[tilespmem:v34+s21+$0x25A0 ss:$0x1] =	vst.idx.msk $0xffff, v46  }
0xf6: {  	v46 =	vld.idx.msk [tilespmem:v35+s21+$0x280 ss:$0x1], $0xffff;
	_ =	sdelay $0x2  }
0xf7: {  	v62 =	vperm.xlane v43, v9  }
0xf8: {  	v63 =	vperm.xlane v44, v9;
	v45 =	vsel vm0, $0x3F800000, v45  }
0xf9: {  	v45 =	vmul.f32 v45, v62;
	v46 =	vsel vm0, $0x3F800000, v46  }
0xfa: {  	v46 =	vmul.f32 v46, v63  }
0xfb: {  	[tilespmem:v22+s21+$0x2700 ss:$0x1] =	vst.idx.msk $0xffff, v45  }
0xfc: {  	v45 =	vld.idx.msk [tilespmem:v22+s21+$0x410 ss:$0x1], $0xffff;
	[tilespmem:v35+s21+$0x2580 ss:$0x1] =	vst.idx.msk $0xffff, v46  }
0xfd: {  	v46 =	vld.idx.msk [tilespmem:v35+s21+$0x290 ss:$0x1], $0xffff;
	_ =	sdelay $0x3  }
0xfe: {  	v45 =	vmul.f32 v45, v62  }
0xff: {  	v46 =	vmul.f32 v46, v63  }
0x100: {  	[tilespmem:v22+s21+$0x2710 ss:$0x1] =	vst.idx.msk $0xffff, v45  }
0x101: {  	v45 =	vld.idx.msk [tilespmem:v22+s21+$0x420 ss:$0x1], $0xffff;
	[tilespmem:v35+s21+$0x2590 ss:$0x1] =	vst.idx.msk $0xffff, v46  }
0x102: {  	v46 =	vld.idx.msk [tilespmem:v35+s21+$0x2A0 ss:$0x1], $0xffff;
	_ =	sdelay $0x3  }
0x103: {  	v45 =	vmul.f32 v45, v62  }
0x104: {  	v46 =	vmul.f32 v46, v63  }
0x105: {  	[tilespmem:v22+s21+$0x2720 ss:$0x1] =	vst.idx.msk $0xffff, v45  }
0x106: {  	v45 =	vld.idx.msk [tilespmem:v22+s21+$0x430 ss:$0x1], $0xffff;
	[tilespmem:v35+s21+$0x25A0 ss:$0x1] =	vst.idx.msk $0xffff, v46  }
0x107: {  	v46 =	vld.idx.msk [tilespmem:v36+s21+$0x280 ss:$0x1], $0xffff;
	_ =	sdelay $0x2  }
0x108: {  	v52 =	vperm.xlane v43, v10  }
0x109: {  	v53 =	vperm.xlane v44, v10;
	v45 =	vsel vm0, $0x3F800000, v45  }
0x10a: {  	v45 =	vmul.f32 v45, v52;
	v46 =	vsel vm0, $0x3F800000, v46  }
0x10b: {  	v46 =	vmul.f32 v46, v53  }
0x10c: {  	[tilespmem:v22+s21+$0x2730 ss:$0x1] =	vst.idx.msk $0xffff, v45  }
0x10d: {  	v45 =	vld.idx.msk [tilespmem:v22+s21+$0x440 ss:$0x1], $0xffff;
	[tilespmem:v36+s21+$0x2580 ss:$0x1] =	vst.idx.msk $0xffff, v46  }
0x10e: {  	v46 =	vld.idx.msk [tilespmem:v36+s21+$0x290 ss:$0x1], $0xffff;
	_ =	sdelay $0x3  }
0x10f: {  	v45 =	vmul.f32 v45, v52  }
0x110: {  	v46 =	vmul.f32 v46, v53  }
0x111: {  	[tilespmem:v22+s21+$0x2740 ss:$0x1] =	vst.idx.msk $0xffff, v45  }
0x112: {  	v45 =	vld.idx.msk [tilespmem:v22+s21+$0x450 ss:$0x1], $0xffff;
	[tilespmem:v36+s21+$0x2590 ss:$0x1] =	vst.idx.msk $0xffff, v46  }
0x113: {  	v46 =	vld.idx.msk [tilespmem:v36+s21+$0x2A0 ss:$0x1], $0xffff;
	_ =	sdelay $0x3  }
0x114: {  	v45 =	vmul.f32 v45, v52  }
0x115: {  	v46 =	vmul.f32 v46, v53  }
0x116: {  	[tilespmem:v22+s21+$0x2750 ss:$0x1] =	vst.idx.msk $0xffff, v45  }
0x117: {  	v45 =	vld.idx.msk [tilespmem:v22+s21+$0x460 ss:$0x1], $0xffff;
	[tilespmem:v36+s21+$0x25A0 ss:$0x1] =	vst.idx.msk $0xffff, v46  }
0x118: {  	v46 =	vld.idx.msk [tilespmem:v37+s21+$0x280 ss:$0x1], $0xffff;
	_ =	sdelay $0x2  }
0x119: {  	v54 =	vperm.xlane v43, v11  }
0x11a: {  	v55 =	vperm.xlane v44, v11;
	v45 =	vsel vm0, $0x3F800000, v45  }
0x11b: {  	v45 =	vmul.f32 v45, v54;
	v46 =	vsel vm0, $0x3F800000, v46  }
0x11c: {  	v46 =	vmul.f32 v46, v55  }
0x11d: {  	[tilespmem:v22+s21+$0x2760 ss:$0x1] =	vst.idx.msk $0xffff, v45  }
0x11e: {  	v45 =	vld.idx.msk [tilespmem:v22+s21+$0x470 ss:$0x1], $0xffff;
	[tilespmem:v37+s21+$0x2580 ss:$0x1] =	vst.idx.msk $0xffff, v46  }
0x11f: {  	v46 =	vld.idx.msk [tilespmem:v37+s21+$0x290 ss:$0x1], $0xffff;
	_ =	sdelay $0x3  }
0x120: {  	v45 =	vmul.f32 v45, v54  }
0x121: {  	v46 =	vmul.f32 v46, v55  }
0x122: {  	[tilespmem:v22+s21+$0x2770 ss:$0x1] =	vst.idx.msk $0xffff, v45  }
0x123: {  	v45 =	vld.idx.msk [tilespmem:v22+s21+$0x480 ss:$0x1], $0xffff;
	[tilespmem:v37+s21+$0x2590 ss:$0x1] =	vst.idx.msk $0xffff, v46  }
0x124: {  	v46 =	vld.idx.msk [tilespmem:v37+s21+$0x2A0 ss:$0x1], $0xffff;
	_ =	sdelay $0x3  }
0x125: {  	v45 =	vmul.f32 v45, v54  }
0x126: {  	v46 =	vmul.f32 v46, v55  }
0x127: {  	[tilespmem:v22+s21+$0x2780 ss:$0x1] =	vst.idx.msk $0xffff, v45  }
0x128: {  	v45 =	vld.idx.msk [tilespmem:v23+s21+$0x280 ss:$0x1], $0xffff;
	[tilespmem:v37+s21+$0x25A0 ss:$0x1] =	vst.idx.msk $0xffff, v46  }
0x129: {  	v46 =	vld.idx.msk [tilespmem:v38+s21+$0x280 ss:$0x1], $0xffff;
	_ =	sdelay $0x2  }
0x12a: {  	v56 =	vperm.xlane v43, v12  }
0x12b: {  	v57 =	vperm.xlane v44, v12;
	v45 =	vsel vm0, $0x3F800000, v45  }
0x12c: {  	v45 =	vmul.f32 v45, v56;
	v46 =	vsel vm0, $0x3F800000, v46  }
0x12d: {  	v46 =	vmul.f32 v46, v57  }
0x12e: {  	[tilespmem:v23+s21+$0x2580 ss:$0x1] =	vst.idx.msk $0xffff, v45  }
0x12f: {  	v45 =	vld.idx.msk [tilespmem:v23+s21+$0x290 ss:$0x1], $0xffff;
	[tilespmem:v38+s21+$0x2580 ss:$0x1] =	vst.idx.msk $0xffff, v46  }
0x130: {  	v46 =	vld.idx.msk [tilespmem:v38+s21+$0x290 ss:$0x1], $0xffff;
	_ =	sdelay $0x3  }
0x131: {  	v45 =	vmul.f32 v45, v56  }
0x132: {  	v46 =	vmul.f32 v46, v57  }
0x133: {  	[tilespmem:v23+s21+$0x2590 ss:$0x1] =	vst.idx.msk $0xffff, v45  }
0x134: {  	v45 =	vld.idx.msk [tilespmem:v23+s21+$0x2A0 ss:$0x1], $0xffff;
	[tilespmem:v38+s21+$0x2590 ss:$0x1] =	vst.idx.msk $0xffff, v46  }
0x135: {  	v46 =	vld.idx.msk [tilespmem:v38+s21+$0x2A0 ss:$0x1], $0xffff;
	_ =	sdelay $0x3  }
0x136: {  	v45 =	vmul.f32 v45, v56  }
0x137: {  	v46 =	vmul.f32 v46, v57  }
0x138: {  	[tilespmem:v23+s21+$0x25A0 ss:$0x1] =	vst.idx.msk $0xffff, v45  }
0x139: {  	v45 =	vld.idx.msk [tilespmem:v24+s21+$0x280 ss:$0x1], $0xffff;
	[tilespmem:v38+s21+$0x25A0 ss:$0x1] =	vst.idx.msk $0xffff, v46  }
0x13a: {  	v46 =	vld.idx.msk [tilespmem:v39+s21+$0x280 ss:$0x1], $0xffff;
	_ =	sdelay $0x2  }
0x13b: {  	v58 =	vperm.xlane v43, v13  }
0x13c: {  	v59 =	vperm.xlane v44, v13;
	v45 =	vsel vm0, $0x3F800000, v45  }
0x13d: {  	v45 =	vmul.f32 v45, v58;
	v46 =	vsel vm0, $0x3F800000, v46  }
0x13e: {  	v46 =	vmul.f32 v46, v59  }
0x13f: {  	[tilespmem:v24+s21+$0x2580 ss:$0x1] =	vst.idx.msk $0xffff, v45  }
0x140: {  	v45 =	vld.idx.msk [tilespmem:v24+s21+$0x290 ss:$0x1], $0xffff;
	[tilespmem:v39+s21+$0x2580 ss:$0x1] =	vst.idx.msk $0xffff, v46  }
0x141: {  	v46 =	vld.idx.msk [tilespmem:v39+s21+$0x290 ss:$0x1], $0xffff;
	_ =	sdelay $0x3  }
0x142: {  	v45 =	vmul.f32 v45, v58  }
0x143: {  	v46 =	vmul.f32 v46, v59  }
0x144: {  	[tilespmem:v24+s21+$0x2590 ss:$0x1] =	vst.idx.msk $0xffff, v45  }
0x145: {  	v45 =	vld.idx.msk [tilespmem:v24+s21+$0x2A0 ss:$0x1], $0xffff;
	[tilespmem:v39+s21+$0x2590 ss:$0x1] =	vst.idx.msk $0xffff, v46  }
0x146: {  	v46 =	vld.idx.msk [tilespmem:v39+s21+$0x2A0 ss:$0x1], $0xffff;
	_ =	sdelay $0x3  }
0x147: {  	v45 =	vmul.f32 v45, v58  }
0x148: {  	v46 =	vmul.f32 v46, v59  }
0x149: {  	[tilespmem:v24+s21+$0x25A0 ss:$0x1] =	vst.idx.msk $0xffff, v45  }
0x14a: {  	v45 =	vld.idx.msk [tilespmem:v25+s21+$0x280 ss:$0x1], $0xffff;
	[tilespmem:v39+s21+$0x25A0 ss:$0x1] =	vst.idx.msk $0xffff, v46  }
0x14b: {  	v46 =	vld.idx.msk [tilespmem:v40+s21+$0x280 ss:$0x1], $0xffff;
	_ =	sdelay $0x2  }
0x14c: {  	v60 =	vperm.xlane v43, v14  }
0x14d: {  	v61 =	vperm.xlane v44, v14;
	v45 =	vsel vm0, $0x3F800000, v45  }
0x14e: {  	v45 =	vmul.f32 v45, v60;
	v46 =	vsel vm0, $0x3F800000, v46  }
0x14f: {  	v46 =	vmul.f32 v46, v61  }
0x150: {  	[tilespmem:v25+s21+$0x2580 ss:$0x1] =	vst.idx.msk $0xffff, v45  }
0x151: {  	v45 =	vld.idx.msk [tilespmem:v25+s21+$0x290 ss:$0x1], $0xffff;
	[tilespmem:v40+s21+$0x2580 ss:$0x1] =	vst.idx.msk $0xffff, v46  }
0x152: {  	v46 =	vld.idx.msk [tilespmem:v40+s21+$0x290 ss:$0x1], $0xffff;
	_ =	sdelay $0x3  }
0x153: {  	v45 =	vmul.f32 v45, v60  }
0x154: {  	v46 =	vmul.f32 v46, v61  }
0x155: {  	[tilespmem:v25+s21+$0x2590 ss:$0x1] =	vst.idx.msk $0xffff, v45  }
0x156: {  	v45 =	vld.idx.msk [tilespmem:v25+s21+$0x2A0 ss:$0x1], $0xffff;
	[tilespmem:v40+s21+$0x2590 ss:$0x1] =	vst.idx.msk $0xffff, v46  }
0x157: {  	v46 =	vld.idx.msk [tilespmem:v40+s21+$0x2A0 ss:$0x1], $0xffff;
	_ =	sdelay $0x3  }
0x158: {  	v45 =	vmul.f32 v45, v60  }
0x159: {  	v46 =	vmul.f32 v46, v61  }
0x15a: {  	[tilespmem:v25+s21+$0x25A0 ss:$0x1] =	vst.idx.msk $0xffff, v45  }
0x15b: {  	v45 =	vld.idx.msk [tilespmem:v26+s21+$0x280 ss:$0x1], $0xffff;
	[tilespmem:v40+s21+$0x25A0 ss:$0x1] =	vst.idx.msk $0xffff, v46  }
0x15c: {  	v46 =	vld.idx.msk [tilespmem:v41+s21+$0x280 ss:$0x1], $0xffff;
	_ =	sdelay $0x2  }
0x15d: {  	v62 =	vperm.xlane v43, v15  }
0x15e: {  	v63 =	vperm.xlane v44, v15;
	v45 =	vsel vm0, $0x3F800000, v45  }
0x15f: {  	v45 =	vmul.f32 v45, v62;
	v46 =	vsel vm0, $0x3F800000, v46  }
0x160: {  	v46 =	vmul.f32 v46, v63  }
0x161: {  	[tilespmem:v26+s21+$0x2580 ss:$0x1] =	vst.idx.msk $0xffff, v45  }
0x162: {  	v45 =	vld.idx.msk [tilespmem:v26+s21+$0x290 ss:$0x1], $0xffff;
	[tilespmem:v41+s21+$0x2580 ss:$0x1] =	vst.idx.msk $0xffff, v46  }
0x163: {  	v46 =	vld.idx.msk [tilespmem:v41+s21+$0x290 ss:$0x1], $0xffff;
	_ =	sdelay $0x3  }
0x164: {  	v45 =	vmul.f32 v45, v62  }
0x165: {  	v46 =	vmul.f32 v46, v63  }
0x166: {  	[tilespmem:v26+s21+$0x2590 ss:$0x1] =	vst.idx.msk $0xffff, v45  }
0x167: {  	v45 =	vld.idx.msk [tilespmem:v26+s21+$0x2A0 ss:$0x1], $0xffff;
	[tilespmem:v41+s21+$0x2590 ss:$0x1] =	vst.idx.msk $0xffff, v46  }
0x168: {  	v46 =	vld.idx.msk [tilespmem:v41+s21+$0x2A0 ss:$0x1], $0xffff;
	_ =	sdelay $0x3  }
0x169: {  	v45 =	vmul.f32 v45, v62  }
0x16a: {  	v46 =	vmul.f32 v46, v63  }
0x16b: {  	[tilespmem:v26+s21+$0x25A0 ss:$0x1] =	vst.idx.msk $0xffff, v45  }
0x16c: {  	v45 =	vld.idx.msk [tilespmem:v27+s21+$0x280 ss:$0x1], $0xffff;
	[tilespmem:v41+s21+$0x25A0 ss:$0x1] =	vst.idx.msk $0xffff, v46  }
0x16d: {  	v46 =	vld.idx.msk [tilespmem:v42+s21+$0x280 ss:$0x1], $0xffff;
	_ =	sdelay $0x2  }
0x16e: {  	v43 =	vperm.xlane v43, v16  }
0x16f: {  	v44 =	vperm.xlane v44, v16;
	v45 =	vsel vm0, $0x3F800000, v45  }
0x170: {  	v45 =	vmul.f32 v45, v43;
	v46 =	vsel vm0, $0x3F800000, v46  }
0x171: {  	v46 =	vmul.f32 v46, v44  }
0x172: {  	[tilespmem:v27+s21+$0x2580 ss:$0x1] =	vst.idx.msk $0xffff, v45  }
0x173: {  	v45 =	vld.idx.msk [tilespmem:v27+s21+$0x290 ss:$0x1], $0xffff;
	[tilespmem:v42+s21+$0x2580 ss:$0x1] =	vst.idx.msk $0xffff, v46  }
0x174: {  	v46 =	vld.idx.msk [tilespmem:v42+s21+$0x290 ss:$0x1], $0xffff;
	_ =	sdelay $0x3  }
0x175: {  	v45 =	vmul.f32 v45, v43  }
0x176: {  	v46 =	vmul.f32 v46, v44  }
0x177: {  	[tilespmem:v27+s21+$0x2590 ss:$0x1] =	vst.idx.msk $0xffff, v45  }
0x178: {  	v45 =	vld.idx.msk [tilespmem:v27+s21+$0x2A0 ss:$0x1], $0xffff;
	[tilespmem:v42+s21+$0x2590 ss:$0x1] =	vst.idx.msk $0xffff, v46  }
0x179: {  	v46 =	vld.idx.msk [tilespmem:v42+s21+$0x2A0 ss:$0x1], $0xffff;
	_ =	sdelay $0x1  }
0x17a: {  	p1 =	por p0, p0  }
.Ltmp3:
0x17b: {  	_ = 	snop;
	(pc) =	sbr.rel @p1 .LBB2_7-.Ltmp3, $4  }
0x17c: {  	v43 =	vmul.f32 v45, v43  }
0x17d: {  	v44 =	vmul.f32 v46, v44  }
0x17e: {  	[tilespmem:v27+s21+$0x25A0 ss:$0x1] =	vst.idx.msk $0xffff, v43  }
0x17f: {  	s2 =	simm.s32 $0x2;
	p0 =	por $0x0, $0x0;
	[tilespmem:v42+s21+$0x25A0 ss:$0x1] =	vst.idx.msk $0xffff, v44  }
0x180: {  	v21 =	vadd.s32 v17, v21  }
0x181: {  	v22 =	vadd.s32 v18, v20  }
0x182: {  	v20 =	vadd.s32 v19, v20;
	_ =	sdelay $0x2  }
0x183: {  	v21 =	vld.idx.msk [tilespmem:v21+s23+$0x0], $0xffff  }
0x184: {  	v22 =	vld.idx.msk [tilespmem:v22+s24+$0x0], $0xffff  }
0x185: {  	v20 =	vld.idx.msk [tilespmem:v20+s24+$0x0], $0xffff;
	_ =	sdelay $0x2  }
0x186: {  	v23 =	vmul.f32 $2.000000030e-01, v21;
	_ =	sdelay $0x1  }
0x187: {  	v21 =	vadd.f32 v22, v21;
	v20 =	vadd.f32 v20, v23;
	_ =	sdelay $0x1  }
0x188: {  	v20 =	vmax.f32 v21, v20  }
0x189: {  	v20 =	vmul.f32 $1.442695020e+00, v20;
	_ =	sdelay $0x1  }
0x18a: {  	(erf) = vpow2.f32 v20;
	_ =	sdelay $0x5  }
0x18b: {  	v53 =	vld [tilespmem:s31+$0xE80]  }
0x18c: {  	v54 =	vld [tilespmem:s31+$0xE90]  }
0x18d: {  	v55 =	vld [tilespmem:s31+$0xEA0]  }
0x18e: {  	v24 =	vld [tilespmem:s31+$0xEB0];
	v20 =	vpop (erf)  }
0x18f: {  	v26 =	vld [tilespmem:s31+$0xEC0];
	v25 =	vperm.xlane v20, v3  }
0x190: {  	v27 =	vld [tilespmem:s31+$0xED0];
	v21 =	vsel vm0, $0x3F800000, v53  }
0x191: {  	v28 =	vld [tilespmem:s31+$0xEE0];
	v21 =	vmul.f32 v21, v25  }
0x192: {  	v30 =	vld [tilespmem:s31+$0xEF0];
	v29 =	vperm.xlane v20, v2;
	v22 =	vmul.f32 v54, v25  }
0x193: {  	v58 =	vld [tilespmem:s31+$0xF00];
	v57 =	vsel vm0, $0x3F800000, v24;
	v56 =	vmul.f32 v55, v25;
	[tilespmem:s31+$0x3180] =	vst v21  }
0x194: {  	v60 =	vld [tilespmem:s31+$0xF10];
	v59 =	vmul.f32 v57, v29;
	[tilespmem:s31+$0x3190] =	vst v22  }
0x195: {  	v63 =	vld [tilespmem:s31+$0xF20];
	v62 =	vperm.xlane v20, v4;
	v61 =	vmul.f32 v26, v29;
	[tilespmem:s31+$0x31A0] =	vst v56  }
0x196: {  	v35 =	vld [tilespmem:s31+$0xF30];
	v34 =	vsel vm0, $0x3F800000, v28;
	v33 =	vmul.f32 v27, v29;
	[tilespmem:s31+$0x31B0] =	vst v59  }
0x197: {  	v37 =	vld [tilespmem:s31+$0xF40];
	v36 =	vmul.f32 v34, v62;
	[tilespmem:s31+$0x31C0] =	vst v61  }
0x198: {  	v40 =	vld [tilespmem:s31+$0xF50];
	v39 =	vperm.xlane v20, v1;
	v38 =	vmul.f32 v30, v62;
	[tilespmem:s31+$0x31D0] =	vst v33  }
0x199: {  	v42 =	vld [tilespmem:s31+$0xF60];
	v23 =	vsel vm0, $0x3F800000, v60;
	v41 =	vmul.f32 v58, v62;
	[tilespmem:s31+$0x31E0] =	vst v36  }
0x19a: {  	v49 =	vld [tilespmem:s31+$0xF90];
	v43 =	vmul.f32 v23, v39;
	[tilespmem:s31+$0x31F0] =	vst v38  }
0x19b: {  	v44 =	vld [tilespmem:s31+$0xF70];
	v46 =	vperm.xlane v20, v5;
	v45 =	vmul.f32 v63, v39;
	[tilespmem:s31+$0x3200] =	vst v41  }
0x19c: {  	v47 =	vld [tilespmem:s31+$0xF80];
	v48 =	vmul.f32 v35, v39;
	[tilespmem:s31+$0x3210] =	vst v43  }
0x19d: {  	v51 =	vld [tilespmem:s31+$0xFA0];
	v53 =	vperm.xlane v20, v6;
	v52 =	vmul.f32 v40, v46;
	[tilespmem:s31+$0x3220] =	vst v45  }
0x19e: {  	v54 =	vld [tilespmem:s31+$0xFB0];
	v55 =	vmul.f32 v42, v46;
	[tilespmem:s31+$0x3230] =	vst v48  }
0x19f: {  	v27 =	vsel vm0, $0x3F800000, v37;
	v58 =	vld [tilespmem:s31+$0xFD0];
	v62 =	vmul.f32 v49, v53;
	[tilespmem:s31+$0x3250] =	vst v52  }
0x1a0: {  	v23 =	vsel vm0, $0x3F800000, v44;
	v63 =	vld [tilespmem:s31+$0xFF0];
	v50 =	vmul.f32 v27, v46;
	[tilespmem:s31+$0x3260] =	vst v55  }
0x1a1: {  	v60 =	vperm.xlane v20, v7;
	v37 =	vld [tilespmem:s31+$0x1010];
	v57 =	vmul.f32 v23, v53;
	[tilespmem:s31+$0x3290] =	vst v62  }
0x1a2: {  	v39 =	vld [tilespmem:s31+$0x1020];
	v27 =	vsel vm0, $0x3F800000, v51;
	v59 =	vmul.f32 v47, v53;
	[tilespmem:s31+$0x3240] =	vst v50  }
0x1a3: {  	v34 =	vld [tilespmem:s31+$0x1000];
	v33 =	vmul.f32 v27, v60;
	v36 =	vperm.xlane v20, v8;
	[tilespmem:s31+$0x3270] =	vst v57  }
0x1a4: {  	v44 =	vld [tilespmem:s31+$0x1040];
	v43 =	vperm.xlane v20, v9;
	[tilespmem:s31+$0x3280] =	vst v59;
	v35 =	vmul.f32 v54, v60  }
0x1a5: {  	v46 =	vld [tilespmem:s31+$0x1050];
	[tilespmem:s31+$0x32A0] =	vst v33;
	v45 =	vmul.f32 v63, v36  }
0x1a6: {  	v51 =	vld [tilespmem:s31+$0x1070];
	v49 =	vmul.f32 v37, v43;
	[tilespmem:s31+$0x32B0] =	vst v35  }
0x1a7: {  	v56 =	vld [tilespmem:s31+$0xFC0];
	v23 =	vsel vm0, $0x3F800000, v58;
	v52 =	vmul.f32 v39, v43;
	[tilespmem:s31+$0x32F0] =	vst v45  }
0x1a8: {  	v61 =	vld [tilespmem:s31+$0xFE0];
	v50 =	vperm.xlane v20, v10;
	v27 =	vsel vm0, $0x3F800000, v34;
	v40 =	vmul.f32 v23, v36;
	[tilespmem:s31+$0x3310] =	vst v49  }
0x1a9: {  	v41 =	vld [tilespmem:s31+$0x1030];
	v57 =	vperm.xlane v20, v11;
	v47 =	vmul.f32 v27, v43;
	[tilespmem:s31+$0x3320] =	vst v52  }
0x1aa: {  	v53 =	vld [tilespmem:s31+$0x1080];
	v59 =	vmul.f32 v46, v50;
	[tilespmem:s31+$0x32D0] =	vst v40  }
0x1ab: {  	v48 =	vld [tilespmem:s31+$0x1060];
	v63 =	vmul.f32 v51, v57;
	[tilespmem:s31+$0x3300] =	vst v47  }
0x1ac: {  	v55 =	vld [tilespmem:s31+$0x1090];
	v38 =	vmul.f32 v56, v60;
	[tilespmem:s31+$0x3350] =	vst v59  }
0x1ad: {  	v62 =	vld [tilespmem:s31+$0x10C0];
	v42 =	vmul.f32 v61, v36;
	[tilespmem:s31+$0x3370] =	vst v63  }
0x1ae: {  	v58 =	vld [tilespmem:s31+$0x10A0];
	v56 =	vmul.f32 v44, v50;
	[tilespmem:s31+$0x32C0] =	vst v38  }
0x1af: {  	v34 =	vld [tilespmem:s31+$0x10D0];
	v23 =	vsel vm0, $0x3F800000, v41;
	v35 =	vmul.f32 v53, v57;
	[tilespmem:s31+$0x32E0] =	vst v42  }
0x1b0: {  	v33 =	vperm.xlane v20, v12;
	v43 =	vld [tilespmem:s31+$0x1110];
	v27 =	vsel vm0, $0x3F800000, v48;
	v54 =	vmul.f32 v23, v50;
	[tilespmem:s31+$0x3340] =	vst v56  }
0x1b1: {  	v60 =	vld [tilespmem:s31+$0x10B0];
	v61 =	vmul.f32 v27, v57;
	v23 =	vsel vm0, $0x3F800000, v55;
	[tilespmem:s31+$0x3380] =	vst v35  }
0x1b2: {  	v36 =	vld [tilespmem:s31+$0x10E0];
	v40 =	vperm.xlane v20, v13;
	v37 =	vmul.f32 v23, v33;
	[tilespmem:s31+$0x3330] =	vst v54  }
0x1b3: {  	v41 =	vld [tilespmem:s31+$0x1100];
	v27 =	vsel vm0, $0x3F800000, v62;
	[tilespmem:s31+$0x3360] =	vst v61;
	v39 =	vmul.f32 v58, v33  }
0x1b4: {  	v45 =	vld [tilespmem:s31+$0x1120];
	v47 =	vperm.xlane v20, v14;
	v44 =	vmul.f32 v27, v40;
	[tilespmem:s31+$0x3390] =	vst v37  }
0x1b5: {  	v48 =	vld [tilespmem:s31+$0x1130];
	v46 =	vmul.f32 v34, v40;
	[tilespmem:s31+$0x33A0] =	vst v39  }
0x1b6: {  	v50 =	vld [tilespmem:s31+$0x1140];
	v55 =	vmul.f32 v43, v47;
	[tilespmem:s31+$0x33C0] =	vst v44  }
0x1b7: {  	v57 =	vld [tilespmem:s31+$0x1160];
	v42 =	vmul.f32 v60, v33;
	[tilespmem:s31+$0x33D0] =	vst v46  }
0x1b8: {  	v38 =	vld [tilespmem:s31+$0x10F0];
	v54 =	vperm.xlane v20, v15;
	v49 =	vmul.f32 v36, v40;
	[tilespmem:s31+$0x3410] =	vst v55  }
0x1b9: {  	v52 =	vld [tilespmem:s31+$0x1150];
	v53 =	vmul.f32 v41, v47;
	[tilespmem:s31+$0x33B0] =	vst v42  }
0x1ba: {  	v56 =	vsel vm0, $0x3F800000, v45;
	v60 =	vmul.f32 v48, v54;
	[tilespmem:s31+$0x33E0] =	vst v49  }
0x1bb: {  	v59 =	vld [tilespmem:s31+$0x1170];
	v20 =	vperm.xlane v20, v16;
	v58 =	vmul.f32 v56, v54;
	[tilespmem:s31+$0x3400] =	vst v53  }
0x1bc: {  	v61 =	vmul.f32 v50, v54;
	[tilespmem:s31+$0x3430] =	vst v60  }
0x1bd: {  	v63 =	vmul.f32 v57, v20;
	v23 =	vsel vm0, $0x3F800000, v38;
	[tilespmem:s31+$0x3420] =	vst v58  }
0x1be: {  	v51 =	vmul.f32 v23, v47;
	v23 =	vsel vm0, $0x3F800000, v52;
	[tilespmem:s31+$0x3440] =	vst v61  }
0x1bf: {  	s0 =	smul.u32 $0x140, s0;
	p0 =	slt.u32 s30, $0x7D;
	[tilespmem:s31+$0x3460] =	vst v63;
	v62 =	vmul.f32 v23, v20  }
.Ltmp4:
0x1c0: {  	v20 =	vmul.f32 v59, v20;
	[tilespmem:s31+$0x33F0] =	vst v51;
	(pc) =	sbr.rel @p0 .LBB2_2-.Ltmp4, $4  }
0x1c1: {  	s0 =	sshrl.u32 s0, $0x2;
	[tilespmem:s31+$0x3450] =	vst v62  }
0x1c2: {  	s2 =	sadd.s32 $0x2580, s31;
	s8 =	sadd.s32 $0x9, s29;
	s0 =	sadd.s32 $0x140, s0;
	[tilespmem:s31+$0x3470] =	vst v20  }
0x1c3: {  	[spmem:s3] =	stream.indirect.scatter.add.f32 [tilespmem:s2], [sflag:s8], $0x30, s0, s20, $0xb8;
	[tilespmem:$0xB8B0] =	vst v63  }
0x1c4: {  	s0 =	smov.u32 s30  }
0x1c5: {  	_ =	swait.ge [sflag:s25], $0xF00  }
0x1c6: {  	[sflag:s25] =	ssyncset.done $0x0  }
0x1c7: {  	[sflag:s25] =	ssyncadd.s32 $0xFFFFF100  }
0x1c8: {  	_ =	swait.ge [sflag:s26], $0xF00  }
0x1c9: {  	s28 =	sadd.s32 $0x1, s28;
	[sflag:s26] =	ssyncset.done $0x0  }
0x1ca: {  	p0 =	sne.s32 s28, s16;
	[sflag:s26] =	ssyncadd.s32 $0xFFFFF100  }
.Ltmp5:
0x1cb: {  	[bflag:$0x0] =	sbarrier.arrive $0xFFFF;
	(pc) =	sbr.rel @p0 .LBB2_1-.Ltmp5, $4  }
0x1cc: {  	[hbm:s15], [sflag:s10] =	dma.local [spmem:s17], $0xEA6  }
0x1cd: {  	_ =	swait.ge [sflag:s18], $0xEA6  }
0x1ce: {  	[sflag:s18] =	ssyncset.done $0x0  }
0x1cf: {  	[sflag:s18] =	ssyncadd.s32 $0xFFFFF15A  }
0x1d0: {  	_ =	sfence.sel $0x180000  }
0x1d1: {  	[bflag:$0x0] =	sbarrier.arrive $0xFFFF  }
0x1d2: {  	_ =	strace $0x9000004A  }
0x1d3: {  	s0 =	stileid.u32;
	[bflag:$0x2] =	sbarrier.arrive $0xFFFF  }
0x1d4: {  	p0 =	sne.s32 s0, $0x0;
	s0 =	rddreg [dreg:$0x3]  }
0x1d5: {  	s0 =	sadd.s32 @!p0 $0x100000, s0  }
0x1d6: {  	[sflag:s0] =	ssyncadd.tile.s32 @!p0 $0x1;
	_ =	shalt  }
.Lfunc_end2:
_tile_overlayer_lowered:
.L_overlay_start_2:
0x1d7: {  	(tag) =	ssettag $0x2  }
0x1d8: {  	s0 =	rddreg [dreg:$0x0];
	s2 =	stileid.u32  }
0x1d9: {  	s1 =	rddreg [dreg:$0x1];
	p0 =	sne.s32 s2, $0x0  }
0x1da: {  	s3 =	rddreg [dreg:$0x2];
	[bflag:$0x3] =	sbarrier.arrive $0xFFFF;
	s2 =	simm.s32 @!p0 $0x1C0B  }
0x1db: {  	[timem:s3], [sflag:s2] =	dma.local @!p0 [hbm:s0], s1  }
0x1dc: {  	s0 =	simm.s32 @!p0 $0xB  }
0x1dd: {  	_ =	swait.ge @!p0 [sflag:s0], s1  }
0x1de: {  	s1 =	ssub.s32 @!p0 $0x0, s1;
	[sflag:s0] =	ssyncset.done @!p0 $0x0  }
0x1df: {  	[sflag:s0] =	ssyncadd.s32 @!p0 s1  }
0x1e0: {  	[bflag:$0x3] =	sbarrier.arrive $0xFFFF  }
0x1e1: {  	_ =	shalt  }

// kernel: kernel.9.cloned.1.call-start
scs
__scs_entry_jumppad:
0x0: {  	(pc) =	sbr.rel $0x88, $3  }
0x1: {  	(tag) =	ssettag $0x0;
	lr =	simm.s32 $0x1  }
0x2: {  	[smem:$0x3F96] =	sst lr;
	_ =	strace $0xD0000000  }
0x3: {  	_ = 	snop  }
0x4: {  	_ = 	snop  }
0x5: {  	_ = 	snop  }
0x6: {  	_ = 	snop  }
0x7: {  	_ = 	snop  }
__scs_overlays_trampoline_lowered:
0x8: {  	[smem:$0x3FA5] =	sst s0  }
0x9: {  	[smem:$0x3FA6] =	sst s1  }
0xa: {  	[smem:$0x3FA7] =	sst s2  }
0xb: {  	[smem:$0x3FA8] =	sst s3  }
0xc: {  	[smem:$0x3FA9] =	sst s4  }
0xd: {  	[smem:$0x3FAA] =	sst s5  }
0xe: {  	[smem:$0x3FAB] =	sst s6  }
0xf: {  	[smem:$0x3FAC] =	sst s7  }
0x10: {  	[smem:$0x3FAD] =	sst s8  }
0x11: {  	[smem:$0x3FAE] =	sst s9;
	s0 =	simm.s32 @!p0 $0x0  }
0x12: {  	s1 =	sld [smem:$0x3F94];
	s0 =	simm.s32 @p0 $0x1  }
0x13: {  	[smem:$0x3FAF] =	sst s0;
	s0 =	simm.s32 @!p1 $0x0  }
0x14: {  	s2 =	sld [smem:$0x3F93];
	s0 =	simm.s32 @p1 $0x1  }
0x15: {  	[smem:$0x3FB0] =	sst s0;
	s0 =	simm.s32 @!p2 $0x0  }
0x16: {  	s3 =	sld [smem:$0x3FDB];
	s0 =	simm.s32 @p2 $0x1  }
0x17: {  	s4 =	simm.s32 $0x1BF5;
	[smem:$0x3FB2] =	sst s0  }
0x18: {  	s0 =	sld [smem:$0x3F95];
	_ =	swait.ge [sflag:s4], $0x0  }
0x19: {  	s7 =	sld [smem:$0x3F96]  }
0x1a: {  	s8 =	sadd.s32 $0xFFFFE003, lr  }
0x1b: {  	s9 =	sadd.s32 $0xFFFFFEF7, lr;
	s5 =	simm.s32 $0xFFFFFFFF;
	p2 =	slt.u32 s8, $0xFFFFF086  }
0x1c: {  	p1 =	slt.u32 s9, $0xF7A;
	s5 =	simm.s32 @!p2 $0x0  }
0x1d: {  	s5 =	simm.s32 @p1 $0x1;
	p0 =	seq.s32 s7, s2  }
0x1e: {  	s7 =	smul.u32 @!p0 $0xF7A, s2;
	p2 =	seq.s32 @!p0 s5, $0x0  }
0x1f: {  	s9 =	smul.u32 $0xF7A, s1;
	s8 =	simm.s32 @!p0 $0x1BF5;
	p2 =	por !p2, p0  }
0x20: {  	[sflag:s8] =	ssyncset.s32 @!p0 $0xFFFFF086;
	s6 =	sadd.s32 @!p0 s3, s7;
	s7 =	simm.s32 @!p0 $0x108  }
0x21: {  	s3 =	sadd.s32 s3, s9;
	s6 =	sadd.s32 @!p0 $0x88, s6;
	s7 =	simm.s32 @p2 $0x1082  }
0x22: {  	[simem:s7], [sflag:s8] =	dma.local @!p0 [hbm:s6], $0xF7A  }
0x23: {  	s9 =	sor.u32 $0xD0000000, s2;
	s6 =	simm.s32 $0x108;
	_ =	swait.ge @!p0 [sflag:s8], $0x0  }
0x24: {  	s3 =	sadd.s32 $0x88, s3;
	s6 =	simm.s32 @!p1 $0x1082;
	[sflag:s4] =	ssyncset.s32 $0xFFFFF086  }
0x25: {  	[simem:s6], [sflag:s4] =	dma.local [hbm:s3], $0xF7A  }
0x26: {  	[smem:$0x3F96] =	sst s1;
	(tag) =	ssettag s2;
	_ =	strace s9  }
0x27: {  	s1 =	sld [smem:$0x3FA6]  }
0x28: {  	s2 =	sld [smem:$0x3FA7]  }
0x29: {  	s4 =	sld [smem:$0x3FA9]  }
0x2a: {  	p0 =	seq.s32 s5, $0x0;
	s5 =	sld [smem:$0x3FAA]  }
0x2b: {  	s6 =	sld [smem:$0x3FAB]  }
0x2c: {  	s7 =	sld [smem:$0x3FAC]  }
0x2d: {  	s3 =	simm.s32 $0x108;
	s8 =	sld [smem:$0x3FAD]  }
0x2e: {  	s3 =	simm.s32 @!p0 $0x1082;
	s9 =	sld [smem:$0x3FAE]  }
0x2f: {  	lr =	sadd.s32 s0, s3;
	s0 =	sld [smem:$0x3FA5]  }
0x30: {  	s3 =	sld [smem:$0x3FA8]  }
0x31: {  	[smem:$0x3FB1] =	sst s10  }
0x32: {  	s10 =	sld [smem:$0x3FAF];
	_ =	sdelay $0x3  }
0x33: {  	p0 =	seq.s32 s10, $0x1;
	s10 =	sld [smem:$0x3FB1];
	_ =	sdelay $0x3  }
0x34: {  	[smem:$0x3FB1] =	sst s10  }
0x35: {  	s10 =	sld [smem:$0x3FB0];
	_ =	sdelay $0x3  }
0x36: {  	p1 =	seq.s32 s10, $0x1;
	s10 =	sld [smem:$0x3FB1];
	_ =	sdelay $0x3  }
0x37: {  	[smem:$0x3FB1] =	sst s10  }
0x38: {  	s10 =	sld [smem:$0x3FB2]  }
0x39: {  	_ = 	snop;
	(pc) =	sbr.ind lr, $3  }
0x3a: {  	_ = 	snop  }
0x3b: {  	_ = 	snop  }
0x3c: {  	p2 =	seq.s32 s10, $0x1;
	s10 =	sld [smem:$0x3FB1]  }
0x3d: {  	_ =	shalt  }
0x3e: {  	_ =	shalt  }
0x3f: {  	_ =	shalt  }
0x40: {  	_ =	shalt  }
0x41: {  	_ =	shalt  }
0x42: {  	_ =	shalt  }
0x43: {  	_ =	shalt  }
0x44: {  	_ =	shalt  }
0x45: {  	_ =	shalt  }
0x46: {  	_ =	shalt  }
0x47: {  	_ =	shalt  }
0x48: {  	_ =	shalt  }
0x49: {  	_ =	shalt  }
0x4a: {  	_ =	shalt  }
0x4b: {  	_ =	shalt  }
0x4c: {  	_ =	shalt  }
0x4d: {  	_ =	shalt  }
0x4e: {  	_ =	shalt  }
0x4f: {  	_ =	shalt  }
0x50: {  	_ =	shalt  }
0x51: {  	_ =	shalt  }
0x52: {  	_ =	shalt  }
0x53: {  	_ =	shalt  }
0x54: {  	_ =	shalt  }
0x55: {  	_ =	shalt  }
0x56: {  	_ =	shalt  }
0x57: {  	_ =	shalt  }
0x58: {  	_ =	shalt  }
0x59: {  	_ =	shalt  }
0x5a: {  	_ =	shalt  }
0x5b: {  	_ =	shalt  }
0x5c: {  	_ =	shalt  }
0x5d: {  	_ =	shalt  }
0x5e: {  	_ =	shalt  }
0x5f: {  	_ =	shalt  }
0x60: {  	_ =	shalt  }
0x61: {  	_ =	shalt  }
0x62: {  	_ =	shalt  }
0x63: {  	_ =	shalt  }
0x64: {  	_ =	shalt  }
0x65: {  	_ =	shalt  }
0x66: {  	_ =	shalt  }
0x67: {  	_ =	shalt  }
0x68: {  	_ =	shalt  }
0x69: {  	_ =	shalt  }
0x6a: {  	_ =	shalt  }
0x6b: {  	_ =	shalt  }
0x6c: {  	_ =	shalt  }
0x6d: {  	_ =	shalt  }
0x6e: {  	_ =	shalt  }
0x6f: {  	_ =	shalt  }
0x70: {  	_ =	shalt  }
0x71: {  	_ =	shalt  }
0x72: {  	_ =	shalt  }
0x73: {  	_ =	shalt  }
0x74: {  	_ =	shalt  }
0x75: {  	_ =	shalt  }
0x76: {  	_ =	shalt  }
0x77: {  	_ =	shalt  }
0x78: {  	_ =	shalt  }
0x79: {  	_ =	shalt  }
0x7a: {  	_ =	shalt  }
0x7b: {  	_ =	shalt  }
0x7c: {  	_ =	shalt  }
0x7d: {  	_ =	shalt  }
0x7e: {  	_ =	shalt  }
0x7f: {  	_ =	shalt  }
0x80: {  	_ =	shalt  }
0x81: {  	_ =	shalt  }
0x82: {  	_ =	shalt  }
0x83: {  	_ =	shalt  }
0x84: {  	_ =	shalt  }
0x85: {  	_ =	shalt  }
0x86: {  	_ =	shalt  }
0x87: {  	_ =	shalt  }
.Lfunc_end0:
.L_simem_size_0:
called_computation_lowered:
.L_overlay_start_0:
0x88: {  	s2 =	sld [smem:$0x3FD9]  }
0x89: {  	s3 =	sld [smem:$0x3FFE];
	_ =	sdelay $0x1  }
0x8a: {  	s1 =	srdreg.scid  }
0x8b: {  	s0 =	sand.u32 $0x1, s1  }
0x8c: {  	s17 =	sshll.u32 s0, $0xA;
	s2 =	sadd.s32 s3, s2  }
0x8d: {  	s2 =	sadd.s32 s2, s17  }
0x8e: {  	[smem:$0x3FBD] =	sst s2  }
0x8f: {  	_ = 	snop  }
0x90: {  	s2 =	sld [smem:$0x3FD0];
	(tm) =	ssettm $0x1  }
0x91: {  	s18 =	sld [smem:$0x3FFB];
	_ =	sdelay $0x3  }
0x92: {  	_ =	strace s18  }
0x93: {  	s3 =	sld [smem:$0x3FFC];
	_ =	sdelay $0x3  }
0x94: {  	_ =	strace s3  }
0x95: {  	s3 =	sld [smem:$0x3FFD];
	_ =	sdelay $0x3  }
0x96: {  	_ =	strace s3  }
0x97: {  	_ =	strace $0x8FFFFFFF  }
0x98: {  	s19 =	sld [smem:$0x3FDB];
	_ =	sdelay $0x1  }
0x99: {  	s4 =	simm.s32 $_scs_section_size  }
0x9a: {  	s5 =	simm.s32 $_size__tile_overlayer_lowered;
	s6 =	simm.s32 $_tile_overlayer_lowered  }
0x9b: {  	s22 =	simm.s32 $0x1BFF;
	s21 =	sshll.u32 s6, $0x1;
	s3 =	sadd.s32 s4, s19  }
0x9c: {  	s7 =	simm.s32 $0x0;
	s20 =	sshll.u32 s5, $0x1;
	s5 =	sadd.s32 s21, s3  }
0x9d: {  	[timem:s7], [sflag:s22] =	dma.local [hbm:s5], s20  }
0x9e: {  	_ =	swait.ge [sflag:s22], s20  }
0x9f: {  	s4 =	ssub.s32 $0x0, s20;
	[sflag:s22] =	ssyncset.done $0x0  }
0xa0: {  	[sflag:s22] =	ssyncadd.s32 s4;
	_ =	sdelay $0x1  }
0xa1: {  	s23 =	simm.s32 $0x1B8B  }
0xa2: {  	_ =	swait.ge [sflag:s23], $0x1  }
0xa3: {  	[sflag:s23] =	ssyncset.done $0x0  }
0xa4: {  	s25 =	simm.s32 $0x1B8E;
	s24 =	sld [smem:$0x3FFE];
	[sflag:s23] =	ssyncadd.s32 $0xFFFFFFFF  }
0xa5: {  	s26 =	simm.s32 $execute0_lowered;
	[smem:$0x3FD2] =	sst s25  }
0xa6: {  	s5 =	sshll.u32 s26, $0x1;
	_ =	strace $0x80000046;
	[dreg:$0x1] =	wrdreg $0xFFFFFFFF  }
0xa7: {  	s28 =	simm.s32 $_size_execute0_lowered;
	s3 =	sadd.s32 s3, s5;
	[dreg:$0x0] =	wrdreg $0x0  }
0xa8: {  	s5 =	sshll.u32 s28, $0x1;
	[dreg:$0x2] =	wrdreg s3  }
0xa9: {  	[dreg:$0x3] =	wrdreg s5  }
0xaa: {  	[dreg:$0x4] =	wrdreg $0xC0  }
0xab: {  	_ =	task [dreg:s7], $0x5FFFF  }
0xac: {  	[dreg:$0x1] =	wrdreg $0xFFFFFFFF  }
0xad: {  	[dreg:$0x0] =	wrdreg $0x60  }
0xae: {  	[dreg:$0x2] =	wrdreg s24  }
0xaf: {  	[dreg:$0x3] =	wrdreg s2  }
0xb0: {  	[dreg:$0x4] =	wrdreg $0x93800  }
0xb1: {  	[dreg:$0x5] =	wrdreg $0x9  }
0xb2: {  	_ =	task.clear_ibuf [dreg:s7], $0x6FFFF;
	_ =	strace $0x90000046  }
0xb3: {  	s29 =	simm.s32 $0x9;
	_ =	strace $0x80000048  }
0xb4: {  	_ =	swait.ge [sflag:s29], $0x1  }
0xb5: {  	[sflag:s29] =	ssyncadd.s32 $0xFFFFFFFF  }
0xb6: {  	_ =	strace $0x90000048  }
0xb7: {  	_ =	sfence  }
0xb8: {  	s30 =	sld [smem:$0x0];
	_ =	sdelay $0x2  }
0xb9: {  	s31 =	sshll.u32 s1, $0xD;
	s1 =	sshrl.u32 s1, $0x2  }
0xba: {  	s3 =	sand.u32 $0x4000, s31;
	s1 =	sadd.s32 s1, s30  }
0xbb: {  	s0 =	sor.u32 s3, s0;
	s1 =	sshll.u32 s1, $0x11  }
0xbc: {  	s0 =	sor.u32 s1, s0  }
0xbd: {  	s0 =	sadd.s32 $0x8F2B, s0  }
0xbe: {  	[sflag:s0] =	ssyncadd.remote.s32 $0x1  }
0xbf: {  	_ =	sfence.sel $0xFFFF  }
0xc0: {  	[dreg:$0x0] =	wrdreg $0xFFFFFFFF;
	(pc) =	sbr.abs _section_cstart, $3  }
0xc1: {  	[dreg:$0x1] =	wrdreg $0xFFFFFFFF  }
0xc2: {  	_ =	task.clear_ibuf [dreg:s7], $0x2FFFF;
	_ =	strace $0x9FFFFFFF  }
0xc3: {  	(tm) =	ssettm $0x7FFFFFFF  }
tec
execute0_lowered:
.L_overlay_start_1:
0x0: {  	(tag) =	ssettag $0x1  }
0x1: {  	s0 =	rddreg [dreg:$0x0]  }
0x2: {  	s1 =	rddreg [dreg:$0x1]  }
0x3: {  	s2 =	rddreg [dreg:$0x2]  }
0x4: {  	s3 =	simm.s32 $0x0;
	s4 =	srdreg.scid;
	s13 =	stileid.u32  }
0x5: {  	s18 =	simm.s32 $0x9;
	s20 =	simm.s32 $0x50;
	s22 =	simm.s32 $0x1  }
0x6: {  	[smem:$0x7FF] =	sst s3;
	s5 =	sadd.s32 $0x6C00, s0;
	s6 =	sadd.s32 $0x1C00, s0  }
0x7: {  	s7 =	sadd.s32 $0x32C00, s0;
	s4 =	sand.u32 $0x1, s4;
	s8 =	smul.u32 $0x2BF2, s13  }
0x8: {  	s9 =	sadd.s32 $0x3CA00, s0;
	s10 =	sshll.u32 s13, $0x1;
	s24 =	smul.u32 $0x57E40, s13  }
0x9: {  	s28 =	sshll.u32 s13, $0x6;
	_ =	strace $0x80000047;
	[dreg:$0x4] =	wrdreg s9  }
0xa: {  	s23 =	smul.u32 $0x2BF20, s4;
	s11 =	ssub.s32 $0x2, s4;
	s4 =	sor.u32 s4, s10  }
0xb: {  	v0 =	vimm.s32 $0xFEDCBA98;
	s10 =	sor.u32 $0x1C09, s28;
	s12 =	sshrl.u32 s11, $0x1;
	s9 =	smul.u32 $0x2710, s4  }
0xc: {  	v1 =	vimm.s32 $0x76543210;
	vm0 =	vcmask $0x1F00;
	v0 =	vunpack.c.l.s4.s8 v0;
	s26 =	sshrl.u32 s24, $0x2;
	s8 =	sadd.s32 s8, s23;
	s25 =	ssub.s32 s11, s12  }
0xd: {  	v3 =	vimm.s32 $0x1;
	v4 =	vimm.s32 $0x2;
	v1 =	vunpack.c.l.s4.s8 v1;
	s0 =	sadd.s32 s8, s0;
	s8 =	sadd.s32 s26, s2;
	s29 =	sshrl.u32 s9, $0x3  }
0xe: {  	v5 =	vimm.s32 $0x3;
	v6 =	vimm.s32 $0x4;
	v2 =	vunpack.c.0.s8.s32 v0;
	s16 =	smax.u32 s25, $0x1;
	s25 =	simm.s32 $0x6680;
	s26 =	simm.s32 $0x0  }
0xf: {  	v7 =	vimm.s32 $0x5;
	v8 =	vimm.s32 $0x6;
	v1 =	vunpack.c.0.s8.s32 v1;
	s30 =	sadd.s32 s7, s29;
	s31 =	sadd.s32 $0xA, s29;
	s11 =	sadd.s32 s1, s29  }
0x10: {  	v9 =	vimm.s32 $0x7;
	v0 =	vimm.f32 $2.000000030e-01;
	v2 =	vand.u32 $0xF, v2;
	s15 =	sadd.s32 $0x3F600, s0;
	s17 =	sshrl.u32 s8, $0x3;
	[dreg:$0x5] =	wrdreg s30  }
0x11: {  	v0 =	vsel vm0, $0x3F800000, v0;
	v1 =	vcombine.low v2, v1;
	v2 =	vimm.s32 $0x0;
	[dreg:$0x6] =	wrdreg s11;
	s13 =	sadd.s32 s7, s31;
	s14 =	sadd.s32 s1, s31  }
.LBB2_1:
0x12: {  	s0 =	rddreg [dreg:$0x4]  }
0x13: {  	[spmem:s17], [sflag:s10] =	dma.local [hbm:s0], $0x2BF2  }
0x14: {  	_ =	swait.ge [sflag:s18], $0x2BF2  }
0x15: {  	[sflag:s18] =	ssyncset.done $0x0  }
0x16: {  	[sflag:s18] =	ssyncadd.s32 $0xFFFFD40E  }
0x17: {  	[bflag:$0x0] =	sbarrier.arrive $0xFFFF  }
0x18: {  	s23 =	rddreg [dreg:$0x5]  }
0x19: {  	[tilespmem:s3], [sflag:$0x1] =	stream.linear.gather [hbm4b:s23+s3], $0x50, $0x38;
	[tilespmem:$0x1F310] =	vst v63  }
0x1a: {  	s4 =	simm.s32 $0x140;
	s24 =	rddreg [dreg:$0x6]  }
0x1b: {  	[tilespmem:s4], [sflag:$0x1] =	stream.linear.gather [hbm4b:s24+s3], $0x50, $0x38;
	[tilespmem:$0x1F310] =	vst v63  }
0x1c: {  	_ = 	snop  }
0x1d: {  	[tilespmem:s20], [sflag:$0x2] =	stream.linear.gather [hbm4b:s13+s3], $0x50, $0x38;
	[tilespmem:$0x1F310] =	vst v63  }
0x1e: {  	s29 =	simm.s32 $0x190  }
0x1f: {  	[tilespmem:s29], [sflag:$0x2] =	stream.linear.gather [hbm4b:s14+s3], $0x50, $0x38;
	[tilespmem:$0x1F310] =	vst v63  }
0x20: {  	_ =	swait.ge [sflag:s22], $0x50  }
0x21: {  	[sflag:s22] =	ssyncset.done $0x0  }
0x22: {  	[sflag:s22] =	ssyncadd.s32 $0xFFFFFFB0  }
0x23: {  	_ =	swait.ge [sflag:s22], $0x50  }
0x24: {  	[sflag:s22] =	ssyncset.done $0x0  }
0x25: {  	s30 =	simm.s32 $0x280;
	[sflag:s22] =	ssyncadd.s32 $0xFFFFFFB0  }
0x26: {  	[tilespmem:s30], [sflag:$0x5] =	stream.indirect.gather [hbm4b:s5+s20], $0x90, s3, s20, $0xb8;
	[tilespmem:$0x1F310] =	vst v63  }
0x27: {  	s31 =	simm.s32 $0x5C80;
	s28 =	simm.s32 $0x0  }
0x28: {  	[tilespmem:s31], [sflag:$0x7] =	stream.indirect.gather [hbm4b:s6+s20], $0x10, s4, s20, $0xb8;
	[tilespmem:$0x1F310] =	vst v63  }
.LBB2_2:
0x29: {  	p0 =	sgt.u32 s28, $0x7A  }
.Ltmp0:
0x2a: {  	_ = 	snop;
	(pc) =	sbr.rel @p0 .LBB2_4-.Ltmp0, $2  }
0x2b: {  	_ =	sdelay $0x2  }
0x2c: {  	s0 =	sand.u32 $0x1, s28  }
0x2d: {  	s4 =	sadd.s32 $0x2, s28  }
0x2e: {  	s8 =	smul.u32 $0x50, s4;
	_ =	sdelay $0x1  }
0x2f: {  	s4 =	sand.u32 $0x3, s4;
	s8 =	sadd.s32 s9, s8  }
0x30: {  	s11 =	smul.u32 $0x50, s4;
	s8 =	sshrl.u32 s8, $0x3  }
.Ltmp1:
0x31: {  	s4 =	sadd.s32 $0x1, s4;
	s12 =	sadd.s32 s7, s8;
	(pc) =	sbr.rel .LBB2_5-.Ltmp1, $4  }
0x32: {  	[tilespmem:s11], [sflag:s4] =	stream.linear.gather [hbm4b:s12+s3], $0x50, $0x38;
	[tilespmem:$0x1F310] =	vst v63  }
0x33: {  	s8 =	sadd.s32 s1, s8;
	s11 =	sadd.s32 $0x140, s11  }
0x34: {  	[tilespmem:s11], [sflag:s4] =	stream.linear.gather [hbm4b:s8+s3], $0x50, $0x38;
	[tilespmem:$0x1F310] =	vst v63  }
0x35: {  	s4 =	sadd.s32 $0x1, s28  }
.LBB2_4:
0x36: {  	p0 =	seq.s32 s28, $0x7C  }
.Ltmp2:
0x37: {  	_ = 	snop;
	(pc) =	sbr.rel @p0 .LBB2_6-.Ltmp2, $2  }
0x38: {  	_ =	sdelay $0x2  }
0x39: {  	s4 =	simm.s32 $0x7C;
	s29 =	simm.s32 $0x7D  }
.LBB2_5:
0x3a: {  	s8 =	sand.u32 $0x3, s4  }
0x3b: {  	s11 =	sadd.s32 $0x1, s8  }
0x3c: {  	s12 =	sxor.u32 $0x1, s0;
	_ =	swait.ge [sflag:s11], $0x50  }
0x3d: {  	s19 =	smul.u32 $0xB400, s12;
	[sflag:s11] =	ssyncset.done $0x0  }
0x3e: {  	s8 =	smul.u32 $0x50, s8;
	[sflag:s11] =	ssyncadd.s32 $0xFFFFFFB0  }
0x3f: {  	s29 =	smov.u32 s4;
	s21 =	smul.u32 $0x1400, s12;
	_ =	swait.ge [sflag:s11], $0x50  }
0x40: {  	s30 =	sadd.s32 $0x5, s12;
	s24 =	sshrl.u32 s19, $0x2;
	[sflag:s11] =	ssyncset.done $0x0  }
0x41: {  	s31 =	sshrl.u32 s21, $0x2;
	[sflag:s11] =	ssyncadd.s32 $0xFFFFFFB0;
	s11 =	sadd.s32 $0x280, s24  }
0x42: {  	[tilespmem:s11], [sflag:s30] =	stream.indirect.gather [hbm4b:s5+s20], $0x90, s8, s20, $0xb8;
	[tilespmem:$0x1F310] =	vst v63  }
0x43: {  	s12 =	sadd.s32 $0x7, s12;
	s8 =	sadd.s32 $0x140, s8;
	s11 =	sadd.s32 $0x5C80, s31  }
0x44: {  	[tilespmem:s11], [sflag:s12] =	stream.indirect.gather [hbm4b:s6+s20], $0x10, s8, s20, $0xb8;
	[tilespmem:$0x1F310] =	vst v63  }
.LBB2_6:
0x45: {  	s4 =	sadd.s32 $0x5, s0  }
0x46: {  	_ =	swait.ge [sflag:s4], $0x2D00  }
0x47: {  	[sflag:s4] =	ssyncset.done $0x0  }
0x48: {  	s19 =	sadd.s32 $0x7, s0;
	s8 =	smul.u32 $0xB400, s0;
	[sflag:s4] =	ssyncadd.s32 $0xFFFFD300  }
0x49: {  	_ =	swait.ge [sflag:s19], $0x500  }
0x4a: {  	s21 =	smul.u32 $0x1400, s0;
	s8 =	sshrl.u32 s8, $0x2;
	[sflag:s19] =	ssyncset.done $0x0  }
0x4b: {  	s8 =	sadd.s32 $0x3A0, s8;
	[sflag:s19] =	ssyncadd.s32 $0xFFFFFB00  }
0x4c: {  	s0 =	sshrl.u32 s21, $0x2;
	v10 =	vld [tilespmem:s8+$0x90]  }
0x4d: {  	s0 =	sadd.s32 $0x5CA0, s0  }
0x4e: {  	v11 =	vld [tilespmem:s0+$0x10];
	_ =	sdelay $0x2  }
0x4f: {  	v10 =	vmul.f32 v0, v10;
	_ =	sdelay $0x1  }
0x50: {  	v10 =	vadd.f32 v11, v10;
	_ =	sdelay $0x1  }
0x51: {  	v11 =	vperm.xlane v10, v1  }
0x52: {  	v12 =	vld [tilespmem:s8+$0xFFFFFEE0]  }
0x53: {  	v10 =	vmax.f32 v10, v11  }
0x54: {  	v11 =	vld [tilespmem:s0+$0xFFFFFFE0];
	v10 =	vmul.f32 $1.442695020e+00, v10  }
0x55: {  	v13 =	vld [tilespmem:s8+$0xFFFFFF70]  }
0x56: {  	(erf) = vpow2.f32 v10;
	v10 =	vld [tilespmem:s8+$0x0]  }
0x57: {  	v14 =	vld [tilespmem:s0+$0xFFFFFFF0];
	v12 =	vmul.f32 v0, v12;
	_ =	sdelay $0x1  }
0x58: {  	v11 =	vadd.f32 v11, v12  }
0x59: {  	v15 =	vld [tilespmem:s0+$0x0];
	v12 =	vmul.f32 v0, v13  }
0x5a: {  	v13 =	vperm.xlane v11, v1;
	v10 =	vmul.f32 v0, v10  }
0x5b: {  	v12 =	vadd.f32 v14, v12  }
0x5c: {  	v11 =	vmax.f32 v11, v13  }
0x5d: {  	v14 =	vperm.xlane v12, v1;
	v11 =	vmul.f32 $1.442695020e+00, v11  }
0x5e: {  	s30 =	simm.s32 $0x67A0;
	v13 =	vadd.f32 v15, v10;
	v10 =	vpop (erf)  }
0x5f: {  	(erf) = vpow2.f32 v11;
	v11 =	vmax.f32 v12, v14;
	[tilespmem:s30+$0x90] =	vst v10  }
0x60: {  	v11 =	vmul.f32 $1.442695020e+00, v11;
	v12 =	vld [tilespmem:s8+$0xA0];
	_ =	sdelay $0x1  }
0x61: {  	(erf) = vpow2.f32 v11  }
0x62: {  	v11 =	vperm.xlane v10, v2  }
0x63: {  	v15 =	vperm.xlane v13, v1  }
0x64: {  	v11 =	vmul.f32 v11, v12  }
0x65: {  	v13 =	vmax.f32 v13, v15  }
0x66: {  	v13 =	vmul.f32 $1.442695020e+00, v13;
	[tilespmem:s30+$0xA0] =	vst v11  }
0x67: {  	v17 =	vpop (erf);
	v11 =	vld [tilespmem:s8+$0xB0]  }
0x68: {  	(erf) = vpow2.f32 v13;
	[tilespmem:s30+$0xFFFFFEE0] =	vst v17  }
0x69: {  	v12 =	vld [tilespmem:s8+$0xFFFFFEF0]  }
0x6a: {  	s24 =	sadd.s32 $0x240, s8;
	v13 =	vperm.xlane v10, v3;
	v18 =	vpop (erf)  }
0x6b: {  	v14 =	vld [tilespmem:s24+$0x90];
	[tilespmem:s30+$0xFFFFFF70] =	vst v18  }
0x6c: {  	s23 =	sadd.s32 $0x40, s0;
	v15 =	vperm.xlane v17, v2;
	v16 =	vld [tilespmem:s8+$0xFFFFFF80];
	v11 =	vmul.f32 v13, v11  }
0x6d: {  	v13 =	vld [tilespmem:s23+$0x10]  }
0x6e: {  	v12 =	vmul.f32 v15, v12;
	[tilespmem:s30+$0xB0] =	vst v11  }
0x6f: {  	v11 =	vld [tilespmem:s8+$0xC0]  }
0x70: {  	v14 =	vmul.f32 v0, v14;
	v15 =	vperm.xlane v18, v2;
	[tilespmem:s30+$0xFFFFFEF0] =	vst v12;
	v12 =	vld [tilespmem:s24+$0xFFFFFEE0]  }
0x71: {  	v25 =	vld [tilespmem:s24+$0xFFFFFF70];
	v21 =	vpop (erf)  }
0x72: {  	[tilespmem:s30+$0x0] =	vst v21;
	v15 =	vmul.f32 v15, v16;
	v16 =	vld [tilespmem:s23+$0xFFFFFFE0];
	v13 =	vadd.f32 v13, v14  }
0x73: {  	v26 =	vperm.xlane v10, v4;
	v19 =	vld [tilespmem:s8+$0x10]  }
0x74: {  	[tilespmem:s30+$0xFFFFFF80] =	vst v15;
	v15 =	vld [tilespmem:s23+$0xFFFFFFF0];
	v27 =	vperm.xlane v13, v1  }
0x75: {  	v24 =	vld [tilespmem:s8+$0xFFFFFF00];
	v11 =	vmul.f32 v26, v11;
	v12 =	vmul.f32 v0, v12  }
0x76: {  	v30 =	vld [tilespmem:s24+$0x0];
	v22 =	vperm.xlane v17, v3;
	v20 =	vperm.xlane v21, v2;
	v13 =	vmax.f32 v13, v27  }
0x77: {  	v27 =	vld [tilespmem:s8+$0xFFFFFF90];
	v13 =	vmul.f32 $1.442695020e+00, v13;
	[tilespmem:s30+$0xC0] =	vst v11;
	v11 =	vadd.f32 v16, v12;
	v12 =	vmul.f32 v0, v25  }
0x78: {  	v32 =	vperm.xlane v17, v5;
	v19 =	vmul.f32 v20, v19;
	v20 =	vld [tilespmem:s23+$0x0]  }
0x79: {  	v16 =	vld [tilespmem:s8+$0xD0];
	(erf) = vpow2.f32 v13;
	v13 =	vperm.xlane v11, v1;
	v12 =	vadd.f32 v15, v12  }
0x7a: {  	v23 =	vperm.xlane v18, v3;
	[tilespmem:s30+$0x10] =	vst v19;
	v19 =	vmul.f32 v22, v24  }
0x7b: {  	v22 =	vmul.f32 v0, v30;
	v24 =	vld [tilespmem:s8+$0x20];
	v11 =	vmax.f32 v11, v13;
	v13 =	vperm.xlane v12, v1  }
0x7c: {  	v15 =	vmul.f32 v23, v27;
	v23 =	vperm.xlane v10, v5  }
0x7d: {  	v28 =	vperm.xlane v21, v3;
	[tilespmem:s30+$0xFFFFFF00] =	vst v19;
	v11 =	vmul.f32 $1.442695020e+00, v11;
	v12 =	vmax.f32 v12, v13  }
0x7e: {  	v19 =	vadd.f32 v20, v22;
	[tilespmem:s30+$0xFFFFFF90] =	vst v15;
	v15 =	vld [tilespmem:s8+$0xFFFFFF10];
	v16 =	vmul.f32 v23, v16;
	v12 =	vmul.f32 $1.442695020e+00, v12  }
0x7f: {  	v29 =	vperm.xlane v18, v4;
	v20 =	vld [tilespmem:s8+$0xFFFFFFA0];
	(erf) = vpow2.f32 v11  }
0x80: {  	v23 =	vperm.xlane v19, v1;
	v11 =	vmul.f32 v28, v24;
	[tilespmem:s30+$0xD0] =	vst v16  }
0x81: {  	v14 =	vperm.xlane v17, v4;
	v26 =	vperm.xlane v21, v4;
	v16 =	vld [tilespmem:s8+$0xE0]  }
0x82: {  	s31 =	simm.s32 $0x69E0;
	v30 =	vperm.xlane v18, v7;
	v19 =	vmax.f32 v19, v23;
	[tilespmem:s30+$0x20] =	vst v11;
	(erf) = vpow2.f32 v12;
	v12 =	vpop (erf)  }
0x83: {  	v11 =	vmul.f32 v14, v15;
	v14 =	vmul.f32 $1.442695020e+00, v19;
	v15 =	vld [tilespmem:s8+$0x30];
	[tilespmem:s31+$0x90] =	vst v12  }
0x84: {  	v19 =	vmul.f32 v29, v20;
	v20 =	vperm.xlane v10, v6;
	v23 =	vld [tilespmem:s24+$0xA0]  }
0x85: {  	v25 =	vperm.xlane v18, v5;
	v22 =	vperm.xlane v21, v5;
	[tilespmem:s30+$0xFFFFFF10] =	vst v11  }
0x86: {  	v27 =	vperm.xlane v18, v6;
	v28 =	vld [tilespmem:s8+$0xFFFFFF20];
	v11 =	vmul.f32 v20, v16  }
0x87: {  	v24 =	vperm.xlane v17, v6;
	[tilespmem:s30+$0xFFFFFFA0] =	vst v19;
	v19 =	vperm.xlane v12, v2  }
0x88: {  	v29 =	vperm.xlane v17, v7;
	v20 =	vmul.f32 v26, v15;
	[tilespmem:s30+$0xE0] =	vst v11;
	v31 =	vpop (erf)  }
0x89: {  	(erf) = vpow2.f32 v14;
	v33 =	vld [tilespmem:s8+$0xFFFFFFB0];
	[tilespmem:s31+$0xFFFFFEE0] =	vst v31;
	v23 =	vmul.f32 v19, v23  }
0x8a: {  	v16 =	vperm.xlane v17, v8;
	v26 =	vperm.xlane v17, v9;
	v34 =	vld [tilespmem:s8+$0xF0];
	[tilespmem:s30+$0x30] =	vst v20  }
0x8b: {  	v11 =	vperm.xlane v21, v9;
	v17 =	vld [tilespmem:s24+$0xFFFFFEF0];
	v28 =	vmul.f32 v32, v28;
	v32 =	vpop (erf);
	[tilespmem:s31+$0xA0] =	vst v23  }
0x8c: {  	v15 =	vperm.xlane v18, v8;
	v20 =	vperm.xlane v18, v9;
	v18 =	vld [tilespmem:s8+$0x40];
	[tilespmem:s31+$0xFFFFFF70] =	vst v32  }
0x8d: {  	v13 =	vperm.xlane v21, v6;
	v58 =	vperm.xlane v12, v5;
	v60 =	vld [tilespmem:s24+$0xB0];
	[tilespmem:$0x1FFF0] =	vst v11  }
0x8e: {  	s0 =	sadd.s32 $0x240, s24;
	v14 =	vperm.xlane v21, v7;
	v40 =	vperm.xlane v31, v3;
	[tilespmem:s30+$0xFFFFFF20] =	vst v28;
	v28 =	vld [tilespmem:s24+$0xFFFFFF80]  }
0x8f: {  	s11 =	sadd.s32 $0x40, s23;
	v44 =	vperm.xlane v31, v5;
	v19 =	vperm.xlane v21, v8;
	v42 =	vld [tilespmem:s0+$0x90]  }
0x90: {  	v23 =	vmul.f32 v25, v33;
	v25 =	vperm.xlane v10, v7;
	v49 =	vld [tilespmem:s11+$0x10]  }
0x91: {  	v21 =	vperm.xlane v31, v2;
	v41 =	vperm.xlane v32, v4;
	v50 =	vld [tilespmem:s0+$0xFFFFFF70]  }
0x92: {  	v47 =	vperm.xlane v32, v5;
	v25 =	vmul.f32 v25, v34;
	v51 =	vld [tilespmem:s0+$0xFFFFFEE0]  }
0x93: {  	[tilespmem:s30+$0xFFFFFFB0] =	vst v23;
	v37 =	vpop (erf);
	v62 =	vld [tilespmem:s11+$0xFFFFFFE0];
	v17 =	vmul.f32 v21, v17;
	v21 =	vperm.xlane v12, v3  }
0x94: {  	v23 =	vperm.xlane v32, v2;
	v38 =	vld [tilespmem:s8+$0xFFFFFF30];
	v35 =	vperm.xlane v37, v2;
	[tilespmem:s30+$0xF0] =	vst v25  }
0x95: {  	v61 =	vld [tilespmem:s8+$0xFFFFFFC0];
	v33 =	vperm.xlane v37, v3;
	[tilespmem:s31+$0xFFFFFEF0] =	vst v17;
	v17 =	vmul.f32 v21, v60  }
0x96: {  	[tilespmem:s31+$0x0] =	vst v37;
	v43 =	vperm.xlane v37, v4;
	v39 =	vld [tilespmem:s8+$0x100];
	v23 =	vmul.f32 v23, v28  }
0x97: {  	v36 =	vld [tilespmem:s24+$0x10];
	v25 =	vperm.xlane v32, v3;
	v22 =	vmul.f32 v22, v18;
	[tilespmem:s31+$0xB0] =	vst v17  }
0x98: {  	v21 =	vperm.xlane v31, v4;
	v18 =	vmul.f32 v0, v42;
	[tilespmem:s31+$0xFFFFFF80] =	vst v23;
	v23 =	vld [tilespmem:s24+$0xC0]  }
0x99: {  	v55 =	vmul.f32 v0, v51;
	v17 =	vperm.xlane v10, v8  }
0x9a: {  	v28 =	vld [tilespmem:s24+$0xFFFFFF00];
	v57 =	vmul.f32 v0, v50;
	v38 =	vmul.f32 v24, v38  }
0x9b: {  	v46 =	vld [tilespmem:s24+$0xFFFFFF90];
	v48 =	vmul.f32 v17, v39;
	v17 =	vperm.xlane v12, v4  }
0x9c: {  	v27 =	vmul.f32 v27, v61;
	v24 =	vld [tilespmem:s11+$0xFFFFFFF0];
	v45 =	vmul.f32 v35, v36  }
0x9d: {  	v63 =	vadd.f32 v49, v18;
	v42 =	vadd.f32 v62, v55;
	v23 =	vmul.f32 v17, v23  }
0x9e: {  	v52 =	vld [tilespmem:s0+$0x0];
	v10 =	vperm.xlane v10, v9;
	v36 =	vperm.xlane v37, v5;
	[tilespmem:s31+$0x10] =	vst v45  }
0x9f: {  	v56 =	vperm.xlane v63, v1;
	v61 =	vperm.xlane v42, v1;
	v59 =	vld [tilespmem:s24+$0x20];
	[tilespmem:s31+$0xC0] =	vst v23  }
0xa0: {  	v25 =	vmul.f32 v25, v46;
	v23 =	vmul.f32 v40, v28;
	v28 =	vld [tilespmem:s24+$0xD0]  }
0xa1: {  	v54 =	vld [tilespmem:s11+$0x0];
	[tilespmem:s30+$0x40] =	vst v22;
	v35 =	vperm.xlane v31, v6;
	v34 =	vmax.f32 v63, v56;
	v46 =	vadd.f32 v24, v57  }
0xa2: {  	v50 =	vld [tilespmem:s8+$0x50];
	v18 =	vperm.xlane v31, v7;
	v42 =	vmax.f32 v42, v61;
	v24 =	vmul.f32 $1.442695020e+00, v34;
	[tilespmem:s31+$0xFFFFFF90] =	vst v25  }
0xa3: {  	v42 =	vmul.f32 $1.442695020e+00, v42;
	v25 =	vperm.xlane v46, v1;
	[tilespmem:s31+$0xFFFFFF00] =	vst v23;
	v62 =	vld [tilespmem:s24+$0xFFFFFFA0]  }
0xa4: {  	[tilespmem:s30+$0xFFFFFF30] =	vst v38;
	(erf) = vpow2.f32 v24;
	v22 =	vmul.f32 v33, v59;
	v60 =	vld [tilespmem:s24+$0xFFFFFF10]  }
0xa5: {  	v38 =	vld [tilespmem:s8+$0xFFFFFF40];
	[tilespmem:s30+$0x100] =	vst v48;
	v23 =	vmul.f32 v0, v52;
	v25 =	vmax.f32 v46, v25;
	v28 =	vmul.f32 v58, v28  }
0xa6: {  	[tilespmem:s30+$0xFFFFFFC0] =	vst v27;
	v48 =	vld [tilespmem:s8+$0x110];
	(erf) = vpow2.f32 v42;
	v25 =	vmul.f32 $1.442695020e+00, v25  }
0xa7: {  	v39 =	vperm.xlane v32, v6;
	v13 =	vmul.f32 v13, v50;
	v52 =	vld [tilespmem:s8+$0xFFFFFFD0];
	[tilespmem:s31+$0xD0] =	vst v28  }
0xa8: {  	v17 =	vperm.xlane v37, v6;
	[tilespmem:s31+$0x20] =	vst v22;
	v23 =	vadd.f32 v54, v23;
	(erf) = vpow2.f32 v25;
	v63 =	vld [tilespmem:s24+$0xE0]  }
0xa9: {  	v51 =	vld [tilespmem:s24+$0x30];
	v25 =	vmul.f32 v41, v62;
	v34 =	vmul.f32 v21, v60  }
0xaa: {  	v29 =	vmul.f32 v29, v38;
	v28 =	vperm.xlane v23, v1  }
0xab: {  	v24 =	vperm.xlane v32, v7;
	v22 =	vperm.xlane v12, v6;
	[tilespmem:s31+$0xFFFFFF10] =	vst v34  }
0xac: {  	v33 =	vperm.xlane v31, v9;
	v21 =	vmax.f32 v23, v28;
	v23 =	vmul.f32 v10, v48;
	v10 =	vld [tilespmem:s24+$0xFFFFFF20]  }
0xad: {  	s4 =	simm.s32 $0x6C20;
	v41 =	vmul.f32 v30, v52;
	[tilespmem:s31+$0xFFFFFFA0] =	vst v25;
	v25 =	vpop (erf);
	v53 =	vmul.f32 v22, v63  }
0xae: {  	v56 =	vmul.f32 v43, v51;
	v28 =	vperm.xlane v31, v8;
	v54 =	vld [tilespmem:s24+$0xFFFFFFB0];
	[tilespmem:s4+$0x90] =	vst v25  }
0xaf: {  	v34 =	vperm.xlane v32, v9;
	v27 =	vmul.f32 $1.442695020e+00, v21;
	v30 =	vpop (erf);
	v57 =	vld [tilespmem:s0+$0xA0];
	[tilespmem:s31+$0xE0] =	vst v53  }
0xb0: {  	v21 =	vperm.xlane v37, v7;
	v31 =	vperm.xlane v25, v2;
	[tilespmem:s4+$0xFFFFFEE0] =	vst v30;
	v55 =	vld [tilespmem:s24+$0xF0]  }
0xb1: {  	s11 =	sadd.s32 $0x40, s11;
	[tilespmem:s30+$0x50] =	vst v13;
	v22 =	vperm.xlane v32, v8;
	v58 =	vld [tilespmem:s0+$0xFFFFFEF0];
	v32 =	vpop (erf);
	v13 =	vmul.f32 v44, v10  }
0xb2: {  	v11 =	vld [tilespmem:s11+$0xFFFFFFF0];
	(erf) = vpow2.f32 v27;
	v27 =	vperm.xlane v37, v8;
	[tilespmem:s4+$0xFFFFFF70] =	vst v32  }
0xb3: {  	v59 =	vperm.xlane v30, v2;
	v10 =	vperm.xlane v12, v7;
	[tilespmem:s31+$0xFFFFFF20] =	vst v13;
	v13 =	vld [tilespmem:s0+$0xFFFFFF80]  }
0xb4: {  	s21 =	sadd.s32 $0x240, s0;
	v43 =	vld [tilespmem:s8+$0x60];
	v42 =	vmul.f32 v47, v54;
	v31 =	vmul.f32 v31, v57  }
0xb5: {  	[tilespmem:s30+$0xFFFFFF40] =	vst v29;
	v51 =	vld [tilespmem:s21+$0x90];
	v62 =	vperm.xlane v32, v2;
	v45 =	vmul.f32 v10, v55  }
0xb6: {  	v54 =	vld [tilespmem:s8+$0xFFFFFF50];
	[tilespmem:s4+$0xA0] =	vst v31;
	v10 =	vperm.xlane v37, v9;
	v37 =	vmul.f32 v59, v58  }
0xb7: {  	v60 =	vld [tilespmem:s0+$0xB0];
	[tilespmem:s31+$0xF0] =	vst v45  }
0xb8: {  	v13 =	vmul.f32 v62, v13;
	[tilespmem:s4+$0xFFFFFEF0] =	vst v37;
	v31 =	vld [tilespmem:s24+$0x100]  }
0xb9: {  	v29 =	vperm.xlane v12, v8;
	[tilespmem:s31+$0x30] =	vst v56;
	v48 =	vperm.xlane v30, v3;
	v56 =	vld [tilespmem:s0+$0xFFFFFF00]  }
0xba: {  	v50 =	vperm.xlane v30, v4;
	v51 =	vmul.f32 v0, v51;
	v44 =	vld [tilespmem:s24+$0x40];
	[tilespmem:s4+$0xFFFFFF80] =	vst v13  }
0xbb: {  	v43 =	vmul.f32 v14, v43;
	v49 =	vperm.xlane v32, v3;
	[tilespmem:s31+$0xFFFFFFB0] =	vst v42;
	v40 =	vpop (erf);
	v58 =	vld [tilespmem:s0+$0xFFFFFF90]  }
0xbc: {  	v53 =	vperm.xlane v32, v4;
	v46 =	vld [tilespmem:s24+$0xFFFFFFC0];
	[tilespmem:s4+$0x0] =	vst v40;
	v62 =	vperm.xlane v25, v3  }
0xbd: {  	v38 =	vperm.xlane v32, v6;
	v61 =	vld [tilespmem:s0+$0x10];
	v13 =	vmul.f32 v29, v31  }
0xbe: {  	v29 =	vmul.f32 v62, v60;
	v48 =	vmul.f32 v48, v56;
	v56 =	vld [tilespmem:s11+$0x10]  }
0xbf: {  	[tilespmem:s30+$0xFFFFFFD0] =	vst v41;
	v12 =	vperm.xlane v12, v9;
	v14 =	vperm.xlane v32, v8;
	v60 =	vld [tilespmem:s21+$0xFFFFFF70]  }
0xc0: {  	v63 =	vperm.xlane v40, v2;
	v49 =	vmul.f32 v49, v58;
	v58 =	vld [tilespmem:s21+$0xFFFFFEE0];
	[tilespmem:s4+$0xB0] =	vst v29  }
0xc1: {  	v57 =	vperm.xlane v30, v5;
	v41 =	vmul.f32 v16, v54;
	[tilespmem:s31+$0x100] =	vst v13;
	v13 =	vld [tilespmem:s0+$0xC0]  }
0xc2: {  	v44 =	vmul.f32 v36, v44;
	v42 =	vmul.f32 v63, v61;
	v59 =	vld [tilespmem:s24+$0x110]  }
0xc3: {  	v36 =	vperm.xlane v25, v4;
	v52 =	vperm.xlane v40, v3;
	v62 =	vld [tilespmem:s11+$0xFFFFFFE0];
	v51 =	vadd.f32 v56, v51  }
0xc4: {  	v47 =	vld [tilespmem:s24+$0xFFFFFF30];
	v55 =	vperm.xlane v40, v4;
	v46 =	vmul.f32 v39, v46;
	[tilespmem:s4+$0x10] =	vst v42  }
0xc5: {  	v61 =	vld [tilespmem:s21+$0x0];
	[tilespmem:s4+$0xFFFFFF90] =	vst v49;
	v42 =	vmul.f32 v0, v58;
	v58 =	vperm.xlane v51, v1  }
0xc6: {  	v45 =	vperm.xlane v32, v5;
	[tilespmem:s4+$0xFFFFFF00] =	vst v48;
	v16 =	vld [tilespmem:s0+$0xFFFFFFA0];
	v63 =	vmul.f32 v36, v13  }
0xc7: {  	v37 =	vperm.xlane v30, v6;
	v49 =	vld [tilespmem:s0+$0xFFFFFF10];
	v39 =	vmul.f32 v12, v59;
	v51 =	vmax.f32 v51, v58  }
0xc8: {  	v59 =	vmul.f32 v0, v60;
	v60 =	vld [tilespmem:s11+$0x0];
	v42 =	vadd.f32 v62, v42;
	[tilespmem:s4+$0xC0] =	vst v63;
	v51 =	vmul.f32 $1.442695020e+00, v51  }
0xc9: {  	v47 =	vmul.f32 v35, v47;
	v35 =	vperm.xlane v30, v7;
	v56 =	vld [tilespmem:s0+$0xD0]  }
0xca: {  	v54 =	vld [tilespmem:s8+$0xFFFFFFE0];
	[tilespmem:s30+$0xFFFFFF50] =	vst v41;
	v62 =	vperm.xlane v42, v1;
	(erf) = vpow2.f32 v51  }
0xcb: {  	[tilespmem:s31+$0x40] =	vst v44;
	v48 =	vmul.f32 v0, v61;
	v61 =	vld [tilespmem:s0+$0x20];
	v16 =	vmul.f32 v53, v16  }
0xcc: {  	[tilespmem:s31+$0xFFFFFF30] =	vst v47;
	v47 =	vld [tilespmem:s24+$0x50];
	v63 =	vperm.xlane v25, v5;
	v11 =	vadd.f32 v11, v59;
	v42 =	vmax.f32 v42, v62  }
0xcd: {  	[tilespmem:s4+$0xFFFFFFA0] =	vst v16;
	v51 =	vld [tilespmem:s24+$0xFFFFFF40];
	v44 =	vadd.f32 v60, v48;
	v42 =	vmul.f32 $1.442695020e+00, v42;
	v60 =	vmul.f32 v50, v49  }
0xce: {  	[tilespmem:s31+$0xFFFFFFC0] =	vst v46;
	v53 =	vld [tilespmem:s0+$0xFFFFFFB0];
	v56 =	vmul.f32 v63, v56;
	v63 =	vperm.xlane v11, v1  }
0xcf: {  	v15 =	vmul.f32 v15, v54;
	v54 =	vld [tilespmem:s8+$0xFFFFFF60];
	v59 =	vperm.xlane v44, v1;
	[tilespmem:s4+$0xFFFFFF10] =	vst v60  }
0xd0: {  	v52 =	vmul.f32 v52, v61;
	(erf) = vpow2.f32 v42;
	v46 =	vld [tilespmem:s0+$0xFFFFFF20];
	[tilespmem:s4+$0xD0] =	vst v56;
	v11 =	vmax.f32 v11, v63  }
0xd1: {  	[tilespmem:s30+$0xFFFFFFE0] =	vst v15;
	v15 =	vmul.f32 v17, v47;
	v44 =	vmax.f32 v44, v59;
	v61 =	vld [tilespmem:s0+$0xE0];
	v11 =	vmul.f32 $1.442695020e+00, v11  }
0xd2: {  	[tilespmem:s4+$0x20] =	vst v52;
	v62 =	vld [tilespmem:s24+$0xFFFFFFD0];
	v47 =	vmul.f32 v18, v51;
	v44 =	vmul.f32 $1.442695020e+00, v44  }
0xd3: {  	s23 =	simm.s32 $0x6E60;
	[tilespmem:s30+$0x60] =	vst v43;
	v52 =	vld [tilespmem:s0+$0x30];
	v45 =	vmul.f32 v45, v53;
	(erf) = vpow2.f32 v11;
	v18 =	vpop (erf)  }
0xd4: {  	v56 =	vld [tilespmem:s8+$0xFFFFFFF0];
	v11 =	vperm.xlane v25, v6;
	(erf) = vpow2.f32 v44;
	[tilespmem:s23+$0x90] =	vst v18  }
0xd5: {  	v31 =	vperm.xlane v40, v5;
	[tilespmem:s31+$0x50] =	vst v15;
	v58 =	vmul.f32 v57, v46;
	v59 =	vld [tilespmem:s21+$0xA0]  }
0xd6: {  	v17 =	vperm.xlane v30, v9;
	v63 =	vld [tilespmem:s8+$0x70];
	[tilespmem:s4+$0xFFFFFFB0] =	vst v45;
	v11 =	vmul.f32 v11, v61  }
0xd7: {  	v15 =	vperm.xlane v32, v9;
	v24 =	vmul.f32 v24, v62;
	v46 =	vld [tilespmem:s24+$0x60];
	[tilespmem:s4+$0xFFFFFF20] =	vst v58  }
0xd8: {  	v36 =	vperm.xlane v32, v7;
	v62 =	vperm.xlane v18, v2;
	v58 =	vld [tilespmem:s0+$0xFFFFFFC0];
	[tilespmem:s4+$0xE0] =	vst v11  }
0xd9: {  	v12 =	vperm.xlane v30, v8;
	[tilespmem:s31+$0xFFFFFFD0] =	vst v24;
	v42 =	vpop (erf);
	v11 =	vmul.f32 v55, v52;
	v30 =	vld [tilespmem:s0+$0xF0]  }
0xda: {  	v43 =	vmul.f32 v20, v56;
	v20 =	vld [tilespmem:s0+$0xFFFFFF30];
	[tilespmem:s23+$0xFFFFFEE0] =	vst v42;
	v32 =	vmul.f32 v62, v59  }
0xdb: {  	v29 =	vperm.xlane v40, v6;
	v19 =	vmul.f32 v19, v63;
	v63 =	vld [tilespmem:s21+$0xFFFFFEF0];
	[tilespmem:s4+$0x30] =	vst v11  }
0xdc: {  	v13 =	vperm.xlane v40, v7;
	v61 =	vperm.xlane v25, v7;
	v52 =	vld [tilespmem:s24+$0xFFFFFFE0];
	v41 =	vpop (erf);
	[tilespmem:s23+$0xA0] =	vst v32  }
0xdd: {  	v16 =	vperm.xlane v40, v8;
	v11 =	vperm.xlane v40, v9;
	[tilespmem:s23+$0xFFFFFF70] =	vst v41;
	v40 =	vpop (erf);
	v32 =	vld [tilespmem:s21+$0xB0]  }
0xde: {  	v50 =	vperm.xlane v42, v2;
	v30 =	vmul.f32 v61, v30;
	v60 =	vld [tilespmem:s21+$0xFFFFFF80];
	[tilespmem:s23+$0x0] =	vst v40  }
0xdf: {  	[tilespmem:s31+$0xFFFFFF40] =	vst v47;
	v62 =	vld [tilespmem:s21+$0x10]  }
0xe0: {  	v47 =	vperm.xlane v18, v3;
	v48 =	vld [tilespmem:s0+$0x40];
	v63 =	vmul.f32 v50, v63;
	[tilespmem:s4+$0xF0] =	vst v30  }
0xe1: {  	s19 =	sadd.s32 $0x240, s21;
	v37 =	vmul.f32 v37, v20;
	v44 =	vperm.xlane v41, v2;
	v30 =	vld [tilespmem:s0+$0x100]  }
0xe2: {  	v20 =	vld [tilespmem:s19+$0xFFFFFF70];
	v61 =	vperm.xlane v40, v2;
	[tilespmem:s23+$0xFFFFFEF0] =	vst v63;
	v47 =	vmul.f32 v47, v32  }
0xe3: {  	v26 =	vmul.f32 v26, v54;
	[tilespmem:s31+$0x110] =	vst v39;
	v54 =	vld [tilespmem:s21+$0xFFFFFF00];
	v24 =	vmul.f32 v44, v60  }
0xe4: {  	v60 =	vperm.xlane v25, v8;
	v49 =	vmul.f32 v61, v62;
	v61 =	vld [tilespmem:s19+$0x90];
	[tilespmem:s23+$0xB0] =	vst v47  }
0xe5: {  	v39 =	vperm.xlane v25, v9;
	[tilespmem:s23+$0xFFFFFF80] =	vst v24;
	v62 =	vld [tilespmem:s21+$0xC0]  }
0xe6: {  	v53 =	vperm.xlane v42, v3;
	v24 =	vmul.f32 v60, v30;
	v60 =	vld [tilespmem:s21+$0xFFFFFF90]  }
0xe7: {  	s11 =	sadd.s32 $0x40, s11;
	v56 =	vperm.xlane v42, v4;
	v51 =	vperm.xlane v42, v5;
	v50 =	vld [tilespmem:s24+$0xFFFFFF50]  }
0xe8: {  	[tilespmem:s30+$0x110] =	vst v23;
	v38 =	vmul.f32 v38, v58;
	v53 =	vmul.f32 v53, v54;
	v54 =	vld [tilespmem:s11+$0x10]  }
0xe9: {  	v58 =	vperm.xlane v18, v4;
	v55 =	vperm.xlane v41, v3;
	v63 =	vld [tilespmem:s19+$0x0];
	[tilespmem:s4+$0x100] =	vst v24  }
0xea: {  	[tilespmem:s30+$0xFFFFFF60] =	vst v26;
	v23 =	vperm.xlane v42, v7;
	v47 =	vld [tilespmem:s0+$0x110];
	v61 =	vmul.f32 v0, v61  }
0xeb: {  	[tilespmem:s23+$0x10] =	vst v49;
	v49 =	vmul.f32 v58, v62;
	v55 =	vmul.f32 v55, v60;
	v60 =	vld [tilespmem:s19+$0xFFFFFEE0]  }
0xec: {  	[tilespmem:s30+$0x70] =	vst v19;
	v46 =	vmul.f32 v21, v46;
	v57 =	vperm.xlane v41, v4;
	v58 =	vld [tilespmem:s11+$0xFFFFFFE0]  }
0xed: {  	v21 =	vperm.xlane v41, v8;
	v52 =	vmul.f32 v22, v52;
	v62 =	vld [tilespmem:s11+$0x0];
	v54 =	vadd.f32 v54, v61;
	[tilespmem:s23+$0xC0] =	vst v49  }
0xee: {  	[tilespmem:s31+$0x60] =	vst v46;
	v45 =	vperm.xlane v40, v3;
	v48 =	vmul.f32 v31, v48;
	v26 =	vld [tilespmem:s21+$0xD0]  }
0xef: {  	[tilespmem:s23+$0xFFFFFF00] =	vst v53;
	v53 =	vperm.xlane v54, v1;
	v39 =	vmul.f32 v39, v47;
	v47 =	vld [tilespmem:s11+$0xFFFFFFF0]  }
0xf0: {  	[tilespmem:s4+$0xFFFFFF30] =	vst v37;
	v28 =	vmul.f32 v28, v50;
	v50 =	vld [tilespmem:s21+$0x20];
	v49 =	vmul.f32 v0, v60  }
0xf1: {  	[tilespmem:s23+$0xFFFFFF90] =	vst v55;
	v55 =	vmul.f32 v0, v63;
	v63 =	vperm.xlane v18, v5;
	v61 =	vmax.f32 v54, v53;
	v60 =	vld [tilespmem:s21+$0xFFFFFF10]  }
0xf2: {  	[tilespmem:s4+$0x40] =	vst v48;
	v48 =	vmul.f32 v0, v20;
	v53 =	vld [tilespmem:s21+$0xFFFFFFA0];
	v37 =	vadd.f32 v58, v49;
	v58 =	vmul.f32 $1.442695020e+00, v61  }
0xf3: {  	v59 =	vperm.xlane v40, v4;
	v54 =	vld [tilespmem:s0+$0xFFFFFF40];
	[tilespmem:s4+$0x110] =	vst v39;
	v39 =	vadd.f32 v62, v55;
	v26 =	vmul.f32 v63, v26  }
0xf4: {  	[tilespmem:s4+$0xFFFFFFC0] =	vst v38;
	v38 =	vadd.f32 v47, v48;
	v48 =	vld [tilespmem:s0+$0x50];
	v61 =	vperm.xlane v37, v1;
	(erf) = vpow2.f32 v58  }
0xf5: {  	v45 =	vmul.f32 v45, v50;
	v63 =	vperm.xlane v39, v1;
	v47 =	vld [tilespmem:s0+$0xFFFFFFD0];
	[tilespmem:s23+$0xD0] =	vst v26  }
0xf6: {  	[tilespmem:s31+$0xFFFFFF50] =	vst v28;
	v62 =	vperm.xlane v38, v1;
	v58 =	vmul.f32 v56, v60;
	v60 =	vld [tilespmem:s21+$0xE0];
	v37 =	vmax.f32 v37, v61  }
0xf7: {  	[tilespmem:s23+$0x20] =	vst v45;
	v26 =	vld [tilespmem:s24+$0x70];
	v61 =	vmul.f32 v57, v53;
	v28 =	vmul.f32 $1.442695020e+00, v37  }
0xf8: {  	v19 =	vperm.xlane v40, v7;
	v44 =	vperm.xlane v41, v5;
	v55 =	vmax.f32 v38, v62;
	[tilespmem:s23+$0xFFFFFF10] =	vst v58;
	v62 =	vld [tilespmem:s21+$0x30]  }
0xf9: {  	v39 =	vmax.f32 v39, v63;
	v63 =	vld [tilespmem:s21+$0xFFFFFF20];
	[tilespmem:s23+$0xFFFFFFA0] =	vst v61;
	(erf) = vpow2.f32 v28;
	v28 =	vperm.xlane v18, v6  }
0xfa: {  	[tilespmem:s30+$0xFFFFFFF0] =	vst v43;
	v35 =	vmul.f32 v35, v54;
	v29 =	vmul.f32 v29, v48;
	v57 =	vld [tilespmem:s21+$0xFFFFFFB0]  }
0xfb: {  	[tilespmem:s31+$0xFFFFFFE0] =	vst v52;
	v39 =	vmul.f32 $1.442695020e+00, v39;
	v58 =	vmul.f32 v28, v60  }
0xfc: {  	v37 =	vmul.f32 $1.442695020e+00, v55;
	v54 =	vmul.f32 v36, v47;
	[tilespmem:s4+$0x50] =	vst v29  }
0xfd: {  	v61 =	vld [tilespmem:s8+$0x80];
	s8 =	simm.s32 $0x70A0;
	v55 =	vmul.f32 v27, v26;
	v26 =	vmul.f32 v59, v62;
	v36 =	vpop (erf);
	[tilespmem:s23+$0xE0] =	vst v58  }
0xfe: {  	v45 =	vld [tilespmem:s24+$0xFFFFFF60];
	(erf) = vpow2.f32 v37;
	v37 =	vmul.f32 v51, v63;
	[tilespmem:s8+$0x90] =	vst v36  }
0xff: {  	(erf) = vpow2.f32 v39;
	v59 =	vmul.f32 v44, v57;
	[tilespmem:s23+$0x30] =	vst v26  }
0x100: {  	v22 =	vperm.xlane v40, v8;
	v31 =	vperm.xlane v41, v6;
	v60 =	vld [tilespmem:s24+$0xFFFFFFF0];
	[tilespmem:s23+$0xFFFFFF20] =	vst v37  }
0x101: {  	v32 =	vperm.xlane v40, v5;
	v20 =	vperm.xlane v42, v8;
	v38 =	vld [tilespmem:s0+$0x60];
	[tilespmem:s23+$0xFFFFFFB0] =	vst v59  }
0x102: {  	v25 =	vperm.xlane v41, v7;
	v30 =	vperm.xlane v42, v6;
	v26 =	vld [tilespmem:$0x1FFF0]  }
0x103: {  	v24 =	vperm.xlane v40, v6;
	v46 =	vmul.f32 v33, v45;
	v62 =	vld [tilespmem:s21+$0xF0]  }
0x104: {  	v27 =	vperm.xlane v40, v9;
	v29 =	vperm.xlane v41, v9;
	v63 =	vld [tilespmem:s19+$0xA0]  }
0x105: {  	v28 =	vperm.xlane v42, v9;
	v50 =	vld [tilespmem:s21+$0x40];
	v39 =	vmul.f32 v34, v60;
	v33 =	vpop (erf)  }
0x106: {  	v49 =	vld [tilespmem:s21+$0xFFFFFF30];
	v60 =	vperm.xlane v18, v7;
	v47 =	vperm.xlane v33, v2  }
0x107: {  	v51 =	vld [tilespmem:s21+$0xFFFFFFC0];
	[tilespmem:s8+$0xFFFFFEE0] =	vst v33;
	v40 =	vmul.f32 v26, v61;
	v61 =	vperm.xlane v36, v2;
	v26 =	vpop (erf)  }
0x108: {  	v37 =	vmul.f32 v60, v62;
	v53 =	vperm.xlane v33, v3;
	v48 =	vld [tilespmem:s19+$0xFFFFFEF0];
	[tilespmem:s8+$0xFFFFFF70] =	vst v26;
	v34 =	vpop (erf)  }
0x109: {  	v43 =	vperm.xlane v33, v4;
	v57 =	vld [tilespmem:s19+$0xFFFFFF80];
	[tilespmem:s8+$0x0] =	vst v34;
	v62 =	vmul.f32 v61, v63  }
0x10a: {  	[tilespmem:s23+$0xF0] =	vst v37;
	v37 =	vperm.xlane v33, v5;
	v56 =	vperm.xlane v26, v2;
	v42 =	vld [tilespmem:s19+$0x10]  }
0x10b: {  	v59 =	vld [tilespmem:s21+$0x100];
	v52 =	vperm.xlane v26, v3;
	v44 =	vperm.xlane v26, v4;
	[tilespmem:s8+$0xA0] =	vst v62  }
0x10c: {  	[tilespmem:s31+$0x70] =	vst v55;
	v58 =	vperm.xlane v34, v2;
	v45 =	vperm.xlane v34, v3;
	v60 =	vld [tilespmem:s19+$0xB0]  }
0x10d: {  	[tilespmem:s4+$0xFFFFFF40] =	vst v35;
	v35 =	vld [tilespmem:s24+$0x80];
	v41 =	vperm.xlane v34, v4;
	v63 =	vmul.f32 v47, v48  }
0x10e: {  	[tilespmem:s4+$0xFFFFFFD0] =	vst v54;
	v47 =	vld [tilespmem:s0+$0xFFFFFF50];
	v54 =	vmul.f32 v56, v57;
	v56 =	vperm.xlane v18, v8  }
0x10f: {  	v61 =	vperm.xlane v36, v3;
	v48 =	vld [tilespmem:s0+$0xFFFFFFE0];
	[tilespmem:s8+$0xFFFFFEF0] =	vst v63;
	v58 =	vmul.f32 v58, v42  }
0x110: {  	v55 =	vld [tilespmem:s19+$0xFFFFFF00];
	v42 =	vperm.xlane v26, v5;
	[tilespmem:s8+$0xFFFFFF80] =	vst v54;
	v57 =	vmul.f32 v56, v59  }
0x111: {  	s12 =	sadd.s32 $0x240, s19;
	s24 =	simm.s32 $0x10;
	v54 =	vperm.xlane v34, v5;
	v56 =	vld [tilespmem:s19+$0xFFFFFF90];
	[tilespmem:s8+$0x10] =	vst v58;
	v58 =	vmul.f32 v61, v60  }
.LBB2_7:
0x112: {  	v59 =	vld [tilespmem:s12+$0x90];
	v60 =	vperm.xlane v33, v6;
	v50 =	vmul.f32 v32, v50;
	[tilespmem:s23+$0x100] =	vst v57  }
0x113: {  	v57 =	vperm.xlane v26, v6;
	v61 =	vperm.xlane v34, v6;
	[tilespmem:s8+$0xB0] =	vst v58;
	v58 =	vld [tilespmem:s21+$0x110];
	v32 =	vmov v54  }
0x114: {  	s24 =	sadd.s32 $0x4, s24;
	v49 =	vmul.f32 v30, v49;
	v51 =	vmul.f32 v31, v51;
	v54 =	vld [tilespmem:s19+$0xC0];
	[tilespmem:s23+$0x40] =	vst v50;
	v30 =	vmov v60  }
0x115: {  	s11 =	sadd.s32 $0x40, s11;
	p0 =	slt.u32 s24, $0x4C;
	v31 =	vmov v57;
	v50 =	vld [tilespmem:s12+$0xFFFFFF70];
	v53 =	vmul.f32 v53, v55;
	v55 =	vperm.xlane v33, v7;
	[tilespmem:s31+$0xFFFFFF60] =	vst v46  }
0x116: {  	v46 =	vld [tilespmem:s11+$0x10];
	v52 =	vmul.f32 v52, v56;
	[tilespmem:s23+$0xFFFFFF30] =	vst v49;
	v49 =	vperm.xlane v18, v9;
	v18 =	vmov v36  }
0x117: {  	v36 =	vld [tilespmem:s12+$0x0];
	[tilespmem:s8+$0xFFFFFF00] =	vst v53;
	v53 =	vperm.xlane v26, v7;
	v56 =	vperm.xlane v18, v4  }
0x118: {  	v57 =	vld [tilespmem:s12+$0xFFFFFEE0];
	[tilespmem:s8+$0xFFFFFF90] =	vst v52;
	v52 =	vperm.xlane v34, v7;
	v49 =	vmul.f32 v49, v58  }
0x119: {  	v59 =	vmul.f32 v0, v59;
	v58 =	vld [tilespmem:s11+$0xFFFFFFE0];
	v54 =	vmul.f32 v56, v54;
	[tilespmem:s23+$0xFFFFFFC0] =	vst v51  }
0x11a: {  	v38 =	vmul.f32 v13, v38;
	v13 =	vmovc v19;
	v51 =	vld [tilespmem:s11+$0xFFFFFFF0];
	v50 =	vmul.f32 v0, v50;
	[tilespmem:s23+$0x110] =	vst v49;
	v19 =	vmov v52  }
0x11b: {  	v56 =	vperm.xlane v26, v8;
	v52 =	vperm.xlane v33, v8;
	v49 =	vld [tilespmem:s11+$0x0];
	v46 =	vadd.f32 v46, v59;
	[tilespmem:s8+$0xC0] =	vst v54  }
0x11c: {  	v54 =	vperm.xlane v34, v8;
	v36 =	vmul.f32 v0, v36;
	v59 =	vld [tilespmem:s19+$0xD0];
	[tilespmem:s4+$0x60] =	vst v38  }
0x11d: {  	v38 =	vmul.f32 v0, v57;
	v57 =	vperm.xlane v46, v1;
	v60 =	vld [tilespmem:s19+$0x20];
	[tilespmem:s31+$0xFFFFFFF0] =	vst v39  }
0x11e: {  	v47 =	vmul.f32 v12, v47;
	v12 =	vmovc v20;
	v48 =	vmul.f32 v14, v48;
	v20 =	vmov v52;
	v39 =	vld [tilespmem:s19+$0xFFFFFF10];
	[tilespmem:s30+$0x80] =	vst v40;
	s30 =	smov.u32 s31;
	s31 =	smov.u32 s4;
	s4 =	smov.u32 s23  }
0x11f: {  	v14 =	vmovc v21;
	v52 =	vperm.xlane v18, v5;
	s23 =	smov.u32 s8;
	v38 =	vadd.f32 v58, v38;
	v40 =	vmax.f32 v46, v57;
	v46 =	vld [tilespmem:s19+$0xFFFFFFA0]  }
0x120: {  	v21 =	vmovc v56;
	v50 =	vadd.f32 v51, v50;
	v36 =	vadd.f32 v49, v36;
	v40 =	vmul.f32 $1.442695020e+00, v40;
	v49 =	vld [tilespmem:s21+$0x50];
	[tilespmem:s31+$0xFFFFFF50] =	vst v47  }
0x121: {  	v47 =	vperm.xlane v38, v1;
	v51 =	vmul.f32 v52, v59;
	v52 =	vld [tilespmem:s21+$0xFFFFFF40];
	[tilespmem:s31+$0xFFFFFFE0] =	vst v48  }
0x122: {  	v48 =	vperm.xlane v50, v1;
	(erf) = vpow2.f32 v40;
	v40 =	vld [tilespmem:s21+$0xFFFFFFD0]  }
0x123: {  	v45 =	vmul.f32 v45, v60;
	v38 =	vmax.f32 v38, v47;
	v47 =	vperm.xlane v36, v1;
	[tilespmem:s8+$0xD0] =	vst v51;
	v51 =	vld [tilespmem:s0+$0x70]  }
0x124: {  	v48 =	vmax.f32 v50, v48;
	v39 =	vmul.f32 v43, v39;
	v38 =	vmul.f32 $1.442695020e+00, v38;
	v43 =	vld [tilespmem:s19+$0xE0]  }
0x125: {  	v48 =	vmul.f32 $1.442695020e+00, v48;
	v44 =	vmul.f32 v44, v46;
	v36 =	vmax.f32 v36, v47;
	[tilespmem:s8+$0x20] =	vst v45;
	v45 =	vld [tilespmem:s0+$0xFFFFFF60]  }
0x126: {  	v36 =	vmul.f32 $1.442695020e+00, v36;
	(erf) = vpow2.f32 v38;
	[tilespmem:s8+$0xFFFFFF10] =	vst v39;
	v38 =	vld [tilespmem:s19+$0x30]  }
0x127: {  	(erf) = vpow2.f32 v48;
	v39 =	vld [tilespmem:s19+$0xFFFFFF20];
	[tilespmem:s8+$0xFFFFFFA0] =	vst v44;
	v44 =	vperm.xlane v18, v6  }
0x128: {  	v49 =	vmul.f32 v24, v49;
	v24 =	vmov v61;
	(erf) = vpow2.f32 v36;
	v46 =	vld [tilespmem:s19+$0xFFFFFFB0]  }
0x129: {  	v47 =	vmul.f32 v23, v52;
	v23 =	vmov v55;
	v43 =	vmul.f32 v44, v43;
	v44 =	vld [tilespmem:s0+$0xFFFFFFF0]  }
0x12a: {  	v48 =	vmul.f32 v25, v40;
	v25 =	vmovc v53;
	v55 =	vmul.f32 v16, v51;
	v16 =	vmov v22;
	[tilespmem:s4+$0x50] =	vst v49  }
0x12b: {  	v33 =	vperm.xlane v33, v9;
	s8 =	sadd.s32 $0x240, s8;
	v22 =	vmov v54;
	v36 =	vpop (erf);
	v40 =	vmul.f32 v41, v38;
	[tilespmem:s23+$0xE0] =	vst v43;
	v38 =	vld [tilespmem:s21+$0x60]  }
0x12c: {  	v41 =	vperm.xlane v26, v9;
	[tilespmem:s8+$0x90] =	vst v36;
	v37 =	vmul.f32 v37, v39;
	v43 =	vld [tilespmem:s19+$0xF0]  }
0x12d: {  	v52 =	vld [tilespmem:s12+$0xA0];
	v51 =	vmul.f32 v42, v46;
	[tilespmem:s23+$0x30] =	vst v40;
	v42 =	vperm.xlane v34, v9  }
0x12e: {  	v46 =	vmul.f32 v17, v45;
	v17 =	vmovc v28;
	v28 =	vmov v33;
	[tilespmem:s23+$0xFFFFFF20] =	vst v37;
	v50 =	vld [tilespmem:s19+$0x40];
	v39 =	vmul.f32 v15, v44  }
0x12f: {  	v40 =	vmul.f32 v10, v35;
	v37 =	vperm.xlane v18, v7;
	v15 =	vmov v29;
	v33 =	vpop (erf);
	v49 =	vld [tilespmem:s19+$0xFFFFFF30];
	[tilespmem:s23+$0xFFFFFFB0] =	vst v51  }
0x130: {  	v44 =	vperm.xlane v36, v2;
	v29 =	vmov v41;
	[tilespmem:s8+$0xFFFFFEE0] =	vst v33;
	v35 =	vperm.xlane v33, v2;
	v26 =	vpop (erf);
	v51 =	vld [tilespmem:s19+$0xFFFFFFC0]  }
0x131: {  	v10 =	vmov v11;
	v54 =	vld [tilespmem:s12+$0xFFFFFEF0];
	[tilespmem:s8+$0xFFFFFF70] =	vst v26;
	v56 =	vperm.xlane v26, v2;
	v34 =	vpop (erf);
	v37 =	vmul.f32 v37, v43  }
0x132: {  	v11 =	vmovc v27;
	v27 =	vmov v42;
	v57 =	vld [tilespmem:s12+$0xFFFFFF80];
	[tilespmem:s8+$0x0] =	vst v34;
	v58 =	vperm.xlane v34, v2;
	v41 =	vmul.f32 v44, v52  }
0x133: {  	v53 =	vperm.xlane v33, v3;
	v52 =	vperm.xlane v26, v3;
	v42 =	vld [tilespmem:s12+$0x10];
	[tilespmem:s23+$0xF0] =	vst v37  }
0x134: {  	v43 =	vperm.xlane v33, v4;
	v45 =	vperm.xlane v34, v3;
	[tilespmem:s8+$0xA0] =	vst v41;
	v59 =	vld [tilespmem:s19+$0x100]  }
0x135: {  	v44 =	vperm.xlane v26, v4;
	v41 =	vperm.xlane v34, v4;
	v60 =	vld [tilespmem:s12+$0xB0];
	[tilespmem:s4+$0xFFFFFF40] =	vst v47  }
.Ltmp3:
0x136: {  	v37 =	vperm.xlane v33, v5;
	v35 =	vmul.f32 v35, v54;
	v47 =	vld [tilespmem:s21+$0xFFFFFF50];
	[tilespmem:s4+$0xFFFFFFD0] =	vst v48;
	(pc) =	sbr.rel @p0 .LBB2_7-.Ltmp3, $4  }
0x137: {  	v54 =	vmul.f32 v56, v57;
	v56 =	vperm.xlane v18, v8;
	v48 =	vld [tilespmem:s21+$0xFFFFFFE0];
	[tilespmem:s31+$0x70] =	vst v55  }
0x138: {  	v61 =	vperm.xlane v36, v3;
	[tilespmem:s8+$0xFFFFFEF0] =	vst v35;
	v58 =	vmul.f32 v58, v42;
	v35 =	vld [tilespmem:s0+$0x80];
	s0 =	smov.u32 s21;
	s21 =	smov.u32 s19;
	s19 =	smov.u32 s12  }
0x139: {  	v42 =	vperm.xlane v26, v5;
	v55 =	vld [tilespmem:s12+$0xFFFFFF00];
	[tilespmem:s8+$0xFFFFFF80] =	vst v54;
	v57 =	vmul.f32 v56, v59  }
0x13a: {  	v54 =	vperm.xlane v34, v5;
	s12 =	sadd.s32 $0x240, s12;
	v56 =	vld [tilespmem:s19+$0xFFFFFF90];
	[tilespmem:s8+$0x10] =	vst v58;
	v58 =	vmul.f32 v61, v60  }
0x13b: {  	_ = 	snop  }
0x13c: {  	[tilespmem:s8+$0xB0] =	vst v58  }
0x13d: {  	v58 =	vld [tilespmem:s19+$0xC0];
	_ =	sdelay $0x1  }
0x13e: {  	v63 =	vld [tilespmem:s19+$0x20]  }
0x13f: {  	v59 =	vperm.xlane v36, v4  }
0x140: {  	v53 =	vmul.f32 v53, v55  }
0x141: {  	[tilespmem:s23+$0x100] =	vst v57;
	v58 =	vmul.f32 v59, v58  }
0x142: {  	v52 =	vmul.f32 v52, v56;
	[tilespmem:s8+$0xFFFFFF00] =	vst v53  }
0x143: {  	v45 =	vmul.f32 v45, v63;
	v62 =	vld [tilespmem:s19+$0xFFFFFF10];
	[tilespmem:s8+$0xC0] =	vst v58  }
0x144: {  	[tilespmem:s8+$0xFFFFFF90] =	vst v52;
	v60 =	vld [tilespmem:s19+$0xD0]  }
0x145: {  	v63 =	vld [tilespmem:s19+$0xFFFFFFA0];
	[tilespmem:s8+$0x20] =	vst v45  }
0x146: {  	[tilespmem:s31+$0xFFFFFF60] =	vst v46;
	v45 =	vld [tilespmem:s19+$0x30]  }
0x147: {  	v61 =	vperm.xlane v36, v5;
	v32 =	vmul.f32 v32, v50;
	[tilespmem:s31+$0xFFFFFFF0] =	vst v39  }
0x148: {  	[tilespmem:s30+$0x80] =	vst v40;
	v43 =	vmul.f32 v43, v62  }
0x149: {  	[tilespmem:s23+$0x40] =	vst v32;
	v53 =	vmul.f32 v61, v60  }
0x14a: {  	v59 =	vmul.f32 v44, v63;
	[tilespmem:s8+$0xFFFFFF10] =	vst v43  }
0x14b: {  	v62 =	vmul.f32 v41, v45;
	v61 =	vld [tilespmem:s19+$0xFFFFFF20];
	[tilespmem:s8+$0xD0] =	vst v53  }
0x14c: {  	v30 =	vmul.f32 v30, v49;
	[tilespmem:s8+$0xFFFFFFA0] =	vst v59;
	v57 =	vld [tilespmem:s19+$0xE0]  }
0x14d: {  	v31 =	vmul.f32 v31, v51;
	v63 =	vld [tilespmem:s19+$0xFFFFFFB0];
	[tilespmem:s8+$0x30] =	vst v62  }
0x14e: {  	v13 =	vmul.f32 v13, v38;
	[tilespmem:s23+$0xFFFFFF30] =	vst v30;
	v30 =	vld [tilespmem:s19+$0x40]  }
0x14f: {  	v12 =	vmul.f32 v12, v47;
	[tilespmem:s23+$0xFFFFFFC0] =	vst v31;
	v60 =	vperm.xlane v36, v6  }
0x150: {  	[tilespmem:s4+$0x60] =	vst v13;
	v44 =	vld [tilespmem:s21+$0x50];
	v43 =	vmul.f32 v37, v61  }
0x151: {  	[tilespmem:s4+$0xFFFFFF50] =	vst v12;
	v56 =	vld [tilespmem:s0+$0x70];
	v32 =	vmul.f32 v60, v57  }
0x152: {  	v58 =	vld [tilespmem:s21+$0x110];
	v31 =	vmul.f32 v42, v63;
	[tilespmem:s8+$0xFFFFFF20] =	vst v43  }
0x153: {  	v30 =	vmul.f32 v54, v30;
	v46 =	vld [tilespmem:s19+$0xFFFFFF30];
	[tilespmem:s8+$0xE0] =	vst v32  }
0x154: {  	v14 =	vmul.f32 v14, v48;
	[tilespmem:s8+$0xFFFFFFB0] =	vst v31;
	v41 =	vld [tilespmem:s19+$0xF0]  }
0x155: {  	v18 =	vperm.xlane v18, v9;
	v52 =	vmul.f32 v24, v44;
	v31 =	vld [tilespmem:s19+$0xFFFFFFC0];
	[tilespmem:s8+$0x40] =	vst v30  }
0x156: {  	v49 =	vperm.xlane v33, v6;
	v10 =	vmul.f32 v10, v35;
	[tilespmem:s4+$0xFFFFFFE0] =	vst v14;
	v50 =	vld [tilespmem:s19+$0x50]  }
0x157: {  	v16 =	vmul.f32 v16, v56;
	v45 =	vperm.xlane v36, v7;
	[tilespmem:s23+$0x50] =	vst v52  }
0x158: {  	v51 =	vperm.xlane v26, v6;
	[tilespmem:s31+$0x80] =	vst v10;
	v63 =	vld [tilespmem:s21+$0x60];
	v30 =	vmul.f32 v49, v46  }
0x159: {  	v47 =	vld [tilespmem:s21+$0xFFFFFF40];
	v55 =	vperm.xlane v34, v6;
	[tilespmem:s4+$0x70] =	vst v16;
	v13 =	vmul.f32 v45, v41  }
0x15a: {  	v54 =	vld [tilespmem:s21+$0xFFFFFFD0];
	v57 =	vmul.f32 v51, v31;
	[tilespmem:s8+$0xFFFFFF30] =	vst v30  }
0x15b: {  	v18 =	vmul.f32 v18, v58;
	v58 =	vld [tilespmem:s0+$0xFFFFFF60];
	[tilespmem:s8+$0xF0] =	vst v13;
	v13 =	vmul.f32 v55, v50  }
0x15c: {  	[tilespmem:s8+$0xFFFFFFC0] =	vst v57;
	v60 =	vld [tilespmem:s19+$0xFFFFFF40]  }
0x15d: {  	v19 =	vmul.f32 v19, v63;
	v62 =	vld [tilespmem:s19+$0xFFFFFFD0];
	[tilespmem:s8+$0x50] =	vst v13  }
0x15e: {  	[tilespmem:s23+$0x110] =	vst v18;
	v18 =	vmul.f32 v23, v47;
	v39 =	vld [tilespmem:s19+$0x60]  }
0x15f: {  	v38 =	vperm.xlane v33, v7;
	v56 =	vld [tilespmem:s0+$0x80];
	v14 =	vmul.f32 v25, v54;
	[tilespmem:s23+$0x60] =	vst v19  }
0x160: {  	v40 =	vperm.xlane v26, v7;
	[tilespmem:s23+$0xFFFFFF40] =	vst v18;
	v17 =	vmul.f32 v17, v58;
	v19 =	vld [tilespmem:s21+$0x70]  }
0x161: {  	v43 =	vperm.xlane v34, v7;
	[tilespmem:s23+$0xFFFFFFD0] =	vst v14;
	v53 =	vld [tilespmem:s19+$0x100];
	v12 =	vmul.f32 v38, v60  }
0x162: {  	[tilespmem:s4+$0xFFFFFF60] =	vst v17;
	v44 =	vld [tilespmem:s21+$0xFFFFFFE0];
	v45 =	vmul.f32 v40, v62  }
0x163: {  	v42 =	vld [tilespmem:s21+$0xFFFFFF50];
	[tilespmem:s8+$0xFFFFFF40] =	vst v12;
	v13 =	vmul.f32 v43, v39  }
0x164: {  	v59 =	vperm.xlane v36, v8;
	v11 =	vmul.f32 v11, v56;
	[tilespmem:s8+$0xFFFFFFD0] =	vst v45;
	v12 =	vld [tilespmem:s19+$0xFFFFFF50]  }
0x165: {  	v19 =	vmul.f32 v22, v19;
	v17 =	vld [tilespmem:s19+$0xFFFFFFE0];
	[tilespmem:s8+$0x60] =	vst v13  }
0x166: {  	[tilespmem:s4+$0x80] =	vst v11;
	v61 =	vmul.f32 v59, v53;
	v51 =	vld [tilespmem:s19+$0x70]  }
0x167: {  	v46 =	vld [tilespmem:s0+$0xFFFFFFF0];
	v49 =	vperm.xlane v33, v8;
	v50 =	vmul.f32 v21, v44;
	[tilespmem:s23+$0x70] =	vst v19  }
0x168: {  	v52 =	vperm.xlane v26, v8;
	v48 =	vmul.f32 v20, v42;
	v58 =	vld [tilespmem:s21+$0x80];
	[tilespmem:s8+$0x100] =	vst v61  }
0x169: {  	v54 =	vperm.xlane v34, v8;
	[tilespmem:s23+$0xFFFFFFE0] =	vst v50;
	v41 =	vld [tilespmem:s19+$0x110];
	v12 =	vmul.f32 v49, v12  }
0x16a: {  	[tilespmem:s23+$0xFFFFFF50] =	vst v48;
	v55 =	vld [tilespmem:s21+$0xFFFFFFF0];
	v17 =	vmul.f32 v52, v17  }
0x16b: {  	v53 =	vld [tilespmem:s21+$0xFFFFFF60];
	[tilespmem:s8+$0xFFFFFF50] =	vst v12;
	v13 =	vmul.f32 v54, v51  }
0x16c: {  	v47 =	vperm.xlane v36, v9;
	v15 =	vmul.f32 v15, v46;
	[tilespmem:s8+$0xFFFFFFE0] =	vst v17;
	v12 =	vld [tilespmem:s19+$0xFFFFFF60]  }
0x16d: {  	v63 =	vmul.f32 v27, v58;
	v57 =	vld [tilespmem:s19+$0xFFFFFFF0];
	[tilespmem:s8+$0x70] =	vst v13  }
0x16e: {  	[tilespmem:s4+$0xFFFFFFF0] =	vst v15;
	v14 =	vmul.f32 v47, v41;
	v60 =	vld [tilespmem:s19+$0x80]  }
0x16f: {  	v59 =	vperm.xlane v33, v9;
	v10 =	vmul.f32 v29, v55;
	[tilespmem:s23+$0x80] =	vst v63  }
0x170: {  	v61 =	vperm.xlane v26, v9;
	[tilespmem:s8+$0x110] =	vst v14;
	v14 =	vmul.f32 v28, v53  }
0x171: {  	s31 =	sand.u32 $0x3, s28;
	v62 =	vperm.xlane v34, v9;
	[tilespmem:s23+$0xFFFFFFF0] =	vst v10;
	v10 =	vmul.f32 v59, v12  }
0x172: {  	s0 =	smul.u32 $0x140, s31;
	[tilespmem:s23+$0xFFFFFF60] =	vst v14;
	v11 =	vmul.f32 v61, v57  }
0x173: {  	[tilespmem:s8+$0xFFFFFF60] =	vst v10;
	v10 =	vmul.f32 v62, v60  }
0x174: {  	p0 =	slt.u32 s29, $0x7D;
	s0 =	sshrl.u32 s0, $0x2;
	[tilespmem:s8+$0xFFFFFFF0] =	vst v11  }
.Ltmp4:
0x175: {  	s0 =	sadd.s32 $0x140, s0;
	[tilespmem:s8+$0x80] =	vst v10;
	(pc) =	sbr.rel @p0 .LBB2_2-.Ltmp4, $4  }
0x176: {  	[spmem:s2] =	stream.indirect.scatter.add.f32 [tilespmem:s25], [sflag:$0x9], $0x90, s0, s20, $0xb8;
	[tilespmem:$0x1F310] =	vst v63  }
0x177: {  	_ =	swait.ge [sflag:s18], $0x2D00  }
0x178: {  	[sflag:s18] =	ssyncset.done $0x0  }
0x179: {  	s28 =	smov.u32 s29;
	[sflag:s18] =	ssyncadd.s32 $0xFFFFD300  }
0x17a: {  	s26 =	sadd.s32 $0x1, s26  }
0x17b: {  	p0 =	sne.s32 s26, s16  }
.Ltmp5:
0x17c: {  	[bflag:$0x0] =	sbarrier.arrive $0xFFFF;
	(pc) =	sbr.rel @p0 .LBB2_1-.Ltmp5, $4  }
0x17d: {  	[hbm:s15], [sflag:s10] =	dma.local [spmem:s17], $0x2BF2  }
0x17e: {  	_ =	swait.ge [sflag:s18], $0x2BF2  }
0x17f: {  	[sflag:s18] =	ssyncset.done $0x0  }
0x180: {  	[sflag:s18] =	ssyncadd.s32 $0xFFFFD40E  }
0x181: {  	_ =	sfence.sel $0x180000  }
0x182: {  	[bflag:$0x0] =	sbarrier.arrive $0xFFFF  }
0x183: {  	_ =	strace $0x90000047  }
0x184: {  	s0 =	stileid.u32;
	[bflag:$0x2] =	sbarrier.arrive $0xFFFF  }
0x185: {  	p0 =	sne.s32 s0, $0x0;
	s0 =	rddreg [dreg:$0x3]  }
0x186: {  	s0 =	sadd.s32 @!p0 $0x100000, s0  }
0x187: {  	[sflag:s0] =	ssyncadd.tile.s32 @!p0 $0x1;
	_ =	shalt  }
.Lfunc_end2:
_tile_overlayer_lowered:
.L_overlay_start_2:
0x188: {  	(tag) =	ssettag $0x2  }
0x189: {  	s0 =	rddreg [dreg:$0x0];
	s2 =	stileid.u32  }
0x18a: {  	s1 =	rddreg [dreg:$0x1];
	p0 =	sne.s32 s2, $0x0  }
0x18b: {  	s3 =	rddreg [dreg:$0x2];
	[bflag:$0x3] =	sbarrier.arrive $0xFFFF;
	s2 =	simm.s32 @!p0 $0x1C09  }
0x18c: {  	[timem:s3], [sflag:s2] =	dma.local @!p0 [hbm:s0], s1  }
0x18d: {  	s0 =	simm.s32 @!p0 $0x9  }
0x18e: {  	_ =	swait.ge @!p0 [sflag:s0], s1  }
0x18f: {  	s1 =	ssub.s32 @!p0 $0x0, s1;
	[sflag:s0] =	ssyncset.done @!p0 $0x0  }
0x190: {  	[sflag:s0] =	ssyncadd.s32 @!p0 s1  }
0x191: {  	[bflag:$0x3] =	sbarrier.arrive $0xFFFF  }
0x192: {  	_ =	shalt  }

</sc_bundles>
